<compile_context>
chip_gen: v7x
topology: tpu7x:2x2x1
jax: 0.10.2.dev20260603
libtpu: 0.0.44.dev20260713+nightly
codegen_flags: <defaults>
</compile_context>

<pallas_src>
import functools

import jax
import jax.numpy as jnp
from jax import lax
from jax.experimental import pallas as pl
from jax.experimental.pallas import tpu as pltpu
from jax.experimental.pallas import tpu_sc as plsc

N_NODES = 10000
N_EDGES = 320000
D_IN = 128
H1 = 64
H2 = 32
N_HEADS = 3

NUM_SC = 2
NUM_TILES = 16
DEG_PAD = 10240

EDGES_PER_TILE = N_EDGES // (NUM_SC * NUM_TILES)
CHUNK = 128
N_FULL_CHUNKS = EDGES_PER_TILE // CHUNK
TAIL = EDGES_PER_TILE - N_FULL_CHUNKS * CHUNK

N_PAD = 10240
ROWS_PER_TILE = N_PAD // NUM_TILES
ZROWS = 128

_mesh = plsc.VectorSubcoreMesh(core_axis_name="c", subcore_axis_name="s")


def _sc_degree(dst2d, zeros1d):

    @functools.partial(
        pl.kernel,
        out_type=jax.ShapeDtypeStruct((NUM_SC, DEG_PAD), jnp.float32),
        mesh=_mesh,
        scratch_types=[
            pltpu.VMEM_SHARED((DEG_PAD,), jnp.float32),
            pltpu.VMEM((8, CHUNK), jnp.int32),
            pltpu.VMEM((CHUNK,), jnp.float32),
            pltpu.SemaphoreType.DMA,
        ],
    )
    def deg_kernel(d2_hbm, z_hbm, out_hbm, acc, idx_v, ones_v, ssem):
        cid = lax.axis_index("c")
        sid = lax.axis_index("s")
        wid = cid * NUM_TILES + sid

        @pl.loop(0, CHUNK, step=16)
        def _(i):
            ones_v[pl.ds(i, 16)] = jnp.full((16,), 1.0, jnp.float32)

        pltpu.sync_copy(z_hbm.at[pl.ds(sid * 640, 640)],
                        acc.at[pl.ds(sid * 640, 640)])
        plsc.subcore_barrier()

        def super_step(row0, nchunks):
            pltpu.sync_copy(d2_hbm.at[pl.ds(row0, nchunks)],
                            idx_v.at[pl.ds(0, nchunks)])
            sh = [pltpu.async_copy(ones_v, acc.at[idx_v.at[j]], ssem,
                                   add=True)
                  for j in range(nchunks)]
            for h in sh:
                h.wait()

        n_sup = jnp.where(wid < N_SUPERS % NUM_W,
                          N_SUPERS // NUM_W + 1, N_SUPERS // NUM_W)

        @pl.loop(0, n_sup)
        def _(k):
            super_step((wid + k * NUM_W) * FIRE, FIRE)

        @pl.when(wid == NUM_W - 1)
        def _():
            super_step(N_SUPERS * FIRE, REM_ROWS)

        plsc.subcore_barrier()
        pltpu.sync_copy(acc.at[pl.ds(sid * 640, 640)],
                        out_hbm.at[cid, pl.ds(sid * 640, 640)])

    return deg_kernel(dst2d, zeros1d)


FIRE = 8
SUPER = FIRE * CHUNK
N_ROWS = N_EDGES // CHUNK
N_SUPERS = N_ROWS // FIRE
REM_ROWS = N_ROWS - N_SUPERS * FIRE
NUM_W = NUM_SC * NUM_TILES


def _sc_aggregate(xs, src2d, dst2d, zeros):
    width = D_IN

    @functools.partial(
        pl.kernel,
        out_type=jax.ShapeDtypeStruct((NUM_SC, N_PAD, width), jnp.float32),
        mesh=_mesh,
        scratch_types=[
            pltpu.VMEM_SHARED((N_PAD, width), jnp.float32),
            pltpu.VMEM((FIRE, CHUNK), jnp.int32),
            pltpu.VMEM((FIRE, CHUNK), jnp.int32),
            pltpu.VMEM((CHUNK, width), jnp.float32),
            pltpu.VMEM((CHUNK, width), jnp.float32),
            pltpu.SemaphoreType.DMA,
            pltpu.SemaphoreType.DMA,
        ],
    )
    def agg_kernel(xs_hbm, s2_hbm, d2_hbm, z_hbm, out_hbm,
                   acc, src_v, dst_v, rows_a, rows_b, gsem, ssem):
        cid = lax.axis_index("c")
        sid = lax.axis_index("s")
        wid = cid * NUM_TILES + sid

        rbase = sid * ROWS_PER_TILE
        pltpu.sync_copy(z_hbm.at[pl.ds(rbase, ROWS_PER_TILE)],
                        acc.at[pl.ds(rbase, ROWS_PER_TILE)])
        plsc.subcore_barrier()

        rows_bufs = (rows_a, rows_b)

        def super_step(row0, nchunks):
            pltpu.sync_copy(s2_hbm.at[pl.ds(row0, nchunks)],
                            src_v.at[pl.ds(0, nchunks)])
            pltpu.sync_copy(d2_hbm.at[pl.ds(row0, nchunks)],
                            dst_v.at[pl.ds(0, nchunks)])
            gh = [None] * nchunks
            sh = [None] * nchunks
            for j in range(min(2, nchunks)):
                gh[j] = pltpu.async_copy(
                    xs_hbm.at[src_v.at[j]], rows_bufs[j % 2], gsem)
            for j in range(nchunks):
                b = j % 2
                gh[j].wait()
                sh[j] = pltpu.async_copy(
                    rows_bufs[b], acc.at[dst_v.at[j]], ssem, add=True)
                if j + 2 < nchunks:
                    sh[j].wait()
                    gh[j + 2] = pltpu.async_copy(
                        xs_hbm.at[src_v.at[j + 2]], rows_bufs[b], gsem)
            for j in range(max(0, nchunks - 2), nchunks):
                sh[j].wait()

        n_sup = jnp.where(wid < N_SUPERS % NUM_W,
                          N_SUPERS // NUM_W + 1, N_SUPERS // NUM_W)

        @pl.loop(0, n_sup)
        def _(k):
            super_step((wid + k * NUM_W) * FIRE, FIRE)

        @pl.when(wid == NUM_W - 1)
        def _():
            super_step(N_SUPERS * FIRE, REM_ROWS)

        plsc.subcore_barrier()
        pltpu.sync_copy(acc.at[pl.ds(rbase, ROWS_PER_TILE)],
                        out_hbm.at[cid, pl.ds(rbase, ROWS_PER_TILE)])

    return agg_kernel(xs, src2d, dst2d, zeros)


def _sc_aggregate_pair(ha, hb, src2d, dst2d, zeros):
    width = D_IN

    @functools.partial(
        pl.kernel,
        out_type=jax.ShapeDtypeStruct((NUM_SC, N_PAD, width), jnp.float32),
        mesh=_mesh,
        scratch_types=[
            pltpu.VMEM_SHARED((N_PAD, width), jnp.float32),
            pltpu.VMEM((FIRE, CHUNK), jnp.int32),
            pltpu.VMEM((FIRE, CHUNK), jnp.int32),
            pltpu.VMEM((CHUNK, width), jnp.float32),
            pltpu.VMEM((CHUNK, width), jnp.float32),
            pltpu.SemaphoreType.DMA,
            pltpu.SemaphoreType.DMA,
        ],
    )
    def agg_kernel(ha_hbm, hb_hbm, s2_hbm, d2_hbm, z_hbm, out_hbm,
                   acc, src_v, dst_v, rows_a, rows_b, gsem, ssem):
        cid = lax.axis_index("c")
        sid = lax.axis_index("s")

        rbase = sid * ROWS_PER_TILE
        pltpu.sync_copy(z_hbm.at[pl.ds(rbase, ROWS_PER_TILE)],
                        acc.at[pl.ds(rbase, ROWS_PER_TILE)])
        plsc.subcore_barrier()

        rows_bufs = (rows_a, rows_b)

        def super_step(tab_hbm, row0, nchunks):
            pltpu.sync_copy(s2_hbm.at[pl.ds(row0, nchunks)],
                            src_v.at[pl.ds(0, nchunks)])
            pltpu.sync_copy(d2_hbm.at[pl.ds(row0, nchunks)],
                            dst_v.at[pl.ds(0, nchunks)])
            gh = [None] * nchunks
            sh = [None] * nchunks
            for j in range(min(2, nchunks)):
                gh[j] = pltpu.async_copy(
                    tab_hbm.at[src_v.at[j]], rows_bufs[j % 2], gsem)
            for j in range(nchunks):
                b = j % 2
                gh[j].wait()
                sh[j] = pltpu.async_copy(
                    rows_bufs[b], acc.at[dst_v.at[j]], ssem, add=True)
                if j + 2 < nchunks:
                    sh[j].wait()
                    gh[j + 2] = pltpu.async_copy(
                        tab_hbm.at[src_v.at[j + 2]], rows_bufs[b], gsem)
            for j in range(max(0, nchunks - 2), nchunks):
                sh[j].wait()

        def run(tab_hbm):
            n_sup = jnp.where(sid < N_SUPERS % NUM_TILES,
                              N_SUPERS // NUM_TILES + 1,
                              N_SUPERS // NUM_TILES)

            @pl.loop(0, n_sup)
            def _(k):
                super_step(tab_hbm, (sid + k * NUM_TILES) * FIRE, FIRE)

            @pl.when(sid == NUM_TILES - 1)
            def _():
                super_step(tab_hbm, N_SUPERS * FIRE, REM_ROWS)

        @pl.when(cid == 0)
        def _():
            run(ha_hbm)

        @pl.when(cid == 1)
        def _():
            run(hb_hbm)

        plsc.subcore_barrier()
        pltpu.sync_copy(acc.at[pl.ds(rbase, ROWS_PER_TILE)],
                        out_hbm.at[cid, pl.ds(rbase, ROWS_PER_TILE)])

    return agg_kernel(ha, hb, src2d, dst2d, zeros)



_R_PREP = 2000
_R_DEC = 400


def _tc_prep(d0, d1, x):
    def body(d0_ref, d1_ref, x_ref, xs_ref, dinv_ref):
        deg = d0_ref[...] + d1_ref[...] + 1.0
        dinv = lax.rsqrt(deg)
        dinv_ref[...] = dinv
        xs_ref[...] = x_ref[...] * dinv

    grid = (N_NODES // _R_PREP,)
    return pl.pallas_call(
        body,
        grid=grid,
        in_specs=[
            pl.BlockSpec((_R_PREP, 1), lambda i: (i, 0)),
            pl.BlockSpec((_R_PREP, 1), lambda i: (i, 0)),
            pl.BlockSpec((_R_PREP, D_IN), lambda i: (i, 0)),
        ],
        out_specs=[
            pl.BlockSpec((_R_PREP, D_IN), lambda i: (i, 0)),
            pl.BlockSpec((_R_PREP, 1), lambda i: (i, 0)),
        ],
        out_shape=[
            jax.ShapeDtypeStruct((N_NODES, D_IN), jnp.float32),
            jax.ShapeDtypeStruct((N_NODES, 1), jnp.float32),
        ],
    )(d0, d1, x)


def _tc_hidden(p0, p1, xs, dinv, w_a, b_a, w_b, b_b):
    def body(p0_ref, p1_ref, xs_ref, dinv_ref, wa_ref, ba_ref,
             wb_ref, bb_ref, ha_ref, hb_ref):
        dinv = dinv_ref[...]
        agg = (p0_ref[...] + p1_ref[...] + xs_ref[...]) * dinv
        ha = jnp.dot(agg, wa_ref[...], preferred_element_type=jnp.float32)
        ha = jnp.maximum(ha + ba_ref[...], 0.0)
        hb = jnp.dot(agg, wb_ref[...], preferred_element_type=jnp.float32)
        hb = jnp.maximum(hb + bb_ref[...], 0.0)
        ha_ref[...] = ha * dinv
        hb_ref[...] = hb * dinv

    grid = (N_NODES // _R_PREP,)
    rb = lambda i: (i, 0)
    return pl.pallas_call(
        body,
        grid=grid,
        in_specs=[
            pl.BlockSpec((_R_PREP, D_IN), rb),
            pl.BlockSpec((_R_PREP, D_IN), rb),
            pl.BlockSpec((_R_PREP, D_IN), rb),
            pl.BlockSpec((_R_PREP, 1), rb),
            pl.BlockSpec((D_IN, D_IN), lambda i: (0, 0)),
            pl.BlockSpec((1, D_IN), lambda i: (0, 0)),
            pl.BlockSpec((D_IN, D_IN), lambda i: (0, 0)),
            pl.BlockSpec((1, D_IN), lambda i: (0, 0)),
        ],
        out_specs=[
            pl.BlockSpec((_R_PREP, D_IN), rb),
            pl.BlockSpec((_R_PREP, D_IN), rb),
        ],
        out_shape=[
            jax.ShapeDtypeStruct((N_NODES, D_IN), jnp.float32),
            jax.ShapeDtypeStruct((N_NODES, D_IN), jnp.float32),
        ],
    )(p0, p1, xs, dinv, w_a, b_a, w_b, b_b)


def _tc_heads(qa, ha, qb, hb, dinv, wmu_a, wmu_b, bmu,
              wlv_a, wlv_b, blv):
    def body(qa_ref, ha_ref, qb_ref, hb_ref, dinv_ref,
             wmua_ref, wmub_ref, bmu_ref, wlva_ref, wlvb_ref, blv_ref,
             mu_ref, lv_ref):
        dinv = dinv_ref[...]
        agg_a = (qa_ref[...] + ha_ref[...]) * dinv
        agg_b = (qb_ref[...] + hb_ref[...]) * dinv
        mu = None
        lv = None
        for i in range(N_HEADS):
            mu_i = (jnp.dot(agg_a, wmua_ref[i],
                            preferred_element_type=jnp.float32)
                    + jnp.dot(agg_b, wmub_ref[i],
                              preferred_element_type=jnp.float32)
                    + bmu_ref[i])
            lv_i = (jnp.dot(agg_a, wlva_ref[i],
                            preferred_element_type=jnp.float32)
                    + jnp.dot(agg_b, wlvb_ref[i],
                              preferred_element_type=jnp.float32)
                    + blv_ref[i])
            mu = mu_i if mu is None else jnp.maximum(mu, mu_i)
            lv = lv_i if lv is None else jnp.maximum(lv, lv_i)
        mu_ref[...] = mu
        lv_ref[...] = lv

    grid = (N_NODES // _R_PREP,)
    rb = lambda i: (i, 0)
    full3 = lambda i: (0, 0, 0)
    return pl.pallas_call(
        body,
        grid=grid,
        in_specs=[
            pl.BlockSpec((_R_PREP, D_IN), rb),
            pl.BlockSpec((_R_PREP, D_IN), rb),
            pl.BlockSpec((_R_PREP, D_IN), rb),
            pl.BlockSpec((_R_PREP, D_IN), rb),
            pl.BlockSpec((_R_PREP, 1), rb),
            pl.BlockSpec((N_HEADS, D_IN, H2), full3),
            pl.BlockSpec((N_HEADS, D_IN, H2), full3),
            pl.BlockSpec((N_HEADS, 1, H2), full3),
            pl.BlockSpec((N_HEADS, D_IN, H2), full3),
            pl.BlockSpec((N_HEADS, D_IN, H2), full3),
            pl.BlockSpec((N_HEADS, 1, H2), full3),
        ],
        out_specs=[
            pl.BlockSpec((_R_PREP, H2), rb),
            pl.BlockSpec((_R_PREP, H2), rb),
        ],
        out_shape=[
            jax.ShapeDtypeStruct((N_NODES, H2), jnp.float32),
            jax.ShapeDtypeStruct((N_NODES, H2), jnp.float32),
        ],
    )(qa, ha, qb, hb, dinv, wmu_a, wmu_b, bmu, wlv_a, wlv_b, blv)


def _tc_decoder(z):
    def body(za_ref, zf_ref, out_ref):
        za = za_ref[...].astype(jnp.bfloat16)
        zf = zf_ref[...].astype(jnp.bfloat16)
        logits = lax.dot_general(
            za, zf, (((1,), (1,)), ((), ())),
            preferred_element_type=jnp.float32)
        out_ref[...] = jax.nn.sigmoid(logits)

    grid = (N_NODES // _R_DEC,)
    return pl.pallas_call(
        body,
        grid=grid,
        in_specs=[
            pl.BlockSpec((_R_DEC, H2), lambda i: (i, 0)),
            pl.BlockSpec((N_NODES, H2), lambda i: (0, 0)),
        ],
        out_specs=pl.BlockSpec((_R_DEC, N_NODES), lambda i: (i, 0)),
        out_shape=jax.ShapeDtypeStruct((N_NODES, N_NODES), jnp.float32),
    )(z, z)


def kernel(x, edge_index, W_gc, b_gc, W_mu, b_mu, W_lv, b_lv):
    src = edge_index[0]
    dst = edge_index[1]

    w_a = jnp.concatenate([W_gc[0], W_gc[1]], axis=1)
    b_a = jnp.concatenate([b_gc[0], b_gc[1]])[None, :]
    w_b = jnp.pad(W_gc[2], ((0, 0), (0, H1)))
    b_b = jnp.pad(b_gc[2], (0, H1))[None, :]
    zpad = jnp.zeros((H1, H2), jnp.float32)
    wmu_a = jnp.stack([jnp.concatenate([W_mu[0], zpad]),
                       jnp.concatenate([zpad, W_mu[1]]),
                       jnp.concatenate([zpad, zpad])])
    wmu_b = jnp.stack([jnp.concatenate([zpad, zpad]),
                       jnp.concatenate([zpad, zpad]),
                       jnp.concatenate([W_mu[2], zpad])])
    wlv_a = jnp.stack([jnp.concatenate([W_lv[0], zpad]),
                       jnp.concatenate([zpad, W_lv[1]]),
                       jnp.concatenate([zpad, zpad])])
    wlv_b = jnp.stack([jnp.concatenate([zpad, zpad]),
                       jnp.concatenate([zpad, zpad]),
                       jnp.concatenate([W_lv[2], zpad])])
    bmu = b_mu[:, None, :]
    blv = b_lv[:, None, :]

    src2d = src.reshape(N_EDGES // CHUNK, CHUNK)
    dst2d = dst.reshape(N_EDGES // CHUNK, CHUNK)
    zeros1d = jnp.zeros((DEG_PAD,), jnp.float32)

    deg_parts = _sc_degree(dst2d, zeros1d)
    d0 = deg_parts[0, :N_NODES, None]
    d1 = deg_parts[1, :N_NODES, None]

    xs, dinv = _tc_prep(d0, d1, x)

    zeros_pad = jnp.zeros((N_PAD, D_IN), jnp.float32)
    p = _sc_aggregate(xs, src2d, dst2d, zeros_pad)
    ha, hb = _tc_hidden(p[0, :N_NODES], p[1, :N_NODES], xs, dinv,
                        w_a, b_a, w_b, b_b)

    q = _sc_aggregate_pair(ha, hb, src2d, dst2d, zeros_pad)
    mu_max, lv_max = _tc_heads(q[0, :N_NODES], ha, q[1, :N_NODES], hb,
                               dinv, wmu_a, wmu_b, bmu, wlv_a, wlv_b, blv)

    adj = _tc_decoder(mu_max)
    return (adj, mu_max, lv_max)

# --- scband reference (transcript-rebuilt; emitter-appended) ---
"""Pipeline reference for scband-multi-head-gcn-gvae-3513283248869 (READ-ONLY COPY).

The authoritative reference and input builder live on the scoring server;
editing this copy changes nothing except your own understanding.
"""

import jax, jax.numpy as jnp
import numpy as np

N = 10000
E = 320000
D_IN, H1, H2, HEADS = 128, 64, 32, 3


def setup_inputs(seed: int = 0) -> dict:
    key = jax.random.key(seed)
    ks = jax.random.split(key, 10)
    x = jax.random.normal(ks[0], (N, D_IN), dtype=jnp.float32)
    edge_index = jax.random.randint(ks[1], (2, E), 0, N, dtype=jnp.int32)
    s = 0.05
    W_gc = jax.random.normal(ks[2], (HEADS, D_IN, H1), dtype=jnp.float32) * s
    b_gc = jnp.zeros((HEADS, H1), dtype=jnp.float32)
    W_mu = jax.random.normal(ks[3], (HEADS, H1, H2), dtype=jnp.float32) * s
    b_mu = jnp.zeros((HEADS, H2), dtype=jnp.float32)
    W_lv = jax.random.normal(ks[4], (HEADS, H1, H2), dtype=jnp.float32) * s
    b_lv = jnp.zeros((HEADS, H2), dtype=jnp.float32)
    return {"x": x, "edge_index": edge_index, "W_gc": W_gc, "b_gc": b_gc,
            "W_mu": W_mu, "b_mu": b_mu, "W_lv": W_lv, "b_lv": b_lv}


def _gcn_conv(h_in, src, dst, norm, W, b):
    # GCNConv: D^{-1/2}(A+I)D^{-1/2} X W + b
    h = h_in @ W
    msg = h[src] * norm[:, None]
    out = jnp.zeros((h_in.shape[0], W.shape[1]), dtype=h.dtype).at[dst].add(msg)
    return out + b


def reference(x, edge_index, W_gc, b_gc, W_mu, b_mu, W_lv, b_lv):
    n = x.shape[0]
    loop = jnp.arange(n, dtype=edge_index.dtype)
    src = jnp.concatenate([edge_index[0], loop])
    dst = jnp.concatenate([edge_index[1], loop])
    deg = jnp.zeros(n, dtype=x.dtype).at[dst].add(1.0)
    dinv = jnp.where(deg > 0, 1.0 / jnp.sqrt(deg), 0.0)
    norm = dinv[src] * dinv[dst]

    mu_max = None
    lv_max = None
    for i in range(HEADS):
        hidden = jax.nn.relu(_gcn_conv(x, src, dst, norm, W_gc[i], b_gc[i]))
        mu = _gcn_conv(hidden, src, dst, norm, W_mu[i], b_mu[i])
        lv = _gcn_conv(hidden, src, dst, norm, W_lv[i], b_lv[i])
        if mu_max is None:
            mu_max, lv_max = mu, lv
        else:
            mu_max = jnp.maximum(mu_max, mu)
            lv_max = jnp.maximum(lv_max, lv)
    # eval-mode reparametrize: z = mu, so z_max == mu_max
    z_max = mu_max
    adj_rec = jax.nn.sigmoid(z_max @ z_max.T)
    return (adj_rec, mu_max, lv_max)

if __name__ == "__main__":
    import jax
    _d = setup_inputs()
    print(jax.jit(kernel)(*tuple(_d.values())))

</pallas_src>

<mosaic_0001>
#map = affine_map<(d0, d1) -> (0, 0)>
#map1 = affine_map<(d0, d1) -> (0, 0, 0)>
module attributes {stable_mosaic.version = 14 : i64} {
  func.func @agg_kernel(%arg0: i32, %arg1: i32, %arg2: memref<10000x128xf32, #tpu.memory_space<hbm>>, %arg3: memref<2500x128xi32, #tpu.memory_space<hbm>>, %arg4: memref<2500x128xi32, #tpu.memory_space<hbm>>, %arg5: memref<10240x128xf32, #tpu.memory_space<hbm>>, %arg6: memref<2x10240x128xf32, #tpu.memory_space<hbm>>, %arg7: memref<10240x128xf32, #tpu.memory_space<vmem_shared>>, %arg8: memref<8x128xi32, #tpu.memory_space<vmem>>, %arg9: memref<8x128xi32, #tpu.memory_space<vmem>>, %arg10: memref<128x128xf32, #tpu.memory_space<vmem>>, %arg11: memref<128x128xf32, #tpu.memory_space<vmem>>, %arg12: memref<!tpu.dma_semaphore, #tpu.memory_space<semaphore_mem>>, %arg13: memref<!tpu.dma_semaphore, #tpu.memory_space<semaphore_mem>>) attributes {dimension_semantics = [#tpu.dimension_semantics<core_parallel>, #tpu.dimension_semantics<subcore_parallel>], iteration_bounds = array<i64: 2, 16>, scalar_prefetch = 0 : i64, scratch_operands = 7 : i64, tpu.core_type = #tpu.core_type<sc_vector_subcore>, window_params = [{transform_indices = #map}, {transform_indices = #map}, {transform_indices = #map}, {transform_indices = #map}, {transform_indices = #map1}]} {
    %mul3A = arith.constant 16 : i32
    %mul3A_0 = arith.muli %arg0, %mul3A : i32
    %add3A = arith.addi %mul3A_0, %arg1 : i32
    %mul3A_1 = arith.constant 640 : i32
    %mul3A_2 = arith.muli %arg1, %mul3A_1 : i32
    "tpu.region"() ({
      %run_scoped3A = tpu.sem_alloc : memref<!tpu.dma_semaphore, #tpu.memory_space<semaphore_mem>>
      %dma_start3A = arith.constant 0 : i32
      %dma_start3A_24 = tpu.memref_slice %arg7[%mul3A_2, %dma_start3A] : memref<10240x128xf32, #tpu.memory_space<vmem_shared>> -> memref<640x128xf32, #tpu.memory_space<vmem_shared>>
      %dma_start3A_25 = arith.constant 0 : i32
      %dma_start3A_26 = tpu.memref_slice %arg5[%mul3A_2, %dma_start3A_25] : memref<10240x128xf32, #tpu.memory_space<hbm>> -> memref<640x128xf32, #tpu.memory_space<hbm>>
      tpu.enqueue_dma source(%dma_start3A_26 : memref<640x128xf32, #tpu.memory_space<hbm>>) target(%dma_start3A_24 : memref<640x128xf32, #tpu.memory_space<vmem_shared>>) target_semaphore(%run_scoped3A : memref<!tpu.dma_semaphore, #tpu.memory_space<semaphore_mem>>)
      %dma_wait3A = arith.constant 0 : i32
      %dma_wait3A_27 = tpu.memref_slice %arg7[%mul3A_2, %dma_wait3A] : memref<10240x128xf32, #tpu.memory_space<vmem_shared>> -> memref<640x128xf32, #tpu.memory_space<vmem_shared>>
      %dma_wait3A_28 = arith.constant 0 : i32
      %dma_wait3A_29 = tpu.memref_slice %arg5[%mul3A_2, %dma_wait3A_28] : memref<10240x128xf32, #tpu.memory_space<hbm>> -> memref<640x128xf32, #tpu.memory_space<hbm>>
      tpu.wait_dma2 semaphore(%run_scoped3A : memref<!tpu.dma_semaphore, #tpu.memory_space<semaphore_mem>>) src(%dma_wait3A_29 : memref<640x128xf32, #tpu.memory_space<hbm>>) dst(%dma_wait3A_27 : memref<640x128xf32, #tpu.memory_space<vmem_shared>>)
      tpu.yield
    }) : () -> ()
    %barrier3A = arith.constant 0 : index
    tpu.barrier barrier_id(%barrier3A)
    %lt3A = arith.constant 24 : i32
    %lt3A_3 = arith.cmpi slt, %add3A, %lt3A : i32
    %jit3A = arith.constant 10 : i32
    %jit3A_4 = arith.constant 9 : i32
    %select_n3A = arith.select %lt3A_3, %jit3A, %jit3A_4 : i32
    %sub3A = arith.constant 0 : i32
    %sub3A_5 = arith.subi %select_n3A, %sub3A : i32
    %sub3A_6 = arith.constant 1 : i32
    %sub3A_7 = arith.constant 1 : i32
    %sub3A_8 = arith.subi %sub3A_6, %sub3A_7 : i32
    %add3A_9 = arith.addi %sub3A_5, %sub3A_8 : i32
    %div3A = arith.constant 1 : i32
    %div3A_10 = arith.divsi %add3A_9, %div3A : i32
    %while3A = arith.constant 1 : i32
    %while3A_11 = arith.constant 0 : i32
    %while3A_12 = arith.constant 0 : i32
    %while3A_13 = arith.subi %div3A_10, %while3A_12 : i32
    %while3A_14 = arith.addi %while3A_12, %while3A_13 : i32
    %while3A_15 = arith.constant 1 : i32
    %while3A_16 = arith.divsi %while3A_13, %while3A_15 : i32
    %while3A_17 = arith.muli %while3A_16, %while3A_15 : i32
    %while3A_18 = arith.addi %while3A_12, %while3A_17 : i32
    %while3A_19 = arith.constant 1 : i32
    scf.for %while3A_24 = %while3A_12 to %while3A_18 step %while3A_19  : i32 {
      %mul3A_25 = arith.muli %while3A_24, %while3A : i32
      %add3A_26 = arith.addi %while3A_11, %mul3A_25 : i32
      %mul3A_27 = arith.constant 32 : i32
      %mul3A_28 = arith.muli %add3A_26, %mul3A_27 : i32
      %add3A_29 = arith.addi %add3A, %mul3A_28 : i32
      %mul3A_30 = arith.constant 8 : i32
      %mul3A_31 = arith.muli %add3A_29, %mul3A_30 : i32
      "tpu.region"() ({
        %run_scoped3A = tpu.sem_alloc : memref<!tpu.dma_semaphore, #tpu.memory_space<semaphore_mem>>
        %dma_start3A_254 = arith.constant 0 : i32
        %dma_start3A_255 = arith.constant 0 : i32
        %dma_start3A_256 = tpu.memref_slice %arg8[%dma_start3A_254, %dma_start3A_255] : memref<8x128xi32, #tpu.memory_space<vmem>> -> memref<8x128xi32, #tpu.memory_space<vmem>>
        %dma_start3A_257 = arith.constant 0 : i32
        %dma_start3A_258 = tpu.memref_slice %arg3[%mul3A_31, %dma_start3A_257] : memref<2500x128xi32, #tpu.memory_space<hbm>> -> memref<8x128xi32, #tpu.memory_space<hbm>>
        %dma_start3A_259 = arith.constant 0 : i32
        %dma_start3A_260 = arith.constant 0 : i32
        %dma_start3A_261 = tpu.memref_slice %arg8[%dma_start3A_259, %dma_start3A_260] : memref<8x128xi32, #tpu.memory_space<vmem>> -> memref<8x128xi32, #tpu.memory_space<vmem>>
        %dma_start3A_262 = arith.constant 0 : i32
        %dma_start3A_263 = tpu.memref_slice %arg3[%mul3A_31, %dma_start3A_262] : memref<2500x128xi32, #tpu.memory_space<hbm>> -> memref<8x128xi32, #tpu.memory_space<hbm>>
        tpu.enqueue_dma source(%dma_start3A_263 : memref<8x128xi32, #tpu.memory_space<hbm>>) target(%dma_start3A_261 : memref<8x128xi32, #tpu.memory_space<vmem>>) target_semaphore(%run_scoped3A : memref<!tpu.dma_semaphore, #tpu.memory_space<semaphore_mem>>)
        %dma_wait3A_264 = arith.constant 0 : i32
        %dma_wait3A_265 = arith.constant 0 : i32
        %dma_wait3A_266 = tpu.memref_slice %arg8[%dma_wait3A_264, %dma_wait3A_265] : memref<8x128xi32, #tpu.memory_space<vmem>> -> memref<8x128xi32, #tpu.memory_space<vmem>>
        %dma_wait3A_267 = arith.constant 0 : i32
        %dma_wait3A_268 = tpu.memref_slice %arg3[%mul3A_31, %dma_wait3A_267] : memref<2500x128xi32, #tpu.memory_space<hbm>> -> memref<8x128xi32, #tpu.memory_space<hbm>>
        %dma_wait3A_269 = arith.constant 0 : i32
        %dma_wait3A_270 = arith.constant 0 : i32
        %dma_wait3A_271 = tpu.memref_slice %arg8[%dma_wait3A_269, %dma_wait3A_270] : memref<8x128xi32, #tpu.memory_space<vmem>> -> memref<8x128xi32, #tpu.memory_space<vmem>>
        %dma_wait3A_272 = arith.constant 0 : i32
        %dma_wait3A_273 = tpu.memref_slice %arg3[%mul3A_31, %dma_wait3A_272] : memref<2500x128xi32, #tpu.memory_space<hbm>> -> memref<8x128xi32, #tpu.memory_space<hbm>>
        tpu.wait_dma2 semaphore(%run_scoped3A : memref<!tpu.dma_semaphore, #tpu.memory_space<semaphore_mem>>) src(%dma_wait3A_273 : memref<8x128xi32, #tpu.memory_space<hbm>>) dst(%dma_wait3A_271 : memref<8x128xi32, #tpu.memory_space<vmem>>)
        tpu.yield
      }) : () -> ()
      "tpu.region"() ({
        %run_scoped3A = tpu.sem_alloc : memref<!tpu.dma_semaphore, #tpu.memory_space<semaphore_mem>>
        %dma_start3A_254 = arith.constant 0 : i32
        %dma_start3A_255 = arith.constant 0 : i32
        %dma_start3A_256 = tpu.memref_slice %arg9[%dma_start3A_254, %dma_start3A_255] : memref<8x128xi32, #tpu.memory_space<vmem>> -> memref<8x128xi32, #tpu.memory_space<vmem>>
        %dma_start3A_257 = arith.constant 0 : i32
        %dma_start3A_258 = tpu.memref_slice %arg4[%mul3A_31, %dma_start3A_257] : memref<2500x128xi32, #tpu.memory_space<hbm>> -> memref<8x128xi32, #tpu.memory_space<hbm>>
        %dma_start3A_259 = arith.constant 0 : i32
        %dma_start3A_260 = arith.constant 0 : i32
        %dma_start3A_261 = tpu.memref_slice %arg9[%dma_start3A_259, %dma_start3A_260] : memref<8x128xi32, #tpu.memory_space<vmem>> -> memref<8x128xi32, #tpu.memory_space<vmem>>
        %dma_start3A_262 = arith.constant 0 : i32
        %dma_start3A_263 = tpu.memref_slice %arg4[%mul3A_31, %dma_start3A_262] : memref<2500x128xi32, #tpu.memory_space<hbm>> -> memref<8x128xi32, #tpu.memory_space<hbm>>
        tpu.enqueue_dma source(%dma_start3A_263 : memref<8x128xi32, #tpu.memory_space<hbm>>) target(%dma_start3A_261 : memref<8x128xi32, #tpu.memory_space<vmem>>) target_semaphore(%run_scoped3A : memref<!tpu.dma_semaphore, #tpu.memory_space<semaphore_mem>>)
        %dma_wait3A_264 = arith.constant 0 : i32
        %dma_wait3A_265 = arith.constant 0 : i32
        %dma_wait3A_266 = tpu.memref_slice %arg9[%dma_wait3A_264, %dma_wait3A_265] : memref<8x128xi32, #tpu.memory_space<vmem>> -> memref<8x128xi32, #tpu.memory_space<vmem>>
        %dma_wait3A_267 = arith.constant 0 : i32
        %dma_wait3A_268 = tpu.memref_slice %arg4[%mul3A_31, %dma_wait3A_267] : memref<2500x128xi32, #tpu.memory_space<hbm>> -> memref<8x128xi32, #tpu.memory_space<hbm>>
        %dma_wait3A_269 = arith.constant 0 : i32
        %dma_wait3A_270 = arith.constant 0 : i32
        %dma_wait3A_271 = tpu.memref_slice %arg9[%dma_wait3A_269, %dma_wait3A_270] : memref<8x128xi32, #tpu.memory_space<vmem>> -> memref<8x128xi32, #tpu.memory_space<vmem>>
        %dma_wait3A_272 = arith.constant 0 : i32
        %dma_wait3A_273 = tpu.memref_slice %arg4[%mul3A_31, %dma_wait3A_272] : memref<2500x128xi32, #tpu.memory_space<hbm>> -> memref<8x128xi32, #tpu.memory_space<hbm>>
        tpu.wait_dma2 semaphore(%run_scoped3A : memref<!tpu.dma_semaphore, #tpu.memory_space<semaphore_mem>>) src(%dma_wait3A_273 : memref<8x128xi32, #tpu.memory_space<hbm>>) dst(%dma_wait3A_271 : memref<8x128xi32, #tpu.memory_space<vmem>>)
        tpu.yield
      }) : () -> ()
      %dma_start3A = arith.constant 0 : i32
      %dma_start3A_32 = arith.constant 0 : i32
      %dma_start3A_33 = tpu.memref_slice %arg8[%dma_start3A, %dma_start3A_32] : memref<8x128xi32, #tpu.memory_space<vmem>> -> memref<1x128xi32, #tpu.memory_space<vmem>>
      %dma_start3A_34 = tpu.memref_squeeze %dma_start3A_33 : memref<1x128xi32, #tpu.memory_space<vmem>> -> memref<128xi32, #tpu.memory_space<vmem>>
      %dma_start3A_35 = arith.constant 0 : i32
      %dma_start3A_36 = arith.constant 0 : i32
      %dma_start3A_37 = tpu.memref_slice %arg2[%dma_start3A_35, %dma_start3A_36] : memref<10000x128xf32, #tpu.memory_space<hbm>> -> memref<10000x128xf32, #tpu.memory_space<hbm>>
      tpu.enqueue_indirect_dma source(%dma_start3A_37 : memref<10000x128xf32, #tpu.memory_space<hbm>>) target(%arg10 : memref<128x128xf32, #tpu.memory_space<vmem>>) offsets(%dma_start3A_34 : memref<128xi32, #tpu.memory_space<vmem>>) semaphore(%arg12 : memref<!tpu.dma_semaphore, #tpu.memory_space<semaphore_mem>>)
      %dma_start3A_38 = arith.constant 1 : i32
      %dma_start3A_39 = arith.constant 0 : i32
      %dma_start3A_40 = tpu.memref_slice %arg8[%dma_start3A_38, %dma_start3A_39] : memref<8x128xi32, #tpu.memory_space<vmem>> -> memref<1x128xi32, #tpu.memory_space<vmem>>
      %dma_start3A_41 = tpu.memref_squeeze %dma_start3A_40 : memref<1x128xi32, #tpu.memory_space<vmem>> -> memref<128xi32, #tpu.memory_space<vmem>>
      %dma_start3A_42 = arith.constant 0 : i32
      %dma_start3A_43 = arith.constant 0 : i32
      %dma_start3A_44 = tpu.memref_slice %arg2[%dma_start3A_42, %dma_start3A_43] : memref<10000x128xf32, #tpu.memory_space<hbm>> -> memref<10000x128xf32, #tpu.memory_space<hbm>>
      tpu.enqueue_indirect_dma source(%dma_start3A_44 : memref<10000x128xf32, #tpu.memory_space<hbm>>) target(%arg11 : memref<128x128xf32, #tpu.memory_space<vmem>>) offsets(%dma_start3A_41 : memref<128xi32, #tpu.memory_space<vmem>>) semaphore(%arg12 : memref<!tpu.dma_semaphore, #tpu.memory_space<semaphore_mem>>)
      %dma_wait3A = arith.constant 0 : i32
      %dma_wait3A_45 = arith.constant 0 : i32
      %dma_wait3A_46 = tpu.memref_slice %arg8[%dma_wait3A, %dma_wait3A_45] : memref<8x128xi32, #tpu.memory_space<vmem>> -> memref<1x128xi32, #tpu.memory_space<vmem>>
      %dma_wait3A_47 = tpu.memref_squeeze %dma_wait3A_46 : memref<1x128xi32, #tpu.memory_space<vmem>> -> memref<128xi32, #tpu.memory_space<vmem>>
      %dma_wait3A_48 = arith.constant 0 : i32
      %dma_wait3A_49 = arith.constant 0 : i32
      %dma_wait3A_50 = tpu.memref_slice %arg2[%dma_wait3A_48, %dma_wait3A_49] : memref<10000x128xf32, #tpu.memory_space<hbm>> -> memref<10000x128xf32, #tpu.memory_space<hbm>>
      tpu.wait_indirect_dma semaphore(%arg12 : memref<!tpu.dma_semaphore, #tpu.memory_space<semaphore_mem>>) src(%dma_wait3A_50 : memref<10000x128xf32, #tpu.memory_space<hbm>>) dst(%arg10 : memref<128x128xf32, #tpu.memory_space<vmem>>)
      %dma_start3A_51 = arith.constant 0 : i32
      %dma_start3A_52 = arith.constant 0 : i32
      %dma_start3A_53 = tpu.memref_slice %arg9[%dma_start3A_51, %dma_start3A_52] : memref<8x128xi32, #tpu.memory_space<vmem>> -> memref<1x128xi32, #tpu.memory_space<vmem>>
      %dma_start3A_54 = tpu.memref_squeeze %dma_start3A_53 : memref<1x128xi32, #tpu.memory_space<vmem>> -> memref<128xi32, #tpu.memory_space<vmem>>
      %dma_start3A_55 = arith.constant 0 : i32
      %dma_start3A_56 = arith.constant 0 : i32
      %dma_start3A_57 = tpu.memref_slice %arg7[%dma_start3A_55, %dma_start3A_56] : memref<10240x128xf32, #tpu.memory_space<vmem_shared>> -> memref<10240x128xf32, #tpu.memory_space<vmem_shared>>
      tpu.enqueue_indirect_dma source(%arg10 : memref<128x128xf32, #tpu.memory_space<vmem>>) target(%dma_start3A_57 : memref<10240x128xf32, #tpu.memory_space<vmem_shared>>) offsets(%dma_start3A_54 : memref<128xi32, #tpu.memory_space<vmem>>) semaphore(%arg13 : memref<!tpu.dma_semaphore, #tpu.memory_space<semaphore_mem>>) {add = true}
      %dma_wait3A_58 = arith.constant 0 : i32
      %dma_wait3A_59 = arith.constant 0 : i32
      %dma_wait3A_60 = tpu.memref_slice %arg9[%dma_wait3A_58, %dma_wait3A_59] : memref<8x128xi32, #tpu.memory_space<vmem>> -> memref<1x128xi32, #tpu.memory_space<vmem>>
      %dma_wait3A_61 = tpu.memref_squeeze %dma_wait3A_60 : memref<1x128xi32, #tpu.memory_space<vmem>> -> memref<128xi32, #tpu.memory_space<vmem>>
      %dma_wait3A_62 = arith.constant 0 : i32
      %dma_wait3A_63 = arith.constant 0 : i32
      %dma_wait3A_64 = tpu.memref_slice %arg7[%dma_wait3A_62, %dma_wait3A_63] : memref<10240x128xf32, #tpu.memory_space<vmem_shared>> -> memref<10240x128xf32, #tpu.memory_space<vmem_shared>>
      tpu.wait_indirect_dma semaphore(%arg13 : memref<!tpu.dma_semaphore, #tpu.memory_space<semaphore_mem>>) src(%arg10 : memref<128x128xf32, #tpu.memory_space<vmem>>) dst(%dma_wait3A_64 : memref<10240x128xf32, #tpu.memory_space<vmem_shared>>)
      %dma_start3A_65 = arith.constant 2 : i32
      %dma_start3A_66 = arith.constant 0 : i32
      %dma_start3A_67 = tpu.memref_slice %arg8[%dma_start3A_65, %dma_start3A_66] : memref<8x128xi32, #tpu.memory_space<vmem>> -> memref<1x128xi32, #tpu.memory_space<vmem>>
      %dma_start3A_68 = tpu.memref_squeeze %dma_start3A_67 : memref<1x128xi32, #tpu.memory_space<vmem>> -> memref<128xi32, #tpu.memory_space<vmem>>
      %dma_start3A_69 = arith.constant 0 : i32
      %dma_start3A_70 = arith.constant 0 : i32
      %dma_start3A_71 = tpu.memref_slice %arg2[%dma_start3A_69, %dma_start3A_70] : memref<10000x128xf32, #tpu.memory_space<hbm>> -> memref<10000x128xf32, #tpu.memory_space<hbm>>
      tpu.enqueue_indirect_dma source(%dma_start3A_71 : memref<10000x128xf32, #tpu.memory_space<hbm>>) target(%arg10 : memref<128x128xf32, #tpu.memory_space<vmem>>) offsets(%dma_start3A_68 : memref<128xi32, #tpu.memory_space<vmem>>) semaphore(%arg12 : memref<!tpu.dma_semaphore, #tpu.memory_space<semaphore_mem>>)
      %dma_wait3A_72 = arith.constant 1 : i32
      %dma_wait3A_73 = arith.constant 0 : i32
      %dma_wait3A_74 = tpu.memref_slice %arg8[%dma_wait3A_72, %dma_wait3A_73] : memref<8x128xi32, #tpu.memory_space<vmem>> -> memref<1x128xi32, #tpu.memory_space<vmem>>
      %dma_wait3A_75 = tpu.memref_squeeze %dma_wait3A_74 : memref<1x128xi32, #tpu.memory_space<vmem>> -> memref<128xi32, #tpu.memory_space<vmem>>
      %dma_wait3A_76 = arith.constant 0 : i32
      %dma_wait3A_77 = arith.constant 0 : i32
      %dma_wait3A_78 = tpu.memref_slice %arg2[%dma_wait3A_76, %dma_wait3A_77] : memref<10000x128xf32, #tpu.memory_space<hbm>> -> memref<10000x128xf32, #tpu.memory_space<hbm>>
      tpu.wait_indirect_dma semaphore(%arg12 : memref<!tpu.dma_semaphore, #tpu.memory_space<semaphore_mem>>) src(%dma_wait3A_78 : memref<10000x128xf32, #tpu.memory_space<hbm>>) dst(%arg11 : memref<128x128xf32, #tpu.memory_space<vmem>>)
      %dma_start3A_79 = arith.constant 1 : i32
      %dma_start3A_80 = arith.constant 0 : i32
      %dma_start3A_81 = tpu.memref_slice %arg9[%dma_start3A_79, %dma_start3A_80] : memref<8x128xi32, #tpu.memory_space<vmem>> -> memref<1x128xi32, #tpu.memory_space<vmem>>
      %dma_start3A_82 = tpu.memref_squeeze %dma_start3A_81 : memref<1x128xi32, #tpu.memory_space<vmem>> -> memref<128xi32, #tpu.memory_space<vmem>>
      %dma_start3A_83 = arith.constant 0 : i32
      %dma_start3A_84 = arith.constant 0 : i32
      %dma_start3A_85 = tpu.memref_slice %arg7[%dma_start3A_83, %dma_start3A_84] : memref<10240x128xf32, #tpu.memory_space<vmem_shared>> -> memref<10240x128xf32, #tpu.memory_space<vmem_shared>>
      tpu.enqueue_indirect_dma source(%arg11 : memref<128x128xf32, #tpu.memory_space<vmem>>) target(%dma_start3A_85 : memref<10240x128xf32, #tpu.memory_space<vmem_shared>>) offsets(%dma_start3A_82 : memref<128xi32, #tpu.memory_space<vmem>>) semaphore(%arg13 : memref<!tpu.dma_semaphore, #tpu.memory_space<semaphore_mem>>) {add = true}
      %dma_wait3A_86 = arith.constant 1 : i32
      %dma_wait3A_87 = arith.constant 0 : i32
      %dma_wait3A_88 = tpu.memref_slice %arg9[%dma_wait3A_86, %dma_wait3A_87] : memref<8x128xi32, #tpu.memory_space<vmem>> -> memref<1x128xi32, #tpu.memory_space<vmem>>
      %dma_wait3A_89 = tpu.memref_squeeze %dma_wait3A_88 : memref<1x128xi32, #tpu.memory_space<vmem>> -> memref<128xi32, #tpu.memory_space<vmem>>
      %dma_wait3A_90 = arith.constant 0 : i32
      %dma_wait3A_91 = arith.constant 0 : i32
      %dma_wait3A_92 = tpu.memref_slice %arg7[%dma_wait3A_90, %dma_wait3A_91] : memref<10240x128xf32, #tpu.memory_space<vmem_shared>> -> memref<10240x128xf32, #tpu.memory_space<vmem_shared>>
      tpu.wait_indirect_dma semaphore(%arg13 : memref<!tpu.dma_semaphore, #tpu.memory_space<semaphore_mem>>) src(%arg11 : memref<128x128xf32, #tpu.memory_space<vmem>>) dst(%dma_wait3A_92 : memref<10240x128xf32, #tpu.memory_space<vmem_shared>>)
      %dma_start3A_93 = arith.constant 3 : i32
      %dma_start3A_94 = arith.constant 0 : i32
      %dma_start3A_95 = tpu.memref_slice %arg8[%dma_start3A_93, %dma_start3A_94] : memref<8x128xi32, #tpu.memory_space<vmem>> -> memref<1x128xi32, #tpu.memory_space<vmem>>
      %dma_start3A_96 = tpu.memref_squeeze %dma_start3A_95 : memref<1x128xi32, #tpu.memory_space<vmem>> -> memref<128xi32, #tpu.memory_space<vmem>>
      %dma_start3A_97 = arith.constant 0 : i32
      %dma_start3A_98 = arith.constant 0 : i32
      %dma_start3A_99 = tpu.memref_slice %arg2[%dma_start3A_97, %dma_start3A_98] : memref<10000x128xf32, #tpu.memory_space<hbm>> -> memref<10000x128xf32, #tpu.memory_space<hbm>>
      tpu.enqueue_indirect_dma source(%dma_start3A_99 : memref<10000x128xf32, #tpu.memory_space<hbm>>) target(%arg11 : memref<128x128xf32, #tpu.memory_space<vmem>>) offsets(%dma_start3A_96 : memref<128xi32, #tpu.memory_space<vmem>>) semaphore(%arg12 : memref<!tpu.dma_semaphore, #tpu.memory_space<semaphore_mem>>)
      %dma_wait3A_100 = arith.constant 2 : i32
      %dma_wait3A_101 = arith.constant 0 : i32
      %dma_wait3A_102 = tpu.memref_slice %arg8[%dma_wait3A_100, %dma_wait3A_101] : memref<8x128xi32, #tpu.memory_space<vmem>> -> memref<1x128xi32, #tpu.memory_space<vmem>>
      %dma_wait3A_103 = tpu.memref_squeeze %dma_wait3A_102 : memref<1x128xi32, #tpu.memory_space<vmem>> -> memref<128xi32, #tpu.memory_space<vmem>>
      %dma_wait3A_104 = arith.constant 0 : i32
      %dma_wait3A_105 = arith.constant 0 : i32
      %dma_wait3A_106 = tpu.memref_slice %arg2[%dma_wait3A_104, %dma_wait3A_105] : memref<10000x128xf32, #tpu.memory_space<hbm>> -> memref<10000x128xf32, #tpu.memory_space<hbm>>
      tpu.wait_indirect_dma semaphore(%arg12 : memref<!tpu.dma_semaphore, #tpu.memory_space<semaphore_mem>>) src(%dma_wait3A_106 : memref<10000x128xf32, #tpu.memory_space<hbm>>) dst(%arg10 : memref<128x128xf32, #tpu.memory_space<vmem>>)
      %dma_start3A_107 = arith.constant 2 : i32
      %dma_start3A_108 = arith.constant 0 : i32
      %dma_start3A_109 = tpu.memref_slice %arg9[%dma_start3A_107, %dma_start3A_108] : memref<8x128xi32, #tpu.memory_space<vmem>> -> memref<1x128xi32, #tpu.memory_space<vmem>>
      %dma_start3A_110 = tpu.memref_squeeze %dma_start3A_109 : memref<1x128xi32, #tpu.memory_space<vmem>> -> memref<128xi32, #tpu.memory_space<vmem>>
      %dma_start3A_111 = arith.constant 0 : i32
      %dma_start3A_112 = arith.constant 0 : i32
      %dma_start3A_113 = tpu.memref_slice %arg7[%dma_start3A_111, %dma_start3A_112] : memref<10240x128xf32, #tpu.memory_space<vmem_shared>> -> memref<10240x128xf32, #tpu.memory_space<vmem_shared>>
      tpu.enqueue_indirect_dma source(%arg10 : memref<128x128xf32, #tpu.memory_space<vmem>>) target(%dma_start3A_113 : memref<10240x128xf32, #tpu.memory_space<vmem_shared>>) offsets(%dma_start3A_110 : memref<128xi32, #tpu.memory_space<vmem>>) semaphore(%arg13 : memref<!tpu.dma_semaphore, #tpu.memory_space<semaphore_mem>>) {add = true}
      %dma_wait3A_114 = arith.constant 2 : i32
      %dma_wait3A_115 = arith.constant 0 : i32
      %dma_wait3A_116 = tpu.memref_slice %arg9[%dma_wait3A_114, %dma_wait3A_115] : memref<8x128xi32, #tpu.memory_space<vmem>> -> memref<1x128xi32, #tpu.memory_space<vmem>>
      %dma_wait3A_117 = tpu.memref_squeeze %dma_wait3A_116 : memref<1x128xi32, #tpu.memory_space<vmem>> -> memref<128xi32, #tpu.memory_space<vmem>>
      %dma_wait3A_118 = arith.constant 0 : i32
      %dma_wait3A_119 = arith.constant 0 : i32
      %dma_wait3A_120 = tpu.memref_slice %arg7[%dma_wait3A_118, %dma_wait3A_119] : memref<10240x128xf32, #tpu.memory_space<vmem_shared>> -> memref<10240x128xf32, #tpu.memory_space<vmem_shared>>
      tpu.wait_indirect_dma semaphore(%arg13 : memref<!tpu.dma_semaphore, #tpu.memory_space<semaphore_mem>>) src(%arg10 : memref<128x128xf32, #tpu.memory_space<vmem>>) dst(%dma_wait3A_120 : memref<10240x128xf32, #tpu.memory_space<vmem_shared>>)
      %dma_start3A_121 = arith.constant 4 : i32
      %dma_start3A_122 = arith.constant 0 : i32
      %dma_start3A_123 = tpu.memref_slice %arg8[%dma_start3A_121, %dma_start3A_122] : memref<8x128xi32, #tpu.memory_space<vmem>> -> memref<1x128xi32, #tpu.memory_space<vmem>>
      %dma_start3A_124 = tpu.memref_squeeze %dma_start3A_123 : memref<1x128xi32, #tpu.memory_space<vmem>> -> memref<128xi32, #tpu.memory_space<vmem>>
      %dma_start3A_125 = arith.constant 0 : i32
      %dma_start3A_126 = arith.constant 0 : i32
      %dma_start3A_127 = tpu.memref_slice %arg2[%dma_start3A_125, %dma_start3A_126] : memref<10000x128xf32, #tpu.memory_space<hbm>> -> memref<10000x128xf32, #tpu.memory_space<hbm>>
      tpu.enqueue_indirect_dma source(%dma_start3A_127 : memref<10000x128xf32, #tpu.memory_space<hbm>>) target(%arg10 : memref<128x128xf32, #tpu.memory_space<vmem>>) offsets(%dma_start3A_124 : memref<128xi32, #tpu.memory_space<vmem>>) semaphore(%arg12 : memref<!tpu.dma_semaphore, #tpu.memory_space<semaphore_mem>>)
      %dma_wait3A_128 = arith.constant 3 : i32
      %dma_wait3A_129 = arith.constant 0 : i32
      %dma_wait3A_130 = tpu.memref_slice %arg8[%dma_wait3A_128, %dma_wait3A_129] : memref<8x128xi32, #tpu.memory_space<vmem>> -> memref<1x128xi32, #tpu.memory_space<vmem>>
      %dma_wait3A_131 = tpu.memref_squeeze %dma_wait3A_130 : memref<1x128xi32, #tpu.memory_space<vmem>> -> memref<128xi32, #tpu.memory_space<vmem>>
      %dma_wait3A_132 = arith.constant 0 : i32
      %dma_wait3A_133 = arith.constant 0 : i32
      %dma_wait3A_134 = tpu.memref_slice %arg2[%dma_wait3A_132, %dma_wait3A_133] : memref<10000x128xf32, #tpu.memory_space<hbm>> -> memref<10000x128xf32, #tpu.memory_space<hbm>>
      tpu.wait_indirect_dma semaphore(%arg12 : memref<!tpu.dma_semaphore, #tpu.memory_space<semaphore_mem>>) src(%dma_wait3A_134 : memref<10000x128xf32, #tpu.memory_space<hbm>>) dst(%arg11 : memref<128x128xf32, #tpu.memory_space<vmem>>)
      %dma_start3A_135 = arith.constant 3 : i32
      %dma_start3A_136 = arith.constant 0 : i32
      %dma_start3A_137 = tpu.memref_slice %arg9[%dma_start3A_135, %dma_start3A_136] : memref<8x128xi32, #tpu.memory_space<vmem>> -> memref<1x128xi32, #tpu.memory_space<vmem>>
      %dma_start3A_138 = tpu.memref_squeeze %dma_start3A_137 : memref<1x128xi32, #tpu.memory_space<vmem>> -> memref<128xi32, #tpu.memory_space<vmem>>
      %dma_start3A_139 = arith.constant 0 : i32
      %dma_start3A_140 = arith.constant 0 : i32
      %dma_start3A_141 = tpu.memref_slice %arg7[%dma_start3A_139, %dma_start3A_140] : memref<10240x128xf32, #tpu.memory_space<vmem_shared>> -> memref<10240x128xf32, #tpu.memory_space<vmem_shared>>
      tpu.enqueue_indirect_dma source(%arg11 : memref<128x128xf32, #tpu.memory_space<vmem>>) target(%dma_start3A_141 : memref<10240x128xf32, #tpu.memory_space<vmem_shared>>) offsets(%dma_start3A_138 : memref<128xi32, #tpu.memory_space<vmem>>) semaphore(%arg13 : memref<!tpu.dma_semaphore, #tpu.memory_space<semaphore_mem>>) {add = true}
      %dma_wait3A_142 = arith.constant 3 : i32
      %dma_wait3A_143 = arith.constant 0 : i32
      %dma_wait3A_144 = tpu.memref_slice %arg9[%dma_wait3A_142, %dma_wait3A_143] : memref<8x128xi32, #tpu.memory_space<vmem>> -> memref<1x128xi32, #tpu.memory_space<vmem>>
      %dma_wait3A_145 = tpu.memref_squeeze %dma_wait3A_144 : memref<1x128xi32, #tpu.memory_space<vmem>> -> memref<128xi32, #tpu.memory_space<vmem>>
      %dma_wait3A_146 = arith.constant 0 : i32
      %dma_wait3A_147 = arith.constant 0 : i32
      %dma_wait3A_148 = tpu.memref_slice %arg7[%dma_wait3A_146, %dma_wait3A_147] : memref<10240x128xf32, #tpu.memory_space<vmem_shared>> -> memref<10240x128xf32, #tpu.memory_space<vmem_shared>>
      tpu.wait_indirect_dma semaphore(%arg13 : memref<!tpu.dma_semaphore, #tpu.memory_space<semaphore_mem>>) src(%arg11 : memref<128x128xf32, #tpu.memory_space<vmem>>) dst(%dma_wait3A_148 : memref<10240x128xf32, #tpu.memory_space<vmem_shared>>)
      %dma_start3A_149 = arith.constant 5 : i32
      %dma_start3A_150 = arith.constant 0 : i32
      %dma_start3A_151 = tpu.memref_slice %arg8[%dma_start3A_149, %dma_start3A_150] : memref<8x128xi32, #tpu.memory_space<vmem>> -> memref<1x128xi32, #tpu.memory_space<vmem>>
      %dma_start3A_152 = tpu.memref_squeeze %dma_start3A_151 : memref<1x128xi32, #tpu.memory_space<vmem>> -> memref<128xi32, #tpu.memory_space<vmem>>
      %dma_start3A_153 = arith.constant 0 : i32
      %dma_start3A_154 = arith.constant 0 : i32
      %dma_start3A_155 = tpu.memref_slice %arg2[%dma_start3A_153, %dma_start3A_154] : memref<10000x128xf32, #tpu.memory_space<hbm>> -> memref<10000x128xf32, #tpu.memory_space<hbm>>
      tpu.enqueue_indirect_dma source(%dma_start3A_155 : memref<10000x128xf32, #tpu.memory_space<hbm>>) target(%arg11 : memref<128x128xf32, #tpu.memory_space<vmem>>) offsets(%dma_start3A_152 : memref<128xi32, #tpu.memory_space<vmem>>) semaphore(%arg12 : memref<!tpu.dma_semaphore, #tpu.memory_space<semaphore_mem>>)
      %dma_wait3A_156 = arith.constant 4 : i32
      %dma_wait3A_157 = arith.constant 0 : i32
      %dma_wait3A_158 = tpu.memref_slice %arg8[%dma_wait3A_156, %dma_wait3A_157] : memref<8x128xi32, #tpu.memory_space<vmem>> -> memref<1x128xi32, #tpu.memory_space<vmem>>
      %dma_wait3A_159 = tpu.memref_squeeze %dma_wait3A_158 : memref<1x128xi32, #tpu.memory_space<vmem>> -> memref<128xi32, #tpu.memory_space<vmem>>
      %dma_wait3A_160 = arith.constant 0 : i32
      %dma_wait3A_161 = arith.constant 0 : i32
      %dma_wait3A_162 = tpu.memref_slice %arg2[%dma_wait3A_160, %dma_wait3A_161] : memref<10000x128xf32, #tpu.memory_space<hbm>> -> memref<10000x128xf32, #tpu.memory_space<hbm>>
      tpu.wait_indirect_dma semaphore(%arg12 : memref<!tpu.dma_semaphore, #tpu.memory_space<semaphore_mem>>) src(%dma_wait3A_162 : memref<10000x128xf32, #tpu.memory_space<hbm>>) dst(%arg10 : memref<128x128xf32, #tpu.memory_space<vmem>>)
      %dma_start3A_163 = arith.constant 4 : i32
      %dma_start3A_164 = arith.constant 0 : i32
      %dma_start3A_165 = tpu.memref_slice %arg9[%dma_start3A_163, %dma_start3A_164] : memref<8x128xi32, #tpu.memory_space<vmem>> -> memref<1x128xi32, #tpu.memory_space<vmem>>
      %dma_start3A_166 = tpu.memref_squeeze %dma_start3A_165 : memref<1x128xi32, #tpu.memory_space<vmem>> -> memref<128xi32, #tpu.memory_space<vmem>>
      %dma_start3A_167 = arith.constant 0 : i32
      %dma_start3A_168 = arith.constant 0 : i32
      %dma_start3A_169 = tpu.memref_slice %arg7[%dma_start3A_167, %dma_start3A_168] : memref<10240x128xf32, #tpu.memory_space<vmem_shared>> -> memref<10240x128xf32, #tpu.memory_space<vmem_shared>>
      tpu.enqueue_indirect_dma source(%arg10 : memref<128x128xf32, #tpu.memory_space<vmem>>) target(%dma_start3A_169 : memref<10240x128xf32, #tpu.memory_space<vmem_shared>>) offsets(%dma_start3A_166 : memref<128xi32, #tpu.memory_space<vmem>>) semaphore(%arg13 : memref<!tpu.dma_semaphore, #tpu.memory_space<semaphore_mem>>) {add = true}
      %dma_wait3A_170 = arith.constant 4 : i32
      %dma_wait3A_171 = arith.constant 0 : i32
      %dma_wait3A_172 = tpu.memref_slice %arg9[%dma_wait3A_170, %dma_wait3A_171] : memref<8x128xi32, #tpu.memory_space<vmem>> -> memref<1x128xi32, #tpu.memory_space<vmem>>
      %dma_wait3A_173 = tpu.memref_squeeze %dma_wait3A_172 : memref<1x128xi32, #tpu.memory_space<vmem>> -> memref<128xi32, #tpu.memory_space<vmem>>
      %dma_wait3A_174 = arith.constant 0 : i32
      %dma_wait3A_175 = arith.constant 0 : i32
      %dma_wait3A_176 = tpu.memref_slice %arg7[%dma_wait3A_174, %dma_wait3A_175] : memref<10240x128xf32, #tpu.memory_space<vmem_shared>> -> memref<10240x128xf32, #tpu.memory_space<vmem_shared>>
      tpu.wait_indirect_dma semaphore(%arg13 : memref<!tpu.dma_semaphore, #tpu.memory_space<semaphore_mem>>) src(%arg10 : memref<128x128xf32, #tpu.memory_space<vmem>>) dst(%dma_wait3A_176 : memref<10240x128xf32, #tpu.memory_space<vmem_shared>>)
      %dma_start3A_177 = arith.constant 6 : i32
      %dma_start3A_178 = arith.constant 0 : i32
      %dma_start3A_179 = tpu.memref_slice %arg8[%dma_start3A_177, %dma_start3A_178] : memref<8x128xi32, #tpu.memory_space<vmem>> -> memref<1x128xi32, #tpu.memory_space<vmem>>
      %dma_start3A_180 = tpu.memref_squeeze %dma_start3A_179 : memref<1x128xi32, #tpu.memory_space<vmem>> -> memref<128xi32, #tpu.memory_space<vmem>>
      %dma_start3A_181 = arith.constant 0 : i32
      %dma_start3A_182 = arith.constant 0 : i32
      %dma_start3A_183 = tpu.memref_slice %arg2[%dma_start3A_181, %dma_start3A_182] : memref<10000x128xf32, #tpu.memory_space<hbm>> -> memref<10000x128xf32, #tpu.memory_space<hbm>>
      tpu.enqueue_indirect_dma source(%dma_start3A_183 : memref<10000x128xf32, #tpu.memory_space<hbm>>) target(%arg10 : memref<128x128xf32, #tpu.memory_space<vmem>>) offsets(%dma_start3A_180 : memref<128xi32, #tpu.memory_space<vmem>>) semaphore(%arg12 : memref<!tpu.dma_semaphore, #tpu.memory_space<semaphore_mem>>)
      %dma_wait3A_184 = arith.constant 5 : i32
      %dma_wait3A_185 = arith.constant 0 : i32
      %dma_wait3A_186 = tpu.memref_slice %arg8[%dma_wait3A_184, %dma_wait3A_185] : memref<8x128xi32, #tpu.memory_space<vmem>> -> memref<1x128xi32, #tpu.memory_space<vmem>>
      %dma_wait3A_187 = tpu.memref_squeeze %dma_wait3A_186 : memref<1x128xi32, #tpu.memory_space<vmem>> -> memref<128xi32, #tpu.memory_space<vmem>>
      %dma_wait3A_188 = arith.constant 0 : i32
      %dma_wait3A_189 = arith.constant 0 : i32
      %dma_wait3A_190 = tpu.memref_slice %arg2[%dma_wait3A_188, %dma_wait3A_189] : memref<10000x128xf32, #tpu.memory_space<hbm>> -> memref<10000x128xf32, #tpu.memory_space<hbm>>
      tpu.wait_indirect_dma semaphore(%arg12 : memref<!tpu.dma_semaphore, #tpu.memory_space<semaphore_mem>>) src(%dma_wait3A_190 : memref<10000x128xf32, #tpu.memory_space<hbm>>) dst(%arg11 : memref<128x128xf32, #tpu.memory_space<vmem>>)
      %dma_start3A_191 = arith.constant 5 : i32
      %dma_start3A_192 = arith.constant 0 : i32
      %dma_start3A_193 = tpu.memref_slice %arg9[%dma_start3A_191, %dma_start3A_192] : memref<8x128xi32, #tpu.memory_space<vmem>> -> memref<1x128xi32, #tpu.memory_space<vmem>>
      %dma_start3A_194 = tpu.memref_squeeze %dma_start3A_193 : memref<1x128xi32, #tpu.memory_space<vmem>> -> memref<128xi32, #tpu.memory_space<vmem>>
      %dma_start3A_195 = arith.constant 0 : i32
      %dma_start3A_196 = arith.constant 0 : i32
      %dma_start3A_197 = tpu.memref_slice %arg7[%dma_start3A_195, %dma_start3A_196] : memref<10240x128xf32, #tpu.memory_space<vmem_shared>> -> memref<10240x128xf32, #tpu.memory_space<vmem_shared>>
      tpu.enqueue_indirect_dma source(%arg11 : memref<128x128xf32, #tpu.memory_space<vmem>>) target(%dma_start3A_197 : memref<10240x128xf32, #tpu.memory_space<vmem_shared>>) offsets(%dma_start3A_194 : memref<128xi32, #tpu.memory_space<vmem>>) semaphore(%arg13 : memref<!tpu.dma_semaphore, #tpu.memory_space<semaphore_mem>>) {add = true}
      %dma_wait3A_198 = arith.constant 5 : i32
      %dma_wait3A_199 = arith.constant 0 : i32
      %dma_wait3A_200 = tpu.memref_slice %arg9[%dma_wait3A_198, %dma_wait3A_199] : memref<8x128xi32, #tpu.memory_space<vmem>> -> memref<1x128xi32, #tpu.memory_space<vmem>>
      %dma_wait3A_201 = tpu.memref_squeeze %dma_wait3A_200 : memref<1x128xi32, #tpu.memory_space<vmem>> -> memref<128xi32, #tpu.memory_space<vmem>>
      %dma_wait3A_202 = arith.constant 0 : i32
      %dma_wait3A_203 = arith.constant 0 : i32
      %dma_wait3A_204 = tpu.memref_slice %arg7[%dma_wait3A_202, %dma_wait3A_203] : memref<10240x128xf32, #tpu.memory_space<vmem_shared>> -> memref<10240x128xf32, #tpu.memory_space<vmem_shared>>
      tpu.wait_indirect_dma semaphore(%arg13 : memref<!tpu.dma_semaphore, #tpu.memory_space<semaphore_mem>>) src(%arg11 : memref<128x128xf32, #tpu.memory_space<vmem>>) dst(%dma_wait3A_204 : memref<10240x128xf32, #tpu.memory_space<vmem_shared>>)
      %dma_start3A_205 = arith.constant 7 : i32
      %dma_start3A_206 = arith.constant 0 : i32
      %dma_start3A_207 = tpu.memref_slice %arg8[%dma_start3A_205, %dma_start3A_206] : memref<8x128xi32, #tpu.memory_space<vmem>> -> memref<1x128xi32, #tpu.memory_space<vmem>>
      %dma_start3A_208 = tpu.memref_squeeze %dma_start3A_207 : memref<1x128xi32, #tpu.memory_space<vmem>> -> memref<128xi32, #tpu.memory_space<vmem>>
      %dma_start3A_209 = arith.constant 0 : i32
      %dma_start3A_210 = arith.constant 0 : i32
      %dma_start3A_211 = tpu.memref_slice %arg2[%dma_start3A_209, %dma_start3A_210] : memref<10000x128xf32, #tpu.memory_space<hbm>> -> memref<10000x128xf32, #tpu.memory_space<hbm>>
      tpu.enqueue_indirect_dma source(%dma_start3A_211 : memref<10000x128xf32, #tpu.memory_space<hbm>>) target(%arg11 : memref<128x128xf32, #tpu.memory_space<vmem>>) offsets(%dma_start3A_208 : memref<128xi32, #tpu.memory_space<vmem>>) semaphore(%arg12 : memref<!tpu.dma_semaphore, #tpu.memory_space<semaphore_mem>>)
      %dma_wait3A_212 = arith.constant 6 : i32
      %dma_wait3A_213 = arith.constant 0 : i32
      %dma_wait3A_214 = tpu.memref_slice %arg8[%dma_wait3A_212, %dma_wait3A_213] : memref<8x128xi32, #tpu.memory_space<vmem>> -> memref<1x128xi32, #tpu.memory_space<vmem>>
      %dma_wait3A_215 = tpu.memref_squeeze %dma_wait3A_214 : memref<1x128xi32, #tpu.memory_space<vmem>> -> memref<128xi32, #tpu.memory_space<vmem>>
      %dma_wait3A_216 = arith.constant 0 : i32
      %dma_wait3A_217 = arith.constant 0 : i32
      %dma_wait3A_218 = tpu.memref_slice %arg2[%dma_wait3A_216, %dma_wait3A_217] : memref<10000x128xf32, #tpu.memory_space<hbm>> -> memref<10000x128xf32, #tpu.memory_space<hbm>>
      tpu.wait_indirect_dma semaphore(%arg12 : memref<!tpu.dma_semaphore, #tpu.memory_space<semaphore_mem>>) src(%dma_wait3A_218 : memref<10000x128xf32, #tpu.memory_space<hbm>>) dst(%arg10 : memref<128x128xf32, #tpu.memory_space<vmem>>)
      %dma_start3A_219 = arith.constant 6 : i32
      %dma_start3A_220 = arith.constant 0 : i32
      %dma_start3A_221 = tpu.memref_slice %arg9[%dma_start3A_219, %dma_start3A_220] : memref<8x128xi32, #tpu.memory_space<vmem>> -> memref<1x128xi32, #tpu.memory_space<vmem>>
      %dma_start3A_222 = tpu.memref_squeeze %dma_start3A_221 : memref<1x128xi32, #tpu.memory_space<vmem>> -> memref<128xi32, #tpu.memory_space<vmem>>
      %dma_start3A_223 = arith.constant 0 : i32
      %dma_start3A_224 = arith.constant 0 : i32
      %dma_start3A_225 = tpu.memref_slice %arg7[%dma_start3A_223, %dma_start3A_224] : memref<10240x128xf32, #tpu.memory_space<vmem_shared>> -> memref<10240x128xf32, #tpu.memory_space<vmem_shared>>
      tpu.enqueue_indirect_dma source(%arg10 : memref<128x128xf32, #tpu.memory_space<vmem>>) target(%dma_start3A_225 : memref<10240x128xf32, #tpu.memory_space<vmem_shared>>) offsets(%dma_start3A_222 : memref<128xi32, #tpu.memory_space<vmem>>) semaphore(%arg13 : memref<!tpu.dma_semaphore, #tpu.memory_space<semaphore_mem>>) {add = true}
      %dma_wait3A_226 = arith.constant 7 : i32
      %dma_wait3A_227 = arith.constant 0 : i32
      %dma_wait3A_228 = tpu.memref_slice %arg8[%dma_wait3A_226, %dma_wait3A_227] : memref<8x128xi32, #tpu.memory_space<vmem>> -> memref<1x128xi32, #tpu.memory_space<vmem>>
      %dma_wait3A_229 = tpu.memref_squeeze %dma_wait3A_228 : memref<1x128xi32, #tpu.memory_space<vmem>> -> memref<128xi32, #tpu.memory_space<vmem>>
      %dma_wait3A_230 = arith.constant 0 : i32
      %dma_wait3A_231 = arith.constant 0 : i32
      %dma_wait3A_232 = tpu.memref_slice %arg2[%dma_wait3A_230, %dma_wait3A_231] : memref<10000x128xf32, #tpu.memory_space<hbm>> -> memref<10000x128xf32, #tpu.memory_space<hbm>>
      tpu.wait_indirect_dma semaphore(%arg12 : memref<!tpu.dma_semaphore, #tpu.memory_space<semaphore_mem>>) src(%dma_wait3A_232 : memref<10000x128xf32, #tpu.memory_space<hbm>>) dst(%arg11 : memref<128x128xf32, #tpu.memory_space<vmem>>)
      %dma_start3A_233 = arith.constant 7 : i32
      %dma_start3A_234 = arith.constant 0 : i32
      %dma_start3A_235 = tpu.memref_slice %arg9[%dma_start3A_233, %dma_start3A_234] : memref<8x128xi32, #tpu.memory_space<vmem>> -> memref<1x128xi32, #tpu.memory_space<vmem>>
      %dma_start3A_236 = tpu.memref_squeeze %dma_start3A_235 : memref<1x128xi32, #tpu.memory_space<vmem>> -> memref<128xi32, #tpu.memory_space<vmem>>
      %dma_start3A_237 = arith.constant 0 : i32
      %dma_start3A_238 = arith.constant 0 : i32
      %dma_start3A_239 = tpu.memref_slice %arg7[%dma_start3A_237, %dma_start3A_238] : memref<10240x128xf32, #tpu.memory_space<vmem_shared>> -> memref<10240x128xf32, #tpu.memory_space<vmem_shared>>
      tpu.enqueue_indirect_dma source(%arg11 : memref<128x128xf32, #tpu.memory_space<vmem>>) target(%dma_start3A_239 : memref<10240x128xf32, #tpu.memory_space<vmem_shared>>) offsets(%dma_start3A_236 : memref<128xi32, #tpu.memory_space<vmem>>) semaphore(%arg13 : memref<!tpu.dma_semaphore, #tpu.memory_space<semaphore_mem>>) {add = true}
      %dma_wait3A_240 = arith.constant 6 : i32
      %dma_wait3A_241 = arith.constant 0 : i32
      %dma_wait3A_242 = tpu.memref_slice %arg9[%dma_wait3A_240, %dma_wait3A_241] : memref<8x128xi32, #tpu.memory_space<vmem>> -> memref<1x128xi32, #tpu.memory_space<vmem>>
      %dma_wait3A_243 = tpu.memref_squeeze %dma_wait3A_242 : memref<1x128xi32, #tpu.memory_space<vmem>> -> memref<128xi32, #tpu.memory_space<vmem>>
      %dma_wait3A_244 = arith.constant 0 : i32
      %dma_wait3A_245 = arith.constant 0 : i32
      %dma_wait3A_246 = tpu.memref_slice %arg7[%dma_wait3A_244, %dma_wait3A_245] : memref<10240x128xf32, #tpu.memory_space<vmem_shared>> -> memref<10240x128xf32, #tpu.memory_space<vmem_shared>>
      tpu.wait_indirect_dma semaphore(%arg13 : memref<!tpu.dma_semaphore, #tpu.memory_space<semaphore_mem>>) src(%arg10 : memref<128x128xf32, #tpu.memory_space<vmem>>) dst(%dma_wait3A_246 : memref<10240x128xf32, #tpu.memory_space<vmem_shared>>)
      %dma_wait3A_247 = arith.constant 7 : i32
      %dma_wait3A_248 = arith.constant 0 : i32
      %dma_wait3A_249 = tpu.memref_slice %arg9[%dma_wait3A_247, %dma_wait3A_248] : memref<8x128xi32, #tpu.memory_space<vmem>> -> memref<1x128xi32, #tpu.memory_space<vmem>>
      %dma_wait3A_250 = tpu.memref_squeeze %dma_wait3A_249 : memref<1x128xi32, #tpu.memory_space<vmem>> -> memref<128xi32, #tpu.memory_space<vmem>>
      %dma_wait3A_251 = arith.constant 0 : i32
      %dma_wait3A_252 = arith.constant 0 : i32
      %dma_wait3A_253 = tpu.memref_slice %arg7[%dma_wait3A_251, %dma_wait3A_252] : memref<10240x128xf32, #tpu.memory_space<vmem_shared>> -> memref<10240x128xf32, #tpu.memory_space<vmem_shared>>
      tpu.wait_indirect_dma semaphore(%arg13 : memref<!tpu.dma_semaphore, #tpu.memory_space<semaphore_mem>>) src(%arg11 : memref<128x128xf32, #tpu.memory_space<vmem>>) dst(%dma_wait3A_253 : memref<10240x128xf32, #tpu.memory_space<vmem_shared>>)
    }
    %while3A_20 = arith.constant 1 : i32
    scf.for %while3A_24 = %while3A_18 to %while3A_14 step %while3A_20  : i32 {
      %mul3A_25 = arith.muli %while3A_24, %while3A : i32
      %add3A_26 = arith.addi %while3A_11, %mul3A_25 : i32
      %mul3A_27 = arith.constant 32 : i32
      %mul3A_28 = arith.muli %add3A_26, %mul3A_27 : i32
      %add3A_29 = arith.addi %add3A, %mul3A_28 : i32
      %mul3A_30 = arith.constant 8 : i32
      %mul3A_31 = arith.muli %add3A_29, %mul3A_30 : i32
      "tpu.region"() ({
        %run_scoped3A = tpu.sem_alloc : memref<!tpu.dma_semaphore, #tpu.memory_space<semaphore_mem>>
        %dma_start3A_254 = arith.constant 0 : i32
        %dma_start3A_255 = arith.constant 0 : i32
        %dma_start3A_256 = tpu.memref_slice %arg8[%dma_start3A_254, %dma_start3A_255] : memref<8x128xi32, #tpu.memory_space<vmem>> -> memref<8x128xi32, #tpu.memory_space<vmem>>
        %dma_start3A_257 = arith.constant 0 : i32
        %dma_start3A_258 = tpu.memref_slice %arg3[%mul3A_31, %dma_start3A_257] : memref<2500x128xi32, #tpu.memory_space<hbm>> -> memref<8x128xi32, #tpu.memory_space<hbm>>
        %dma_start3A_259 = arith.constant 0 : i32
        %dma_start3A_260 = arith.constant 0 : i32
        %dma_start3A_261 = tpu.memref_slice %arg8[%dma_start3A_259, %dma_start3A_260] : memref<8x128xi32, #tpu.memory_space<vmem>> -> memref<8x128xi32, #tpu.memory_space<vmem>>
        %dma_start3A_262 = arith.constant 0 : i32
        %dma_start3A_263 = tpu.memref_slice %arg3[%mul3A_31, %dma_start3A_262] : memref<2500x128xi32, #tpu.memory_space<hbm>> -> memref<8x128xi32, #tpu.memory_space<hbm>>
        tpu.enqueue_dma source(%dma_start3A_263 : memref<8x128xi32, #tpu.memory_space<hbm>>) target(%dma_start3A_261 : memref<8x128xi32, #tpu.memory_space<vmem>>) target_semaphore(%run_scoped3A : memref<!tpu.dma_semaphore, #tpu.memory_space<semaphore_mem>>)
        %dma_wait3A_264 = arith.constant 0 : i32
        %dma_wait3A_265 = arith.constant 0 : i32
        %dma_wait3A_266 = tpu.memref_slice %arg8[%dma_wait3A_264, %dma_wait3A_265] : memref<8x128xi32, #tpu.memory_space<vmem>> -> memref<8x128xi32, #tpu.memory_space<vmem>>
        %dma_wait3A_267 = arith.constant 0 : i32
        %dma_wait3A_268 = tpu.memref_slice %arg3[%mul3A_31, %dma_wait3A_267] : memref<2500x128xi32, #tpu.memory_space<hbm>> -> memref<8x128xi32, #tpu.memory_space<hbm>>
        %dma_wait3A_269 = arith.constant 0 : i32
        %dma_wait3A_270 = arith.constant 0 : i32
        %dma_wait3A_271 = tpu.memref_slice %arg8[%dma_wait3A_269, %dma_wait3A_270] : memref<8x128xi32, #tpu.memory_space<vmem>> -> memref<8x128xi32, #tpu.memory_space<vmem>>
        %dma_wait3A_272 = arith.constant 0 : i32
        %dma_wait3A_273 = tpu.memref_slice %arg3[%mul3A_31, %dma_wait3A_272] : memref<2500x128xi32, #tpu.memory_space<hbm>> -> memref<8x128xi32, #tpu.memory_space<hbm>>
        tpu.wait_dma2 semaphore(%run_scoped3A : memref<!tpu.dma_semaphore, #tpu.memory_space<semaphore_mem>>) src(%dma_wait3A_273 : memref<8x128xi32, #tpu.memory_space<hbm>>) dst(%dma_wait3A_271 : memref<8x128xi32, #tpu.memory_space<vmem>>)
        tpu.yield
      }) : () -> ()
      "tpu.region"() ({
        %run_scoped3A = tpu.sem_alloc : memref<!tpu.dma_semaphore, #tpu.memory_space<semaphore_mem>>
        %dma_start3A_254 = arith.constant 0 : i32
        %dma_start3A_255 = arith.constant 0 : i32
        %dma_start3A_256 = tpu.memref_slice %arg9[%dma_start3A_254, %dma_start3A_255] : memref<8x128xi32, #tpu.memory_space<vmem>> -> memref<8x128xi32, #tpu.memory_space<vmem>>
        %dma_start3A_257 = arith.constant 0 : i32
        %dma_start3A_258 = tpu.memref_slice %arg4[%mul3A_31, %dma_start3A_257] : memref<2500x128xi32, #tpu.memory_space<hbm>> -> memref<8x128xi32, #tpu.memory_space<hbm>>
        %dma_start3A_259 = arith.constant 0 : i32
        %dma_start3A_260 = arith.constant 0 : i32
        %dma_start3A_261 = tpu.memref_slice %arg9[%dma_start3A_259, %dma_start3A_260] : memref<8x128xi32, #tpu.memory_space<vmem>> -> memref<8x128xi32, #tpu.memory_space<vmem>>
        %dma_start3A_262 = arith.constant 0 : i32
        %dma_start3A_263 = tpu.memref_slice %arg4[%mul3A_31, %dma_start3A_262] : memref<2500x128xi32, #tpu.memory_space<hbm>> -> memref<8x128xi32, #tpu.memory_space<hbm>>
        tpu.enqueue_dma source(%dma_start3A_263 : memref<8x128xi32, #tpu.memory_space<hbm>>) target(%dma_start3A_261 : memref<8x128xi32, #tpu.memory_space<vmem>>) target_semaphore(%run_scoped3A : memref<!tpu.dma_semaphore, #tpu.memory_space<semaphore_mem>>)
        %dma_wait3A_264 = arith.constant 0 : i32
        %dma_wait3A_265 = arith.constant 0 : i32
        %dma_wait3A_266 = tpu.memref_slice %arg9[%dma_wait3A_264, %dma_wait3A_265] : memref<8x128xi32, #tpu.memory_space<vmem>> -> memref<8x128xi32, #tpu.memory_space<vmem>>
        %dma_wait3A_267 = arith.constant 0 : i32
        %dma_wait3A_268 = tpu.memref_slice %arg4[%mul3A_31, %dma_wait3A_267] : memref<2500x128xi32, #tpu.memory_space<hbm>> -> memref<8x128xi32, #tpu.memory_space<hbm>>
        %dma_wait3A_269 = arith.constant 0 : i32
        %dma_wait3A_270 = arith.constant 0 : i32
        %dma_wait3A_271 = tpu.memref_slice %arg9[%dma_wait3A_269, %dma_wait3A_270] : memref<8x128xi32, #tpu.memory_space<vmem>> -> memref<8x128xi32, #tpu.memory_space<vmem>>
        %dma_wait3A_272 = arith.constant 0 : i32
        %dma_wait3A_273 = tpu.memref_slice %arg4[%mul3A_31, %dma_wait3A_272] : memref<2500x128xi32, #tpu.memory_space<hbm>> -> memref<8x128xi32, #tpu.memory_space<hbm>>
        tpu.wait_dma2 semaphore(%run_scoped3A : memref<!tpu.dma_semaphore, #tpu.memory_space<semaphore_mem>>) src(%dma_wait3A_273 : memref<8x128xi32, #tpu.memory_space<hbm>>) dst(%dma_wait3A_271 : memref<8x128xi32, #tpu.memory_space<vmem>>)
        tpu.yield
      }) : () -> ()
      %dma_start3A = arith.constant 0 : i32
      %dma_start3A_32 = arith.constant 0 : i32
      %dma_start3A_33 = tpu.memref_slice %arg8[%dma_start3A, %dma_start3A_32] : memref<8x128xi32, #tpu.memory_space<vmem>> -> memref<1x128xi32, #tpu.memory_space<vmem>>
      %dma_start3A_34 = tpu.memref_squeeze %dma_start3A_33 : memref<1x128xi32, #tpu.memory_space<vmem>> -> memref<128xi32, #tpu.memory_space<vmem>>
      %dma_start3A_35 = arith.constant 0 : i32
      %dma_start3A_36 = arith.constant 0 : i32
      %dma_start3A_37 = tpu.memref_slice %arg2[%dma_start3A_35, %dma_start3A_36] : memref<10000x128xf32, #tpu.memory_space<hbm>> -> memref<10000x128xf32, #tpu.memory_space<hbm>>
      tpu.enqueue_indirect_dma source(%dma_start3A_37 : memref<10000x128xf32, #tpu.memory_space<hbm>>) target(%arg10 : memref<128x128xf32, #tpu.memory_space<vmem>>) offsets(%dma_start3A_34 : memref<128xi32, #tpu.memory_space<vmem>>) semaphore(%arg12 : memref<!tpu.dma_semaphore, #tpu.memory_space<semaphore_mem>>)
      %dma_start3A_38 = arith.constant 1 : i32
      %dma_start3A_39 = arith.constant 0 : i32
      %dma_start3A_40 = tpu.memref_slice %arg8[%dma_start3A_38, %dma_start3A_39] : memref<8x128xi32, #tpu.memory_space<vmem>> -> memref<1x128xi32, #tpu.memory_space<vmem>>
      %dma_start3A_41 = tpu.memref_squeeze %dma_start3A_40 : memref<1x128xi32, #tpu.memory_space<vmem>> -> memref<128xi32, #tpu.memory_space<vmem>>
      %dma_start3A_42 = arith.constant 0 : i32
      %dma_start3A_43 = arith.constant 0 : i32
      %dma_start3A_44 = tpu.memref_slice %arg2[%dma_start3A_42, %dma_start3A_43] : memref<10000x128xf32, #tpu.memory_space<hbm>> -> memref<10000x128xf32, #tpu.memory_space<hbm>>
      tpu.enqueue_indirect_dma source(%dma_start3A_44 : memref<10000x128xf32, #tpu.memory_space<hbm>>) target(%arg11 : memref<128x128xf32, #tpu.memory_space<vmem>>) offsets(%dma_start3A_41 : memref<128xi32, #tpu.memory_space<vmem>>) semaphore(%arg12 : memref<!tpu.dma_semaphore, #tpu.memory_space<semaphore_mem>>)
      %dma_wait3A = arith.constant 0 : i32
      %dma_wait3A_45 = arith.constant 0 : i32
      %dma_wait3A_46 = tpu.memref_slice %arg8[%dma_wait3A, %dma_wait3A_45] : memref<8x128xi32, #tpu.memory_space<vmem>> -> memref<1x128xi32, #tpu.memory_space<vmem>>
      %dma_wait3A_47 = tpu.memref_squeeze %dma_wait3A_46 : memref<1x128xi32, #tpu.memory_space<vmem>> -> memref<128xi32, #tpu.memory_space<vmem>>
      %dma_wait3A_48 = arith.constant 0 : i32
      %dma_wait3A_49 = arith.constant 0 : i32
      %dma_wait3A_50 = tpu.memref_slice %arg2[%dma_wait3A_48, %dma_wait3A_49] : memref<10000x128xf32, #tpu.memory_space<hbm>> -> memref<10000x128xf32, #tpu.memory_space<hbm>>
      tpu.wait_indirect_dma semaphore(%arg12 : memref<!tpu.dma_semaphore, #tpu.memory_space<semaphore_mem>>) src(%dma_wait3A_50 : memref<10000x128xf32, #tpu.memory_space<hbm>>) dst(%arg10 : memref<128x128xf32, #tpu.memory_space<vmem>>)
      %dma_start3A_51 = arith.constant 0 : i32
      %dma_start3A_52 = arith.constant 0 : i32
      %dma_start3A_53 = tpu.memref_slice %arg9[%dma_start3A_51, %dma_start3A_52] : memref<8x128xi32, #tpu.memory_space<vmem>> -> memref<1x128xi32, #tpu.memory_space<vmem>>
      %dma_start3A_54 = tpu.memref_squeeze %dma_start3A_53 : memref<1x128xi32, #tpu.memory_space<vmem>> -> memref<128xi32, #tpu.memory_space<vmem>>
      %dma_start3A_55 = arith.constant 0 : i32
      %dma_start3A_56 = arith.constant 0 : i32
      %dma_start3A_57 = tpu.memref_slice %arg7[%dma_start3A_55, %dma_start3A_56] : memref<10240x128xf32, #tpu.memory_space<vmem_shared>> -> memref<10240x128xf32, #tpu.memory_space<vmem_shared>>
      tpu.enqueue_indirect_dma source(%arg10 : memref<128x128xf32, #tpu.memory_space<vmem>>) target(%dma_start3A_57 : memref<10240x128xf32, #tpu.memory_space<vmem_shared>>) offsets(%dma_start3A_54 : memref<128xi32, #tpu.memory_space<vmem>>) semaphore(%arg13 : memref<!tpu.dma_semaphore, #tpu.memory_space<semaphore_mem>>) {add = true}
      %dma_wait3A_58 = arith.constant 0 : i32
      %dma_wait3A_59 = arith.constant 0 : i32
      %dma_wait3A_60 = tpu.memref_slice %arg9[%dma_wait3A_58, %dma_wait3A_59] : memref<8x128xi32, #tpu.memory_space<vmem>> -> memref<1x128xi32, #tpu.memory_space<vmem>>
      %dma_wait3A_61 = tpu.memref_squeeze %dma_wait3A_60 : memref<1x128xi32, #tpu.memory_space<vmem>> -> memref<128xi32, #tpu.memory_space<vmem>>
      %dma_wait3A_62 = arith.constant 0 : i32
      %dma_wait3A_63 = arith.constant 0 : i32
      %dma_wait3A_64 = tpu.memref_slice %arg7[%dma_wait3A_62, %dma_wait3A_63] : memref<10240x128xf32, #tpu.memory_space<vmem_shared>> -> memref<10240x128xf32, #tpu.memory_space<vmem_shared>>
      tpu.wait_indirect_dma semaphore(%arg13 : memref<!tpu.dma_semaphore, #tpu.memory_space<semaphore_mem>>) src(%arg10 : memref<128x128xf32, #tpu.memory_space<vmem>>) dst(%dma_wait3A_64 : memref<10240x128xf32, #tpu.memory_space<vmem_shared>>)
      %dma_start3A_65 = arith.constant 2 : i32
      %dma_start3A_66 = arith.constant 0 : i32
      %dma_start3A_67 = tpu.memref_slice %arg8[%dma_start3A_65, %dma_start3A_66] : memref<8x128xi32, #tpu.memory_space<vmem>> -> memref<1x128xi32, #tpu.memory_space<vmem>>
      %dma_start3A_68 = tpu.memref_squeeze %dma_start3A_67 : memref<1x128xi32, #tpu.memory_space<vmem>> -> memref<128xi32, #tpu.memory_space<vmem>>
      %dma_start3A_69 = arith.constant 0 : i32
      %dma_start3A_70 = arith.constant 0 : i32
      %dma_start3A_71 = tpu.memref_slice %arg2[%dma_start3A_69, %dma_start3A_70] : memref<10000x128xf32, #tpu.memory_space<hbm>> -> memref<10000x128xf32, #tpu.memory_space<hbm>>
      tpu.enqueue_indirect_dma source(%dma_start3A_71 : memref<10000x128xf32, #tpu.memory_space<hbm>>) target(%arg10 : memref<128x128xf32, #tpu.memory_space<vmem>>) offsets(%dma_start3A_68 : memref<128xi32, #tpu.memory_space<vmem>>) semaphore(%arg12 : memref<!tpu.dma_semaphore, #tpu.memory_space<semaphore_mem>>)
      %dma_wait3A_72 = arith.constant 1 : i32
      %dma_wait3A_73 = arith.constant 0 : i32
      %dma_wait3A_74 = tpu.memref_slice %arg8[%dma_wait3A_72, %dma_wait3A_73] : memref<8x128xi32, #tpu.memory_space<vmem>> -> memref<1x128xi32, #tpu.memory_space<vmem>>
      %dma_wait3A_75 = tpu.memref_squeeze %dma_wait3A_74 : memref<1x128xi32, #tpu.memory_space<vmem>> -> memref<128xi32, #tpu.memory_space<vmem>>
      %dma_wait3A_76 = arith.constant 0 : i32
      %dma_wait3A_77 = arith.constant 0 : i32
      %dma_wait3A_78 = tpu.memref_slice %arg2[%dma_wait3A_76, %dma_wait3A_77] : memref<10000x128xf32, #tpu.memory_space<hbm>> -> memref<10000x128xf32, #tpu.memory_space<hbm>>
      tpu.wait_indirect_dma semaphore(%arg12 : memref<!tpu.dma_semaphore, #tpu.memory_space<semaphore_mem>>) src(%dma_wait3A_78 : memref<10000x128xf32, #tpu.memory_space<hbm>>) dst(%arg11 : memref<128x128xf32, #tpu.memory_space<vmem>>)
      %dma_start3A_79 = arith.constant 1 : i32
      %dma_start3A_80 = arith.constant 0 : i32
      %dma_start3A_81 = tpu.memref_slice %arg9[%dma_start3A_79, %dma_start3A_80] : memref<8x128xi32, #tpu.memory_space<vmem>> -> memref<1x128xi32, #tpu.memory_space<vmem>>
      %dma_start3A_82 = tpu.memref_squeeze %dma_start3A_81 : memref<1x128xi32, #tpu.memory_space<vmem>> -> memref<128xi32, #tpu.memory_space<vmem>>
      %dma_start3A_83 = arith.constant 0 : i32
      %dma_start3A_84 = arith.constant 0 : i32
      %dma_start3A_85 = tpu.memref_slice %arg7[%dma_start3A_83, %dma_start3A_84] : memref<10240x128xf32, #tpu.memory_space<vmem_shared>> -> memref<10240x128xf32, #tpu.memory_space<vmem_shared>>
      tpu.enqueue_indirect_dma source(%arg11 : memref<128x128xf32, #tpu.memory_space<vmem>>) target(%dma_start3A_85 : memref<10240x128xf32, #tpu.memory_space<vmem_shared>>) offsets(%dma_start3A_82 : memref<128xi32, #tpu.memory_space<vmem>>) semaphore(%arg13 : memref<!tpu.dma_semaphore, #tpu.memory_space<semaphore_mem>>) {add = true}
      %dma_wait3A_86 = arith.constant 1 : i32
      %dma_wait3A_87 = arith.constant 0 : i32
      %dma_wait3A_88 = tpu.memref_slice %arg9[%dma_wait3A_86, %dma_wait3A_87] : memref<8x128xi32, #tpu.memory_space<vmem>> -> memref<1x128xi32, #tpu.memory_space<vmem>>
      %dma_wait3A_89 = tpu.memref_squeeze %dma_wait3A_88 : memref<1x128xi32, #tpu.memory_space<vmem>> -> memref<128xi32, #tpu.memory_space<vmem>>
      %dma_wait3A_90 = arith.constant 0 : i32
      %dma_wait3A_91 = arith.constant 0 : i32
      %dma_wait3A_92 = tpu.memref_slice %arg7[%dma_wait3A_90, %dma_wait3A_91] : memref<10240x128xf32, #tpu.memory_space<vmem_shared>> -> memref<10240x128xf32, #tpu.memory_space<vmem_shared>>
      tpu.wait_indirect_dma semaphore(%arg13 : memref<!tpu.dma_semaphore, #tpu.memory_space<semaphore_mem>>) src(%arg11 : memref<128x128xf32, #tpu.memory_space<vmem>>) dst(%dma_wait3A_92 : memref<10240x128xf32, #tpu.memory_space<vmem_shared>>)
      %dma_start3A_93 = arith.constant 3 : i32
      %dma_start3A_94 = arith.constant 0 : i32
      %dma_start3A_95 = tpu.memref_slice %arg8[%dma_start3A_93, %dma_start3A_94] : memref<8x128xi32, #tpu.memory_space<vmem>> -> memref<1x128xi32, #tpu.memory_space<vmem>>
      %dma_start3A_96 = tpu.memref_squeeze %dma_start3A_95 : memref<1x128xi32, #tpu.memory_space<vmem>> -> memref<128xi32, #tpu.memory_space<vmem>>
      %dma_start3A_97 = arith.constant 0 : i32
      %dma_start3A_98 = arith.constant 0 : i32
      %dma_start3A_99 = tpu.memref_slice %arg2[%dma_start3A_97, %dma_start3A_98] : memref<10000x128xf32, #tpu.memory_space<hbm>> -> memref<10000x128xf32, #tpu.memory_space<hbm>>
      tpu.enqueue_indirect_dma source(%dma_start3A_99 : memref<10000x128xf32, #tpu.memory_space<hbm>>) target(%arg11 : memref<128x128xf32, #tpu.memory_space<vmem>>) offsets(%dma_start3A_96 : memref<128xi32, #tpu.memory_space<vmem>>) semaphore(%arg12 : memref<!tpu.dma_semaphore, #tpu.memory_space<semaphore_mem>>)
      %dma_wait3A_100 = arith.constant 2 : i32
      %dma_wait3A_101 = arith.constant 0 : i32
      %dma_wait3A_102 = tpu.memref_slice %arg8[%dma_wait3A_100, %dma_wait3A_101] : memref<8x128xi32, #tpu.memory_space<vmem>> -> memref<1x128xi32, #tpu.memory_space<vmem>>
      %dma_wait3A_103 = tpu.memref_squeeze %dma_wait3A_102 : memref<1x128xi32, #tpu.memory_space<vmem>> -> memref<128xi32, #tpu.memory_space<vmem>>
      %dma_wait3A_104 = arith.constant 0 : i32
      %dma_wait3A_105 = arith.constant 0 : i32
      %dma_wait3A_106 = tpu.memref_slice %arg2[%dma_wait3A_104, %dma_wait3A_105] : memref<10000x128xf32, #tpu.memory_space<hbm>> -> memref<10000x128xf32, #tpu.memory_space<hbm>>
      tpu.wait_indirect_dma semaphore(%arg12 : memref<!tpu.dma_semaphore, #tpu.memory_space<semaphore_mem>>) src(%dma_wait3A_106 : memref<10000x128xf32, #tpu.memory_space<hbm>>) dst(%arg10 : memref<128x128xf32, #tpu.memory_space<vmem>>)
      %dma_start3A_107 = arith.constant 2 : i32
      %dma_start3A_108 = arith.constant 0 : i32
      %dma_start3A_109 = tpu.memref_slice %arg9[%dma_start3A_107, %dma_start3A_108] : memref<8x128xi32, #tpu.memory_space<vmem>> -> memref<1x128xi32, #tpu.memory_space<vmem>>
      %dma_start3A_110 = tpu.memref_squeeze %dma_start3A_109 : memref<1x128xi32, #tpu.memory_space<vmem>> -> memref<128xi32, #tpu.memory_space<vmem>>
      %dma_start3A_111 = arith.constant 0 : i32
      %dma_start3A_112 = arith.constant 0 : i32
      %dma_start3A_113 = tpu.memref_slice %arg7[%dma_start3A_111, %dma_start3A_112] : memref<10240x128xf32, #tpu.memory_space<vmem_shared>> -> memref<10240x128xf32, #tpu.memory_space<vmem_shared>>
      tpu.enqueue_indirect_dma source(%arg10 : memref<128x128xf32, #tpu.memory_space<vmem>>) target(%dma_start3A_113 : memref<10240x128xf32, #tpu.memory_space<vmem_shared>>) offsets(%dma_start3A_110 : memref<128xi32, #tpu.memory_space<vmem>>) semaphore(%arg13 : memref<!tpu.dma_semaphore, #tpu.memory_space<semaphore_mem>>) {add = true}
      %dma_wait3A_114 = arith.constant 2 : i32
      %dma_wait3A_115 = arith.constant 0 : i32
      %dma_wait3A_116 = tpu.memref_slice %arg9[%dma_wait3A_114, %dma_wait3A_115] : memref<8x128xi32, #tpu.memory_space<vmem>> -> memref<1x128xi32, #tpu.memory_space<vmem>>
      %dma_wait3A_117 = tpu.memref_squeeze %dma_wait3A_116 : memref<1x128xi32, #tpu.memory_space<vmem>> -> memref<128xi32, #tpu.memory_space<vmem>>
      %dma_wait3A_118 = arith.constant 0 : i32
      %dma_wait3A_119 = arith.constant 0 : i32
      %dma_wait3A_120 = tpu.memref_slice %arg7[%dma_wait3A_118, %dma_wait3A_119] : memref<10240x128xf32, #tpu.memory_space<vmem_shared>> -> memref<10240x128xf32, #tpu.memory_space<vmem_shared>>
      tpu.wait_indirect_dma semaphore(%arg13 : memref<!tpu.dma_semaphore, #tpu.memory_space<semaphore_mem>>) src(%arg10 : memref<128x128xf32, #tpu.memory_space<vmem>>) dst(%dma_wait3A_120 : memref<10240x128xf32, #tpu.memory_space<vmem_shared>>)
      %dma_start3A_121 = arith.constant 4 : i32
      %dma_start3A_122 = arith.constant 0 : i32
      %dma_start3A_123 = tpu.memref_slice %arg8[%dma_start3A_121, %dma_start3A_122] : memref<8x128xi32, #tpu.memory_space<vmem>> -> memref<1x128xi32, #tpu.memory_space<vmem>>
      %dma_start3A_124 = tpu.memref_squeeze %dma_start3A_123 : memref<1x128xi32, #tpu.memory_space<vmem>> -> memref<128xi32, #tpu.memory_space<vmem>>
      %dma_start3A_125 = arith.constant 0 : i32
      %dma_start3A_126 = arith.constant 0 : i32
      %dma_start3A_127 = tpu.memref_slice %arg2[%dma_start3A_125, %dma_start3A_126] : memref<10000x128xf32, #tpu.memory_space<hbm>> -> memref<10000x128xf32, #tpu.memory_space<hbm>>
      tpu.enqueue_indirect_dma source(%dma_start3A_127 : memref<10000x128xf32, #tpu.memory_space<hbm>>) target(%arg10 : memref<128x128xf32, #tpu.memory_space<vmem>>) offsets(%dma_start3A_124 : memref<128xi32, #tpu.memory_space<vmem>>) semaphore(%arg12 : memref<!tpu.dma_semaphore, #tpu.memory_space<semaphore_mem>>)
      %dma_wait3A_128 = arith.constant 3 : i32
      %dma_wait3A_129 = arith.constant 0 : i32
      %dma_wait3A_130 = tpu.memref_slice %arg8[%dma_wait3A_128, %dma_wait3A_129] : memref<8x128xi32, #tpu.memory_space<vmem>> -> memref<1x128xi32, #tpu.memory_space<vmem>>
      %dma_wait3A_131 = tpu.memref_squeeze %dma_wait3A_130 : memref<1x128xi32, #tpu.memory_space<vmem>> -> memref<128xi32, #tpu.memory_space<vmem>>
      %dma_wait3A_132 = arith.constant 0 : i32
      %dma_wait3A_133 = arith.constant 0 : i32
      %dma_wait3A_134 = tpu.memref_slice %arg2[%dma_wait3A_132, %dma_wait3A_133] : memref<10000x128xf32, #tpu.memory_space<hbm>> -> memref<10000x128xf32, #tpu.memory_space<hbm>>
      tpu.wait_indirect_dma semaphore(%arg12 : memref<!tpu.dma_semaphore, #tpu.memory_space<semaphore_mem>>) src(%dma_wait3A_134 : memref<10000x128xf32, #tpu.memory_space<hbm>>) dst(%arg11 : memref<128x128xf32, #tpu.memory_space<vmem>>)
      %dma_start3A_135 = arith.constant 3 : i32
      %dma_start3A_136 = arith.constant 0 : i32
      %dma_start3A_137 = tpu.memref_slice %arg9[%dma_start3A_135, %dma_start3A_136] : memref<8x128xi32, #tpu.memory_space<vmem>> -> memref<1x128xi32, #tpu.memory_space<vmem>>
      %dma_start3A_138 = tpu.memref_squeeze %dma_start3A_137 : memref<1x128xi32, #tpu.memory_space<vmem>> -> memref<128xi32, #tpu.memory_space<vmem>>
      %dma_start3A_139 = arith.constant 0 : i32
      %dma_start3A_140 = arith.constant 0 : i32
      %dma_start3A_141 = tpu.memref_slice %arg7[%dma_start3A_139, %dma_start3A_140] : memref<10240x128xf32, #tpu.memory_space<vmem_shared>> -> memref<10240x128xf32, #tpu.memory_space<vmem_shared>>
      tpu.enqueue_indirect_dma source(%arg11 : memref<128x128xf32, #tpu.memory_space<vmem>>) target(%dma_start3A_141 : memref<10240x128xf32, #tpu.memory_space<vmem_shared>>) offsets(%dma_start3A_138 : memref<128xi32, #tpu.memory_space<vmem>>) semaphore(%arg13 : memref<!tpu.dma_semaphore, #tpu.memory_space<semaphore_mem>>) {add = true}
      %dma_wait3A_142 = arith.constant 3 : i32
      %dma_wait3A_143 = arith.constant 0 : i32
      %dma_wait3A_144 = tpu.memref_slice %arg9[%dma_wait3A_142, %dma_wait3A_143] : memref<8x128xi32, #tpu.memory_space<vmem>> -> memref<1x128xi32, #tpu.memory_space<vmem>>
      %dma_wait3A_145 = tpu.memref_squeeze %dma_wait3A_144 : memref<1x128xi32, #tpu.memory_space<vmem>> -> memref<128xi32, #tpu.memory_space<vmem>>
      %dma_wait3A_146 = arith.constant 0 : i32
      %dma_wait3A_147 = arith.constant 0 : i32
      %dma_wait3A_148 = tpu.memref_slice %arg7[%dma_wait3A_146, %dma_wait3A_147] : memref<10240x128xf32, #tpu.memory_space<vmem_shared>> -> memref<10240x128xf32, #tpu.memory_space<vmem_shared>>
      tpu.wait_indirect_dma semaphore(%arg13 : memref<!tpu.dma_semaphore, #tpu.memory_space<semaphore_mem>>) src(%arg11 : memref<128x128xf32, #tpu.memory_space<vmem>>) dst(%dma_wait3A_148 : memref<10240x128xf32, #tpu.memory_space<vmem_shared>>)
      %dma_start3A_149 = arith.constant 5 : i32
      %dma_start3A_150 = arith.constant 0 : i32
      %dma_start3A_151 = tpu.memref_slice %arg8[%dma_start3A_149, %dma_start3A_150] : memref<8x128xi32, #tpu.memory_space<vmem>> -> memref<1x128xi32, #tpu.memory_space<vmem>>
      %dma_start3A_152 = tpu.memref_squeeze %dma_start3A_151 : memref<1x128xi32, #tpu.memory_space<vmem>> -> memref<128xi32, #tpu.memory_space<vmem>>
      %dma_start3A_153 = arith.constant 0 : i32
      %dma_start3A_154 = arith.constant 0 : i32
      %dma_start3A_155 = tpu.memref_slice %arg2[%dma_start3A_153, %dma_start3A_154] : memref<10000x128xf32, #tpu.memory_space<hbm>> -> memref<10000x128xf32, #tpu.memory_space<hbm>>
      tpu.enqueue_indirect_dma source(%dma_start3A_155 : memref<10000x128xf32, #tpu.memory_space<hbm>>) target(%arg11 : memref<128x128xf32, #tpu.memory_space<vmem>>) offsets(%dma_start3A_152 : memref<128xi32, #tpu.memory_space<vmem>>) semaphore(%arg12 : memref<!tpu.dma_semaphore, #tpu.memory_space<semaphore_mem>>)
      %dma_wait3A_156 = arith.constant 4 : i32
      %dma_wait3A_157 = arith.constant 0 : i32
      %dma_wait3A_158 = tpu.memref_slice %arg8[%dma_wait3A_156, %dma_wait3A_157] : memref<8x128xi32, #tpu.memory_space<vmem>> -> memref<1x128xi32, #tpu.memory_space<vmem>>
      %dma_wait3A_159 = tpu.memref_squeeze %dma_wait3A_158 : memref<1x128xi32, #tpu.memory_space<vmem>> -> memref<128xi32, #tpu.memory_space<vmem>>
      %dma_wait3A_160 = arith.constant 0 : i32
      %dma_wait3A_161 = arith.constant 0 : i32
      %dma_wait3A_162 = tpu.memref_slice %arg2[%dma_wait3A_160, %dma_wait3A_161] : memref<10000x128xf32, #tpu.memory_space<hbm>> -> memref<10000x128xf32, #tpu.memory_space<hbm>>
      tpu.wait_indirect_dma semaphore(%arg12 : memref<!tpu.dma_semaphore, #tpu.memory_space<semaphore_mem>>) src(%dma_wait3A_162 : memref<10000x128xf32, #tpu.memory_space<hbm>>) dst(%arg10 : memref<128x128xf32, #tpu.memory_space<vmem>>)
      %dma_start3A_163 = arith.constant 4 : i32
      %dma_start3A_164 = arith.constant 0 : i32
      %dma_start3A_165 = tpu.memref_slice %arg9[%dma_start3A_163, %dma_start3A_164] : memref<8x128xi32, #tpu.memory_space<vmem>> -> memref<1x128xi32, #tpu.memory_space<vmem>>
      %dma_start3A_166 = tpu.memref_squeeze %dma_start3A_165 : memref<1x128xi32, #tpu.memory_space<vmem>> -> memref<128xi32, #tpu.memory_space<vmem>>
      %dma_start3A_167 = arith.constant 0 : i32
      %dma_start3A_168 = arith.constant 0 : i32
      %dma_start3A_169 = tpu.memref_slice %arg7[%dma_start3A_167, %dma_start3A_168] : memref<10240x128xf32, #tpu.memory_space<vmem_shared>> -> memref<10240x128xf32, #tpu.memory_space<vmem_shared>>
      tpu.enqueue_indirect_dma source(%arg10 : memref<128x128xf32, #tpu.memory_space<vmem>>) target(%dma_start3A_169 : memref<10240x128xf32, #tpu.memory_space<vmem_shared>>) offsets(%dma_start3A_166 : memref<128xi32, #tpu.memory_space<vmem>>) semaphore(%arg13 : memref<!tpu.dma_semaphore, #tpu.memory_space<semaphore_mem>>) {add = true}
      %dma_wait3A_170 = arith.constant 4 : i32
      %dma_wait3A_171 = arith.constant 0 : i32
      %dma_wait3A_172 = tpu.memref_slice %arg9[%dma_wait3A_170, %dma_wait3A_171] : memref<8x128xi32, #tpu.memory_space<vmem>> -> memref<1x128xi32, #tpu.memory_space<vmem>>
      %dma_wait3A_173 = tpu.memref_squeeze %dma_wait3A_172 : memref<1x128xi32, #tpu.memory_space<vmem>> -> memref<128xi32, #tpu.memory_space<vmem>>
      %dma_wait3A_174 = arith.constant 0 : i32
      %dma_wait3A_175 = arith.constant 0 : i32
      %dma_wait3A_176 = tpu.memref_slice %arg7[%dma_wait3A_174, %dma_wait3A_175] : memref<10240x128xf32, #tpu.memory_space<vmem_shared>> -> memref<10240x128xf32, #tpu.memory_space<vmem_shared>>
      tpu.wait_indirect_dma semaphore(%arg13 : memref<!tpu.dma_semaphore, #tpu.memory_space<semaphore_mem>>) src(%arg10 : memref<128x128xf32, #tpu.memory_space<vmem>>) dst(%dma_wait3A_176 : memref<10240x128xf32, #tpu.memory_space<vmem_shared>>)
      %dma_start3A_177 = arith.constant 6 : i32
      %dma_start3A_178 = arith.constant 0 : i32
      %dma_start3A_179 = tpu.memref_slice %arg8[%dma_start3A_177, %dma_start3A_178] : memref<8x128xi32, #tpu.memory_space<vmem>> -> memref<1x128xi32, #tpu.memory_space<vmem>>
      %dma_start3A_180 = tpu.memref_squeeze %dma_start3A_179 : memref<1x128xi32, #tpu.memory_space<vmem>> -> memref<128xi32, #tpu.memory_space<vmem>>
      %dma_start3A_181 = arith.constant 0 : i32
      %dma_start3A_182 = arith.constant 0 : i32
      %dma_start3A_183 = tpu.memref_slice %arg2[%dma_start3A_181, %dma_start3A_182] : memref<10000x128xf32, #tpu.memory_space<hbm>> -> memref<10000x128xf32, #tpu.memory_space<hbm>>
      tpu.enqueue_indirect_dma source(%dma_start3A_183 : memref<10000x128xf32, #tpu.memory_space<hbm>>) target(%arg10 : memref<128x128xf32, #tpu.memory_space<vmem>>) offsets(%dma_start3A_180 : memref<128xi32, #tpu.memory_space<vmem>>) semaphore(%arg12 : memref<!tpu.dma_semaphore, #tpu.memory_space<semaphore_mem>>)
      %dma_wait3A_184 = arith.constant 5 : i32
      %dma_wait3A_185 = arith.constant 0 : i32
      %dma_wait3A_186 = tpu.memref_slice %arg8[%dma_wait3A_184, %dma_wait3A_185] : memref<8x128xi32, #tpu.memory_space<vmem>> -> memref<1x128xi32, #tpu.memory_space<vmem>>
      %dma_wait3A_187 = tpu.memref_squeeze %dma_wait3A_186 : memref<1x128xi32, #tpu.memory_space<vmem>> -> memref<128xi32, #tpu.memory_space<vmem>>
      %dma_wait3A_188 = arith.constant 0 : i32
      %dma_wait3A_189 = arith.constant 0 : i32
      %dma_wait3A_190 = tpu.memref_slice %arg2[%dma_wait3A_188, %dma_wait3A_189] : memref<10000x128xf32, #tpu.memory_space<hbm>> -> memref<10000x128xf32, #tpu.memory_space<hbm>>
      tpu.wait_indirect_dma semaphore(%arg12 : memref<!tpu.dma_semaphore, #tpu.memory_space<semaphore_mem>>) src(%dma_wait3A_190 : memref<10000x128xf32, #tpu.memory_space<hbm>>) dst(%arg11 : memref<128x128xf32, #tpu.memory_space<vmem>>)
      %dma_start3A_191 = arith.constant 5 : i32
      %dma_start3A_192 = arith.constant 0 : i32
      %dma_start3A_193 = tpu.memref_slice %arg9[%dma_start3A_191, %dma_start3A_192] : memref<8x128xi32, #tpu.memory_space<vmem>> -> memref<1x128xi32, #tpu.memory_space<vmem>>
      %dma_start3A_194 = tpu.memref_squeeze %dma_start3A_193 : memref<1x128xi32, #tpu.memory_space<vmem>> -> memref<128xi32, #tpu.memory_space<vmem>>
      %dma_start3A_195 = arith.constant 0 : i32
      %dma_start3A_196 = arith.constant 0 : i32
      %dma_start3A_197 = tpu.memref_slice %arg7[%dma_start3A_195, %dma_start3A_196] : memref<10240x128xf32, #tpu.memory_space<vmem_shared>> -> memref<10240x128xf32, #tpu.memory_space<vmem_shared>>
      tpu.enqueue_indirect_dma source(%arg11 : memref<128x128xf32, #tpu.memory_space<vmem>>) target(%dma_start3A_197 : memref<10240x128xf32, #tpu.memory_space<vmem_shared>>) offsets(%dma_start3A_194 : memref<128xi32, #tpu.memory_space<vmem>>) semaphore(%arg13 : memref<!tpu.dma_semaphore, #tpu.memory_space<semaphore_mem>>) {add = true}
      %dma_wait3A_198 = arith.constant 5 : i32
      %dma_wait3A_199 = arith.constant 0 : i32
      %dma_wait3A_200 = tpu.memref_slice %arg9[%dma_wait3A_198, %dma_wait3A_199] : memref<8x128xi32, #tpu.memory_space<vmem>> -> memref<1x128xi32, #tpu.memory_space<vmem>>
      %dma_wait3A_201 = tpu.memref_squeeze %dma_wait3A_200 : memref<1x128xi32, #tpu.memory_space<vmem>> -> memref<128xi32, #tpu.memory_space<vmem>>
      %dma_wait3A_202 = arith.constant 0 : i32
      %dma_wait3A_203 = arith.constant 0 : i32
      %dma_wait3A_204 = tpu.memref_slice %arg7[%dma_wait3A_202, %dma_wait3A_203] : memref<10240x128xf32, #tpu.memory_space<vmem_shared>> -> memref<10240x128xf32, #tpu.memory_space<vmem_shared>>
      tpu.wait_indirect_dma semaphore(%arg13 : memref<!tpu.dma_semaphore, #tpu.memory_space<semaphore_mem>>) src(%arg11 : memref<128x128xf32, #tpu.memory_space<vmem>>) dst(%dma_wait3A_204 : memref<10240x128xf32, #tpu.memory_space<vmem_shared>>)
      %dma_start3A_205 = arith.constant 7 : i32
      %dma_start3A_206 = arith.constant 0 : i32
      %dma_start3A_207 = tpu.memref_slice %arg8[%dma_start3A_205, %dma_start3A_206] : memref<8x128xi32, #tpu.memory_space<vmem>> -> memref<1x128xi32, #tpu.memory_space<vmem>>
      %dma_start3A_208 = tpu.memref_squeeze %dma_start3A_207 : memref<1x128xi32, #tpu.memory_space<vmem>> -> memref<128xi32, #tpu.memory_space<vmem>>
      %dma_start3A_209 = arith.constant 0 : i32
      %dma_start3A_210 = arith.constant 0 : i32
      %dma_start3A_211 = tpu.memref_slice %arg2[%dma_start3A_209, %dma_start3A_210] : memref<10000x128xf32, #tpu.memory_space<hbm>> -> memref<10000x128xf32, #tpu.memory_space<hbm>>
      tpu.enqueue_indirect_dma source(%dma_start3A_211 : memref<10000x128xf32, #tpu.memory_space<hbm>>) target(%arg11 : memref<128x128xf32, #tpu.memory_space<vmem>>) offsets(%dma_start3A_208 : memref<128xi32, #tpu.memory_space<vmem>>) semaphore(%arg12 : memref<!tpu.dma_semaphore, #tpu.memory_space<semaphore_mem>>)
      %dma_wait3A_212 = arith.constant 6 : i32
      %dma_wait3A_213 = arith.constant 0 : i32
      %dma_wait3A_214 = tpu.memref_slice %arg8[%dma_wait3A_212, %dma_wait3A_213] : memref<8x128xi32, #tpu.memory_space<vmem>> -> memref<1x128xi32, #tpu.memory_space<vmem>>
      %dma_wait3A_215 = tpu.memref_squeeze %dma_wait3A_214 : memref<1x128xi32, #tpu.memory_space<vmem>> -> memref<128xi32, #tpu.memory_space<vmem>>
      %dma_wait3A_216 = arith.constant 0 : i32
      %dma_wait3A_217 = arith.constant 0 : i32
      %dma_wait3A_218 = tpu.memref_slice %arg2[%dma_wait3A_216, %dma_wait3A_217] : memref<10000x128xf32, #tpu.memory_space<hbm>> -> memref<10000x128xf32, #tpu.memory_space<hbm>>
      tpu.wait_indirect_dma semaphore(%arg12 : memref<!tpu.dma_semaphore, #tpu.memory_space<semaphore_mem>>) src(%dma_wait3A_218 : memref<10000x128xf32, #tpu.memory_space<hbm>>) dst(%arg10 : memref<128x128xf32, #tpu.memory_space<vmem>>)
      %dma_start3A_219 = arith.constant 6 : i32
      %dma_start3A_220 = arith.constant 0 : i32
      %dma_start3A_221 = tpu.memref_slice %arg9[%dma_start3A_219, %dma_start3A_220] : memref<8x128xi32, #tpu.memory_space<vmem>> -> memref<1x128xi32, #tpu.memory_space<vmem>>
      %dma_start3A_222 = tpu.memref_squeeze %dma_start3A_221 : memref<1x128xi32, #tpu.memory_space<vmem>> -> memref<128xi32, #tpu.memory_space<vmem>>
      %dma_start3A_223 = arith.constant 0 : i32
      %dma_start3A_224 = arith.constant 0 : i32
      %dma_start3A_225 = tpu.memref_slice %arg7[%dma_start3A_223, %dma_start3A_224] : memref<10240x128xf32, #tpu.memory_space<vmem_shared>> -> memref<10240x128xf32, #tpu.memory_space<vmem_shared>>
      tpu.enqueue_indirect_dma source(%arg10 : memref<128x128xf32, #tpu.memory_space<vmem>>) target(%dma_start3A_225 : memref<10240x128xf32, #tpu.memory_space<vmem_shared>>) offsets(%dma_start3A_222 : memref<128xi32, #tpu.memory_space<vmem>>) semaphore(%arg13 : memref<!tpu.dma_semaphore, #tpu.memory_space<semaphore_mem>>) {add = true}
      %dma_wait3A_226 = arith.constant 7 : i32
      %dma_wait3A_227 = arith.constant 0 : i32
      %dma_wait3A_228 = tpu.memref_slice %arg8[%dma_wait3A_226, %dma_wait3A_227] : memref<8x128xi32, #tpu.memory_space<vmem>> -> memref<1x128xi32, #tpu.memory_space<vmem>>
      %dma_wait3A_229 = tpu.memref_squeeze %dma_wait3A_228 : memref<1x128xi32, #tpu.memory_space<vmem>> -> memref<128xi32, #tpu.memory_space<vmem>>
      %dma_wait3A_230 = arith.constant 0 : i32
      %dma_wait3A_231 = arith.constant 0 : i32
      %dma_wait3A_232 = tpu.memref_slice %arg2[%dma_wait3A_230, %dma_wait3A_231] : memref<10000x128xf32, #tpu.memory_space<hbm>> -> memref<10000x128xf32, #tpu.memory_space<hbm>>
      tpu.wait_indirect_dma semaphore(%arg12 : memref<!tpu.dma_semaphore, #tpu.memory_space<semaphore_mem>>) src(%dma_wait3A_232 : memref<10000x128xf32, #tpu.memory_space<hbm>>) dst(%arg11 : memref<128x128xf32, #tpu.memory_space<vmem>>)
      %dma_start3A_233 = arith.constant 7 : i32
      %dma_start3A_234 = arith.constant 0 : i32
      %dma_start3A_235 = tpu.memref_slice %arg9[%dma_start3A_233, %dma_start3A_234] : memref<8x128xi32, #tpu.memory_space<vmem>> -> memref<1x128xi32, #tpu.memory_space<vmem>>
      %dma_start3A_236 = tpu.memref_squeeze %dma_start3A_235 : memref<1x128xi32, #tpu.memory_space<vmem>> -> memref<128xi32, #tpu.memory_space<vmem>>
      %dma_start3A_237 = arith.constant 0 : i32
      %dma_start3A_238 = arith.constant 0 : i32
      %dma_start3A_239 = tpu.memref_slice %arg7[%dma_start3A_237, %dma_start3A_238] : memref<10240x128xf32, #tpu.memory_space<vmem_shared>> -> memref<10240x128xf32, #tpu.memory_space<vmem_shared>>
      tpu.enqueue_indirect_dma source(%arg11 : memref<128x128xf32, #tpu.memory_space<vmem>>) target(%dma_start3A_239 : memref<10240x128xf32, #tpu.memory_space<vmem_shared>>) offsets(%dma_start3A_236 : memref<128xi32, #tpu.memory_space<vmem>>) semaphore(%arg13 : memref<!tpu.dma_semaphore, #tpu.memory_space<semaphore_mem>>) {add = true}
      %dma_wait3A_240 = arith.constant 6 : i32
      %dma_wait3A_241 = arith.constant 0 : i32
      %dma_wait3A_242 = tpu.memref_slice %arg9[%dma_wait3A_240, %dma_wait3A_241] : memref<8x128xi32, #tpu.memory_space<vmem>> -> memref<1x128xi32, #tpu.memory_space<vmem>>
      %dma_wait3A_243 = tpu.memref_squeeze %dma_wait3A_242 : memref<1x128xi32, #tpu.memory_space<vmem>> -> memref<128xi32, #tpu.memory_space<vmem>>
      %dma_wait3A_244 = arith.constant 0 : i32
      %dma_wait3A_245 = arith.constant 0 : i32
      %dma_wait3A_246 = tpu.memref_slice %arg7[%dma_wait3A_244, %dma_wait3A_245] : memref<10240x128xf32, #tpu.memory_space<vmem_shared>> -> memref<10240x128xf32, #tpu.memory_space<vmem_shared>>
      tpu.wait_indirect_dma semaphore(%arg13 : memref<!tpu.dma_semaphore, #tpu.memory_space<semaphore_mem>>) src(%arg10 : memref<128x128xf32, #tpu.memory_space<vmem>>) dst(%dma_wait3A_246 : memref<10240x128xf32, #tpu.memory_space<vmem_shared>>)
      %dma_wait3A_247 = arith.constant 7 : i32
      %dma_wait3A_248 = arith.constant 0 : i32
      %dma_wait3A_249 = tpu.memref_slice %arg9[%dma_wait3A_247, %dma_wait3A_248] : memref<8x128xi32, #tpu.memory_space<vmem>> -> memref<1x128xi32, #tpu.memory_space<vmem>>
      %dma_wait3A_250 = tpu.memref_squeeze %dma_wait3A_249 : memref<1x128xi32, #tpu.memory_space<vmem>> -> memref<128xi32, #tpu.memory_space<vmem>>
      %dma_wait3A_251 = arith.constant 0 : i32
      %dma_wait3A_252 = arith.constant 0 : i32
      %dma_wait3A_253 = tpu.memref_slice %arg7[%dma_wait3A_251, %dma_wait3A_252] : memref<10240x128xf32, #tpu.memory_space<vmem_shared>> -> memref<10240x128xf32, #tpu.memory_space<vmem_shared>>
      tpu.wait_indirect_dma semaphore(%arg13 : memref<!tpu.dma_semaphore, #tpu.memory_space<semaphore_mem>>) src(%arg11 : memref<128x128xf32, #tpu.memory_space<vmem>>) dst(%dma_wait3A_253 : memref<10240x128xf32, #tpu.memory_space<vmem_shared>>)
    }
    %eq3A = arith.constant 31 : i32
    %eq3A_21 = arith.cmpi eq, %add3A, %eq3A : i32
    %convert_element_type3A = arith.extui %eq3A_21 : i1 to i32
    %cond3A = arith.constant 0 : i32
    %cond3A_22 = arith.cmpi ne, %convert_element_type3A, %cond3A : i32
    scf.if %cond3A_22 {
      "tpu.region"() ({
        %run_scoped3A = tpu.sem_alloc : memref<!tpu.dma_semaphore, #tpu.memory_space<semaphore_mem>>
        %dma_start3A_134 = arith.constant 0 : i32
        %dma_start3A_135 = arith.constant 0 : i32
        %dma_start3A_136 = tpu.memref_slice %arg8[%dma_start3A_134, %dma_start3A_135] : memref<8x128xi32, #tpu.memory_space<vmem>> -> memref<4x128xi32, #tpu.memory_space<vmem>>
        %dma_start3A_137 = arith.constant 2496 : i32
        %dma_start3A_138 = arith.constant 0 : i32
        %dma_start3A_139 = tpu.memref_slice %arg3[%dma_start3A_137, %dma_start3A_138] : memref<2500x128xi32, #tpu.memory_space<hbm>> -> memref<4x128xi32, #tpu.memory_space<hbm>>
        %dma_start3A_140 = arith.constant 0 : i32
        %dma_start3A_141 = arith.constant 0 : i32
        %dma_start3A_142 = tpu.memref_slice %arg8[%dma_start3A_140, %dma_start3A_141] : memref<8x128xi32, #tpu.memory_space<vmem>> -> memref<4x128xi32, #tpu.memory_space<vmem>>
        %dma_start3A_143 = arith.constant 2496 : i32
        %dma_start3A_144 = arith.constant 0 : i32
        %dma_start3A_145 = tpu.memref_slice %arg3[%dma_start3A_143, %dma_start3A_144] : memref<2500x128xi32, #tpu.memory_space<hbm>> -> memref<4x128xi32, #tpu.memory_space<hbm>>
        tpu.enqueue_dma source(%dma_start3A_145 : memref<4x128xi32, #tpu.memory_space<hbm>>) target(%dma_start3A_142 : memref<4x128xi32, #tpu.memory_space<vmem>>) target_semaphore(%run_scoped3A : memref<!tpu.dma_semaphore, #tpu.memory_space<semaphore_mem>>)
        %dma_wait3A_146 = arith.constant 0 : i32
        %dma_wait3A_147 = arith.constant 0 : i32
        %dma_wait3A_148 = tpu.memref_slice %arg8[%dma_wait3A_146, %dma_wait3A_147] : memref<8x128xi32, #tpu.memory_space<vmem>> -> memref<4x128xi32, #tpu.memory_space<vmem>>
        %dma_wait3A_149 = arith.constant 2496 : i32
        %dma_wait3A_150 = arith.constant 0 : i32
        %dma_wait3A_151 = tpu.memref_slice %arg3[%dma_wait3A_149, %dma_wait3A_150] : memref<2500x128xi32, #tpu.memory_space<hbm>> -> memref<4x128xi32, #tpu.memory_space<hbm>>
        %dma_wait3A_152 = arith.constant 0 : i32
        %dma_wait3A_153 = arith.constant 0 : i32
        %dma_wait3A_154 = tpu.memref_slice %arg8[%dma_wait3A_152, %dma_wait3A_153] : memref<8x128xi32, #tpu.memory_space<vmem>> -> memref<4x128xi32, #tpu.memory_space<vmem>>
        %dma_wait3A_155 = arith.constant 2496 : i32
        %dma_wait3A_156 = arith.constant 0 : i32
        %dma_wait3A_157 = tpu.memref_slice %arg3[%dma_wait3A_155, %dma_wait3A_156] : memref<2500x128xi32, #tpu.memory_space<hbm>> -> memref<4x128xi32, #tpu.memory_space<hbm>>
        tpu.wait_dma2 semaphore(%run_scoped3A : memref<!tpu.dma_semaphore, #tpu.memory_space<semaphore_mem>>) src(%dma_wait3A_157 : memref<4x128xi32, #tpu.memory_space<hbm>>) dst(%dma_wait3A_154 : memref<4x128xi32, #tpu.memory_space<vmem>>)
        tpu.yield
      }) : () -> ()
      "tpu.region"() ({
        %run_scoped3A = tpu.sem_alloc : memref<!tpu.dma_semaphore, #tpu.memory_space<semaphore_mem>>
        %dma_start3A_134 = arith.constant 0 : i32
        %dma_start3A_135 = arith.constant 0 : i32
        %dma_start3A_136 = tpu.memref_slice %arg9[%dma_start3A_134, %dma_start3A_135] : memref<8x128xi32, #tpu.memory_space<vmem>> -> memref<4x128xi32, #tpu.memory_space<vmem>>
        %dma_start3A_137 = arith.constant 2496 : i32
        %dma_start3A_138 = arith.constant 0 : i32
        %dma_start3A_139 = tpu.memref_slice %arg4[%dma_start3A_137, %dma_start3A_138] : memref<2500x128xi32, #tpu.memory_space<hbm>> -> memref<4x128xi32, #tpu.memory_space<hbm>>
        %dma_start3A_140 = arith.constant 0 : i32
        %dma_start3A_141 = arith.constant 0 : i32
        %dma_start3A_142 = tpu.memref_slice %arg9[%dma_start3A_140, %dma_start3A_141] : memref<8x128xi32, #tpu.memory_space<vmem>> -> memref<4x128xi32, #tpu.memory_space<vmem>>
        %dma_start3A_143 = arith.constant 2496 : i32
        %dma_start3A_144 = arith.constant 0 : i32
        %dma_start3A_145 = tpu.memref_slice %arg4[%dma_start3A_143, %dma_start3A_144] : memref<2500x128xi32, #tpu.memory_space<hbm>> -> memref<4x128xi32, #tpu.memory_space<hbm>>
        tpu.enqueue_dma source(%dma_start3A_145 : memref<4x128xi32, #tpu.memory_space<hbm>>) target(%dma_start3A_142 : memref<4x128xi32, #tpu.memory_space<vmem>>) target_semaphore(%run_scoped3A : memref<!tpu.dma_semaphore, #tpu.memory_space<semaphore_mem>>)
        %dma_wait3A_146 = arith.constant 0 : i32
        %dma_wait3A_147 = arith.constant 0 : i32
        %dma_wait3A_148 = tpu.memref_slice %arg9[%dma_wait3A_146, %dma_wait3A_147] : memref<8x128xi32, #tpu.memory_space<vmem>> -> memref<4x128xi32, #tpu.memory_space<vmem>>
        %dma_wait3A_149 = arith.constant 2496 : i32
        %dma_wait3A_150 = arith.constant 0 : i32
        %dma_wait3A_151 = tpu.memref_slice %arg4[%dma_wait3A_149, %dma_wait3A_150] : memref<2500x128xi32, #tpu.memory_space<hbm>> -> memref<4x128xi32, #tpu.memory_space<hbm>>
        %dma_wait3A_152 = arith.constant 0 : i32
        %dma_wait3A_153 = arith.constant 0 : i32
        %dma_wait3A_154 = tpu.memref_slice %arg9[%dma_wait3A_152, %dma_wait3A_153] : memref<8x128xi32, #tpu.memory_space<vmem>> -> memref<4x128xi32, #tpu.memory_space<vmem>>
        %dma_wait3A_155 = arith.constant 2496 : i32
        %dma_wait3A_156 = arith.constant 0 : i32
        %dma_wait3A_157 = tpu.memref_slice %arg4[%dma_wait3A_155, %dma_wait3A_156] : memref<2500x128xi32, #tpu.memory_space<hbm>> -> memref<4x128xi32, #tpu.memory_space<hbm>>
        tpu.wait_dma2 semaphore(%run_scoped3A : memref<!tpu.dma_semaphore, #tpu.memory_space<semaphore_mem>>) src(%dma_wait3A_157 : memref<4x128xi32, #tpu.memory_space<hbm>>) dst(%dma_wait3A_154 : memref<4x128xi32, #tpu.memory_space<vmem>>)
        tpu.yield
      }) : () -> ()
      %dma_start3A = arith.constant 0 : i32
      %dma_start3A_24 = arith.constant 0 : i32
      %dma_start3A_25 = tpu.memref_slice %arg8[%dma_start3A, %dma_start3A_24] : memref<8x128xi32, #tpu.memory_space<vmem>> -> memref<1x128xi32, #tpu.memory_space<vmem>>
      %dma_start3A_26 = tpu.memref_squeeze %dma_start3A_25 : memref<1x128xi32, #tpu.memory_space<vmem>> -> memref<128xi32, #tpu.memory_space<vmem>>
      %dma_start3A_27 = arith.constant 0 : i32
      %dma_start3A_28 = arith.constant 0 : i32
      %dma_start3A_29 = tpu.memref_slice %arg2[%dma_start3A_27, %dma_start3A_28] : memref<10000x128xf32, #tpu.memory_space<hbm>> -> memref<10000x128xf32, #tpu.memory_space<hbm>>
      tpu.enqueue_indirect_dma source(%dma_start3A_29 : memref<10000x128xf32, #tpu.memory_space<hbm>>) target(%arg10 : memref<128x128xf32, #tpu.memory_space<vmem>>) offsets(%dma_start3A_26 : memref<128xi32, #tpu.memory_space<vmem>>) semaphore(%arg12 : memref<!tpu.dma_semaphore, #tpu.memory_space<semaphore_mem>>)
      %dma_start3A_30 = arith.constant 1 : i32
      %dma_start3A_31 = arith.constant 0 : i32
      %dma_start3A_32 = tpu.memref_slice %arg8[%dma_start3A_30, %dma_start3A_31] : memref<8x128xi32, #tpu.memory_space<vmem>> -> memref<1x128xi32, #tpu.memory_space<vmem>>
      %dma_start3A_33 = tpu.memref_squeeze %dma_start3A_32 : memref<1x128xi32, #tpu.memory_space<vmem>> -> memref<128xi32, #tpu.memory_space<vmem>>
      %dma_start3A_34 = arith.constant 0 : i32
      %dma_start3A_35 = arith.constant 0 : i32
      %dma_start3A_36 = tpu.memref_slice %arg2[%dma_start3A_34, %dma_start3A_35] : memref<10000x128xf32, #tpu.memory_space<hbm>> -> memref<10000x128xf32, #tpu.memory_space<hbm>>
      tpu.enqueue_indirect_dma source(%dma_start3A_36 : memref<10000x128xf32, #tpu.memory_space<hbm>>) target(%arg11 : memref<128x128xf32, #tpu.memory_space<vmem>>) offsets(%dma_start3A_33 : memref<128xi32, #tpu.memory_space<vmem>>) semaphore(%arg12 : memref<!tpu.dma_semaphore, #tpu.memory_space<semaphore_mem>>)
      %dma_wait3A = arith.constant 0 : i32
      %dma_wait3A_37 = arith.constant 0 : i32
      %dma_wait3A_38 = tpu.memref_slice %arg8[%dma_wait3A, %dma_wait3A_37] : memref<8x128xi32, #tpu.memory_space<vmem>> -> memref<1x128xi32, #tpu.memory_space<vmem>>
      %dma_wait3A_39 = tpu.memref_squeeze %dma_wait3A_38 : memref<1x128xi32, #tpu.memory_space<vmem>> -> memref<128xi32, #tpu.memory_space<vmem>>
      %dma_wait3A_40 = arith.constant 0 : i32
      %dma_wait3A_41 = arith.constant 0 : i32
      %dma_wait3A_42 = tpu.memref_slice %arg2[%dma_wait3A_40, %dma_wait3A_41] : memref<10000x128xf32, #tpu.memory_space<hbm>> -> memref<10000x128xf32, #tpu.memory_space<hbm>>
      tpu.wait_indirect_dma semaphore(%arg12 : memref<!tpu.dma_semaphore, #tpu.memory_space<semaphore_mem>>) src(%dma_wait3A_42 : memref<10000x128xf32, #tpu.memory_space<hbm>>) dst(%arg10 : memref<128x128xf32, #tpu.memory_space<vmem>>)
      %dma_start3A_43 = arith.constant 0 : i32
      %dma_start3A_44 = arith.constant 0 : i32
      %dma_start3A_45 = tpu.memref_slice %arg9[%dma_start3A_43, %dma_start3A_44] : memref<8x128xi32, #tpu.memory_space<vmem>> -> memref<1x128xi32, #tpu.memory_space<vmem>>
      %dma_start3A_46 = tpu.memref_squeeze %dma_start3A_45 : memref<1x128xi32, #tpu.memory_space<vmem>> -> memref<128xi32, #tpu.memory_space<vmem>>
      %dma_start3A_47 = arith.constant 0 : i32
      %dma_start3A_48 = arith.constant 0 : i32
      %dma_start3A_49 = tpu.memref_slice %arg7[%dma_start3A_47, %dma_start3A_48] : memref<10240x128xf32, #tpu.memory_space<vmem_shared>> -> memref<10240x128xf32, #tpu.memory_space<vmem_shared>>
      tpu.enqueue_indirect_dma source(%arg10 : memref<128x128xf32, #tpu.memory_space<vmem>>) target(%dma_start3A_49 : memref<10240x128xf32, #tpu.memory_space<vmem_shared>>) offsets(%dma_start3A_46 : memref<128xi32, #tpu.memory_space<vmem>>) semaphore(%arg13 : memref<!tpu.dma_semaphore, #tpu.memory_space<semaphore_mem>>) {add = true}
      %dma_wait3A_50 = arith.constant 0 : i32
      %dma_wait3A_51 = arith.constant 0 : i32
      %dma_wait3A_52 = tpu.memref_slice %arg9[%dma_wait3A_50, %dma_wait3A_51] : memref<8x128xi32, #tpu.memory_space<vmem>> -> memref<1x128xi32, #tpu.memory_space<vmem>>
      %dma_wait3A_53 = tpu.memref_squeeze %dma_wait3A_52 : memref<1x128xi32, #tpu.memory_space<vmem>> -> memref<128xi32, #tpu.memory_space<vmem>>
      %dma_wait3A_54 = arith.constant 0 : i32
      %dma_wait3A_55 = arith.constant 0 : i32
      %dma_wait3A_56 = tpu.memref_slice %arg7[%dma_wait3A_54, %dma_wait3A_55] : memref<10240x128xf32, #tpu.memory_space<vmem_shared>> -> memref<10240x128xf32, #tpu.memory_space<vmem_shared>>
      tpu.wait_indirect_dma semaphore(%arg13 : memref<!tpu.dma_semaphore, #tpu.memory_space<semaphore_mem>>) src(%arg10 : memref<128x128xf32, #tpu.memory_space<vmem>>) dst(%dma_wait3A_56 : memref<10240x128xf32, #tpu.memory_space<vmem_shared>>)
      %dma_start3A_57 = arith.constant 2 : i32
      %dma_start3A_58 = arith.constant 0 : i32
      %dma_start3A_59 = tpu.memref_slice %arg8[%dma_start3A_57, %dma_start3A_58] : memref<8x128xi32, #tpu.memory_space<vmem>> -> memref<1x128xi32, #tpu.memory_space<vmem>>
      %dma_start3A_60 = tpu.memref_squeeze %dma_start3A_59 : memref<1x128xi32, #tpu.memory_space<vmem>> -> memref<128xi32, #tpu.memory_space<vmem>>
      %dma_start3A_61 = arith.constant 0 : i32
      %dma_start3A_62 = arith.constant 0 : i32
      %dma_start3A_63 = tpu.memref_slice %arg2[%dma_start3A_61, %dma_start3A_62] : memref<10000x128xf32, #tpu.memory_space<hbm>> -> memref<10000x128xf32, #tpu.memory_space<hbm>>
      tpu.enqueue_indirect_dma source(%dma_start3A_63 : memref<10000x128xf32, #tpu.memory_space<hbm>>) target(%arg10 : memref<128x128xf32, #tpu.memory_space<vmem>>) offsets(%dma_start3A_60 : memref<128xi32, #tpu.memory_space<vmem>>) semaphore(%arg12 : memref<!tpu.dma_semaphore, #tpu.memory_space<semaphore_mem>>)
      %dma_wait3A_64 = arith.constant 1 : i32
      %dma_wait3A_65 = arith.constant 0 : i32
      %dma_wait3A_66 = tpu.memref_slice %arg8[%dma_wait3A_64, %dma_wait3A_65] : memref<8x128xi32, #tpu.memory_space<vmem>> -> memref<1x128xi32, #tpu.memory_space<vmem>>
      %dma_wait3A_67 = tpu.memref_squeeze %dma_wait3A_66 : memref<1x128xi32, #tpu.memory_space<vmem>> -> memref<128xi32, #tpu.memory_space<vmem>>
      %dma_wait3A_68 = arith.constant 0 : i32
      %dma_wait3A_69 = arith.constant 0 : i32
      %dma_wait3A_70 = tpu.memref_slice %arg2[%dma_wait3A_68, %dma_wait3A_69] : memref<10000x128xf32, #tpu.memory_space<hbm>> -> memref<10000x128xf32, #tpu.memory_space<hbm>>
      tpu.wait_indirect_dma semaphore(%arg12 : memref<!tpu.dma_semaphore, #tpu.memory_space<semaphore_mem>>) src(%dma_wait3A_70 : memref<10000x128xf32, #tpu.memory_space<hbm>>) dst(%arg11 : memref<128x128xf32, #tpu.memory_space<vmem>>)
      %dma_start3A_71 = arith.constant 1 : i32
      %dma_start3A_72 = arith.constant 0 : i32
      %dma_start3A_73 = tpu.memref_slice %arg9[%dma_start3A_71, %dma_start3A_72] : memref<8x128xi32, #tpu.memory_space<vmem>> -> memref<1x128xi32, #tpu.memory_space<vmem>>
      %dma_start3A_74 = tpu.memref_squeeze %dma_start3A_73 : memref<1x128xi32, #tpu.memory_space<vmem>> -> memref<128xi32, #tpu.memory_space<vmem>>
      %dma_start3A_75 = arith.constant 0 : i32
      %dma_start3A_76 = arith.constant 0 : i32
      %dma_start3A_77 = tpu.memref_slice %arg7[%dma_start3A_75, %dma_start3A_76] : memref<10240x128xf32, #tpu.memory_space<vmem_shared>> -> memref<10240x128xf32, #tpu.memory_space<vmem_shared>>
      tpu.enqueue_indirect_dma source(%arg11 : memref<128x128xf32, #tpu.memory_space<vmem>>) target(%dma_start3A_77 : memref<10240x128xf32, #tpu.memory_space<vmem_shared>>) offsets(%dma_start3A_74 : memref<128xi32, #tpu.memory_space<vmem>>) semaphore(%arg13 : memref<!tpu.dma_semaphore, #tpu.memory_space<semaphore_mem>>) {add = true}
      %dma_wait3A_78 = arith.constant 1 : i32
      %dma_wait3A_79 = arith.constant 0 : i32
      %dma_wait3A_80 = tpu.memref_slice %arg9[%dma_wait3A_78, %dma_wait3A_79] : memref<8x128xi32, #tpu.memory_space<vmem>> -> memref<1x128xi32, #tpu.memory_space<vmem>>
      %dma_wait3A_81 = tpu.memref_squeeze %dma_wait3A_80 : memref<1x128xi32, #tpu.memory_space<vmem>> -> memref<128xi32, #tpu.memory_space<vmem>>
      %dma_wait3A_82 = arith.constant 0 : i32
      %dma_wait3A_83 = arith.constant 0 : i32
      %dma_wait3A_84 = tpu.memref_slice %arg7[%dma_wait3A_82, %dma_wait3A_83] : memref<10240x128xf32, #tpu.memory_space<vmem_shared>> -> memref<10240x128xf32, #tpu.memory_space<vmem_shared>>
      tpu.wait_indirect_dma semaphore(%arg13 : memref<!tpu.dma_semaphore, #tpu.memory_space<semaphore_mem>>) src(%arg11 : memref<128x128xf32, #tpu.memory_space<vmem>>) dst(%dma_wait3A_84 : memref<10240x128xf32, #tpu.memory_space<vmem_shared>>)
      %dma_start3A_85 = arith.constant 3 : i32
      %dma_start3A_86 = arith.constant 0 : i32
      %dma_start3A_87 = tpu.memref_slice %arg8[%dma_start3A_85, %dma_start3A_86] : memref<8x128xi32, #tpu.memory_space<vmem>> -> memref<1x128xi32, #tpu.memory_space<vmem>>
      %dma_start3A_88 = tpu.memref_squeeze %dma_start3A_87 : memref<1x128xi32, #tpu.memory_space<vmem>> -> memref<128xi32, #tpu.memory_space<vmem>>
      %dma_start3A_89 = arith.constant 0 : i32
      %dma_start3A_90 = arith.constant 0 : i32
      %dma_start3A_91 = tpu.memref_slice %arg2[%dma_start3A_89, %dma_start3A_90] : memref<10000x128xf32, #tpu.memory_space<hbm>> -> memref<10000x128xf32, #tpu.memory_space<hbm>>
      tpu.enqueue_indirect_dma source(%dma_start3A_91 : memref<10000x128xf32, #tpu.memory_space<hbm>>) target(%arg11 : memref<128x128xf32, #tpu.memory_space<vmem>>) offsets(%dma_start3A_88 : memref<128xi32, #tpu.memory_space<vmem>>) semaphore(%arg12 : memref<!tpu.dma_semaphore, #tpu.memory_space<semaphore_mem>>)
      %dma_wait3A_92 = arith.constant 2 : i32
      %dma_wait3A_93 = arith.constant 0 : i32
      %dma_wait3A_94 = tpu.memref_slice %arg8[%dma_wait3A_92, %dma_wait3A_93] : memref<8x128xi32, #tpu.memory_space<vmem>> -> memref<1x128xi32, #tpu.memory_space<vmem>>
      %dma_wait3A_95 = tpu.memref_squeeze %dma_wait3A_94 : memref<1x128xi32, #tpu.memory_space<vmem>> -> memref<128xi32, #tpu.memory_space<vmem>>
      %dma_wait3A_96 = arith.constant 0 : i32
      %dma_wait3A_97 = arith.constant 0 : i32
      %dma_wait3A_98 = tpu.memref_slice %arg2[%dma_wait3A_96, %dma_wait3A_97] : memref<10000x128xf32, #tpu.memory_space<hbm>> -> memref<10000x128xf32, #tpu.memory_space<hbm>>
      tpu.wait_indirect_dma semaphore(%arg12 : memref<!tpu.dma_semaphore, #tpu.memory_space<semaphore_mem>>) src(%dma_wait3A_98 : memref<10000x128xf32, #tpu.memory_space<hbm>>) dst(%arg10 : memref<128x128xf32, #tpu.memory_space<vmem>>)
      %dma_start3A_99 = arith.constant 2 : i32
      %dma_start3A_100 = arith.constant 0 : i32
      %dma_start3A_101 = tpu.memref_slice %arg9[%dma_start3A_99, %dma_start3A_100] : memref<8x128xi32, #tpu.memory_space<vmem>> -> memref<1x128xi32, #tpu.memory_space<vmem>>
      %dma_start3A_102 = tpu.memref_squeeze %dma_start3A_101 : memref<1x128xi32, #tpu.memory_space<vmem>> -> memref<128xi32, #tpu.memory_space<vmem>>
      %dma_start3A_103 = arith.constant 0 : i32
      %dma_start3A_104 = arith.constant 0 : i32
      %dma_start3A_105 = tpu.memref_slice %arg7[%dma_start3A_103, %dma_start3A_104] : memref<10240x128xf32, #tpu.memory_space<vmem_shared>> -> memref<10240x128xf32, #tpu.memory_space<vmem_shared>>
      tpu.enqueue_indirect_dma source(%arg10 : memref<128x128xf32, #tpu.memory_space<vmem>>) target(%dma_start3A_105 : memref<10240x128xf32, #tpu.memory_space<vmem_shared>>) offsets(%dma_start3A_102 : memref<128xi32, #tpu.memory_space<vmem>>) semaphore(%arg13 : memref<!tpu.dma_semaphore, #tpu.memory_space<semaphore_mem>>) {add = true}
      %dma_wait3A_106 = arith.constant 3 : i32
      %dma_wait3A_107 = arith.constant 0 : i32
      %dma_wait3A_108 = tpu.memref_slice %arg8[%dma_wait3A_106, %dma_wait3A_107] : memref<8x128xi32, #tpu.memory_space<vmem>> -> memref<1x128xi32, #tpu.memory_space<vmem>>
      %dma_wait3A_109 = tpu.memref_squeeze %dma_wait3A_108 : memref<1x128xi32, #tpu.memory_space<vmem>> -> memref<128xi32, #tpu.memory_space<vmem>>
      %dma_wait3A_110 = arith.constant 0 : i32
      %dma_wait3A_111 = arith.constant 0 : i32
      %dma_wait3A_112 = tpu.memref_slice %arg2[%dma_wait3A_110, %dma_wait3A_111] : memref<10000x128xf32, #tpu.memory_space<hbm>> -> memref<10000x128xf32, #tpu.memory_space<hbm>>
      tpu.wait_indirect_dma semaphore(%arg12 : memref<!tpu.dma_semaphore, #tpu.memory_space<semaphore_mem>>) src(%dma_wait3A_112 : memref<10000x128xf32, #tpu.memory_space<hbm>>) dst(%arg11 : memref<128x128xf32, #tpu.memory_space<vmem>>)
      %dma_start3A_113 = arith.constant 3 : i32
      %dma_start3A_114 = arith.constant 0 : i32
      %dma_start3A_115 = tpu.memref_slice %arg9[%dma_start3A_113, %dma_start3A_114] : memref<8x128xi32, #tpu.memory_space<vmem>> -> memref<1x128xi32, #tpu.memory_space<vmem>>
      %dma_start3A_116 = tpu.memref_squeeze %dma_start3A_115 : memref<1x128xi32, #tpu.memory_space<vmem>> -> memref<128xi32, #tpu.memory_space<vmem>>
      %dma_start3A_117 = arith.constant 0 : i32
      %dma_start3A_118 = arith.constant 0 : i32
      %dma_start3A_119 = tpu.memref_slice %arg7[%dma_start3A_117, %dma_start3A_118] : memref<10240x128xf32, #tpu.memory_space<vmem_shared>> -> memref<10240x128xf32, #tpu.memory_space<vmem_shared>>
      tpu.enqueue_indirect_dma source(%arg11 : memref<128x128xf32, #tpu.memory_space<vmem>>) target(%dma_start3A_119 : memref<10240x128xf32, #tpu.memory_space<vmem_shared>>) offsets(%dma_start3A_116 : memref<128xi32, #tpu.memory_space<vmem>>) semaphore(%arg13 : memref<!tpu.dma_semaphore, #tpu.memory_space<semaphore_mem>>) {add = true}
      %dma_wait3A_120 = arith.constant 2 : i32
      %dma_wait3A_121 = arith.constant 0 : i32
      %dma_wait3A_122 = tpu.memref_slice %arg9[%dma_wait3A_120, %dma_wait3A_121] : memref<8x128xi32, #tpu.memory_space<vmem>> -> memref<1x128xi32, #tpu.memory_space<vmem>>
      %dma_wait3A_123 = tpu.memref_squeeze %dma_wait3A_122 : memref<1x128xi32, #tpu.memory_space<vmem>> -> memref<128xi32, #tpu.memory_space<vmem>>
      %dma_wait3A_124 = arith.constant 0 : i32
      %dma_wait3A_125 = arith.constant 0 : i32
      %dma_wait3A_126 = tpu.memref_slice %arg7[%dma_wait3A_124, %dma_wait3A_125] : memref<10240x128xf32, #tpu.memory_space<vmem_shared>> -> memref<10240x128xf32, #tpu.memory_space<vmem_shared>>
      tpu.wait_indirect_dma semaphore(%arg13 : memref<!tpu.dma_semaphore, #tpu.memory_space<semaphore_mem>>) src(%arg10 : memref<128x128xf32, #tpu.memory_space<vmem>>) dst(%dma_wait3A_126 : memref<10240x128xf32, #tpu.memory_space<vmem_shared>>)
      %dma_wait3A_127 = arith.constant 3 : i32
      %dma_wait3A_128 = arith.constant 0 : i32
      %dma_wait3A_129 = tpu.memref_slice %arg9[%dma_wait3A_127, %dma_wait3A_128] : memref<8x128xi32, #tpu.memory_space<vmem>> -> memref<1x128xi32, #tpu.memory_space<vmem>>
      %dma_wait3A_130 = tpu.memref_squeeze %dma_wait3A_129 : memref<1x128xi32, #tpu.memory_space<vmem>> -> memref<128xi32, #tpu.memory_space<vmem>>
      %dma_wait3A_131 = arith.constant 0 : i32
      %dma_wait3A_132 = arith.constant 0 : i32
      %dma_wait3A_133 = tpu.memref_slice %arg7[%dma_wait3A_131, %dma_wait3A_132] : memref<10240x128xf32, #tpu.memory_space<vmem_shared>> -> memref<10240x128xf32, #tpu.memory_space<vmem_shared>>
      tpu.wait_indirect_dma semaphore(%arg13 : memref<!tpu.dma_semaphore, #tpu.memory_space<semaphore_mem>>) src(%arg11 : memref<128x128xf32, #tpu.memory_space<vmem>>) dst(%dma_wait3A_133 : memref<10240x128xf32, #tpu.memory_space<vmem_shared>>)
    } else {
    }
    %barrier3A_23 = arith.constant 0 : index
    tpu.barrier barrier_id(%barrier3A_23)
    "tpu.region"() ({
      %run_scoped3A = tpu.sem_alloc : memref<!tpu.dma_semaphore, #tpu.memory_space<semaphore_mem>>
      %dma_start3A = arith.constant 0 : i32
      %dma_start3A_24 = tpu.memref_slice %arg6[%arg0, %mul3A_2, %dma_start3A] : memref<2x10240x128xf32, #tpu.memory_space<hbm>> -> memref<1x640x128xf32, #tpu.memory_space<hbm>>
      %dma_start3A_25 = tpu.memref_squeeze %dma_start3A_24 : memref<1x640x128xf32, #tpu.memory_space<hbm>> -> memref<640x128xf32, #tpu.memory_space<hbm>>
      %dma_start3A_26 = arith.constant 0 : i32
      %dma_start3A_27 = tpu.memref_slice %arg7[%mul3A_2, %dma_start3A_26] : memref<10240x128xf32, #tpu.memory_space<vmem_shared>> -> memref<640x128xf32, #tpu.memory_space<vmem_shared>>
      tpu.enqueue_dma source(%dma_start3A_27 : memref<640x128xf32, #tpu.memory_space<vmem_shared>>) target(%dma_start3A_25 : memref<640x128xf32, #tpu.memory_space<hbm>>) target_semaphore(%run_scoped3A : memref<!tpu.dma_semaphore, #tpu.memory_space<semaphore_mem>>)
      %dma_wait3A = arith.constant 0 : i32
      %dma_wait3A_28 = tpu.memref_slice %arg6[%arg0, %mul3A_2, %dma_wait3A] : memref<2x10240x128xf32, #tpu.memory_space<hbm>> -> memref<1x640x128xf32, #tpu.memory_space<hbm>>
      %dma_wait3A_29 = tpu.memref_squeeze %dma_wait3A_28 : memref<1x640x128xf32, #tpu.memory_space<hbm>> -> memref<640x128xf32, #tpu.memory_space<hbm>>
      %dma_wait3A_30 = arith.constant 0 : i32
      %dma_wait3A_31 = tpu.memref_slice %arg7[%mul3A_2, %dma_wait3A_30] : memref<10240x128xf32, #tpu.memory_space<vmem_shared>> -> memref<640x128xf32, #tpu.memory_space<vmem_shared>>
      tpu.wait_dma2 semaphore(%run_scoped3A : memref<!tpu.dma_semaphore, #tpu.memory_space<semaphore_mem>>) src(%dma_wait3A_31 : memref<640x128xf32, #tpu.memory_space<vmem_shared>>) dst(%dma_wait3A_29 : memref<640x128xf32, #tpu.memory_space<hbm>>)
      tpu.yield
    }) : () -> ()
    return
  }
}

#map = affine_map<(d0, d1) -> (0, 0)>
#map1 = affine_map<(d0, d1) -> (0)>
module attributes {stable_mosaic.version = 14 : i64} {
  func.func @deg_kernel(%arg0: i32, %arg1: i32, %arg2: memref<2500x128xi32, #tpu.memory_space<hbm>>, %arg3: memref<10240xf32, #tpu.memory_space<hbm>>, %arg4: memref<2x10240xf32, #tpu.memory_space<hbm>>, %arg5: memref<10240xf32, #tpu.memory_space<vmem_shared>>, %arg6: memref<8x128xi32, #tpu.memory_space<vmem>>, %arg7: memref<128xf32, #tpu.memory_space<vmem>>, %arg8: memref<!tpu.dma_semaphore, #tpu.memory_space<semaphore_mem>>) attributes {dimension_semantics = [#tpu.dimension_semantics<core_parallel>, #tpu.dimension_semantics<subcore_parallel>], iteration_bounds = array<i64: 2, 16>, scalar_prefetch = 0 : i64, scratch_operands = 4 : i64, tpu.core_type = #tpu.core_type<sc_vector_subcore>, window_params = [{transform_indices = #map}, {transform_indices = #map1}, {transform_indices = #map}]} {
    %mul3A = arith.constant 16 : i32
    %mul3A_0 = arith.muli %arg0, %mul3A : i32
    %add3A = arith.addi %mul3A_0, %arg1 : i32
    %scan3A = arith.constant 0 : i32
    %scan3A_1 = arith.constant 8 : i32
    %scan3A_2 = arith.addi %scan3A, %scan3A_1 : i32
    %scan3A_3 = arith.constant 1 : i32
    scf.for %scan3A_34 = %scan3A to %scan3A_2 step %scan3A_3  : i32 {
      %mul3A_35 = arith.constant 16 : i32
      %mul3A_36 = arith.muli %scan3A_34, %mul3A_35 : i32
      %add3A_37 = arith.constant 0 : i32
      %add3A_38 = arith.addi %add3A_37, %mul3A_36 : i32
      %broadcast_in_dim3A = arith.constant 1.000000e+00 : f32
      %broadcast_in_dim3A_39 = vector.broadcast %broadcast_in_dim3A : f32 to vector<16xf32>
      %swap3A = arith.index_cast %add3A_38 : i32 to index
      %swap3A_40 = tpu.vector_load %arg7[%swap3A] {strides = array<i32>} : memref<128xf32, #tpu.memory_space<vmem>>, vector<16xf32>,
      %swap3A_41 = vector.shape_cast %swap3A_40 : vector<16xf32> to vector<16xf32>
      %swap3A_42 = vector.shape_cast %broadcast_in_dim3A_39 : vector<16xf32> to vector<16xf32>
      tpu.vector_store %arg7[%swap3A], %swap3A_42 {strides = array<i32>} : memref<128xf32, #tpu.memory_space<vmem>>, vector<16xf32>,
    }
    %scan3A_4 = arith.constant 8 : i32
    %mul3A_5 = arith.constant 640 : i32
    %mul3A_6 = arith.muli %arg1, %mul3A_5 : i32
    %mul3A_7 = arith.constant 640 : i32
    %mul3A_8 = arith.muli %arg1, %mul3A_7 : i32
    "tpu.region"() ({
      %run_scoped3A = tpu.sem_alloc : memref<!tpu.dma_semaphore, #tpu.memory_space<semaphore_mem>>
      %dma_start3A = tpu.memref_slice %arg5[%mul3A_8] : memref<10240xf32, #tpu.memory_space<vmem_shared>> -> memref<640xf32, #tpu.memory_space<vmem_shared>>
      %dma_start3A_34 = tpu.memref_slice %arg3[%mul3A_6] : memref<10240xf32, #tpu.memory_space<hbm>> -> memref<640xf32, #tpu.memory_space<hbm>>
      tpu.enqueue_dma source(%dma_start3A_34 : memref<640xf32, #tpu.memory_space<hbm>>) target(%dma_start3A : memref<640xf32, #tpu.memory_space<vmem_shared>>) target_semaphore(%run_scoped3A : memref<!tpu.dma_semaphore, #tpu.memory_space<semaphore_mem>>)
      %dma_wait3A = tpu.memref_slice %arg5[%mul3A_8] : memref<10240xf32, #tpu.memory_space<vmem_shared>> -> memref<640xf32, #tpu.memory_space<vmem_shared>>
      %dma_wait3A_35 = tpu.memref_slice %arg3[%mul3A_6] : memref<10240xf32, #tpu.memory_space<hbm>> -> memref<640xf32, #tpu.memory_space<hbm>>
      tpu.wait_dma2 semaphore(%run_scoped3A : memref<!tpu.dma_semaphore, #tpu.memory_space<semaphore_mem>>) src(%dma_wait3A_35 : memref<640xf32, #tpu.memory_space<hbm>>) dst(%dma_wait3A : memref<640xf32, #tpu.memory_space<vmem_shared>>)
      tpu.yield
    }) : () -> ()
    %barrier3A = arith.constant 0 : index
    tpu.barrier barrier_id(%barrier3A)
    %lt3A = arith.constant 24 : i32
    %lt3A_9 = arith.cmpi slt, %add3A, %lt3A : i32
    %jit3A = arith.constant 10 : i32
    %jit3A_10 = arith.constant 9 : i32
    %select_n3A = arith.select %lt3A_9, %jit3A, %jit3A_10 : i32
    %sub3A = arith.constant 0 : i32
    %sub3A_11 = arith.subi %select_n3A, %sub3A : i32
    %sub3A_12 = arith.constant 1 : i32
    %sub3A_13 = arith.constant 1 : i32
    %sub3A_14 = arith.subi %sub3A_12, %sub3A_13 : i32
    %add3A_15 = arith.addi %sub3A_11, %sub3A_14 : i32
    %div3A = arith.constant 1 : i32
    %div3A_16 = arith.divsi %add3A_15, %div3A : i32
    %while3A = arith.constant 1 : i32
    %while3A_17 = arith.constant 0 : i32
    %while3A_18 = arith.constant 0 : i32
    %while3A_19 = arith.subi %div3A_16, %while3A_18 : i32
    %while3A_20 = arith.addi %while3A_18, %while3A_19 : i32
    %while3A_21 = arith.constant 1 : i32
    %while3A_22 = arith.divsi %while3A_19, %while3A_21 : i32
    %while3A_23 = arith.muli %while3A_22, %while3A_21 : i32
    %while3A_24 = arith.addi %while3A_18, %while3A_23 : i32
    %while3A_25 = arith.constant 1 : i32
    scf.for %while3A_34 = %while3A_18 to %while3A_24 step %while3A_25  : i32 {
      %mul3A_35 = arith.muli %while3A_34, %while3A : i32
      %add3A_36 = arith.addi %while3A_17, %mul3A_35 : i32
      %mul3A_37 = arith.constant 32 : i32
      %mul3A_38 = arith.muli %add3A_36, %mul3A_37 : i32
      %add3A_39 = arith.addi %add3A, %mul3A_38 : i32
      %mul3A_40 = arith.constant 8 : i32
      %mul3A_41 = arith.muli %add3A_39, %mul3A_40 : i32
      "tpu.region"() ({
        %run_scoped3A = tpu.sem_alloc : memref<!tpu.dma_semaphore, #tpu.memory_space<semaphore_mem>>
        %dma_start3A_136 = arith.constant 0 : i32
        %dma_start3A_137 = arith.constant 0 : i32
        %dma_start3A_138 = tpu.memref_slice %arg6[%dma_start3A_136, %dma_start3A_137] : memref<8x128xi32, #tpu.memory_space<vmem>> -> memref<8x128xi32, #tpu.memory_space<vmem>>
        %dma_start3A_139 = arith.constant 0 : i32
        %dma_start3A_140 = tpu.memref_slice %arg2[%mul3A_41, %dma_start3A_139] : memref<2500x128xi32, #tpu.memory_space<hbm>> -> memref<8x128xi32, #tpu.memory_space<hbm>>
        %dma_start3A_141 = arith.constant 0 : i32
        %dma_start3A_142 = arith.constant 0 : i32
        %dma_start3A_143 = tpu.memref_slice %arg6[%dma_start3A_141, %dma_start3A_142] : memref<8x128xi32, #tpu.memory_space<vmem>> -> memref<8x128xi32, #tpu.memory_space<vmem>>
        %dma_start3A_144 = arith.constant 0 : i32
        %dma_start3A_145 = tpu.memref_slice %arg2[%mul3A_41, %dma_start3A_144] : memref<2500x128xi32, #tpu.memory_space<hbm>> -> memref<8x128xi32, #tpu.memory_space<hbm>>
        tpu.enqueue_dma source(%dma_start3A_145 : memref<8x128xi32, #tpu.memory_space<hbm>>) target(%dma_start3A_143 : memref<8x128xi32, #tpu.memory_space<vmem>>) target_semaphore(%run_scoped3A : memref<!tpu.dma_semaphore, #tpu.memory_space<semaphore_mem>>)
        %dma_wait3A_146 = arith.constant 0 : i32
        %dma_wait3A_147 = arith.constant 0 : i32
        %dma_wait3A_148 = tpu.memref_slice %arg6[%dma_wait3A_146, %dma_wait3A_147] : memref<8x128xi32, #tpu.memory_space<vmem>> -> memref<8x128xi32, #tpu.memory_space<vmem>>
        %dma_wait3A_149 = arith.constant 0 : i32
        %dma_wait3A_150 = tpu.memref_slice %arg2[%mul3A_41, %dma_wait3A_149] : memref<2500x128xi32, #tpu.memory_space<hbm>> -> memref<8x128xi32, #tpu.memory_space<hbm>>
        %dma_wait3A_151 = arith.constant 0 : i32
        %dma_wait3A_152 = arith.constant 0 : i32
        %dma_wait3A_153 = tpu.memref_slice %arg6[%dma_wait3A_151, %dma_wait3A_152] : memref<8x128xi32, #tpu.memory_space<vmem>> -> memref<8x128xi32, #tpu.memory_space<vmem>>
        %dma_wait3A_154 = arith.constant 0 : i32
        %dma_wait3A_155 = tpu.memref_slice %arg2[%mul3A_41, %dma_wait3A_154] : memref<2500x128xi32, #tpu.memory_space<hbm>> -> memref<8x128xi32, #tpu.memory_space<hbm>>
        tpu.wait_dma2 semaphore(%run_scoped3A : memref<!tpu.dma_semaphore, #tpu.memory_space<semaphore_mem>>) src(%dma_wait3A_155 : memref<8x128xi32, #tpu.memory_space<hbm>>) dst(%dma_wait3A_153 : memref<8x128xi32, #tpu.memory_space<vmem>>)
        tpu.yield
      }) : () -> ()
      %dma_start3A = arith.constant 0 : i32
      %dma_start3A_42 = arith.constant 0 : i32
      %dma_start3A_43 = tpu.memref_slice %arg6[%dma_start3A, %dma_start3A_42] : memref<8x128xi32, #tpu.memory_space<vmem>> -> memref<1x128xi32, #tpu.memory_space<vmem>>
      %dma_start3A_44 = tpu.memref_squeeze %dma_start3A_43 : memref<1x128xi32, #tpu.memory_space<vmem>> -> memref<128xi32, #tpu.memory_space<vmem>>
      %dma_start3A_45 = arith.constant 0 : i32
      %dma_start3A_46 = tpu.memref_slice %arg5[%dma_start3A_45] : memref<10240xf32, #tpu.memory_space<vmem_shared>> -> memref<10240xf32, #tpu.memory_space<vmem_shared>>
      tpu.enqueue_indirect_dma source(%arg7 : memref<128xf32, #tpu.memory_space<vmem>>) target(%dma_start3A_46 : memref<10240xf32, #tpu.memory_space<vmem_shared>>) offsets(%dma_start3A_44 : memref<128xi32, #tpu.memory_space<vmem>>) semaphore(%arg8 : memref<!tpu.dma_semaphore, #tpu.memory_space<semaphore_mem>>) {add = true}
      %dma_start3A_47 = arith.constant 1 : i32
      %dma_start3A_48 = arith.constant 0 : i32
      %dma_start3A_49 = tpu.memref_slice %arg6[%dma_start3A_47, %dma_start3A_48] : memref<8x128xi32, #tpu.memory_space<vmem>> -> memref<1x128xi32, #tpu.memory_space<vmem>>
      %dma_start3A_50 = tpu.memref_squeeze %dma_start3A_49 : memref<1x128xi32, #tpu.memory_space<vmem>> -> memref<128xi32, #tpu.memory_space<vmem>>
      %dma_start3A_51 = arith.constant 0 : i32
      %dma_start3A_52 = tpu.memref_slice %arg5[%dma_start3A_51] : memref<10240xf32, #tpu.memory_space<vmem_shared>> -> memref<10240xf32, #tpu.memory_space<vmem_shared>>
      tpu.enqueue_indirect_dma source(%arg7 : memref<128xf32, #tpu.memory_space<vmem>>) target(%dma_start3A_52 : memref<10240xf32, #tpu.memory_space<vmem_shared>>) offsets(%dma_start3A_50 : memref<128xi32, #tpu.memory_space<vmem>>) semaphore(%arg8 : memref<!tpu.dma_semaphore, #tpu.memory_space<semaphore_mem>>) {add = true}
      %dma_start3A_53 = arith.constant 2 : i32
      %dma_start3A_54 = arith.constant 0 : i32
      %dma_start3A_55 = tpu.memref_slice %arg6[%dma_start3A_53, %dma_start3A_54] : memref<8x128xi32, #tpu.memory_space<vmem>> -> memref<1x128xi32, #tpu.memory_space<vmem>>
      %dma_start3A_56 = tpu.memref_squeeze %dma_start3A_55 : memref<1x128xi32, #tpu.memory_space<vmem>> -> memref<128xi32, #tpu.memory_space<vmem>>
      %dma_start3A_57 = arith.constant 0 : i32
      %dma_start3A_58 = tpu.memref_slice %arg5[%dma_start3A_57] : memref<10240xf32, #tpu.memory_space<vmem_shared>> -> memref<10240xf32, #tpu.memory_space<vmem_shared>>
      tpu.enqueue_indirect_dma source(%arg7 : memref<128xf32, #tpu.memory_space<vmem>>) target(%dma_start3A_58 : memref<10240xf32, #tpu.memory_space<vmem_shared>>) offsets(%dma_start3A_56 : memref<128xi32, #tpu.memory_space<vmem>>) semaphore(%arg8 : memref<!tpu.dma_semaphore, #tpu.memory_space<semaphore_mem>>) {add = true}
      %dma_start3A_59 = arith.constant 3 : i32
      %dma_start3A_60 = arith.constant 0 : i32
      %dma_start3A_61 = tpu.memref_slice %arg6[%dma_start3A_59, %dma_start3A_60] : memref<8x128xi32, #tpu.memory_space<vmem>> -> memref<1x128xi32, #tpu.memory_space<vmem>>
      %dma_start3A_62 = tpu.memref_squeeze %dma_start3A_61 : memref<1x128xi32, #tpu.memory_space<vmem>> -> memref<128xi32, #tpu.memory_space<vmem>>
      %dma_start3A_63 = arith.constant 0 : i32
      %dma_start3A_64 = tpu.memref_slice %arg5[%dma_start3A_63] : memref<10240xf32, #tpu.memory_space<vmem_shared>> -> memref<10240xf32, #tpu.memory_space<vmem_shared>>
      tpu.enqueue_indirect_dma source(%arg7 : memref<128xf32, #tpu.memory_space<vmem>>) target(%dma_start3A_64 : memref<10240xf32, #tpu.memory_space<vmem_shared>>) offsets(%dma_start3A_62 : memref<128xi32, #tpu.memory_space<vmem>>) semaphore(%arg8 : memref<!tpu.dma_semaphore, #tpu.memory_space<semaphore_mem>>) {add = true}
      %dma_start3A_65 = arith.constant 4 : i32
      %dma_start3A_66 = arith.constant 0 : i32
      %dma_start3A_67 = tpu.memref_slice %arg6[%dma_start3A_65, %dma_start3A_66] : memref<8x128xi32, #tpu.memory_space<vmem>> -> memref<1x128xi32, #tpu.memory_space<vmem>>
      %dma_start3A_68 = tpu.memref_squeeze %dma_start3A_67 : memref<1x128xi32, #tpu.memory_space<vmem>> -> memref<128xi32, #tpu.memory_space<vmem>>
      %dma_start3A_69 = arith.constant 0 : i32
      %dma_start3A_70 = tpu.memref_slice %arg5[%dma_start3A_69] : memref<10240xf32, #tpu.memory_space<vmem_shared>> -> memref<10240xf32, #tpu.memory_space<vmem_shared>>
      tpu.enqueue_indirect_dma source(%arg7 : memref<128xf32, #tpu.memory_space<vmem>>) target(%dma_start3A_70 : memref<10240xf32, #tpu.memory_space<vmem_shared>>) offsets(%dma_start3A_68 : memref<128xi32, #tpu.memory_space<vmem>>) semaphore(%arg8 : memref<!tpu.dma_semaphore, #tpu.memory_space<semaphore_mem>>) {add = true}
      %dma_start3A_71 = arith.constant 5 : i32
      %dma_start3A_72 = arith.constant 0 : i32
      %dma_start3A_73 = tpu.memref_slice %arg6[%dma_start3A_71, %dma_start3A_72] : memref<8x128xi32, #tpu.memory_space<vmem>> -> memref<1x128xi32, #tpu.memory_space<vmem>>
      %dma_start3A_74 = tpu.memref_squeeze %dma_start3A_73 : memref<1x128xi32, #tpu.memory_space<vmem>> -> memref<128xi32, #tpu.memory_space<vmem>>
      %dma_start3A_75 = arith.constant 0 : i32
      %dma_start3A_76 = tpu.memref_slice %arg5[%dma_start3A_75] : memref<10240xf32, #tpu.memory_space<vmem_shared>> -> memref<10240xf32, #tpu.memory_space<vmem_shared>>
      tpu.enqueue_indirect_dma source(%arg7 : memref<128xf32, #tpu.memory_space<vmem>>) target(%dma_start3A_76 : memref<10240xf32, #tpu.memory_space<vmem_shared>>) offsets(%dma_start3A_74 : memref<128xi32, #tpu.memory_space<vmem>>) semaphore(%arg8 : memref<!tpu.dma_semaphore, #tpu.memory_space<semaphore_mem>>) {add = true}
      %dma_start3A_77 = arith.constant 6 : i32
      %dma_start3A_78 = arith.constant 0 : i32
      %dma_start3A_79 = tpu.memref_slice %arg6[%dma_start3A_77, %dma_start3A_78] : memref<8x128xi32, #tpu.memory_space<vmem>> -> memref<1x128xi32, #tpu.memory_space<vmem>>
      %dma_start3A_80 = tpu.memref_squeeze %dma_start3A_79 : memref<1x128xi32, #tpu.memory_space<vmem>> -> memref<128xi32, #tpu.memory_space<vmem>>
      %dma_start3A_81 = arith.constant 0 : i32
      %dma_start3A_82 = tpu.memref_slice %arg5[%dma_start3A_81] : memref<10240xf32, #tpu.memory_space<vmem_shared>> -> memref<10240xf32, #tpu.memory_space<vmem_shared>>
      tpu.enqueue_indirect_dma source(%arg7 : memref<128xf32, #tpu.memory_space<vmem>>) target(%dma_start3A_82 : memref<10240xf32, #tpu.memory_space<vmem_shared>>) offsets(%dma_start3A_80 : memref<128xi32, #tpu.memory_space<vmem>>) semaphore(%arg8 : memref<!tpu.dma_semaphore, #tpu.memory_space<semaphore_mem>>) {add = true}
      %dma_start3A_83 = arith.constant 7 : i32
      %dma_start3A_84 = arith.constant 0 : i32
      %dma_start3A_85 = tpu.memref_slice %arg6[%dma_start3A_83, %dma_start3A_84] : memref<8x128xi32, #tpu.memory_space<vmem>> -> memref<1x128xi32, #tpu.memory_space<vmem>>
      %dma_start3A_86 = tpu.memref_squeeze %dma_start3A_85 : memref<1x128xi32, #tpu.memory_space<vmem>> -> memref<128xi32, #tpu.memory_space<vmem>>
      %dma_start3A_87 = arith.constant 0 : i32
      %dma_start3A_88 = tpu.memref_slice %arg5[%dma_start3A_87] : memref<10240xf32, #tpu.memory_space<vmem_shared>> -> memref<10240xf32, #tpu.memory_space<vmem_shared>>
      tpu.enqueue_indirect_dma source(%arg7 : memref<128xf32, #tpu.memory_space<vmem>>) target(%dma_start3A_88 : memref<10240xf32, #tpu.memory_space<vmem_shared>>) offsets(%dma_start3A_86 : memref<128xi32, #tpu.memory_space<vmem>>) semaphore(%arg8 : memref<!tpu.dma_semaphore, #tpu.memory_space<semaphore_mem>>) {add = true}
      %dma_wait3A = arith.constant 0 : i32
      %dma_wait3A_89 = arith.constant 0 : i32
      %dma_wait3A_90 = tpu.memref_slice %arg6[%dma_wait3A, %dma_wait3A_89] : memref<8x128xi32, #tpu.memory_space<vmem>> -> memref<1x128xi32, #tpu.memory_space<vmem>>
      %dma_wait3A_91 = tpu.memref_squeeze %dma_wait3A_90 : memref<1x128xi32, #tpu.memory_space<vmem>> -> memref<128xi32, #tpu.memory_space<vmem>>
      %dma_wait3A_92 = arith.constant 0 : i32
      %dma_wait3A_93 = tpu.memref_slice %arg5[%dma_wait3A_92] : memref<10240xf32, #tpu.memory_space<vmem_shared>> -> memref<10240xf32, #tpu.memory_space<vmem_shared>>
      tpu.wait_indirect_dma semaphore(%arg8 : memref<!tpu.dma_semaphore, #tpu.memory_space<semaphore_mem>>) src(%arg7 : memref<128xf32, #tpu.memory_space<vmem>>) dst(%dma_wait3A_93 : memref<10240xf32, #tpu.memory_space<vmem_shared>>)
      %dma_wait3A_94 = arith.constant 1 : i32
      %dma_wait3A_95 = arith.constant 0 : i32
      %dma_wait3A_96 = tpu.memref_slice %arg6[%dma_wait3A_94, %dma_wait3A_95] : memref<8x128xi32, #tpu.memory_space<vmem>> -> memref<1x128xi32, #tpu.memory_space<vmem>>
      %dma_wait3A_97 = tpu.memref_squeeze %dma_wait3A_96 : memref<1x128xi32, #tpu.memory_space<vmem>> -> memref<128xi32, #tpu.memory_space<vmem>>
      %dma_wait3A_98 = arith.constant 0 : i32
      %dma_wait3A_99 = tpu.memref_slice %arg5[%dma_wait3A_98] : memref<10240xf32, #tpu.memory_space<vmem_shared>> -> memref<10240xf32, #tpu.memory_space<vmem_shared>>
      tpu.wait_indirect_dma semaphore(%arg8 : memref<!tpu.dma_semaphore, #tpu.memory_space<semaphore_mem>>) src(%arg7 : memref<128xf32, #tpu.memory_space<vmem>>) dst(%dma_wait3A_99 : memref<10240xf32, #tpu.memory_space<vmem_shared>>)
      %dma_wait3A_100 = arith.constant 2 : i32
      %dma_wait3A_101 = arith.constant 0 : i32
      %dma_wait3A_102 = tpu.memref_slice %arg6[%dma_wait3A_100, %dma_wait3A_101] : memref<8x128xi32, #tpu.memory_space<vmem>> -> memref<1x128xi32, #tpu.memory_space<vmem>>
      %dma_wait3A_103 = tpu.memref_squeeze %dma_wait3A_102 : memref<1x128xi32, #tpu.memory_space<vmem>> -> memref<128xi32, #tpu.memory_space<vmem>>
      %dma_wait3A_104 = arith.constant 0 : i32
      %dma_wait3A_105 = tpu.memref_slice %arg5[%dma_wait3A_104] : memref<10240xf32, #tpu.memory_space<vmem_shared>> -> memref<10240xf32, #tpu.memory_space<vmem_shared>>
      tpu.wait_indirect_dma semaphore(%arg8 : memref<!tpu.dma_semaphore, #tpu.memory_space<semaphore_mem>>) src(%arg7 : memref<128xf32, #tpu.memory_space<vmem>>) dst(%dma_wait3A_105 : memref<10240xf32, #tpu.memory_space<vmem_shared>>)
      %dma_wait3A_106 = arith.constant 3 : i32
      %dma_wait3A_107 = arith.constant 0 : i32
      %dma_wait3A_108 = tpu.memref_slice %arg6[%dma_wait3A_106, %dma_wait3A_107] : memref<8x128xi32, #tpu.memory_space<vmem>> -> memref<1x128xi32, #tpu.memory_space<vmem>>
      %dma_wait3A_109 = tpu.memref_squeeze %dma_wait3A_108 : memref<1x128xi32, #tpu.memory_space<vmem>> -> memref<128xi32, #tpu.memory_space<vmem>>
      %dma_wait3A_110 = arith.constant 0 : i32
      %dma_wait3A_111 = tpu.memref_slice %arg5[%dma_wait3A_110] : memref<10240xf32, #tpu.memory_space<vmem_shared>> -> memref<10240xf32, #tpu.memory_space<vmem_shared>>
      tpu.wait_indirect_dma semaphore(%arg8 : memref<!tpu.dma_semaphore, #tpu.memory_space<semaphore_mem>>) src(%arg7 : memref<128xf32, #tpu.memory_space<vmem>>) dst(%dma_wait3A_111 : memref<10240xf32, #tpu.memory_space<vmem_shared>>)
      %dma_wait3A_112 = arith.constant 4 : i32
      %dma_wait3A_113 = arith.constant 0 : i32
      %dma_wait3A_114 = tpu.memref_slice %arg6[%dma_wait3A_112, %dma_wait3A_113] : memref<8x128xi32, #tpu.memory_space<vmem>> -> memref<1x128xi32, #tpu.memory_space<vmem>>
      %dma_wait3A_115 = tpu.memref_squeeze %dma_wait3A_114 : memref<1x128xi32, #tpu.memory_space<vmem>> -> memref<128xi32, #tpu.memory_space<vmem>>
      %dma_wait3A_116 = arith.constant 0 : i32
      %dma_wait3A_117 = tpu.memref_slice %arg5[%dma_wait3A_116] : memref<10240xf32, #tpu.memory_space<vmem_shared>> -> memref<10240xf32, #tpu.memory_space<vmem_shared>>
      tpu.wait_indirect_dma semaphore(%arg8 : memref<!tpu.dma_semaphore, #tpu.memory_space<semaphore_mem>>) src(%arg7 : memref<128xf32, #tpu.memory_space<vmem>>) dst(%dma_wait3A_117 : memref<10240xf32, #tpu.memory_space<vmem_shared>>)
      %dma_wait3A_118 = arith.constant 5 : i32
      %dma_wait3A_119 = arith.constant 0 : i32
      %dma_wait3A_120 = tpu.memref_slice %arg6[%dma_wait3A_118, %dma_wait3A_119] : memref<8x128xi32, #tpu.memory_space<vmem>> -> memref<1x128xi32, #tpu.memory_space<vmem>>
      %dma_wait3A_121 = tpu.memref_squeeze %dma_wait3A_120 : memref<1x128xi32, #tpu.memory_space<vmem>> -> memref<128xi32, #tpu.memory_space<vmem>>
      %dma_wait3A_122 = arith.constant 0 : i32
      %dma_wait3A_123 = tpu.memref_slice %arg5[%dma_wait3A_122] : memref<10240xf32, #tpu.memory_space<vmem_shared>> -> memref<10240xf32, #tpu.memory_space<vmem_shared>>
      tpu.wait_indirect_dma semaphore(%arg8 : memref<!tpu.dma_semaphore, #tpu.memory_space<semaphore_mem>>) src(%arg7 : memref<128xf32, #tpu.memory_space<vmem>>) dst(%dma_wait3A_123 : memref<10240xf32, #tpu.memory_space<vmem_shared>>)
      %dma_wait3A_124 = arith.constant 6 : i32
      %dma_wait3A_125 = arith.constant 0 : i32
      %dma_wait3A_126 = tpu.memref_slice %arg6[%dma_wait3A_124, %dma_wait3A_125] : memref<8x128xi32, #tpu.memory_space<vmem>> -> memref<1x128xi32, #tpu.memory_space<vmem>>
      %dma_wait3A_127 = tpu.memref_squeeze %dma_wait3A_126 : memref<1x128xi32, #tpu.memory_space<vmem>> -> memref<128xi32, #tpu.memory_space<vmem>>
      %dma_wait3A_128 = arith.constant 0 : i32
      %dma_wait3A_129 = tpu.memref_slice %arg5[%dma_wait3A_128] : memref<10240xf32, #tpu.memory_space<vmem_shared>> -> memref<10240xf32, #tpu.memory_space<vmem_shared>>
      tpu.wait_indirect_dma semaphore(%arg8 : memref<!tpu.dma_semaphore, #tpu.memory_space<semaphore_mem>>) src(%arg7 : memref<128xf32, #tpu.memory_space<vmem>>) dst(%dma_wait3A_129 : memref<10240xf32, #tpu.memory_space<vmem_shared>>)
      %dma_wait3A_130 = arith.constant 7 : i32
      %dma_wait3A_131 = arith.constant 0 : i32
      %dma_wait3A_132 = tpu.memref_slice %arg6[%dma_wait3A_130, %dma_wait3A_131] : memref<8x128xi32, #tpu.memory_space<vmem>> -> memref<1x128xi32, #tpu.memory_space<vmem>>
      %dma_wait3A_133 = tpu.memref_squeeze %dma_wait3A_132 : memref<1x128xi32, #tpu.memory_space<vmem>> -> memref<128xi32, #tpu.memory_space<vmem>>
      %dma_wait3A_134 = arith.constant 0 : i32
      %dma_wait3A_135 = tpu.memref_slice %arg5[%dma_wait3A_134] : memref<10240xf32, #tpu.memory_space<vmem_shared>> -> memref<10240xf32, #tpu.memory_space<vmem_shared>>
      tpu.wait_indirect_dma semaphore(%arg8 : memref<!tpu.dma_semaphore, #tpu.memory_space<semaphore_mem>>) src(%arg7 : memref<128xf32, #tpu.memory_space<vmem>>) dst(%dma_wait3A_135 : memref<10240xf32, #tpu.memory_space<vmem_shared>>)
    }
    %while3A_26 = arith.constant 1 : i32
    scf.for %while3A_34 = %while3A_24 to %while3A_20 step %while3A_26  : i32 {
      %mul3A_35 = arith.muli %while3A_34, %while3A : i32
      %add3A_36 = arith.addi %while3A_17, %mul3A_35 : i32
      %mul3A_37 = arith.constant 32 : i32
      %mul3A_38 = arith.muli %add3A_36, %mul3A_37 : i32
      %add3A_39 = arith.addi %add3A, %mul3A_38 : i32
      %mul3A_40 = arith.constant 8 : i32
      %mul3A_41 = arith.muli %add3A_39, %mul3A_40 : i32
      "tpu.region"() ({
        %run_scoped3A = tpu.sem_alloc : memref<!tpu.dma_semaphore, #tpu.memory_space<semaphore_mem>>
        %dma_start3A_136 = arith.constant 0 : i32
        %dma_start3A_137 = arith.constant 0 : i32
        %dma_start3A_138 = tpu.memref_slice %arg6[%dma_start3A_136, %dma_start3A_137] : memref<8x128xi32, #tpu.memory_space<vmem>> -> memref<8x128xi32, #tpu.memory_space<vmem>>
        %dma_start3A_139 = arith.constant 0 : i32
        %dma_start3A_140 = tpu.memref_slice %arg2[%mul3A_41, %dma_start3A_139] : memref<2500x128xi32, #tpu.memory_space<hbm>> -> memref<8x128xi32, #tpu.memory_space<hbm>>
        %dma_start3A_141 = arith.constant 0 : i32
        %dma_start3A_142 = arith.constant 0 : i32
        %dma_start3A_143 = tpu.memref_slice %arg6[%dma_start3A_141, %dma_start3A_142] : memref<8x128xi32, #tpu.memory_space<vmem>> -> memref<8x128xi32, #tpu.memory_space<vmem>>
        %dma_start3A_144 = arith.constant 0 : i32
        %dma_start3A_145 = tpu.memref_slice %arg2[%mul3A_41, %dma_start3A_144] : memref<2500x128xi32, #tpu.memory_space<hbm>> -> memref<8x128xi32, #tpu.memory_space<hbm>>
        tpu.enqueue_dma source(%dma_start3A_145 : memref<8x128xi32, #tpu.memory_space<hbm>>) target(%dma_start3A_143 : memref<8x128xi32, #tpu.memory_space<vmem>>) target_semaphore(%run_scoped3A : memref<!tpu.dma_semaphore, #tpu.memory_space<semaphore_mem>>)
        %dma_wait3A_146 = arith.constant 0 : i32
        %dma_wait3A_147 = arith.constant 0 : i32
        %dma_wait3A_148 = tpu.memref_slice %arg6[%dma_wait3A_146, %dma_wait3A_147] : memref<8x128xi32, #tpu.memory_space<vmem>> -> memref<8x128xi32, #tpu.memory_space<vmem>>
        %dma_wait3A_149 = arith.constant 0 : i32
        %dma_wait3A_150 = tpu.memref_slice %arg2[%mul3A_41, %dma_wait3A_149] : memref<2500x128xi32, #tpu.memory_space<hbm>> -> memref<8x128xi32, #tpu.memory_space<hbm>>
        %dma_wait3A_151 = arith.constant 0 : i32
        %dma_wait3A_152 = arith.constant 0 : i32
        %dma_wait3A_153 = tpu.memref_slice %arg6[%dma_wait3A_151, %dma_wait3A_152] : memref<8x128xi32, #tpu.memory_space<vmem>> -> memref<8x128xi32, #tpu.memory_space<vmem>>
        %dma_wait3A_154 = arith.constant 0 : i32
        %dma_wait3A_155 = tpu.memref_slice %arg2[%mul3A_41, %dma_wait3A_154] : memref<2500x128xi32, #tpu.memory_space<hbm>> -> memref<8x128xi32, #tpu.memory_space<hbm>>
        tpu.wait_dma2 semaphore(%run_scoped3A : memref<!tpu.dma_semaphore, #tpu.memory_space<semaphore_mem>>) src(%dma_wait3A_155 : memref<8x128xi32, #tpu.memory_space<hbm>>) dst(%dma_wait3A_153 : memref<8x128xi32, #tpu.memory_space<vmem>>)
        tpu.yield
      }) : () -> ()
      %dma_start3A = arith.constant 0 : i32
      %dma_start3A_42 = arith.constant 0 : i32
      %dma_start3A_43 = tpu.memref_slice %arg6[%dma_start3A, %dma_start3A_42] : memref<8x128xi32, #tpu.memory_space<vmem>> -> memref<1x128xi32, #tpu.memory_space<vmem>>
      %dma_start3A_44 = tpu.memref_squeeze %dma_start3A_43 : memref<1x128xi32, #tpu.memory_space<vmem>> -> memref<128xi32, #tpu.memory_space<vmem>>
      %dma_start3A_45 = arith.constant 0 : i32
      %dma_start3A_46 = tpu.memref_slice %arg5[%dma_start3A_45] : memref<10240xf32, #tpu.memory_space<vmem_shared>> -> memref<10240xf32, #tpu.memory_space<vmem_shared>>
      tpu.enqueue_indirect_dma source(%arg7 : memref<128xf32, #tpu.memory_space<vmem>>) target(%dma_start3A_46 : memref<10240xf32, #tpu.memory_space<vmem_shared>>) offsets(%dma_start3A_44 : memref<128xi32, #tpu.memory_space<vmem>>) semaphore(%arg8 : memref<!tpu.dma_semaphore, #tpu.memory_space<semaphore_mem>>) {add = true}
      %dma_start3A_47 = arith.constant 1 : i32
      %dma_start3A_48 = arith.constant 0 : i32
      %dma_start3A_49 = tpu.memref_slice %arg6[%dma_start3A_47, %dma_start3A_48] : memref<8x128xi32, #tpu.memory_space<vmem>> -> memref<1x128xi32, #tpu.memory_space<vmem>>
      %dma_start3A_50 = tpu.memref_squeeze %dma_start3A_49 : memref<1x128xi32, #tpu.memory_space<vmem>> -> memref<128xi32, #tpu.memory_space<vmem>>
      %dma_start3A_51 = arith.constant 0 : i32
      %dma_start3A_52 = tpu.memref_slice %arg5[%dma_start3A_51] : memref<10240xf32, #tpu.memory_space<vmem_shared>> -> memref<10240xf32, #tpu.memory_space<vmem_shared>>
      tpu.enqueue_indirect_dma source(%arg7 : memref<128xf32, #tpu.memory_space<vmem>>) target(%dma_start3A_52 : memref<10240xf32, #tpu.memory_space<vmem_shared>>) offsets(%dma_start3A_50 : memref<128xi32, #tpu.memory_space<vmem>>) semaphore(%arg8 : memref<!tpu.dma_semaphore, #tpu.memory_space<semaphore_mem>>) {add = true}
      %dma_start3A_53 = arith.constant 2 : i32
      %dma_start3A_54 = arith.constant 0 : i32
      %dma_start3A_55 = tpu.memref_slice %arg6[%dma_start3A_53, %dma_start3A_54] : memref<8x128xi32, #tpu.memory_space<vmem>> -> memref<1x128xi32, #tpu.memory_space<vmem>>
      %dma_start3A_56 = tpu.memref_squeeze %dma_start3A_55 : memref<1x128xi32, #tpu.memory_space<vmem>> -> memref<128xi32, #tpu.memory_space<vmem>>
      %dma_start3A_57 = arith.constant 0 : i32
      %dma_start3A_58 = tpu.memref_slice %arg5[%dma_start3A_57] : memref<10240xf32, #tpu.memory_space<vmem_shared>> -> memref<10240xf32, #tpu.memory_space<vmem_shared>>
      tpu.enqueue_indirect_dma source(%arg7 : memref<128xf32, #tpu.memory_space<vmem>>) target(%dma_start3A_58 : memref<10240xf32, #tpu.memory_space<vmem_shared>>) offsets(%dma_start3A_56 : memref<128xi32, #tpu.memory_space<vmem>>) semaphore(%arg8 : memref<!tpu.dma_semaphore, #tpu.memory_space<semaphore_mem>>) {add = true}
      %dma_start3A_59 = arith.constant 3 : i32
      %dma_start3A_60 = arith.constant 0 : i32
      %dma_start3A_61 = tpu.memref_slice %arg6[%dma_start3A_59, %dma_start3A_60] : memref<8x128xi32, #tpu.memory_space<vmem>> -> memref<1x128xi32, #tpu.memory_space<vmem>>
      %dma_start3A_62 = tpu.memref_squeeze %dma_start3A_61 : memref<1x128xi32, #tpu.memory_space<vmem>> -> memref<128xi32, #tpu.memory_space<vmem>>
      %dma_start3A_63 = arith.constant 0 : i32
      %dma_start3A_64 = tpu.memref_slice %arg5[%dma_start3A_63] : memref<10240xf32, #tpu.memory_space<vmem_shared>> -> memref<10240xf32, #tpu.memory_space<vmem_shared>>
      tpu.enqueue_indirect_dma source(%arg7 : memref<128xf32, #tpu.memory_space<vmem>>) target(%dma_start3A_64 : memref<10240xf32, #tpu.memory_space<vmem_shared>>) offsets(%dma_start3A_62 : memref<128xi32, #tpu.memory_space<vmem>>) semaphore(%arg8 : memref<!tpu.dma_semaphore, #tpu.memory_space<semaphore_mem>>) {add = true}
      %dma_start3A_65 = arith.constant 4 : i32
      %dma_start3A_66 = arith.constant 0 : i32
      %dma_start3A_67 = tpu.memref_slice %arg6[%dma_start3A_65, %dma_start3A_66] : memref<8x128xi32, #tpu.memory_space<vmem>> -> memref<1x128xi32, #tpu.memory_space<vmem>>
      %dma_start3A_68 = tpu.memref_squeeze %dma_start3A_67 : memref<1x128xi32, #tpu.memory_space<vmem>> -> memref<128xi32, #tpu.memory_space<vmem>>
      %dma_start3A_69 = arith.constant 0 : i32
      %dma_start3A_70 = tpu.memref_slice %arg5[%dma_start3A_69] : memref<10240xf32, #tpu.memory_space<vmem_shared>> -> memref<10240xf32, #tpu.memory_space<vmem_shared>>
      tpu.enqueue_indirect_dma source(%arg7 : memref<128xf32, #tpu.memory_space<vmem>>) target(%dma_start3A_70 : memref<10240xf32, #tpu.memory_space<vmem_shared>>) offsets(%dma_start3A_68 : memref<128xi32, #tpu.memory_space<vmem>>) semaphore(%arg8 : memref<!tpu.dma_semaphore, #tpu.memory_space<semaphore_mem>>) {add = true}
      %dma_start3A_71 = arith.constant 5 : i32
      %dma_start3A_72 = arith.constant 0 : i32
      %dma_start3A_73 = tpu.memref_slice %arg6[%dma_start3A_71, %dma_start3A_72] : memref<8x128xi32, #tpu.memory_space<vmem>> -> memref<1x128xi32, #tpu.memory_space<vmem>>
      %dma_start3A_74 = tpu.memref_squeeze %dma_start3A_73 : memref<1x128xi32, #tpu.memory_space<vmem>> -> memref<128xi32, #tpu.memory_space<vmem>>
      %dma_start3A_75 = arith.constant 0 : i32
      %dma_start3A_76 = tpu.memref_slice %arg5[%dma_start3A_75] : memref<10240xf32, #tpu.memory_space<vmem_shared>> -> memref<10240xf32, #tpu.memory_space<vmem_shared>>
      tpu.enqueue_indirect_dma source(%arg7 : memref<128xf32, #tpu.memory_space<vmem>>) target(%dma_start3A_76 : memref<10240xf32, #tpu.memory_space<vmem_shared>>) offsets(%dma_start3A_74 : memref<128xi32, #tpu.memory_space<vmem>>) semaphore(%arg8 : memref<!tpu.dma_semaphore, #tpu.memory_space<semaphore_mem>>) {add = true}
      %dma_start3A_77 = arith.constant 6 : i32
      %dma_start3A_78 = arith.constant 0 : i32
      %dma_start3A_79 = tpu.memref_slice %arg6[%dma_start3A_77, %dma_start3A_78] : memref<8x128xi32, #tpu.memory_space<vmem>> -> memref<1x128xi32, #tpu.memory_space<vmem>>
      %dma_start3A_80 = tpu.memref_squeeze %dma_start3A_79 : memref<1x128xi32, #tpu.memory_space<vmem>> -> memref<128xi32, #tpu.memory_space<vmem>>
      %dma_start3A_81 = arith.constant 0 : i32
      %dma_start3A_82 = tpu.memref_slice %arg5[%dma_start3A_81] : memref<10240xf32, #tpu.memory_space<vmem_shared>> -> memref<10240xf32, #tpu.memory_space<vmem_shared>>
      tpu.enqueue_indirect_dma source(%arg7 : memref<128xf32, #tpu.memory_space<vmem>>) target(%dma_start3A_82 : memref<10240xf32, #tpu.memory_space<vmem_shared>>) offsets(%dma_start3A_80 : memref<128xi32, #tpu.memory_space<vmem>>) semaphore(%arg8 : memref<!tpu.dma_semaphore, #tpu.memory_space<semaphore_mem>>) {add = true}
      %dma_start3A_83 = arith.constant 7 : i32
      %dma_start3A_84 = arith.constant 0 : i32
      %dma_start3A_85 = tpu.memref_slice %arg6[%dma_start3A_83, %dma_start3A_84] : memref<8x128xi32, #tpu.memory_space<vmem>> -> memref<1x128xi32, #tpu.memory_space<vmem>>
      %dma_start3A_86 = tpu.memref_squeeze %dma_start3A_85 : memref<1x128xi32, #tpu.memory_space<vmem>> -> memref<128xi32, #tpu.memory_space<vmem>>
      %dma_start3A_87 = arith.constant 0 : i32
      %dma_start3A_88 = tpu.memref_slice %arg5[%dma_start3A_87] : memref<10240xf32, #tpu.memory_space<vmem_shared>> -> memref<10240xf32, #tpu.memory_space<vmem_shared>>
      tpu.enqueue_indirect_dma source(%arg7 : memref<128xf32, #tpu.memory_space<vmem>>) target(%dma_start3A_88 : memref<10240xf32, #tpu.memory_space<vmem_shared>>) offsets(%dma_start3A_86 : memref<128xi32, #tpu.memory_space<vmem>>) semaphore(%arg8 : memref<!tpu.dma_semaphore, #tpu.memory_space<semaphore_mem>>) {add = true}
      %dma_wait3A = arith.constant 0 : i32
      %dma_wait3A_89 = arith.constant 0 : i32
      %dma_wait3A_90 = tpu.memref_slice %arg6[%dma_wait3A, %dma_wait3A_89] : memref<8x128xi32, #tpu.memory_space<vmem>> -> memref<1x128xi32, #tpu.memory_space<vmem>>
      %dma_wait3A_91 = tpu.memref_squeeze %dma_wait3A_90 : memref<1x128xi32, #tpu.memory_space<vmem>> -> memref<128xi32, #tpu.memory_space<vmem>>
      %dma_wait3A_92 = arith.constant 0 : i32
      %dma_wait3A_93 = tpu.memref_slice %arg5[%dma_wait3A_92] : memref<10240xf32, #tpu.memory_space<vmem_shared>> -> memref<10240xf32, #tpu.memory_space<vmem_shared>>
      tpu.wait_indirect_dma semaphore(%arg8 : memref<!tpu.dma_semaphore, #tpu.memory_space<semaphore_mem>>) src(%arg7 : memref<128xf32, #tpu.memory_space<vmem>>) dst(%dma_wait3A_93 : memref<10240xf32, #tpu.memory_space<vmem_shared>>)
      %dma_wait3A_94 = arith.constant 1 : i32
      %dma_wait3A_95 = arith.constant 0 : i32
      %dma_wait3A_96 = tpu.memref_slice %arg6[%dma_wait3A_94, %dma_wait3A_95] : memref<8x128xi32, #tpu.memory_space<vmem>> -> memref<1x128xi32, #tpu.memory_space<vmem>>
      %dma_wait3A_97 = tpu.memref_squeeze %dma_wait3A_96 : memref<1x128xi32, #tpu.memory_space<vmem>> -> memref<128xi32, #tpu.memory_space<vmem>>
      %dma_wait3A_98 = arith.constant 0 : i32
      %dma_wait3A_99 = tpu.memref_slice %arg5[%dma_wait3A_98] : memref<10240xf32, #tpu.memory_space<vmem_shared>> -> memref<10240xf32, #tpu.memory_space<vmem_shared>>
      tpu.wait_indirect_dma semaphore(%arg8 : memref<!tpu.dma_semaphore, #tpu.memory_space<semaphore_mem>>) src(%arg7 : memref<128xf32, #tpu.memory_space<vmem>>) dst(%dma_wait3A_99 : memref<10240xf32, #tpu.memory_space<vmem_shared>>)
      %dma_wait3A_100 = arith.constant 2 : i32
      %dma_wait3A_101 = arith.constant 0 : i32
      %dma_wait3A_102 = tpu.memref_slice %arg6[%dma_wait3A_100, %dma_wait3A_101] : memref<8x128xi32, #tpu.memory_space<vmem>> -> memref<1x128xi32, #tpu.memory_space<vmem>>
      %dma_wait3A_103 = tpu.memref_squeeze %dma_wait3A_102 : memref<1x128xi32, #tpu.memory_space<vmem>> -> memref<128xi32, #tpu.memory_space<vmem>>
      %dma_wait3A_104 = arith.constant 0 : i32
      %dma_wait3A_105 = tpu.memref_slice %arg5[%dma_wait3A_104] : memref<10240xf32, #tpu.memory_space<vmem_shared>> -> memref<10240xf32, #tpu.memory_space<vmem_shared>>
      tpu.wait_indirect_dma semaphore(%arg8 : memref<!tpu.dma_semaphore, #tpu.memory_space<semaphore_mem>>) src(%arg7 : memref<128xf32, #tpu.memory_space<vmem>>) dst(%dma_wait3A_105 : memref<10240xf32, #tpu.memory_space<vmem_shared>>)
      %dma_wait3A_106 = arith.constant 3 : i32
      %dma_wait3A_107 = arith.constant 0 : i32
      %dma_wait3A_108 = tpu.memref_slice %arg6[%dma_wait3A_106, %dma_wait3A_107] : memref<8x128xi32, #tpu.memory_space<vmem>> -> memref<1x128xi32, #tpu.memory_space<vmem>>
      %dma_wait3A_109 = tpu.memref_squeeze %dma_wait3A_108 : memref<1x128xi32, #tpu.memory_space<vmem>> -> memref<128xi32, #tpu.memory_space<vmem>>
      %dma_wait3A_110 = arith.constant 0 : i32
      %dma_wait3A_111 = tpu.memref_slice %arg5[%dma_wait3A_110] : memref<10240xf32, #tpu.memory_space<vmem_shared>> -> memref<10240xf32, #tpu.memory_space<vmem_shared>>
      tpu.wait_indirect_dma semaphore(%arg8 : memref<!tpu.dma_semaphore, #tpu.memory_space<semaphore_mem>>) src(%arg7 : memref<128xf32, #tpu.memory_space<vmem>>) dst(%dma_wait3A_111 : memref<10240xf32, #tpu.memory_space<vmem_shared>>)
      %dma_wait3A_112 = arith.constant 4 : i32
      %dma_wait3A_113 = arith.constant 0 : i32
      %dma_wait3A_114 = tpu.memref_slice %arg6[%dma_wait3A_112, %dma_wait3A_113] : memref<8x128xi32, #tpu.memory_space<vmem>> -> memref<1x128xi32, #tpu.memory_space<vmem>>
      %dma_wait3A_115 = tpu.memref_squeeze %dma_wait3A_114 : memref<1x128xi32, #tpu.memory_space<vmem>> -> memref<128xi32, #tpu.memory_space<vmem>>
      %dma_wait3A_116 = arith.constant 0 : i32
      %dma_wait3A_117 = tpu.memref_slice %arg5[%dma_wait3A_116] : memref<10240xf32, #tpu.memory_space<vmem_shared>> -> memref<10240xf32, #tpu.memory_space<vmem_shared>>
      tpu.wait_indirect_dma semaphore(%arg8 : memref<!tpu.dma_semaphore, #tpu.memory_space<semaphore_mem>>) src(%arg7 : memref<128xf32, #tpu.memory_space<vmem>>) dst(%dma_wait3A_117 : memref<10240xf32, #tpu.memory_space<vmem_shared>>)
      %dma_wait3A_118 = arith.constant 5 : i32
      %dma_wait3A_119 = arith.constant 0 : i32
      %dma_wait3A_120 = tpu.memref_slice %arg6[%dma_wait3A_118, %dma_wait3A_119] : memref<8x128xi32, #tpu.memory_space<vmem>> -> memref<1x128xi32, #tpu.memory_space<vmem>>
      %dma_wait3A_121 = tpu.memref_squeeze %dma_wait3A_120 : memref<1x128xi32, #tpu.memory_space<vmem>> -> memref<128xi32, #tpu.memory_space<vmem>>
      %dma_wait3A_122 = arith.constant 0 : i32
      %dma_wait3A_123 = tpu.memref_slice %arg5[%dma_wait3A_122] : memref<10240xf32, #tpu.memory_space<vmem_shared>> -> memref<10240xf32, #tpu.memory_space<vmem_shared>>
      tpu.wait_indirect_dma semaphore(%arg8 : memref<!tpu.dma_semaphore, #tpu.memory_space<semaphore_mem>>) src(%arg7 : memref<128xf32, #tpu.memory_space<vmem>>) dst(%dma_wait3A_123 : memref<10240xf32, #tpu.memory_space<vmem_shared>>)
      %dma_wait3A_124 = arith.constant 6 : i32
      %dma_wait3A_125 = arith.constant 0 : i32
      %dma_wait3A_126 = tpu.memref_slice %arg6[%dma_wait3A_124, %dma_wait3A_125] : memref<8x128xi32, #tpu.memory_space<vmem>> -> memref<1x128xi32, #tpu.memory_space<vmem>>
      %dma_wait3A_127 = tpu.memref_squeeze %dma_wait3A_126 : memref<1x128xi32, #tpu.memory_space<vmem>> -> memref<128xi32, #tpu.memory_space<vmem>>
      %dma_wait3A_128 = arith.constant 0 : i32
      %dma_wait3A_129 = tpu.memref_slice %arg5[%dma_wait3A_128] : memref<10240xf32, #tpu.memory_space<vmem_shared>> -> memref<10240xf32, #tpu.memory_space<vmem_shared>>
      tpu.wait_indirect_dma semaphore(%arg8 : memref<!tpu.dma_semaphore, #tpu.memory_space<semaphore_mem>>) src(%arg7 : memref<128xf32, #tpu.memory_space<vmem>>) dst(%dma_wait3A_129 : memref<10240xf32, #tpu.memory_space<vmem_shared>>)
      %dma_wait3A_130 = arith.constant 7 : i32
      %dma_wait3A_131 = arith.constant 0 : i32
      %dma_wait3A_132 = tpu.memref_slice %arg6[%dma_wait3A_130, %dma_wait3A_131] : memref<8x128xi32, #tpu.memory_space<vmem>> -> memref<1x128xi32, #tpu.memory_space<vmem>>
      %dma_wait3A_133 = tpu.memref_squeeze %dma_wait3A_132 : memref<1x128xi32, #tpu.memory_space<vmem>> -> memref<128xi32, #tpu.memory_space<vmem>>
      %dma_wait3A_134 = arith.constant 0 : i32
      %dma_wait3A_135 = tpu.memref_slice %arg5[%dma_wait3A_134] : memref<10240xf32, #tpu.memory_space<vmem_shared>> -> memref<10240xf32, #tpu.memory_space<vmem_shared>>
      tpu.wait_indirect_dma semaphore(%arg8 : memref<!tpu.dma_semaphore, #tpu.memory_space<semaphore_mem>>) src(%arg7 : memref<128xf32, #tpu.memory_space<vmem>>) dst(%dma_wait3A_135 : memref<10240xf32, #tpu.memory_space<vmem_shared>>)
    }
    %eq3A = arith.constant 31 : i32
    %eq3A_27 = arith.cmpi eq, %add3A, %eq3A : i32
    %convert_element_type3A = arith.extui %eq3A_27 : i1 to i32
    %cond3A = arith.constant 0 : i32
    %cond3A_28 = arith.cmpi ne, %convert_element_type3A, %cond3A : i32
    scf.if %cond3A_28 {
      "tpu.region"() ({
        %run_scoped3A = tpu.sem_alloc : memref<!tpu.dma_semaphore, #tpu.memory_space<semaphore_mem>>
        %dma_start3A_80 = arith.constant 0 : i32
        %dma_start3A_81 = arith.constant 0 : i32
        %dma_start3A_82 = tpu.memref_slice %arg6[%dma_start3A_80, %dma_start3A_81] : memref<8x128xi32, #tpu.memory_space<vmem>> -> memref<4x128xi32, #tpu.memory_space<vmem>>
        %dma_start3A_83 = arith.constant 2496 : i32
        %dma_start3A_84 = arith.constant 0 : i32
        %dma_start3A_85 = tpu.memref_slice %arg2[%dma_start3A_83, %dma_start3A_84] : memref<2500x128xi32, #tpu.memory_space<hbm>> -> memref<4x128xi32, #tpu.memory_space<hbm>>
        %dma_start3A_86 = arith.constant 0 : i32
        %dma_start3A_87 = arith.constant 0 : i32
        %dma_start3A_88 = tpu.memref_slice %arg6[%dma_start3A_86, %dma_start3A_87] : memref<8x128xi32, #tpu.memory_space<vmem>> -> memref<4x128xi32, #tpu.memory_space<vmem>>
        %dma_start3A_89 = arith.constant 2496 : i32
        %dma_start3A_90 = arith.constant 0 : i32
        %dma_start3A_91 = tpu.memref_slice %arg2[%dma_start3A_89, %dma_start3A_90] : memref<2500x128xi32, #tpu.memory_space<hbm>> -> memref<4x128xi32, #tpu.memory_space<hbm>>
        tpu.enqueue_dma source(%dma_start3A_91 : memref<4x128xi32, #tpu.memory_space<hbm>>) target(%dma_start3A_88 : memref<4x128xi32, #tpu.memory_space<vmem>>) target_semaphore(%run_scoped3A : memref<!tpu.dma_semaphore, #tpu.memory_space<semaphore_mem>>)
        %dma_wait3A_92 = arith.constant 0 : i32
        %dma_wait3A_93 = arith.constant 0 : i32
        %dma_wait3A_94 = tpu.memref_slice %arg6[%dma_wait3A_92, %dma_wait3A_93] : memref<8x128xi32, #tpu.memory_space<vmem>> -> memref<4x128xi32, #tpu.memory_space<vmem>>
        %dma_wait3A_95 = arith.constant 2496 : i32
        %dma_wait3A_96 = arith.constant 0 : i32
        %dma_wait3A_97 = tpu.memref_slice %arg2[%dma_wait3A_95, %dma_wait3A_96] : memref<2500x128xi32, #tpu.memory_space<hbm>> -> memref<4x128xi32, #tpu.memory_space<hbm>>
        %dma_wait3A_98 = arith.constant 0 : i32
        %dma_wait3A_99 = arith.constant 0 : i32
        %dma_wait3A_100 = tpu.memref_slice %arg6[%dma_wait3A_98, %dma_wait3A_99] : memref<8x128xi32, #tpu.memory_space<vmem>> -> memref<4x128xi32, #tpu.memory_space<vmem>>
        %dma_wait3A_101 = arith.constant 2496 : i32
        %dma_wait3A_102 = arith.constant 0 : i32
        %dma_wait3A_103 = tpu.memref_slice %arg2[%dma_wait3A_101, %dma_wait3A_102] : memref<2500x128xi32, #tpu.memory_space<hbm>> -> memref<4x128xi32, #tpu.memory_space<hbm>>
        tpu.wait_dma2 semaphore(%run_scoped3A : memref<!tpu.dma_semaphore, #tpu.memory_space<semaphore_mem>>) src(%dma_wait3A_103 : memref<4x128xi32, #tpu.memory_space<hbm>>) dst(%dma_wait3A_100 : memref<4x128xi32, #tpu.memory_space<vmem>>)
        tpu.yield
      }) : () -> ()
      %dma_start3A = arith.constant 0 : i32
      %dma_start3A_34 = arith.constant 0 : i32
      %dma_start3A_35 = tpu.memref_slice %arg6[%dma_start3A, %dma_start3A_34] : memref<8x128xi32, #tpu.memory_space<vmem>> -> memref<1x128xi32, #tpu.memory_space<vmem>>
      %dma_start3A_36 = tpu.memref_squeeze %dma_start3A_35 : memref<1x128xi32, #tpu.memory_space<vmem>> -> memref<128xi32, #tpu.memory_space<vmem>>
      %dma_start3A_37 = arith.constant 0 : i32
      %dma_start3A_38 = tpu.memref_slice %arg5[%dma_start3A_37] : memref<10240xf32, #tpu.memory_space<vmem_shared>> -> memref<10240xf32, #tpu.memory_space<vmem_shared>>
      tpu.enqueue_indirect_dma source(%arg7 : memref<128xf32, #tpu.memory_space<vmem>>) target(%dma_start3A_38 : memref<10240xf32, #tpu.memory_space<vmem_shared>>) offsets(%dma_start3A_36 : memref<128xi32, #tpu.memory_space<vmem>>) semaphore(%arg8 : memref<!tpu.dma_semaphore, #tpu.memory_space<semaphore_mem>>) {add = true}
      %dma_start3A_39 = arith.constant 1 : i32
      %dma_start3A_40 = arith.constant 0 : i32
      %dma_start3A_41 = tpu.memref_slice %arg6[%dma_start3A_39, %dma_start3A_40] : memref<8x128xi32, #tpu.memory_space<vmem>> -> memref<1x128xi32, #tpu.memory_space<vmem>>
      %dma_start3A_42 = tpu.memref_squeeze %dma_start3A_41 : memref<1x128xi32, #tpu.memory_space<vmem>> -> memref<128xi32, #tpu.memory_space<vmem>>
      %dma_start3A_43 = arith.constant 0 : i32
      %dma_start3A_44 = tpu.memref_slice %arg5[%dma_start3A_43] : memref<10240xf32, #tpu.memory_space<vmem_shared>> -> memref<10240xf32, #tpu.memory_space<vmem_shared>>
      tpu.enqueue_indirect_dma source(%arg7 : memref<128xf32, #tpu.memory_space<vmem>>) target(%dma_start3A_44 : memref<10240xf32, #tpu.memory_space<vmem_shared>>) offsets(%dma_start3A_42 : memref<128xi32, #tpu.memory_space<vmem>>) semaphore(%arg8 : memref<!tpu.dma_semaphore, #tpu.memory_space<semaphore_mem>>) {add = true}
      %dma_start3A_45 = arith.constant 2 : i32
      %dma_start3A_46 = arith.constant 0 : i32
      %dma_start3A_47 = tpu.memref_slice %arg6[%dma_start3A_45, %dma_start3A_46] : memref<8x128xi32, #tpu.memory_space<vmem>> -> memref<1x128xi32, #tpu.memory_space<vmem>>
      %dma_start3A_48 = tpu.memref_squeeze %dma_start3A_47 : memref<1x128xi32, #tpu.memory_space<vmem>> -> memref<128xi32, #tpu.memory_space<vmem>>
      %dma_start3A_49 = arith.constant 0 : i32
      %dma_start3A_50 = tpu.memref_slice %arg5[%dma_start3A_49] : memref<10240xf32, #tpu.memory_space<vmem_shared>> -> memref<10240xf32, #tpu.memory_space<vmem_shared>>
      tpu.enqueue_indirect_dma source(%arg7 : memref<128xf32, #tpu.memory_space<vmem>>) target(%dma_start3A_50 : memref<10240xf32, #tpu.memory_space<vmem_shared>>) offsets(%dma_start3A_48 : memref<128xi32, #tpu.memory_space<vmem>>) semaphore(%arg8 : memref<!tpu.dma_semaphore, #tpu.memory_space<semaphore_mem>>) {add = true}
      %dma_start3A_51 = arith.constant 3 : i32
      %dma_start3A_52 = arith.constant 0 : i32
      %dma_start3A_53 = tpu.memref_slice %arg6[%dma_start3A_51, %dma_start3A_52] : memref<8x128xi32, #tpu.memory_space<vmem>> -> memref<1x128xi32, #tpu.memory_space<vmem>>
      %dma_start3A_54 = tpu.memref_squeeze %dma_start3A_53 : memref<1x128xi32, #tpu.memory_space<vmem>> -> memref<128xi32, #tpu.memory_space<vmem>>
      %dma_start3A_55 = arith.constant 0 : i32
      %dma_start3A_56 = tpu.memref_slice %arg5[%dma_start3A_55] : memref<10240xf32, #tpu.memory_space<vmem_shared>> -> memref<10240xf32, #tpu.memory_space<vmem_shared>>
      tpu.enqueue_indirect_dma source(%arg7 : memref<128xf32, #tpu.memory_space<vmem>>) target(%dma_start3A_56 : memref<10240xf32, #tpu.memory_space<vmem_shared>>) offsets(%dma_start3A_54 : memref<128xi32, #tpu.memory_space<vmem>>) semaphore(%arg8 : memref<!tpu.dma_semaphore, #tpu.memory_space<semaphore_mem>>) {add = true}
      %dma_wait3A = arith.constant 0 : i32
      %dma_wait3A_57 = arith.constant 0 : i32
      %dma_wait3A_58 = tpu.memref_slice %arg6[%dma_wait3A, %dma_wait3A_57] : memref<8x128xi32, #tpu.memory_space<vmem>> -> memref<1x128xi32, #tpu.memory_space<vmem>>
      %dma_wait3A_59 = tpu.memref_squeeze %dma_wait3A_58 : memref<1x128xi32, #tpu.memory_space<vmem>> -> memref<128xi32, #tpu.memory_space<vmem>>
      %dma_wait3A_60 = arith.constant 0 : i32
      %dma_wait3A_61 = tpu.memref_slice %arg5[%dma_wait3A_60] : memref<10240xf32, #tpu.memory_space<vmem_shared>> -> memref<10240xf32, #tpu.memory_space<vmem_shared>>
      tpu.wait_indirect_dma semaphore(%arg8 : memref<!tpu.dma_semaphore, #tpu.memory_space<semaphore_mem>>) src(%arg7 : memref<128xf32, #tpu.memory_space<vmem>>) dst(%dma_wait3A_61 : memref<10240xf32, #tpu.memory_space<vmem_shared>>)
      %dma_wait3A_62 = arith.constant 1 : i32
      %dma_wait3A_63 = arith.constant 0 : i32
      %dma_wait3A_64 = tpu.memref_slice %arg6[%dma_wait3A_62, %dma_wait3A_63] : memref<8x128xi32, #tpu.memory_space<vmem>> -> memref<1x128xi32, #tpu.memory_space<vmem>>
      %dma_wait3A_65 = tpu.memref_squeeze %dma_wait3A_64 : memref<1x128xi32, #tpu.memory_space<vmem>> -> memref<128xi32, #tpu.memory_space<vmem>>
      %dma_wait3A_66 = arith.constant 0 : i32
      %dma_wait3A_67 = tpu.memref_slice %arg5[%dma_wait3A_66] : memref<10240xf32, #tpu.memory_space<vmem_shared>> -> memref<10240xf32, #tpu.memory_space<vmem_shared>>
      tpu.wait_indirect_dma semaphore(%arg8 : memref<!tpu.dma_semaphore, #tpu.memory_space<semaphore_mem>>) src(%arg7 : memref<128xf32, #tpu.memory_space<vmem>>) dst(%dma_wait3A_67 : memref<10240xf32, #tpu.memory_space<vmem_shared>>)
      %dma_wait3A_68 = arith.constant 2 : i32
      %dma_wait3A_69 = arith.constant 0 : i32
      %dma_wait3A_70 = tpu.memref_slice %arg6[%dma_wait3A_68, %dma_wait3A_69] : memref<8x128xi32, #tpu.memory_space<vmem>> -> memref<1x128xi32, #tpu.memory_space<vmem>>
      %dma_wait3A_71 = tpu.memref_squeeze %dma_wait3A_70 : memref<1x128xi32, #tpu.memory_space<vmem>> -> memref<128xi32, #tpu.memory_space<vmem>>
      %dma_wait3A_72 = arith.constant 0 : i32
      %dma_wait3A_73 = tpu.memref_slice %arg5[%dma_wait3A_72] : memref<10240xf32, #tpu.memory_space<vmem_shared>> -> memref<10240xf32, #tpu.memory_space<vmem_shared>>
      tpu.wait_indirect_dma semaphore(%arg8 : memref<!tpu.dma_semaphore, #tpu.memory_space<semaphore_mem>>) src(%arg7 : memref<128xf32, #tpu.memory_space<vmem>>) dst(%dma_wait3A_73 : memref<10240xf32, #tpu.memory_space<vmem_shared>>)
      %dma_wait3A_74 = arith.constant 3 : i32
      %dma_wait3A_75 = arith.constant 0 : i32
      %dma_wait3A_76 = tpu.memref_slice %arg6[%dma_wait3A_74, %dma_wait3A_75] : memref<8x128xi32, #tpu.memory_space<vmem>> -> memref<1x128xi32, #tpu.memory_space<vmem>>
      %dma_wait3A_77 = tpu.memref_squeeze %dma_wait3A_76 : memref<1x128xi32, #tpu.memory_space<vmem>> -> memref<128xi32, #tpu.memory_space<vmem>>
      %dma_wait3A_78 = arith.constant 0 : i32
      %dma_wait3A_79 = tpu.memref_slice %arg5[%dma_wait3A_78] : memref<10240xf32, #tpu.memory_space<vmem_shared>> -> memref<10240xf32, #tpu.memory_space<vmem_shared>>
      tpu.wait_indirect_dma semaphore(%arg8 : memref<!tpu.dma_semaphore, #tpu.memory_space<semaphore_mem>>) src(%arg7 : memref<128xf32, #tpu.memory_space<vmem>>) dst(%dma_wait3A_79 : memref<10240xf32, #tpu.memory_space<vmem_shared>>)
    } else {
    }
    %barrier3A_29 = arith.constant 0 : index
    tpu.barrier barrier_id(%barrier3A_29)
    %mul3A_30 = arith.constant 640 : i32
    %mul3A_31 = arith.muli %arg1, %mul3A_30 : i32
    %mul3A_32 = arith.constant 640 : i32
    %mul3A_33 = arith.muli %arg1, %mul3A_32 : i32
    "tpu.region"() ({
      %run_scoped3A = tpu.sem_alloc : memref<!tpu.dma_semaphore, #tpu.memory_space<semaphore_mem>>
      %dma_start3A = tpu.memref_slice %arg4[%arg0, %mul3A_33] : memref<2x10240xf32, #tpu.memory_space<hbm>> -> memref<1x640xf32, #tpu.memory_space<hbm>>
      %dma_start3A_34 = tpu.memref_squeeze %dma_start3A : memref<1x640xf32, #tpu.memory_space<hbm>> -> memref<640xf32, #tpu.memory_space<hbm>>
      %dma_start3A_35 = tpu.memref_slice %arg5[%mul3A_31] : memref<10240xf32, #tpu.memory_space<vmem_shared>> -> memref<640xf32, #tpu.memory_space<vmem_shared>>
      tpu.enqueue_dma source(%dma_start3A_35 : memref<640xf32, #tpu.memory_space<vmem_shared>>) target(%dma_start3A_34 : memref<640xf32, #tpu.memory_space<hbm>>) target_semaphore(%run_scoped3A : memref<!tpu.dma_semaphore, #tpu.memory_space<semaphore_mem>>)
      %dma_wait3A = tpu.memref_slice %arg4[%arg0, %mul3A_33] : memref<2x10240xf32, #tpu.memory_space<hbm>> -> memref<1x640xf32, #tpu.memory_space<hbm>>
      %dma_wait3A_36 = tpu.memref_squeeze %dma_wait3A : memref<1x640xf32, #tpu.memory_space<hbm>> -> memref<640xf32, #tpu.memory_space<hbm>>
      %dma_wait3A_37 = tpu.memref_slice %arg5[%mul3A_31] : memref<10240xf32, #tpu.memory_space<vmem_shared>> -> memref<640xf32, #tpu.memory_space<vmem_shared>>
      tpu.wait_dma2 semaphore(%run_scoped3A : memref<!tpu.dma_semaphore, #tpu.memory_space<semaphore_mem>>) src(%dma_wait3A_37 : memref<640xf32, #tpu.memory_space<vmem_shared>>) dst(%dma_wait3A_36 : memref<640xf32, #tpu.memory_space<hbm>>)
      tpu.yield
    }) : () -> ()
    return
  }
}

#map = affine_map<(d0, d1) -> (0, 0)>
#map1 = affine_map<(d0, d1) -> (0, 0, 0)>
module attributes {stable_mosaic.version = 14 : i64} {
  func.func @agg_kernel(%arg0: i32, %arg1: i32, %arg2: memref<10000x128xf32, #tpu.memory_space<hbm>>, %arg3: memref<10000x128xf32, #tpu.memory_space<hbm>>, %arg4: memref<2500x128xi32, #tpu.memory_space<hbm>>, %arg5: memref<2500x128xi32, #tpu.memory_space<hbm>>, %arg6: memref<10240x128xf32, #tpu.memory_space<hbm>>, %arg7: memref<2x10240x128xf32, #tpu.memory_space<hbm>>, %arg8: memref<10240x128xf32, #tpu.memory_space<vmem_shared>>, %arg9: memref<8x128xi32, #tpu.memory_space<vmem>>, %arg10: memref<8x128xi32, #tpu.memory_space<vmem>>, %arg11: memref<128x128xf32, #tpu.memory_space<vmem>>, %arg12: memref<128x128xf32, #tpu.memory_space<vmem>>, %arg13: memref<!tpu.dma_semaphore, #tpu.memory_space<semaphore_mem>>, %arg14: memref<!tpu.dma_semaphore, #tpu.memory_space<semaphore_mem>>) attributes {dimension_semantics = [#tpu.dimension_semantics<core_parallel>, #tpu.dimension_semantics<subcore_parallel>], iteration_bounds = array<i64: 2, 16>, scalar_prefetch = 0 : i64, scratch_operands = 7 : i64, tpu.core_type = #tpu.core_type<sc_vector_subcore>, window_params = [{transform_indices = #map}, {transform_indices = #map}, {transform_indices = #map}, {transform_indices = #map}, {transform_indices = #map}, {transform_indices = #map1}]} {
    %mul3A = arith.constant 640 : i32
    %mul3A_0 = arith.muli %arg1, %mul3A : i32
    "tpu.region"() ({
      %run_scoped3A = tpu.sem_alloc : memref<!tpu.dma_semaphore, #tpu.memory_space<semaphore_mem>>
      %dma_start3A = arith.constant 0 : i32
      %dma_start3A_9 = tpu.memref_slice %arg8[%mul3A_0, %dma_start3A] : memref<10240x128xf32, #tpu.memory_space<vmem_shared>> -> memref<640x128xf32, #tpu.memory_space<vmem_shared>>
      %dma_start3A_10 = arith.constant 0 : i32
      %dma_start3A_11 = tpu.memref_slice %arg6[%mul3A_0, %dma_start3A_10] : memref<10240x128xf32, #tpu.memory_space<hbm>> -> memref<640x128xf32, #tpu.memory_space<hbm>>
      tpu.enqueue_dma source(%dma_start3A_11 : memref<640x128xf32, #tpu.memory_space<hbm>>) target(%dma_start3A_9 : memref<640x128xf32, #tpu.memory_space<vmem_shared>>) target_semaphore(%run_scoped3A : memref<!tpu.dma_semaphore, #tpu.memory_space<semaphore_mem>>)
      %dma_wait3A = arith.constant 0 : i32
      %dma_wait3A_12 = tpu.memref_slice %arg8[%mul3A_0, %dma_wait3A] : memref<10240x128xf32, #tpu.memory_space<vmem_shared>> -> memref<640x128xf32, #tpu.memory_space<vmem_shared>>
      %dma_wait3A_13 = arith.constant 0 : i32
      %dma_wait3A_14 = tpu.memref_slice %arg6[%mul3A_0, %dma_wait3A_13] : memref<10240x128xf32, #tpu.memory_space<hbm>> -> memref<640x128xf32, #tpu.memory_space<hbm>>
      tpu.wait_dma2 semaphore(%run_scoped3A : memref<!tpu.dma_semaphore, #tpu.memory_space<semaphore_mem>>) src(%dma_wait3A_14 : memref<640x128xf32, #tpu.memory_space<hbm>>) dst(%dma_wait3A_12 : memref<640x128xf32, #tpu.memory_space<vmem_shared>>)
      tpu.yield
    }) : () -> ()
    %barrier3A = arith.constant 0 : index
    tpu.barrier barrier_id(%barrier3A)
    %eq3A = arith.constant 0 : i32
    %eq3A_1 = arith.cmpi eq, %arg0, %eq3A : i32
    %convert_element_type3A = arith.extui %eq3A_1 : i1 to i32
    %cond3A = arith.constant 0 : i32
    %cond3A_2 = arith.cmpi ne, %convert_element_type3A, %cond3A : i32
    scf.if %cond3A_2 {
      %lt3A = arith.constant 8 : i32
      %lt3A_9 = arith.cmpi slt, %arg1, %lt3A : i32
      %jit3A = arith.constant 20 : i32
      %jit3A_10 = arith.constant 19 : i32
      %select_n3A = arith.select %lt3A_9, %jit3A, %jit3A_10 : i32
      %sub3A = arith.constant 0 : i32
      %sub3A_11 = arith.subi %select_n3A, %sub3A : i32
      %sub3A_12 = arith.constant 1 : i32
      %sub3A_13 = arith.constant 1 : i32
      %sub3A_14 = arith.subi %sub3A_12, %sub3A_13 : i32
      %add3A = arith.addi %sub3A_11, %sub3A_14 : i32
      %div3A = arith.constant 1 : i32
      %div3A_15 = arith.divsi %add3A, %div3A : i32
      %while3A = arith.constant 1 : i32
      %while3A_16 = arith.constant 0 : i32
      %while3A_17 = arith.constant 0 : i32
      %while3A_18 = arith.subi %div3A_15, %while3A_17 : i32
      %while3A_19 = arith.addi %while3A_17, %while3A_18 : i32
      %while3A_20 = arith.constant 1 : i32
      %while3A_21 = arith.divsi %while3A_18, %while3A_20 : i32
      %while3A_22 = arith.muli %while3A_21, %while3A_20 : i32
      %while3A_23 = arith.addi %while3A_17, %while3A_22 : i32
      %while3A_24 = arith.constant 1 : i32
      scf.for %while3A_31 = %while3A_17 to %while3A_23 step %while3A_24  : i32 {
        %mul3A_32 = arith.muli %while3A_31, %while3A : i32
        %add3A_33 = arith.addi %while3A_16, %mul3A_32 : i32
        %mul3A_34 = arith.constant 16 : i32
        %mul3A_35 = arith.muli %add3A_33, %mul3A_34 : i32
        %add3A_36 = arith.addi %arg1, %mul3A_35 : i32
        %mul3A_37 = arith.constant 8 : i32
        %mul3A_38 = arith.muli %add3A_36, %mul3A_37 : i32
        "tpu.region"() ({
          %run_scoped3A = tpu.sem_alloc : memref<!tpu.dma_semaphore, #tpu.memory_space<semaphore_mem>>
          %dma_start3A_261 = arith.constant 0 : i32
          %dma_start3A_262 = arith.constant 0 : i32
          %dma_start3A_263 = tpu.memref_slice %arg9[%dma_start3A_261, %dma_start3A_262] : memref<8x128xi32, #tpu.memory_space<vmem>> -> memref<8x128xi32, #tpu.memory_space<vmem>>
          %dma_start3A_264 = arith.constant 0 : i32
          %dma_start3A_265 = tpu.memref_slice %arg4[%mul3A_38, %dma_start3A_264] : memref<2500x128xi32, #tpu.memory_space<hbm>> -> memref<8x128xi32, #tpu.memory_space<hbm>>
          %dma_start3A_266 = arith.constant 0 : i32
          %dma_start3A_267 = arith.constant 0 : i32
          %dma_start3A_268 = tpu.memref_slice %arg9[%dma_start3A_266, %dma_start3A_267] : memref<8x128xi32, #tpu.memory_space<vmem>> -> memref<8x128xi32, #tpu.memory_space<vmem>>
          %dma_start3A_269 = arith.constant 0 : i32
          %dma_start3A_270 = tpu.memref_slice %arg4[%mul3A_38, %dma_start3A_269] : memref<2500x128xi32, #tpu.memory_space<hbm>> -> memref<8x128xi32, #tpu.memory_space<hbm>>
          tpu.enqueue_dma source(%dma_start3A_270 : memref<8x128xi32, #tpu.memory_space<hbm>>) target(%dma_start3A_268 : memref<8x128xi32, #tpu.memory_space<vmem>>) target_semaphore(%run_scoped3A : memref<!tpu.dma_semaphore, #tpu.memory_space<semaphore_mem>>)
          %dma_wait3A_271 = arith.constant 0 : i32
          %dma_wait3A_272 = arith.constant 0 : i32
          %dma_wait3A_273 = tpu.memref_slice %arg9[%dma_wait3A_271, %dma_wait3A_272] : memref<8x128xi32, #tpu.memory_space<vmem>> -> memref<8x128xi32, #tpu.memory_space<vmem>>
          %dma_wait3A_274 = arith.constant 0 : i32
          %dma_wait3A_275 = tpu.memref_slice %arg4[%mul3A_38, %dma_wait3A_274] : memref<2500x128xi32, #tpu.memory_space<hbm>> -> memref<8x128xi32, #tpu.memory_space<hbm>>
          %dma_wait3A_276 = arith.constant 0 : i32
          %dma_wait3A_277 = arith.constant 0 : i32
          %dma_wait3A_278 = tpu.memref_slice %arg9[%dma_wait3A_276, %dma_wait3A_277] : memref<8x128xi32, #tpu.memory_space<vmem>> -> memref<8x128xi32, #tpu.memory_space<vmem>>
          %dma_wait3A_279 = arith.constant 0 : i32
          %dma_wait3A_280 = tpu.memref_slice %arg4[%mul3A_38, %dma_wait3A_279] : memref<2500x128xi32, #tpu.memory_space<hbm>> -> memref<8x128xi32, #tpu.memory_space<hbm>>
          tpu.wait_dma2 semaphore(%run_scoped3A : memref<!tpu.dma_semaphore, #tpu.memory_space<semaphore_mem>>) src(%dma_wait3A_280 : memref<8x128xi32, #tpu.memory_space<hbm>>) dst(%dma_wait3A_278 : memref<8x128xi32, #tpu.memory_space<vmem>>)
          tpu.yield
        }) : () -> ()
        "tpu.region"() ({
          %run_scoped3A = tpu.sem_alloc : memref<!tpu.dma_semaphore, #tpu.memory_space<semaphore_mem>>
          %dma_start3A_261 = arith.constant 0 : i32
          %dma_start3A_262 = arith.constant 0 : i32
          %dma_start3A_263 = tpu.memref_slice %arg10[%dma_start3A_261, %dma_start3A_262] : memref<8x128xi32, #tpu.memory_space<vmem>> -> memref<8x128xi32, #tpu.memory_space<vmem>>
          %dma_start3A_264 = arith.constant 0 : i32
          %dma_start3A_265 = tpu.memref_slice %arg5[%mul3A_38, %dma_start3A_264] : memref<2500x128xi32, #tpu.memory_space<hbm>> -> memref<8x128xi32, #tpu.memory_space<hbm>>
          %dma_start3A_266 = arith.constant 0 : i32
          %dma_start3A_267 = arith.constant 0 : i32
          %dma_start3A_268 = tpu.memref_slice %arg10[%dma_start3A_266, %dma_start3A_267] : memref<8x128xi32, #tpu.memory_space<vmem>> -> memref<8x128xi32, #tpu.memory_space<vmem>>
          %dma_start3A_269 = arith.constant 0 : i32
          %dma_start3A_270 = tpu.memref_slice %arg5[%mul3A_38, %dma_start3A_269] : memref<2500x128xi32, #tpu.memory_space<hbm>> -> memref<8x128xi32, #tpu.memory_space<hbm>>
          tpu.enqueue_dma source(%dma_start3A_270 : memref<8x128xi32, #tpu.memory_space<hbm>>) target(%dma_start3A_268 : memref<8x128xi32, #tpu.memory_space<vmem>>) target_semaphore(%run_scoped3A : memref<!tpu.dma_semaphore, #tpu.memory_space<semaphore_mem>>)
          %dma_wait3A_271 = arith.constant 0 : i32
          %dma_wait3A_272 = arith.constant 0 : i32
          %dma_wait3A_273 = tpu.memref_slice %arg10[%dma_wait3A_271, %dma_wait3A_272] : memref<8x128xi32, #tpu.memory_space<vmem>> -> memref<8x128xi32, #tpu.memory_space<vmem>>
          %dma_wait3A_274 = arith.constant 0 : i32
          %dma_wait3A_275 = tpu.memref_slice %arg5[%mul3A_38, %dma_wait3A_274] : memref<2500x128xi32, #tpu.memory_space<hbm>> -> memref<8x128xi32, #tpu.memory_space<hbm>>
          %dma_wait3A_276 = arith.constant 0 : i32
          %dma_wait3A_277 = arith.constant 0 : i32
          %dma_wait3A_278 = tpu.memref_slice %arg10[%dma_wait3A_276, %dma_wait3A_277] : memref<8x128xi32, #tpu.memory_space<vmem>> -> memref<8x128xi32, #tpu.memory_space<vmem>>
          %dma_wait3A_279 = arith.constant 0 : i32
          %dma_wait3A_280 = tpu.memref_slice %arg5[%mul3A_38, %dma_wait3A_279] : memref<2500x128xi32, #tpu.memory_space<hbm>> -> memref<8x128xi32, #tpu.memory_space<hbm>>
          tpu.wait_dma2 semaphore(%run_scoped3A : memref<!tpu.dma_semaphore, #tpu.memory_space<semaphore_mem>>) src(%dma_wait3A_280 : memref<8x128xi32, #tpu.memory_space<hbm>>) dst(%dma_wait3A_278 : memref<8x128xi32, #tpu.memory_space<vmem>>)
          tpu.yield
        }) : () -> ()
        %dma_start3A = arith.constant 0 : i32
        %dma_start3A_39 = arith.constant 0 : i32
        %dma_start3A_40 = tpu.memref_slice %arg9[%dma_start3A, %dma_start3A_39] : memref<8x128xi32, #tpu.memory_space<vmem>> -> memref<1x128xi32, #tpu.memory_space<vmem>>
        %dma_start3A_41 = tpu.memref_squeeze %dma_start3A_40 : memref<1x128xi32, #tpu.memory_space<vmem>> -> memref<128xi32, #tpu.memory_space<vmem>>
        %dma_start3A_42 = arith.constant 0 : i32
        %dma_start3A_43 = arith.constant 0 : i32
        %dma_start3A_44 = tpu.memref_slice %arg2[%dma_start3A_42, %dma_start3A_43] : memref<10000x128xf32, #tpu.memory_space<hbm>> -> memref<10000x128xf32, #tpu.memory_space<hbm>>
        tpu.enqueue_indirect_dma source(%dma_start3A_44 : memref<10000x128xf32, #tpu.memory_space<hbm>>) target(%arg11 : memref<128x128xf32, #tpu.memory_space<vmem>>) offsets(%dma_start3A_41 : memref<128xi32, #tpu.memory_space<vmem>>) semaphore(%arg13 : memref<!tpu.dma_semaphore, #tpu.memory_space<semaphore_mem>>)
        %dma_start3A_45 = arith.constant 1 : i32
        %dma_start3A_46 = arith.constant 0 : i32
        %dma_start3A_47 = tpu.memref_slice %arg9[%dma_start3A_45, %dma_start3A_46] : memref<8x128xi32, #tpu.memory_space<vmem>> -> memref<1x128xi32, #tpu.memory_space<vmem>>
        %dma_start3A_48 = tpu.memref_squeeze %dma_start3A_47 : memref<1x128xi32, #tpu.memory_space<vmem>> -> memref<128xi32, #tpu.memory_space<vmem>>
        %dma_start3A_49 = arith.constant 0 : i32
        %dma_start3A_50 = arith.constant 0 : i32
        %dma_start3A_51 = tpu.memref_slice %arg2[%dma_start3A_49, %dma_start3A_50] : memref<10000x128xf32, #tpu.memory_space<hbm>> -> memref<10000x128xf32, #tpu.memory_space<hbm>>
        tpu.enqueue_indirect_dma source(%dma_start3A_51 : memref<10000x128xf32, #tpu.memory_space<hbm>>) target(%arg12 : memref<128x128xf32, #tpu.memory_space<vmem>>) offsets(%dma_start3A_48 : memref<128xi32, #tpu.memory_space<vmem>>) semaphore(%arg13 : memref<!tpu.dma_semaphore, #tpu.memory_space<semaphore_mem>>)
        %dma_wait3A = arith.constant 0 : i32
        %dma_wait3A_52 = arith.constant 0 : i32
        %dma_wait3A_53 = tpu.memref_slice %arg9[%dma_wait3A, %dma_wait3A_52] : memref<8x128xi32, #tpu.memory_space<vmem>> -> memref<1x128xi32, #tpu.memory_space<vmem>>
        %dma_wait3A_54 = tpu.memref_squeeze %dma_wait3A_53 : memref<1x128xi32, #tpu.memory_space<vmem>> -> memref<128xi32, #tpu.memory_space<vmem>>
        %dma_wait3A_55 = arith.constant 0 : i32
        %dma_wait3A_56 = arith.constant 0 : i32
        %dma_wait3A_57 = tpu.memref_slice %arg2[%dma_wait3A_55, %dma_wait3A_56] : memref<10000x128xf32, #tpu.memory_space<hbm>> -> memref<10000x128xf32, #tpu.memory_space<hbm>>
        tpu.wait_indirect_dma semaphore(%arg13 : memref<!tpu.dma_semaphore, #tpu.memory_space<semaphore_mem>>) src(%dma_wait3A_57 : memref<10000x128xf32, #tpu.memory_space<hbm>>) dst(%arg11 : memref<128x128xf32, #tpu.memory_space<vmem>>)
        %dma_start3A_58 = arith.constant 0 : i32
        %dma_start3A_59 = arith.constant 0 : i32
        %dma_start3A_60 = tpu.memref_slice %arg10[%dma_start3A_58, %dma_start3A_59] : memref<8x128xi32, #tpu.memory_space<vmem>> -> memref<1x128xi32, #tpu.memory_space<vmem>>
        %dma_start3A_61 = tpu.memref_squeeze %dma_start3A_60 : memref<1x128xi32, #tpu.memory_space<vmem>> -> memref<128xi32, #tpu.memory_space<vmem>>
        %dma_start3A_62 = arith.constant 0 : i32
        %dma_start3A_63 = arith.constant 0 : i32
        %dma_start3A_64 = tpu.memref_slice %arg8[%dma_start3A_62, %dma_start3A_63] : memref<10240x128xf32, #tpu.memory_space<vmem_shared>> -> memref<10240x128xf32, #tpu.memory_space<vmem_shared>>
        tpu.enqueue_indirect_dma source(%arg11 : memref<128x128xf32, #tpu.memory_space<vmem>>) target(%dma_start3A_64 : memref<10240x128xf32, #tpu.memory_space<vmem_shared>>) offsets(%dma_start3A_61 : memref<128xi32, #tpu.memory_space<vmem>>) semaphore(%arg14 : memref<!tpu.dma_semaphore, #tpu.memory_space<semaphore_mem>>) {add = true}
        %dma_wait3A_65 = arith.constant 0 : i32
        %dma_wait3A_66 = arith.constant 0 : i32
        %dma_wait3A_67 = tpu.memref_slice %arg10[%dma_wait3A_65, %dma_wait3A_66] : memref<8x128xi32, #tpu.memory_space<vmem>> -> memref<1x128xi32, #tpu.memory_space<vmem>>
        %dma_wait3A_68 = tpu.memref_squeeze %dma_wait3A_67 : memref<1x128xi32, #tpu.memory_space<vmem>> -> memref<128xi32, #tpu.memory_space<vmem>>
        %dma_wait3A_69 = arith.constant 0 : i32
        %dma_wait3A_70 = arith.constant 0 : i32
        %dma_wait3A_71 = tpu.memref_slice %arg8[%dma_wait3A_69, %dma_wait3A_70] : memref<10240x128xf32, #tpu.memory_space<vmem_shared>> -> memref<10240x128xf32, #tpu.memory_space<vmem_shared>>
        tpu.wait_indirect_dma semaphore(%arg14 : memref<!tpu.dma_semaphore, #tpu.memory_space<semaphore_mem>>) src(%arg11 : memref<128x128xf32, #tpu.memory_space<vmem>>) dst(%dma_wait3A_71 : memref<10240x128xf32, #tpu.memory_space<vmem_shared>>)
        %dma_start3A_72 = arith.constant 2 : i32
        %dma_start3A_73 = arith.constant 0 : i32
        %dma_start3A_74 = tpu.memref_slice %arg9[%dma_start3A_72, %dma_start3A_73] : memref<8x128xi32, #tpu.memory_space<vmem>> -> memref<1x128xi32, #tpu.memory_space<vmem>>
        %dma_start3A_75 = tpu.memref_squeeze %dma_start3A_74 : memref<1x128xi32, #tpu.memory_space<vmem>> -> memref<128xi32, #tpu.memory_space<vmem>>
        %dma_start3A_76 = arith.constant 0 : i32
        %dma_start3A_77 = arith.constant 0 : i32
        %dma_start3A_78 = tpu.memref_slice %arg2[%dma_start3A_76, %dma_start3A_77] : memref<10000x128xf32, #tpu.memory_space<hbm>> -> memref<10000x128xf32, #tpu.memory_space<hbm>>
        tpu.enqueue_indirect_dma source(%dma_start3A_78 : memref<10000x128xf32, #tpu.memory_space<hbm>>) target(%arg11 : memref<128x128xf32, #tpu.memory_space<vmem>>) offsets(%dma_start3A_75 : memref<128xi32, #tpu.memory_space<vmem>>) semaphore(%arg13 : memref<!tpu.dma_semaphore, #tpu.memory_space<semaphore_mem>>)
        %dma_wait3A_79 = arith.constant 1 : i32
        %dma_wait3A_80 = arith.constant 0 : i32
        %dma_wait3A_81 = tpu.memref_slice %arg9[%dma_wait3A_79, %dma_wait3A_80] : memref<8x128xi32, #tpu.memory_space<vmem>> -> memref<1x128xi32, #tpu.memory_space<vmem>>
        %dma_wait3A_82 = tpu.memref_squeeze %dma_wait3A_81 : memref<1x128xi32, #tpu.memory_space<vmem>> -> memref<128xi32, #tpu.memory_space<vmem>>
        %dma_wait3A_83 = arith.constant 0 : i32
        %dma_wait3A_84 = arith.constant 0 : i32
        %dma_wait3A_85 = tpu.memref_slice %arg2[%dma_wait3A_83, %dma_wait3A_84] : memref<10000x128xf32, #tpu.memory_space<hbm>> -> memref<10000x128xf32, #tpu.memory_space<hbm>>
        tpu.wait_indirect_dma semaphore(%arg13 : memref<!tpu.dma_semaphore, #tpu.memory_space<semaphore_mem>>) src(%dma_wait3A_85 : memref<10000x128xf32, #tpu.memory_space<hbm>>) dst(%arg12 : memref<128x128xf32, #tpu.memory_space<vmem>>)
        %dma_start3A_86 = arith.constant 1 : i32
        %dma_start3A_87 = arith.constant 0 : i32
        %dma_start3A_88 = tpu.memref_slice %arg10[%dma_start3A_86, %dma_start3A_87] : memref<8x128xi32, #tpu.memory_space<vmem>> -> memref<1x128xi32, #tpu.memory_space<vmem>>
        %dma_start3A_89 = tpu.memref_squeeze %dma_start3A_88 : memref<1x128xi32, #tpu.memory_space<vmem>> -> memref<128xi32, #tpu.memory_space<vmem>>
        %dma_start3A_90 = arith.constant 0 : i32
        %dma_start3A_91 = arith.constant 0 : i32
        %dma_start3A_92 = tpu.memref_slice %arg8[%dma_start3A_90, %dma_start3A_91] : memref<10240x128xf32, #tpu.memory_space<vmem_shared>> -> memref<10240x128xf32, #tpu.memory_space<vmem_shared>>
        tpu.enqueue_indirect_dma source(%arg12 : memref<128x128xf32, #tpu.memory_space<vmem>>) target(%dma_start3A_92 : memref<10240x128xf32, #tpu.memory_space<vmem_shared>>) offsets(%dma_start3A_89 : memref<128xi32, #tpu.memory_space<vmem>>) semaphore(%arg14 : memref<!tpu.dma_semaphore, #tpu.memory_space<semaphore_mem>>) {add = true}
        %dma_wait3A_93 = arith.constant 1 : i32
        %dma_wait3A_94 = arith.constant 0 : i32
        %dma_wait3A_95 = tpu.memref_slice %arg10[%dma_wait3A_93, %dma_wait3A_94] : memref<8x128xi32, #tpu.memory_space<vmem>> -> memref<1x128xi32, #tpu.memory_space<vmem>>
        %dma_wait3A_96 = tpu.memref_squeeze %dma_wait3A_95 : memref<1x128xi32, #tpu.memory_space<vmem>> -> memref<128xi32, #tpu.memory_space<vmem>>
        %dma_wait3A_97 = arith.constant 0 : i32
        %dma_wait3A_98 = arith.constant 0 : i32
        %dma_wait3A_99 = tpu.memref_slice %arg8[%dma_wait3A_97, %dma_wait3A_98] : memref<10240x128xf32, #tpu.memory_space<vmem_shared>> -> memref<10240x128xf32, #tpu.memory_space<vmem_shared>>
        tpu.wait_indirect_dma semaphore(%arg14 : memref<!tpu.dma_semaphore, #tpu.memory_space<semaphore_mem>>) src(%arg12 : memref<128x128xf32, #tpu.memory_space<vmem>>) dst(%dma_wait3A_99 : memref<10240x128xf32, #tpu.memory_space<vmem_shared>>)
        %dma_start3A_100 = arith.constant 3 : i32
        %dma_start3A_101 = arith.constant 0 : i32
        %dma_start3A_102 = tpu.memref_slice %arg9[%dma_start3A_100, %dma_start3A_101] : memref<8x128xi32, #tpu.memory_space<vmem>> -> memref<1x128xi32, #tpu.memory_space<vmem>>
        %dma_start3A_103 = tpu.memref_squeeze %dma_start3A_102 : memref<1x128xi32, #tpu.memory_space<vmem>> -> memref<128xi32, #tpu.memory_space<vmem>>
        %dma_start3A_104 = arith.constant 0 : i32
        %dma_start3A_105 = arith.constant 0 : i32
        %dma_start3A_106 = tpu.memref_slice %arg2[%dma_start3A_104, %dma_start3A_105] : memref<10000x128xf32, #tpu.memory_space<hbm>> -> memref<10000x128xf32, #tpu.memory_space<hbm>>
        tpu.enqueue_indirect_dma source(%dma_start3A_106 : memref<10000x128xf32, #tpu.memory_space<hbm>>) target(%arg12 : memref<128x128xf32, #tpu.memory_space<vmem>>) offsets(%dma_start3A_103 : memref<128xi32, #tpu.memory_space<vmem>>) semaphore(%arg13 : memref<!tpu.dma_semaphore, #tpu.memory_space<semaphore_mem>>)
        %dma_wait3A_107 = arith.constant 2 : i32
        %dma_wait3A_108 = arith.constant 0 : i32
        %dma_wait3A_109 = tpu.memref_slice %arg9[%dma_wait3A_107, %dma_wait3A_108] : memref<8x128xi32, #tpu.memory_space<vmem>> -> memref<1x128xi32, #tpu.memory_space<vmem>>
        %dma_wait3A_110 = tpu.memref_squeeze %dma_wait3A_109 : memref<1x128xi32, #tpu.memory_space<vmem>> -> memref<128xi32, #tpu.memory_space<vmem>>
        %dma_wait3A_111 = arith.constant 0 : i32
        %dma_wait3A_112 = arith.constant 0 : i32
        %dma_wait3A_113 = tpu.memref_slice %arg2[%dma_wait3A_111, %dma_wait3A_112] : memref<10000x128xf32, #tpu.memory_space<hbm>> -> memref<10000x128xf32, #tpu.memory_space<hbm>>
        tpu.wait_indirect_dma semaphore(%arg13 : memref<!tpu.dma_semaphore, #tpu.memory_space<semaphore_mem>>) src(%dma_wait3A_113 : memref<10000x128xf32, #tpu.memory_space<hbm>>) dst(%arg11 : memref<128x128xf32, #tpu.memory_space<vmem>>)
        %dma_start3A_114 = arith.constant 2 : i32
        %dma_start3A_115 = arith.constant 0 : i32
        %dma_start3A_116 = tpu.memref_slice %arg10[%dma_start3A_114, %dma_start3A_115] : memref<8x128xi32, #tpu.memory_space<vmem>> -> memref<1x128xi32, #tpu.memory_space<vmem>>
        %dma_start3A_117 = tpu.memref_squeeze %dma_start3A_116 : memref<1x128xi32, #tpu.memory_space<vmem>> -> memref<128xi32, #tpu.memory_space<vmem>>
        %dma_start3A_118 = arith.constant 0 : i32
        %dma_start3A_119 = arith.constant 0 : i32
        %dma_start3A_120 = tpu.memref_slice %arg8[%dma_start3A_118, %dma_start3A_119] : memref<10240x128xf32, #tpu.memory_space<vmem_shared>> -> memref<10240x128xf32, #tpu.memory_space<vmem_shared>>
        tpu.enqueue_indirect_dma source(%arg11 : memref<128x128xf32, #tpu.memory_space<vmem>>) target(%dma_start3A_120 : memref<10240x128xf32, #tpu.memory_space<vmem_shared>>) offsets(%dma_start3A_117 : memref<128xi32, #tpu.memory_space<vmem>>) semaphore(%arg14 : memref<!tpu.dma_semaphore, #tpu.memory_space<semaphore_mem>>) {add = true}
        %dma_wait3A_121 = arith.constant 2 : i32
        %dma_wait3A_122 = arith.constant 0 : i32
        %dma_wait3A_123 = tpu.memref_slice %arg10[%dma_wait3A_121, %dma_wait3A_122] : memref<8x128xi32, #tpu.memory_space<vmem>> -> memref<1x128xi32, #tpu.memory_space<vmem>>
        %dma_wait3A_124 = tpu.memref_squeeze %dma_wait3A_123 : memref<1x128xi32, #tpu.memory_space<vmem>> -> memref<128xi32, #tpu.memory_space<vmem>>
        %dma_wait3A_125 = arith.constant 0 : i32
        %dma_wait3A_126 = arith.constant 0 : i32
        %dma_wait3A_127 = tpu.memref_slice %arg8[%dma_wait3A_125, %dma_wait3A_126] : memref<10240x128xf32, #tpu.memory_space<vmem_shared>> -> memref<10240x128xf32, #tpu.memory_space<vmem_shared>>
        tpu.wait_indirect_dma semaphore(%arg14 : memref<!tpu.dma_semaphore, #tpu.memory_space<semaphore_mem>>) src(%arg11 : memref<128x128xf32, #tpu.memory_space<vmem>>) dst(%dma_wait3A_127 : memref<10240x128xf32, #tpu.memory_space<vmem_shared>>)
        %dma_start3A_128 = arith.constant 4 : i32
        %dma_start3A_129 = arith.constant 0 : i32
        %dma_start3A_130 = tpu.memref_slice %arg9[%dma_start3A_128, %dma_start3A_129] : memref<8x128xi32, #tpu.memory_space<vmem>> -> memref<1x128xi32, #tpu.memory_space<vmem>>
        %dma_start3A_131 = tpu.memref_squeeze %dma_start3A_130 : memref<1x128xi32, #tpu.memory_space<vmem>> -> memref<128xi32, #tpu.memory_space<vmem>>
        %dma_start3A_132 = arith.constant 0 : i32
        %dma_start3A_133 = arith.constant 0 : i32
        %dma_start3A_134 = tpu.memref_slice %arg2[%dma_start3A_132, %dma_start3A_133] : memref<10000x128xf32, #tpu.memory_space<hbm>> -> memref<10000x128xf32, #tpu.memory_space<hbm>>
        tpu.enqueue_indirect_dma source(%dma_start3A_134 : memref<10000x128xf32, #tpu.memory_space<hbm>>) target(%arg11 : memref<128x128xf32, #tpu.memory_space<vmem>>) offsets(%dma_start3A_131 : memref<128xi32, #tpu.memory_space<vmem>>) semaphore(%arg13 : memref<!tpu.dma_semaphore, #tpu.memory_space<semaphore_mem>>)
        %dma_wait3A_135 = arith.constant 3 : i32
        %dma_wait3A_136 = arith.constant 0 : i32
        %dma_wait3A_137 = tpu.memref_slice %arg9[%dma_wait3A_135, %dma_wait3A_136] : memref<8x128xi32, #tpu.memory_space<vmem>> -> memref<1x128xi32, #tpu.memory_space<vmem>>
        %dma_wait3A_138 = tpu.memref_squeeze %dma_wait3A_137 : memref<1x128xi32, #tpu.memory_space<vmem>> -> memref<128xi32, #tpu.memory_space<vmem>>
        %dma_wait3A_139 = arith.constant 0 : i32
        %dma_wait3A_140 = arith.constant 0 : i32
        %dma_wait3A_141 = tpu.memref_slice %arg2[%dma_wait3A_139, %dma_wait3A_140] : memref<10000x128xf32, #tpu.memory_space<hbm>> -> memref<10000x128xf32, #tpu.memory_space<hbm>>
        tpu.wait_indirect_dma semaphore(%arg13 : memref<!tpu.dma_semaphore, #tpu.memory_space<semaphore_mem>>) src(%dma_wait3A_141 : memref<10000x128xf32, #tpu.memory_space<hbm>>) dst(%arg12 : memref<128x128xf32, #tpu.memory_space<vmem>>)
        %dma_start3A_142 = arith.constant 3 : i32
        %dma_start3A_143 = arith.constant 0 : i32
        %dma_start3A_144 = tpu.memref_slice %arg10[%dma_start3A_142, %dma_start3A_143] : memref<8x128xi32, #tpu.memory_space<vmem>> -> memref<1x128xi32, #tpu.memory_space<vmem>>
        %dma_start3A_145 = tpu.memref_squeeze %dma_start3A_144 : memref<1x128xi32, #tpu.memory_space<vmem>> -> memref<128xi32, #tpu.memory_space<vmem>>
        %dma_start3A_146 = arith.constant 0 : i32
        %dma_start3A_147 = arith.constant 0 : i32
        %dma_start3A_148 = tpu.memref_slice %arg8[%dma_start3A_146, %dma_start3A_147] : memref<10240x128xf32, #tpu.memory_space<vmem_shared>> -> memref<10240x128xf32, #tpu.memory_space<vmem_shared>>
        tpu.enqueue_indirect_dma source(%arg12 : memref<128x128xf32, #tpu.memory_space<vmem>>) target(%dma_start3A_148 : memref<10240x128xf32, #tpu.memory_space<vmem_shared>>) offsets(%dma_start3A_145 : memref<128xi32, #tpu.memory_space<vmem>>) semaphore(%arg14 : memref<!tpu.dma_semaphore, #tpu.memory_space<semaphore_mem>>) {add = true}
        %dma_wait3A_149 = arith.constant 3 : i32
        %dma_wait3A_150 = arith.constant 0 : i32
        %dma_wait3A_151 = tpu.memref_slice %arg10[%dma_wait3A_149, %dma_wait3A_150] : memref<8x128xi32, #tpu.memory_space<vmem>> -> memref<1x128xi32, #tpu.memory_space<vmem>>
        %dma_wait3A_152 = tpu.memref_squeeze %dma_wait3A_151 : memref<1x128xi32, #tpu.memory_space<vmem>> -> memref<128xi32, #tpu.memory_space<vmem>>
        %dma_wait3A_153 = arith.constant 0 : i32
        %dma_wait3A_154 = arith.constant 0 : i32
        %dma_wait3A_155 = tpu.memref_slice %arg8[%dma_wait3A_153, %dma_wait3A_154] : memref<10240x128xf32, #tpu.memory_space<vmem_shared>> -> memref<10240x128xf32, #tpu.memory_space<vmem_shared>>
        tpu.wait_indirect_dma semaphore(%arg14 : memref<!tpu.dma_semaphore, #tpu.memory_space<semaphore_mem>>) src(%arg12 : memref<128x128xf32, #tpu.memory_space<vmem>>) dst(%dma_wait3A_155 : memref<10240x128xf32, #tpu.memory_space<vmem_shared>>)
        %dma_start3A_156 = arith.constant 5 : i32
        %dma_start3A_157 = arith.constant 0 : i32
        %dma_start3A_158 = tpu.memref_slice %arg9[%dma_start3A_156, %dma_start3A_157] : memref<8x128xi32, #tpu.memory_space<vmem>> -> memref<1x128xi32, #tpu.memory_space<vmem>>
        %dma_start3A_159 = tpu.memref_squeeze %dma_start3A_158 : memref<1x128xi32, #tpu.memory_space<vmem>> -> memref<128xi32, #tpu.memory_space<vmem>>
        %dma_start3A_160 = arith.constant 0 : i32
        %dma_start3A_161 = arith.constant 0 : i32
        %dma_start3A_162 = tpu.memref_slice %arg2[%dma_start3A_160, %dma_start3A_161] : memref<10000x128xf32, #tpu.memory_space<hbm>> -> memref<10000x128xf32, #tpu.memory_space<hbm>>
        tpu.enqueue_indirect_dma source(%dma_start3A_162 : memref<10000x128xf32, #tpu.memory_space<hbm>>) target(%arg12 : memref<128x128xf32, #tpu.memory_space<vmem>>) offsets(%dma_start3A_159 : memref<128xi32, #tpu.memory_space<vmem>>) semaphore(%arg13 : memref<!tpu.dma_semaphore, #tpu.memory_space<semaphore_mem>>)
        %dma_wait3A_163 = arith.constant 4 : i32
        %dma_wait3A_164 = arith.constant 0 : i32
        %dma_wait3A_165 = tpu.memref_slice %arg9[%dma_wait3A_163, %dma_wait3A_164] : memref<8x128xi32, #tpu.memory_space<vmem>> -> memref<1x128xi32, #tpu.memory_space<vmem>>
        %dma_wait3A_166 = tpu.memref_squeeze %dma_wait3A_165 : memref<1x128xi32, #tpu.memory_space<vmem>> -> memref<128xi32, #tpu.memory_space<vmem>>
        %dma_wait3A_167 = arith.constant 0 : i32
        %dma_wait3A_168 = arith.constant 0 : i32
        %dma_wait3A_169 = tpu.memref_slice %arg2[%dma_wait3A_167, %dma_wait3A_168] : memref<10000x128xf32, #tpu.memory_space<hbm>> -> memref<10000x128xf32, #tpu.memory_space<hbm>>
        tpu.wait_indirect_dma semaphore(%arg13 : memref<!tpu.dma_semaphore, #tpu.memory_space<semaphore_mem>>) src(%dma_wait3A_169 : memref<10000x128xf32, #tpu.memory_space<hbm>>) dst(%arg11 : memref<128x128xf32, #tpu.memory_space<vmem>>)
        %dma_start3A_170 = arith.constant 4 : i32
        %dma_start3A_171 = arith.constant 0 : i32
        %dma_start3A_172 = tpu.memref_slice %arg10[%dma_start3A_170, %dma_start3A_171] : memref<8x128xi32, #tpu.memory_space<vmem>> -> memref<1x128xi32, #tpu.memory_space<vmem>>
        %dma_start3A_173 = tpu.memref_squeeze %dma_start3A_172 : memref<1x128xi32, #tpu.memory_space<vmem>> -> memref<128xi32, #tpu.memory_space<vmem>>
        %dma_start3A_174 = arith.constant 0 : i32
        %dma_start3A_175 = arith.constant 0 : i32
        %dma_start3A_176 = tpu.memref_slice %arg8[%dma_start3A_174, %dma_start3A_175] : memref<10240x128xf32, #tpu.memory_space<vmem_shared>> -> memref<10240x128xf32, #tpu.memory_space<vmem_shared>>
        tpu.enqueue_indirect_dma source(%arg11 : memref<128x128xf32, #tpu.memory_space<vmem>>) target(%dma_start3A_176 : memref<10240x128xf32, #tpu.memory_space<vmem_shared>>) offsets(%dma_start3A_173 : memref<128xi32, #tpu.memory_space<vmem>>) semaphore(%arg14 : memref<!tpu.dma_semaphore, #tpu.memory_space<semaphore_mem>>) {add = true}
        %dma_wait3A_177 = arith.constant 4 : i32
        %dma_wait3A_178 = arith.constant 0 : i32
        %dma_wait3A_179 = tpu.memref_slice %arg10[%dma_wait3A_177, %dma_wait3A_178] : memref<8x128xi32, #tpu.memory_space<vmem>> -> memref<1x128xi32, #tpu.memory_space<vmem>>
        %dma_wait3A_180 = tpu.memref_squeeze %dma_wait3A_179 : memref<1x128xi32, #tpu.memory_space<vmem>> -> memref<128xi32, #tpu.memory_space<vmem>>
        %dma_wait3A_181 = arith.constant 0 : i32
        %dma_wait3A_182 = arith.constant 0 : i32
        %dma_wait3A_183 = tpu.memref_slice %arg8[%dma_wait3A_181, %dma_wait3A_182] : memref<10240x128xf32, #tpu.memory_space<vmem_shared>> -> memref<10240x128xf32, #tpu.memory_space<vmem_shared>>
        tpu.wait_indirect_dma semaphore(%arg14 : memref<!tpu.dma_semaphore, #tpu.memory_space<semaphore_mem>>) src(%arg11 : memref<128x128xf32, #tpu.memory_space<vmem>>) dst(%dma_wait3A_183 : memref<10240x128xf32, #tpu.memory_space<vmem_shared>>)
        %dma_start3A_184 = arith.constant 6 : i32
        %dma_start3A_185 = arith.constant 0 : i32
        %dma_start3A_186 = tpu.memref_slice %arg9[%dma_start3A_184, %dma_start3A_185] : memref<8x128xi32, #tpu.memory_space<vmem>> -> memref<1x128xi32, #tpu.memory_space<vmem>>
        %dma_start3A_187 = tpu.memref_squeeze %dma_start3A_186 : memref<1x128xi32, #tpu.memory_space<vmem>> -> memref<128xi32, #tpu.memory_space<vmem>>
        %dma_start3A_188 = arith.constant 0 : i32
        %dma_start3A_189 = arith.constant 0 : i32
        %dma_start3A_190 = tpu.memref_slice %arg2[%dma_start3A_188, %dma_start3A_189] : memref<10000x128xf32, #tpu.memory_space<hbm>> -> memref<10000x128xf32, #tpu.memory_space<hbm>>
        tpu.enqueue_indirect_dma source(%dma_start3A_190 : memref<10000x128xf32, #tpu.memory_space<hbm>>) target(%arg11 : memref<128x128xf32, #tpu.memory_space<vmem>>) offsets(%dma_start3A_187 : memref<128xi32, #tpu.memory_space<vmem>>) semaphore(%arg13 : memref<!tpu.dma_semaphore, #tpu.memory_space<semaphore_mem>>)
        %dma_wait3A_191 = arith.constant 5 : i32
        %dma_wait3A_192 = arith.constant 0 : i32
        %dma_wait3A_193 = tpu.memref_slice %arg9[%dma_wait3A_191, %dma_wait3A_192] : memref<8x128xi32, #tpu.memory_space<vmem>> -> memref<1x128xi32, #tpu.memory_space<vmem>>
        %dma_wait3A_194 = tpu.memref_squeeze %dma_wait3A_193 : memref<1x128xi32, #tpu.memory_space<vmem>> -> memref<128xi32, #tpu.memory_space<vmem>>
        %dma_wait3A_195 = arith.constant 0 : i32
        %dma_wait3A_196 = arith.constant 0 : i32
        %dma_wait3A_197 = tpu.memref_slice %arg2[%dma_wait3A_195, %dma_wait3A_196] : memref<10000x128xf32, #tpu.memory_space<hbm>> -> memref<10000x128xf32, #tpu.memory_space<hbm>>
        tpu.wait_indirect_dma semaphore(%arg13 : memref<!tpu.dma_semaphore, #tpu.memory_space<semaphore_mem>>) src(%dma_wait3A_197 : memref<10000x128xf32, #tpu.memory_space<hbm>>) dst(%arg12 : memref<128x128xf32, #tpu.memory_space<vmem>>)
        %dma_start3A_198 = arith.constant 5 : i32
        %dma_start3A_199 = arith.constant 0 : i32
        %dma_start3A_200 = tpu.memref_slice %arg10[%dma_start3A_198, %dma_start3A_199] : memref<8x128xi32, #tpu.memory_space<vmem>> -> memref<1x128xi32, #tpu.memory_space<vmem>>
        %dma_start3A_201 = tpu.memref_squeeze %dma_start3A_200 : memref<1x128xi32, #tpu.memory_space<vmem>> -> memref<128xi32, #tpu.memory_space<vmem>>
        %dma_start3A_202 = arith.constant 0 : i32
        %dma_start3A_203 = arith.constant 0 : i32
        %dma_start3A_204 = tpu.memref_slice %arg8[%dma_start3A_202, %dma_start3A_203] : memref<10240x128xf32, #tpu.memory_space<vmem_shared>> -> memref<10240x128xf32, #tpu.memory_space<vmem_shared>>
        tpu.enqueue_indirect_dma source(%arg12 : memref<128x128xf32, #tpu.memory_space<vmem>>) target(%dma_start3A_204 : memref<10240x128xf32, #tpu.memory_space<vmem_shared>>) offsets(%dma_start3A_201 : memref<128xi32, #tpu.memory_space<vmem>>) semaphore(%arg14 : memref<!tpu.dma_semaphore, #tpu.memory_space<semaphore_mem>>) {add = true}
        %dma_wait3A_205 = arith.constant 5 : i32
        %dma_wait3A_206 = arith.constant 0 : i32
        %dma_wait3A_207 = tpu.memref_slice %arg10[%dma_wait3A_205, %dma_wait3A_206] : memref<8x128xi32, #tpu.memory_space<vmem>> -> memref<1x128xi32, #tpu.memory_space<vmem>>
        %dma_wait3A_208 = tpu.memref_squeeze %dma_wait3A_207 : memref<1x128xi32, #tpu.memory_space<vmem>> -> memref<128xi32, #tpu.memory_space<vmem>>
        %dma_wait3A_209 = arith.constant 0 : i32
        %dma_wait3A_210 = arith.constant 0 : i32
        %dma_wait3A_211 = tpu.memref_slice %arg8[%dma_wait3A_209, %dma_wait3A_210] : memref<10240x128xf32, #tpu.memory_space<vmem_shared>> -> memref<10240x128xf32, #tpu.memory_space<vmem_shared>>
        tpu.wait_indirect_dma semaphore(%arg14 : memref<!tpu.dma_semaphore, #tpu.memory_space<semaphore_mem>>) src(%arg12 : memref<128x128xf32, #tpu.memory_space<vmem>>) dst(%dma_wait3A_211 : memref<10240x128xf32, #tpu.memory_space<vmem_shared>>)
        %dma_start3A_212 = arith.constant 7 : i32
        %dma_start3A_213 = arith.constant 0 : i32
        %dma_start3A_214 = tpu.memref_slice %arg9[%dma_start3A_212, %dma_start3A_213] : memref<8x128xi32, #tpu.memory_space<vmem>> -> memref<1x128xi32, #tpu.memory_space<vmem>>
        %dma_start3A_215 = tpu.memref_squeeze %dma_start3A_214 : memref<1x128xi32, #tpu.memory_space<vmem>> -> memref<128xi32, #tpu.memory_space<vmem>>
        %dma_start3A_216 = arith.constant 0 : i32
        %dma_start3A_217 = arith.constant 0 : i32
        %dma_start3A_218 = tpu.memref_slice %arg2[%dma_start3A_216, %dma_start3A_217] : memref<10000x128xf32, #tpu.memory_space<hbm>> -> memref<10000x128xf32, #tpu.memory_space<hbm>>
        tpu.enqueue_indirect_dma source(%dma_start3A_218 : memref<10000x128xf32, #tpu.memory_space<hbm>>) target(%arg12 : memref<128x128xf32, #tpu.memory_space<vmem>>) offsets(%dma_start3A_215 : memref<128xi32, #tpu.memory_space<vmem>>) semaphore(%arg13 : memref<!tpu.dma_semaphore, #tpu.memory_space<semaphore_mem>>)
        %dma_wait3A_219 = arith.constant 6 : i32
        %dma_wait3A_220 = arith.constant 0 : i32
        %dma_wait3A_221 = tpu.memref_slice %arg9[%dma_wait3A_219, %dma_wait3A_220] : memref<8x128xi32, #tpu.memory_space<vmem>> -> memref<1x128xi32, #tpu.memory_space<vmem>>
        %dma_wait3A_222 = tpu.memref_squeeze %dma_wait3A_221 : memref<1x128xi32, #tpu.memory_space<vmem>> -> memref<128xi32, #tpu.memory_space<vmem>>
        %dma_wait3A_223 = arith.constant 0 : i32
        %dma_wait3A_224 = arith.constant 0 : i32
        %dma_wait3A_225 = tpu.memref_slice %arg2[%dma_wait3A_223, %dma_wait3A_224] : memref<10000x128xf32, #tpu.memory_space<hbm>> -> memref<10000x128xf32, #tpu.memory_space<hbm>>
        tpu.wait_indirect_dma semaphore(%arg13 : memref<!tpu.dma_semaphore, #tpu.memory_space<semaphore_mem>>) src(%dma_wait3A_225 : memref<10000x128xf32, #tpu.memory_space<hbm>>) dst(%arg11 : memref<128x128xf32, #tpu.memory_space<vmem>>)
        %dma_start3A_226 = arith.constant 6 : i32
        %dma_start3A_227 = arith.constant 0 : i32
        %dma_start3A_228 = tpu.memref_slice %arg10[%dma_start3A_226, %dma_start3A_227] : memref<8x128xi32, #tpu.memory_space<vmem>> -> memref<1x128xi32, #tpu.memory_space<vmem>>
        %dma_start3A_229 = tpu.memref_squeeze %dma_start3A_228 : memref<1x128xi32, #tpu.memory_space<vmem>> -> memref<128xi32, #tpu.memory_space<vmem>>
        %dma_start3A_230 = arith.constant 0 : i32
        %dma_start3A_231 = arith.constant 0 : i32
        %dma_start3A_232 = tpu.memref_slice %arg8[%dma_start3A_230, %dma_start3A_231] : memref<10240x128xf32, #tpu.memory_space<vmem_shared>> -> memref<10240x128xf32, #tpu.memory_space<vmem_shared>>
        tpu.enqueue_indirect_dma source(%arg11 : memref<128x128xf32, #tpu.memory_space<vmem>>) target(%dma_start3A_232 : memref<10240x128xf32, #tpu.memory_space<vmem_shared>>) offsets(%dma_start3A_229 : memref<128xi32, #tpu.memory_space<vmem>>) semaphore(%arg14 : memref<!tpu.dma_semaphore, #tpu.memory_space<semaphore_mem>>) {add = true}
        %dma_wait3A_233 = arith.constant 7 : i32
        %dma_wait3A_234 = arith.constant 0 : i32
        %dma_wait3A_235 = tpu.memref_slice %arg9[%dma_wait3A_233, %dma_wait3A_234] : memref<8x128xi32, #tpu.memory_space<vmem>> -> memref<1x128xi32, #tpu.memory_space<vmem>>
        %dma_wait3A_236 = tpu.memref_squeeze %dma_wait3A_235 : memref<1x128xi32, #tpu.memory_space<vmem>> -> memref<128xi32, #tpu.memory_space<vmem>>
        %dma_wait3A_237 = arith.constant 0 : i32
        %dma_wait3A_238 = arith.constant 0 : i32
        %dma_wait3A_239 = tpu.memref_slice %arg2[%dma_wait3A_237, %dma_wait3A_238] : memref<10000x128xf32, #tpu.memory_space<hbm>> -> memref<10000x128xf32, #tpu.memory_space<hbm>>
        tpu.wait_indirect_dma semaphore(%arg13 : memref<!tpu.dma_semaphore, #tpu.memory_space<semaphore_mem>>) src(%dma_wait3A_239 : memref<10000x128xf32, #tpu.memory_space<hbm>>) dst(%arg12 : memref<128x128xf32, #tpu.memory_space<vmem>>)
        %dma_start3A_240 = arith.constant 7 : i32
        %dma_start3A_241 = arith.constant 0 : i32
        %dma_start3A_242 = tpu.memref_slice %arg10[%dma_start3A_240, %dma_start3A_241] : memref<8x128xi32, #tpu.memory_space<vmem>> -> memref<1x128xi32, #tpu.memory_space<vmem>>
        %dma_start3A_243 = tpu.memref_squeeze %dma_start3A_242 : memref<1x128xi32, #tpu.memory_space<vmem>> -> memref<128xi32, #tpu.memory_space<vmem>>
        %dma_start3A_244 = arith.constant 0 : i32
        %dma_start3A_245 = arith.constant 0 : i32
        %dma_start3A_246 = tpu.memref_slice %arg8[%dma_start3A_244, %dma_start3A_245] : memref<10240x128xf32, #tpu.memory_space<vmem_shared>> -> memref<10240x128xf32, #tpu.memory_space<vmem_shared>>
        tpu.enqueue_indirect_dma source(%arg12 : memref<128x128xf32, #tpu.memory_space<vmem>>) target(%dma_start3A_246 : memref<10240x128xf32, #tpu.memory_space<vmem_shared>>) offsets(%dma_start3A_243 : memref<128xi32, #tpu.memory_space<vmem>>) semaphore(%arg14 : memref<!tpu.dma_semaphore, #tpu.memory_space<semaphore_mem>>) {add = true}
        %dma_wait3A_247 = arith.constant 6 : i32
        %dma_wait3A_248 = arith.constant 0 : i32
        %dma_wait3A_249 = tpu.memref_slice %arg10[%dma_wait3A_247, %dma_wait3A_248] : memref<8x128xi32, #tpu.memory_space<vmem>> -> memref<1x128xi32, #tpu.memory_space<vmem>>
        %dma_wait3A_250 = tpu.memref_squeeze %dma_wait3A_249 : memref<1x128xi32, #tpu.memory_space<vmem>> -> memref<128xi32, #tpu.memory_space<vmem>>
        %dma_wait3A_251 = arith.constant 0 : i32
        %dma_wait3A_252 = arith.constant 0 : i32
        %dma_wait3A_253 = tpu.memref_slice %arg8[%dma_wait3A_251, %dma_wait3A_252] : memref<10240x128xf32, #tpu.memory_space<vmem_shared>> -> memref<10240x128xf32, #tpu.memory_space<vmem_shared>>
        tpu.wait_indirect_dma semaphore(%arg14 : memref<!tpu.dma_semaphore, #tpu.memory_space<semaphore_mem>>) src(%arg11 : memref<128x128xf32, #tpu.memory_space<vmem>>) dst(%dma_wait3A_253 : memref<10240x128xf32, #tpu.memory_space<vmem_shared>>)
        %dma_wait3A_254 = arith.constant 7 : i32
        %dma_wait3A_255 = arith.constant 0 : i32
        %dma_wait3A_256 = tpu.memref_slice %arg10[%dma_wait3A_254, %dma_wait3A_255] : memref<8x128xi32, #tpu.memory_space<vmem>> -> memref<1x128xi32, #tpu.memory_space<vmem>>
        %dma_wait3A_257 = tpu.memref_squeeze %dma_wait3A_256 : memref<1x128xi32, #tpu.memory_space<vmem>> -> memref<128xi32, #tpu.memory_space<vmem>>
        %dma_wait3A_258 = arith.constant 0 : i32
        %dma_wait3A_259 = arith.constant 0 : i32
        %dma_wait3A_260 = tpu.memref_slice %arg8[%dma_wait3A_258, %dma_wait3A_259] : memref<10240x128xf32, #tpu.memory_space<vmem_shared>> -> memref<10240x128xf32, #tpu.memory_space<vmem_shared>>
        tpu.wait_indirect_dma semaphore(%arg14 : memref<!tpu.dma_semaphore, #tpu.memory_space<semaphore_mem>>) src(%arg12 : memref<128x128xf32, #tpu.memory_space<vmem>>) dst(%dma_wait3A_260 : memref<10240x128xf32, #tpu.memory_space<vmem_shared>>)
      }
      %while3A_25 = arith.constant 1 : i32
      scf.for %while3A_31 = %while3A_23 to %while3A_19 step %while3A_25  : i32 {
        %mul3A_32 = arith.muli %while3A_31, %while3A : i32
        %add3A_33 = arith.addi %while3A_16, %mul3A_32 : i32
        %mul3A_34 = arith.constant 16 : i32
        %mul3A_35 = arith.muli %add3A_33, %mul3A_34 : i32
        %add3A_36 = arith.addi %arg1, %mul3A_35 : i32
        %mul3A_37 = arith.constant 8 : i32
        %mul3A_38 = arith.muli %add3A_36, %mul3A_37 : i32
        "tpu.region"() ({
          %run_scoped3A = tpu.sem_alloc : memref<!tpu.dma_semaphore, #tpu.memory_space<semaphore_mem>>
          %dma_start3A_261 = arith.constant 0 : i32
          %dma_start3A_262 = arith.constant 0 : i32
          %dma_start3A_263 = tpu.memref_slice %arg9[%dma_start3A_261, %dma_start3A_262] : memref<8x128xi32, #tpu.memory_space<vmem>> -> memref<8x128xi32, #tpu.memory_space<vmem>>
          %dma_start3A_264 = arith.constant 0 : i32
          %dma_start3A_265 = tpu.memref_slice %arg4[%mul3A_38, %dma_start3A_264] : memref<2500x128xi32, #tpu.memory_space<hbm>> -> memref<8x128xi32, #tpu.memory_space<hbm>>
          %dma_start3A_266 = arith.constant 0 : i32
          %dma_start3A_267 = arith.constant 0 : i32
          %dma_start3A_268 = tpu.memref_slice %arg9[%dma_start3A_266, %dma_start3A_267] : memref<8x128xi32, #tpu.memory_space<vmem>> -> memref<8x128xi32, #tpu.memory_space<vmem>>
          %dma_start3A_269 = arith.constant 0 : i32
          %dma_start3A_270 = tpu.memref_slice %arg4[%mul3A_38, %dma_start3A_269] : memref<2500x128xi32, #tpu.memory_space<hbm>> -> memref<8x128xi32, #tpu.memory_space<hbm>>
          tpu.enqueue_dma source(%dma_start3A_270 : memref<8x128xi32, #tpu.memory_space<hbm>>) target(%dma_start3A_268 : memref<8x128xi32, #tpu.memory_space<vmem>>) target_semaphore(%run_scoped3A : memref<!tpu.dma_semaphore, #tpu.memory_space<semaphore_mem>>)
          %dma_wait3A_271 = arith.constant 0 : i32
          %dma_wait3A_272 = arith.constant 0 : i32
          %dma_wait3A_273 = tpu.memref_slice %arg9[%dma_wait3A_271, %dma_wait3A_272] : memref<8x128xi32, #tpu.memory_space<vmem>> -> memref<8x128xi32, #tpu.memory_space<vmem>>
          %dma_wait3A_274 = arith.constant 0 : i32
          %dma_wait3A_275 = tpu.memref_slice %arg4[%mul3A_38, %dma_wait3A_274] : memref<2500x128xi32, #tpu.memory_space<hbm>> -> memref<8x128xi32, #tpu.memory_space<hbm>>
          %dma_wait3A_276 = arith.constant 0 : i32
          %dma_wait3A_277 = arith.constant 0 : i32
          %dma_wait3A_278 = tpu.memref_slice %arg9[%dma_wait3A_276, %dma_wait3A_277] : memref<8x128xi32, #tpu.memory_space<vmem>> -> memref<8x128xi32, #tpu.memory_space<vmem>>
          %dma_wait3A_279 = arith.constant 0 : i32
          %dma_wait3A_280 = tpu.memref_slice %arg4[%mul3A_38, %dma_wait3A_279] : memref<2500x128xi32, #tpu.memory_space<hbm>> -> memref<8x128xi32, #tpu.memory_space<hbm>>
          tpu.wait_dma2 semaphore(%run_scoped3A : memref<!tpu.dma_semaphore, #tpu.memory_space<semaphore_mem>>) src(%dma_wait3A_280 : memref<8x128xi32, #tpu.memory_space<hbm>>) dst(%dma_wait3A_278 : memref<8x128xi32, #tpu.memory_space<vmem>>)
          tpu.yield
        }) : () -> ()
        "tpu.region"() ({
          %run_scoped3A = tpu.sem_alloc : memref<!tpu.dma_semaphore, #tpu.memory_space<semaphore_mem>>
          %dma_start3A_261 = arith.constant 0 : i32
          %dma_start3A_262 = arith.constant 0 : i32
          %dma_start3A_263 = tpu.memref_slice %arg10[%dma_start3A_261, %dma_start3A_262] : memref<8x128xi32, #tpu.memory_space<vmem>> -> memref<8x128xi32, #tpu.memory_space<vmem>>
          %dma_start3A_264 = arith.constant 0 : i32
          %dma_start3A_265 = tpu.memref_slice %arg5[%mul3A_38, %dma_start3A_264] : memref<2500x128xi32, #tpu.memory_space<hbm>> -> memref<8x128xi32, #tpu.memory_space<hbm>>
          %dma_start3A_266 = arith.constant 0 : i32
          %dma_start3A_267 = arith.constant 0 : i32
          %dma_start3A_268 = tpu.memref_slice %arg10[%dma_start3A_266, %dma_start3A_267] : memref<8x128xi32, #tpu.memory_space<vmem>> -> memref<8x128xi32, #tpu.memory_space<vmem>>
          %dma_start3A_269 = arith.constant 0 : i32
          %dma_start3A_270 = tpu.memref_slice %arg5[%mul3A_38, %dma_start3A_269] : memref<2500x128xi32, #tpu.memory_space<hbm>> -> memref<8x128xi32, #tpu.memory_space<hbm>>
          tpu.enqueue_dma source(%dma_start3A_270 : memref<8x128xi32, #tpu.memory_space<hbm>>) target(%dma_start3A_268 : memref<8x128xi32, #tpu.memory_space<vmem>>) target_semaphore(%run_scoped3A : memref<!tpu.dma_semaphore, #tpu.memory_space<semaphore_mem>>)
          %dma_wait3A_271 = arith.constant 0 : i32
          %dma_wait3A_272 = arith.constant 0 : i32
          %dma_wait3A_273 = tpu.memref_slice %arg10[%dma_wait3A_271, %dma_wait3A_272] : memref<8x128xi32, #tpu.memory_space<vmem>> -> memref<8x128xi32, #tpu.memory_space<vmem>>
          %dma_wait3A_274 = arith.constant 0 : i32
          %dma_wait3A_275 = tpu.memref_slice %arg5[%mul3A_38, %dma_wait3A_274] : memref<2500x128xi32, #tpu.memory_space<hbm>> -> memref<8x128xi32, #tpu.memory_space<hbm>>
          %dma_wait3A_276 = arith.constant 0 : i32
          %dma_wait3A_277 = arith.constant 0 : i32
          %dma_wait3A_278 = tpu.memref_slice %arg10[%dma_wait3A_276, %dma_wait3A_277] : memref<8x128xi32, #tpu.memory_space<vmem>> -> memref<8x128xi32, #tpu.memory_space<vmem>>
          %dma_wait3A_279 = arith.constant 0 : i32
          %dma_wait3A_280 = tpu.memref_slice %arg5[%mul3A_38, %dma_wait3A_279] : memref<2500x128xi32, #tpu.memory_space<hbm>> -> memref<8x128xi32, #tpu.memory_space<hbm>>
          tpu.wait_dma2 semaphore(%run_scoped3A : memref<!tpu.dma_semaphore, #tpu.memory_space<semaphore_mem>>) src(%dma_wait3A_280 : memref<8x128xi32, #tpu.memory_space<hbm>>) dst(%dma_wait3A_278 : memref<8x128xi32, #tpu.memory_space<vmem>>)
          tpu.yield
        }) : () -> ()
        %dma_start3A = arith.constant 0 : i32
        %dma_start3A_39 = arith.constant 0 : i32
        %dma_start3A_40 = tpu.memref_slice %arg9[%dma_start3A, %dma_start3A_39] : memref<8x128xi32, #tpu.memory_space<vmem>> -> memref<1x128xi32, #tpu.memory_space<vmem>>
        %dma_start3A_41 = tpu.memref_squeeze %dma_start3A_40 : memref<1x128xi32, #tpu.memory_space<vmem>> -> memref<128xi32, #tpu.memory_space<vmem>>
        %dma_start3A_42 = arith.constant 0 : i32
        %dma_start3A_43 = arith.constant 0 : i32
        %dma_start3A_44 = tpu.memref_slice %arg2[%dma_start3A_42, %dma_start3A_43] : memref<10000x128xf32, #tpu.memory_space<hbm>> -> memref<10000x128xf32, #tpu.memory_space<hbm>>
        tpu.enqueue_indirect_dma source(%dma_start3A_44 : memref<10000x128xf32, #tpu.memory_space<hbm>>) target(%arg11 : memref<128x128xf32, #tpu.memory_space<vmem>>) offsets(%dma_start3A_41 : memref<128xi32, #tpu.memory_space<vmem>>) semaphore(%arg13 : memref<!tpu.dma_semaphore, #tpu.memory_space<semaphore_mem>>)
        %dma_start3A_45 = arith.constant 1 : i32
        %dma_start3A_46 = arith.constant 0 : i32
        %dma_start3A_47 = tpu.memref_slice %arg9[%dma_start3A_45, %dma_start3A_46] : memref<8x128xi32, #tpu.memory_space<vmem>> -> memref<1x128xi32, #tpu.memory_space<vmem>>
        %dma_start3A_48 = tpu.memref_squeeze %dma_start3A_47 : memref<1x128xi32, #tpu.memory_space<vmem>> -> memref<128xi32, #tpu.memory_space<vmem>>
        %dma_start3A_49 = arith.constant 0 : i32
        %dma_start3A_50 = arith.constant 0 : i32
        %dma_start3A_51 = tpu.memref_slice %arg2[%dma_start3A_49, %dma_start3A_50] : memref<10000x128xf32, #tpu.memory_space<hbm>> -> memref<10000x128xf32, #tpu.memory_space<hbm>>
        tpu.enqueue_indirect_dma source(%dma_start3A_51 : memref<10000x128xf32, #tpu.memory_space<hbm>>) target(%arg12 : memref<128x128xf32, #tpu.memory_space<vmem>>) offsets(%dma_start3A_48 : memref<128xi32, #tpu.memory_space<vmem>>) semaphore(%arg13 : memref<!tpu.dma_semaphore, #tpu.memory_space<semaphore_mem>>)
        %dma_wait3A = arith.constant 0 : i32
        %dma_wait3A_52 = arith.constant 0 : i32
        %dma_wait3A_53 = tpu.memref_slice %arg9[%dma_wait3A, %dma_wait3A_52] : memref<8x128xi32, #tpu.memory_space<vmem>> -> memref<1x128xi32, #tpu.memory_space<vmem>>
        %dma_wait3A_54 = tpu.memref_squeeze %dma_wait3A_53 : memref<1x128xi32, #tpu.memory_space<vmem>> -> memref<128xi32, #tpu.memory_space<vmem>>
        %dma_wait3A_55 = arith.constant 0 : i32
        %dma_wait3A_56 = arith.constant 0 : i32
        %dma_wait3A_57 = tpu.memref_slice %arg2[%dma_wait3A_55, %dma_wait3A_56] : memref<10000x128xf32, #tpu.memory_space<hbm>> -> memref<10000x128xf32, #tpu.memory_space<hbm>>
        tpu.wait_indirect_dma semaphore(%arg13 : memref<!tpu.dma_semaphore, #tpu.memory_space<semaphore_mem>>) src(%dma_wait3A_57 : memref<10000x128xf32, #tpu.memory_space<hbm>>) dst(%arg11 : memref<128x128xf32, #tpu.memory_space<vmem>>)
        %dma_start3A_58 = arith.constant 0 : i32
        %dma_start3A_59 = arith.constant 0 : i32
        %dma_start3A_60 = tpu.memref_slice %arg10[%dma_start3A_58, %dma_start3A_59] : memref<8x128xi32, #tpu.memory_space<vmem>> -> memref<1x128xi32, #tpu.memory_space<vmem>>
        %dma_start3A_61 = tpu.memref_squeeze %dma_start3A_60 : memref<1x128xi32, #tpu.memory_space<vmem>> -> memref<128xi32, #tpu.memory_space<vmem>>
        %dma_start3A_62 = arith.constant 0 : i32
        %dma_start3A_63 = arith.constant 0 : i32
        %dma_start3A_64 = tpu.memref_slice %arg8[%dma_start3A_62, %dma_start3A_63] : memref<10240x128xf32, #tpu.memory_space<vmem_shared>> -> memref<10240x128xf32, #tpu.memory_space<vmem_shared>>
        tpu.enqueue_indirect_dma source(%arg11 : memref<128x128xf32, #tpu.memory_space<vmem>>) target(%dma_start3A_64 : memref<10240x128xf32, #tpu.memory_space<vmem_shared>>) offsets(%dma_start3A_61 : memref<128xi32, #tpu.memory_space<vmem>>) semaphore(%arg14 : memref<!tpu.dma_semaphore, #tpu.memory_space<semaphore_mem>>) {add = true}
        %dma_wait3A_65 = arith.constant 0 : i32
        %dma_wait3A_66 = arith.constant 0 : i32
        %dma_wait3A_67 = tpu.memref_slice %arg10[%dma_wait3A_65, %dma_wait3A_66] : memref<8x128xi32, #tpu.memory_space<vmem>> -> memref<1x128xi32, #tpu.memory_space<vmem>>
        %dma_wait3A_68 = tpu.memref_squeeze %dma_wait3A_67 : memref<1x128xi32, #tpu.memory_space<vmem>> -> memref<128xi32, #tpu.memory_space<vmem>>
        %dma_wait3A_69 = arith.constant 0 : i32
        %dma_wait3A_70 = arith.constant 0 : i32
        %dma_wait3A_71 = tpu.memref_slice %arg8[%dma_wait3A_69, %dma_wait3A_70] : memref<10240x128xf32, #tpu.memory_space<vmem_shared>> -> memref<10240x128xf32, #tpu.memory_space<vmem_shared>>
        tpu.wait_indirect_dma semaphore(%arg14 : memref<!tpu.dma_semaphore, #tpu.memory_space<semaphore_mem>>) src(%arg11 : memref<128x128xf32, #tpu.memory_space<vmem>>) dst(%dma_wait3A_71 : memref<10240x128xf32, #tpu.memory_space<vmem_shared>>)
        %dma_start3A_72 = arith.constant 2 : i32
        %dma_start3A_73 = arith.constant 0 : i32
        %dma_start3A_74 = tpu.memref_slice %arg9[%dma_start3A_72, %dma_start3A_73] : memref<8x128xi32, #tpu.memory_space<vmem>> -> memref<1x128xi32, #tpu.memory_space<vmem>>
        %dma_start3A_75 = tpu.memref_squeeze %dma_start3A_74 : memref<1x128xi32, #tpu.memory_space<vmem>> -> memref<128xi32, #tpu.memory_space<vmem>>
        %dma_start3A_76 = arith.constant 0 : i32
        %dma_start3A_77 = arith.constant 0 : i32
        %dma_start3A_78 = tpu.memref_slice %arg2[%dma_start3A_76, %dma_start3A_77] : memref<10000x128xf32, #tpu.memory_space<hbm>> -> memref<10000x128xf32, #tpu.memory_space<hbm>>
        tpu.enqueue_indirect_dma source(%dma_start3A_78 : memref<10000x128xf32, #tpu.memory_space<hbm>>) target(%arg11 : memref<128x128xf32, #tpu.memory_space<vmem>>) offsets(%dma_start3A_75 : memref<128xi32, #tpu.memory_space<vmem>>) semaphore(%arg13 : memref<!tpu.dma_semaphore, #tpu.memory_space<semaphore_mem>>)
        %dma_wait3A_79 = arith.constant 1 : i32
        %dma_wait3A_80 = arith.constant 0 : i32
        %dma_wait3A_81 = tpu.memref_slice %arg9[%dma_wait3A_79, %dma_wait3A_80] : memref<8x128xi32, #tpu.memory_space<vmem>> -> memref<1x128xi32, #tpu.memory_space<vmem>>
        %dma_wait3A_82 = tpu.memref_squeeze %dma_wait3A_81 : memref<1x128xi32, #tpu.memory_space<vmem>> -> memref<128xi32, #tpu.memory_space<vmem>>
        %dma_wait3A_83 = arith.constant 0 : i32
        %dma_wait3A_84 = arith.constant 0 : i32
        %dma_wait3A_85 = tpu.memref_slice %arg2[%dma_wait3A_83, %dma_wait3A_84] : memref<10000x128xf32, #tpu.memory_space<hbm>> -> memref<10000x128xf32, #tpu.memory_space<hbm>>
        tpu.wait_indirect_dma semaphore(%arg13 : memref<!tpu.dma_semaphore, #tpu.memory_space<semaphore_mem>>) src(%dma_wait3A_85 : memref<10000x128xf32, #tpu.memory_space<hbm>>) dst(%arg12 : memref<128x128xf32, #tpu.memory_space<vmem>>)
        %dma_start3A_86 = arith.constant 1 : i32
        %dma_start3A_87 = arith.constant 0 : i32
        %dma_start3A_88 = tpu.memref_slice %arg10[%dma_start3A_86, %dma_start3A_87] : memref<8x128xi32, #tpu.memory_space<vmem>> -> memref<1x128xi32, #tpu.memory_space<vmem>>
        %dma_start3A_89 = tpu.memref_squeeze %dma_start3A_88 : memref<1x128xi32, #tpu.memory_space<vmem>> -> memref<128xi32, #tpu.memory_space<vmem>>
        %dma_start3A_90 = arith.constant 0 : i32
        %dma_start3A_91 = arith.constant 0 : i32
        %dma_start3A_92 = tpu.memref_slice %arg8[%dma_start3A_90, %dma_start3A_91] : memref<10240x128xf32, #tpu.memory_space<vmem_shared>> -> memref<10240x128xf32, #tpu.memory_space<vmem_shared>>
        tpu.enqueue_indirect_dma source(%arg12 : memref<128x128xf32, #tpu.memory_space<vmem>>) target(%dma_start3A_92 : memref<10240x128xf32, #tpu.memory_space<vmem_shared>>) offsets(%dma_start3A_89 : memref<128xi32, #tpu.memory_space<vmem>>) semaphore(%arg14 : memref<!tpu.dma_semaphore, #tpu.memory_space<semaphore_mem>>) {add = true}
        %dma_wait3A_93 = arith.constant 1 : i32
        %dma_wait3A_94 = arith.constant 0 : i32
        %dma_wait3A_95 = tpu.memref_slice %arg10[%dma_wait3A_93, %dma_wait3A_94] : memref<8x128xi32, #tpu.memory_space<vmem>> -> memref<1x128xi32, #tpu.memory_space<vmem>>
        %dma_wait3A_96 = tpu.memref_squeeze %dma_wait3A_95 : memref<1x128xi32, #tpu.memory_space<vmem>> -> memref<128xi32, #tpu.memory_space<vmem>>
        %dma_wait3A_97 = arith.constant 0 : i32
        %dma_wait3A_98 = arith.constant 0 : i32
        %dma_wait3A_99 = tpu.memref_slice %arg8[%dma_wait3A_97, %dma_wait3A_98] : memref<10240x128xf32, #tpu.memory_space<vmem_shared>> -> memref<10240x128xf32, #tpu.memory_space<vmem_shared>>
        tpu.wait_indirect_dma semaphore(%arg14 : memref<!tpu.dma_semaphore, #tpu.memory_space<semaphore_mem>>) src(%arg12 : memref<128x128xf32, #tpu.memory_space<vmem>>) dst(%dma_wait3A_99 : memref<10240x128xf32, #tpu.memory_space<vmem_shared>>)
        %dma_start3A_100 = arith.constant 3 : i32
        %dma_start3A_101 = arith.constant 0 : i32
        %dma_start3A_102 = tpu.memref_slice %arg9[%dma_start3A_100, %dma_start3A_101] : memref<8x128xi32, #tpu.memory_space<vmem>> -> memref<1x128xi32, #tpu.memory_space<vmem>>
        %dma_start3A_103 = tpu.memref_squeeze %dma_start3A_102 : memref<1x128xi32, #tpu.memory_space<vmem>> -> memref<128xi32, #tpu.memory_space<vmem>>
        %dma_start3A_104 = arith.constant 0 : i32
        %dma_start3A_105 = arith.constant 0 : i32
        %dma_start3A_106 = tpu.memref_slice %arg2[%dma_start3A_104, %dma_start3A_105] : memref<10000x128xf32, #tpu.memory_space<hbm>> -> memref<10000x128xf32, #tpu.memory_space<hbm>>
        tpu.enqueue_indirect_dma source(%dma_start3A_106 : memref<10000x128xf32, #tpu.memory_space<hbm>>) target(%arg12 : memref<128x128xf32, #tpu.memory_space<vmem>>) offsets(%dma_start3A_103 : memref<128xi32, #tpu.memory_space<vmem>>) semaphore(%arg13 : memref<!tpu.dma_semaphore, #tpu.memory_space<semaphore_mem>>)
        %dma_wait3A_107 = arith.constant 2 : i32
        %dma_wait3A_108 = arith.constant 0 : i32
        %dma_wait3A_109 = tpu.memref_slice %arg9[%dma_wait3A_107, %dma_wait3A_108] : memref<8x128xi32, #tpu.memory_space<vmem>> -> memref<1x128xi32, #tpu.memory_space<vmem>>
        %dma_wait3A_110 = tpu.memref_squeeze %dma_wait3A_109 : memref<1x128xi32, #tpu.memory_space<vmem>> -> memref<128xi32, #tpu.memory_space<vmem>>
        %dma_wait3A_111 = arith.constant 0 : i32
        %dma_wait3A_112 = arith.constant 0 : i32
        %dma_wait3A_113 = tpu.memref_slice %arg2[%dma_wait3A_111, %dma_wait3A_112] : memref<10000x128xf32, #tpu.memory_space<hbm>> -> memref<10000x128xf32, #tpu.memory_space<hbm>>
        tpu.wait_indirect_dma semaphore(%arg13 : memref<!tpu.dma_semaphore, #tpu.memory_space<semaphore_mem>>) src(%dma_wait3A_113 : memref<10000x128xf32, #tpu.memory_space<hbm>>) dst(%arg11 : memref<128x128xf32, #tpu.memory_space<vmem>>)
        %dma_start3A_114 = arith.constant 2 : i32
        %dma_start3A_115 = arith.constant 0 : i32
        %dma_start3A_116 = tpu.memref_slice %arg10[%dma_start3A_114, %dma_start3A_115] : memref<8x128xi32, #tpu.memory_space<vmem>> -> memref<1x128xi32, #tpu.memory_space<vmem>>
        %dma_start3A_117 = tpu.memref_squeeze %dma_start3A_116 : memref<1x128xi32, #tpu.memory_space<vmem>> -> memref<128xi32, #tpu.memory_space<vmem>>
        %dma_start3A_118 = arith.constant 0 : i32
        %dma_start3A_119 = arith.constant 0 : i32
        %dma_start3A_120 = tpu.memref_slice %arg8[%dma_start3A_118, %dma_start3A_119] : memref<10240x128xf32, #tpu.memory_space<vmem_shared>> -> memref<10240x128xf32, #tpu.memory_space<vmem_shared>>
        tpu.enqueue_indirect_dma source(%arg11 : memref<128x128xf32, #tpu.memory_space<vmem>>) target(%dma_start3A_120 : memref<10240x128xf32, #tpu.memory_space<vmem_shared>>) offsets(%dma_start3A_117 : memref<128xi32, #tpu.memory_space<vmem>>) semaphore(%arg14 : memref<!tpu.dma_semaphore, #tpu.memory_space<semaphore_mem>>) {add = true}
        %dma_wait3A_121 = arith.constant 2 : i32
        %dma_wait3A_122 = arith.constant 0 : i32
        %dma_wait3A_123 = tpu.memref_slice %arg10[%dma_wait3A_121, %dma_wait3A_122] : memref<8x128xi32, #tpu.memory_space<vmem>> -> memref<1x128xi32, #tpu.memory_space<vmem>>
        %dma_wait3A_124 = tpu.memref_squeeze %dma_wait3A_123 : memref<1x128xi32, #tpu.memory_space<vmem>> -> memref<128xi32, #tpu.memory_space<vmem>>
        %dma_wait3A_125 = arith.constant 0 : i32
        %dma_wait3A_126 = arith.constant 0 : i32
        %dma_wait3A_127 = tpu.memref_slice %arg8[%dma_wait3A_125, %dma_wait3A_126] : memref<10240x128xf32, #tpu.memory_space<vmem_shared>> -> memref<10240x128xf32, #tpu.memory_space<vmem_shared>>
        tpu.wait_indirect_dma semaphore(%arg14 : memref<!tpu.dma_semaphore, #tpu.memory_space<semaphore_mem>>) src(%arg11 : memref<128x128xf32, #tpu.memory_space<vmem>>) dst(%dma_wait3A_127 : memref<10240x128xf32, #tpu.memory_space<vmem_shared>>)
        %dma_start3A_128 = arith.constant 4 : i32
        %dma_start3A_129 = arith.constant 0 : i32
        %dma_start3A_130 = tpu.memref_slice %arg9[%dma_start3A_128, %dma_start3A_129] : memref<8x128xi32, #tpu.memory_space<vmem>> -> memref<1x128xi32, #tpu.memory_space<vmem>>
        %dma_start3A_131 = tpu.memref_squeeze %dma_start3A_130 : memref<1x128xi32, #tpu.memory_space<vmem>> -> memref<128xi32, #tpu.memory_space<vmem>>
        %dma_start3A_132 = arith.constant 0 : i32
        %dma_start3A_133 = arith.constant 0 : i32
        %dma_start3A_134 = tpu.memref_slice %arg2[%dma_start3A_132, %dma_start3A_133] : memref<10000x128xf32, #tpu.memory_space<hbm>> -> memref<10000x128xf32, #tpu.memory_space<hbm>>
        tpu.enqueue_indirect_dma source(%dma_start3A_134 : memref<10000x128xf32, #tpu.memory_space<hbm>>) target(%arg11 : memref<128x128xf32, #tpu.memory_space<vmem>>) offsets(%dma_start3A_131 : memref<128xi32, #tpu.memory_space<vmem>>) semaphore(%arg13 : memref<!tpu.dma_semaphore, #tpu.memory_space<semaphore_mem>>)
        %dma_wait3A_135 = arith.constant 3 : i32
        %dma_wait3A_136 = arith.constant 0 : i32
        %dma_wait3A_137 = tpu.memref_slice %arg9[%dma_wait3A_135, %dma_wait3A_136] : memref<8x128xi32, #tpu.memory_space<vmem>> -> memref<1x128xi32, #tpu.memory_space<vmem>>
        %dma_wait3A_138 = tpu.memref_squeeze %dma_wait3A_137 : memref<1x128xi32, #tpu.memory_space<vmem>> -> memref<128xi32, #tpu.memory_space<vmem>>
        %dma_wait3A_139 = arith.constant 0 : i32
        %dma_wait3A_140 = arith.constant 0 : i32
        %dma_wait3A_141 = tpu.memref_slice %arg2[%dma_wait3A_139, %dma_wait3A_140] : memref<10000x128xf32, #tpu.memory_space<hbm>> -> memref<10000x128xf32, #tpu.memory_space<hbm>>
        tpu.wait_indirect_dma semaphore(%arg13 : memref<!tpu.dma_semaphore, #tpu.memory_space<semaphore_mem>>) src(%dma_wait3A_141 : memref<10000x128xf32, #tpu.memory_space<hbm>>) dst(%arg12 : memref<128x128xf32, #tpu.memory_space<vmem>>)
        %dma_start3A_142 = arith.constant 3 : i32
        %dma_start3A_143 = arith.constant 0 : i32
        %dma_start3A_144 = tpu.memref_slice %arg10[%dma_start3A_142, %dma_start3A_143] : memref<8x128xi32, #tpu.memory_space<vmem>> -> memref<1x128xi32, #tpu.memory_space<vmem>>
        %dma_start3A_145 = tpu.memref_squeeze %dma_start3A_144 : memref<1x128xi32, #tpu.memory_space<vmem>> -> memref<128xi32, #tpu.memory_space<vmem>>
        %dma_start3A_146 = arith.constant 0 : i32
        %dma_start3A_147 = arith.constant 0 : i32
        %dma_start3A_148 = tpu.memref_slice %arg8[%dma_start3A_146, %dma_start3A_147] : memref<10240x128xf32, #tpu.memory_space<vmem_shared>> -> memref<10240x128xf32, #tpu.memory_space<vmem_shared>>
        tpu.enqueue_indirect_dma source(%arg12 : memref<128x128xf32, #tpu.memory_space<vmem>>) target(%dma_start3A_148 : memref<10240x128xf32, #tpu.memory_space<vmem_shared>>) offsets(%dma_start3A_145 : memref<128xi32, #tpu.memory_space<vmem>>) semaphore(%arg14 : memref<!tpu.dma_semaphore, #tpu.memory_space<semaphore_mem>>) {add = true}
        %dma_wait3A_149 = arith.constant 3 : i32
        %dma_wait3A_150 = arith.constant 0 : i32
        %dma_wait3A_151 = tpu.memref_slice %arg10[%dma_wait3A_149, %dma_wait3A_150] : memref<8x128xi32, #tpu.memory_space<vmem>> -> memref<1x128xi32, #tpu.memory_space<vmem>>
        %dma_wait3A_152 = tpu.memref_squeeze %dma_wait3A_151 : memref<1x128xi32, #tpu.memory_space<vmem>> -> memref<128xi32, #tpu.memory_space<vmem>>
        %dma_wait3A_153 = arith.constant 0 : i32
        %dma_wait3A_154 = arith.constant 0 : i32
        %dma_wait3A_155 = tpu.memref_slice %arg8[%dma_wait3A_153, %dma_wait3A_154] : memref<10240x128xf32, #tpu.memory_space<vmem_shared>> -> memref<10240x128xf32, #tpu.memory_space<vmem_shared>>
        tpu.wait_indirect_dma semaphore(%arg14 : memref<!tpu.dma_semaphore, #tpu.memory_space<semaphore_mem>>) src(%arg12 : memref<128x128xf32, #tpu.memory_space<vmem>>) dst(%dma_wait3A_155 : memref<10240x128xf32, #tpu.memory_space<vmem_shared>>)
        %dma_start3A_156 = arith.constant 5 : i32
        %dma_start3A_157 = arith.constant 0 : i32
        %dma_start3A_158 = tpu.memref_slice %arg9[%dma_start3A_156, %dma_start3A_157] : memref<8x128xi32, #tpu.memory_space<vmem>> -> memref<1x128xi32, #tpu.memory_space<vmem>>
        %dma_start3A_159 = tpu.memref_squeeze %dma_start3A_158 : memref<1x128xi32, #tpu.memory_space<vmem>> -> memref<128xi32, #tpu.memory_space<vmem>>
        %dma_start3A_160 = arith.constant 0 : i32
        %dma_start3A_161 = arith.constant 0 : i32
        %dma_start3A_162 = tpu.memref_slice %arg2[%dma_start3A_160, %dma_start3A_161] : memref<10000x128xf32, #tpu.memory_space<hbm>> -> memref<10000x128xf32, #tpu.memory_space<hbm>>
        tpu.enqueue_indirect_dma source(%dma_start3A_162 : memref<10000x128xf32, #tpu.memory_space<hbm>>) target(%arg12 : memref<128x128xf32, #tpu.memory_space<vmem>>) offsets(%dma_start3A_159 : memref<128xi32, #tpu.memory_space<vmem>>) semaphore(%arg13 : memref<!tpu.dma_semaphore, #tpu.memory_space<semaphore_mem>>)
        %dma_wait3A_163 = arith.constant 4 : i32
        %dma_wait3A_164 = arith.constant 0 : i32
        %dma_wait3A_165 = tpu.memref_slice %arg9[%dma_wait3A_163, %dma_wait3A_164] : memref<8x128xi32, #tpu.memory_space<vmem>> -> memref<1x128xi32, #tpu.memory_space<vmem>>
        %dma_wait3A_166 = tpu.memref_squeeze %dma_wait3A_165 : memref<1x128xi32, #tpu.memory_space<vmem>> -> memref<128xi32, #tpu.memory_space<vmem>>
        %dma_wait3A_167 = arith.constant 0 : i32
        %dma_wait3A_168 = arith.constant 0 : i32
        %dma_wait3A_169 = tpu.memref_slice %arg2[%dma_wait3A_167, %dma_wait3A_168] : memref<10000x128xf32, #tpu.memory_space<hbm>> -> memref<10000x128xf32, #tpu.memory_space<hbm>>
        tpu.wait_indirect_dma semaphore(%arg13 : memref<!tpu.dma_semaphore, #tpu.memory_space<semaphore_mem>>) src(%dma_wait3A_169 : memref<10000x128xf32, #tpu.memory_space<hbm>>) dst(%arg11 : memref<128x128xf32, #tpu.memory_space<vmem>>)
        %dma_start3A_170 = arith.constant 4 : i32
        %dma_start3A_171 = arith.constant 0 : i32
        %dma_start3A_172 = tpu.memref_slice %arg10[%dma_start3A_170, %dma_start3A_171] : memref<8x128xi32, #tpu.memory_space<vmem>> -> memref<1x128xi32, #tpu.memory_space<vmem>>
        %dma_start3A_173 = tpu.memref_squeeze %dma_start3A_172 : memref<1x128xi32, #tpu.memory_space<vmem>> -> memref<128xi32, #tpu.memory_space<vmem>>
        %dma_start3A_174 = arith.constant 0 : i32
        %dma_start3A_175 = arith.constant 0 : i32
        %dma_start3A_176 = tpu.memref_slice %arg8[%dma_start3A_174, %dma_start3A_175] : memref<10240x128xf32, #tpu.memory_space<vmem_shared>> -> memref<10240x128xf32, #tpu.memory_space<vmem_shared>>
        tpu.enqueue_indirect_dma source(%arg11 : memref<128x128xf32, #tpu.memory_space<vmem>>) target(%dma_start3A_176 : memref<10240x128xf32, #tpu.memory_space<vmem_shared>>) offsets(%dma_start3A_173 : memref<128xi32, #tpu.memory_space<vmem>>) semaphore(%arg14 : memref<!tpu.dma_semaphore, #tpu.memory_space<semaphore_mem>>) {add = true}
        %dma_wait3A_177 = arith.constant 4 : i32
        %dma_wait3A_178 = arith.constant 0 : i32
        %dma_wait3A_179 = tpu.memref_slice %arg10[%dma_wait3A_177, %dma_wait3A_178] : memref<8x128xi32, #tpu.memory_space<vmem>> -> memref<1x128xi32, #tpu.memory_space<vmem>>
        %dma_wait3A_180 = tpu.memref_squeeze %dma_wait3A_179 : memref<1x128xi32, #tpu.memory_space<vmem>> -> memref<128xi32, #tpu.memory_space<vmem>>
        %dma_wait3A_181 = arith.constant 0 : i32
        %dma_wait3A_182 = arith.constant 0 : i32
        %dma_wait3A_183 = tpu.memref_slice %arg8[%dma_wait3A_181, %dma_wait3A_182] : memref<10240x128xf32, #tpu.memory_space<vmem_shared>> -> memref<10240x128xf32, #tpu.memory_space<vmem_shared>>
        tpu.wait_indirect_dma semaphore(%arg14 : memref<!tpu.dma_semaphore, #tpu.memory_space<semaphore_mem>>) src(%arg11 : memref<128x128xf32, #tpu.memory_space<vmem>>) dst(%dma_wait3A_183 : memref<10240x128xf32, #tpu.memory_space<vmem_shared>>)
        %dma_start3A_184 = arith.constant 6 : i32
        %dma_start3A_185 = arith.constant 0 : i32
        %dma_start3A_186 = tpu.memref_slice %arg9[%dma_start3A_184, %dma_start3A_185] : memref<8x128xi32, #tpu.memory_space<vmem>> -> memref<1x128xi32, #tpu.memory_space<vmem>>
        %dma_start3A_187 = tpu.memref_squeeze %dma_start3A_186 : memref<1x128xi32, #tpu.memory_space<vmem>> -> memref<128xi32, #tpu.memory_space<vmem>>
        %dma_start3A_188 = arith.constant 0 : i32
        %dma_start3A_189 = arith.constant 0 : i32
        %dma_start3A_190 = tpu.memref_slice %arg2[%dma_start3A_188, %dma_start3A_189] : memref<10000x128xf32, #tpu.memory_space<hbm>> -> memref<10000x128xf32, #tpu.memory_space<hbm>>
        tpu.enqueue_indirect_dma source(%dma_start3A_190 : memref<10000x128xf32, #tpu.memory_space<hbm>>) target(%arg11 : memref<128x128xf32, #tpu.memory_space<vmem>>) offsets(%dma_start3A_187 : memref<128xi32, #tpu.memory_space<vmem>>) semaphore(%arg13 : memref<!tpu.dma_semaphore, #tpu.memory_space<semaphore_mem>>)
        %dma_wait3A_191 = arith.constant 5 : i32
        %dma_wait3A_192 = arith.constant 0 : i32
        %dma_wait3A_193 = tpu.memref_slice %arg9[%dma_wait3A_191, %dma_wait3A_192] : memref<8x128xi32, #tpu.memory_space<vmem>> -> memref<1x128xi32, #tpu.memory_space<vmem>>
        %dma_wait3A_194 = tpu.memref_squeeze %dma_wait3A_193 : memref<1x128xi32, #tpu.memory_space<vmem>> -> memref<128xi32, #tpu.memory_space<vmem>>
        %dma_wait3A_195 = arith.constant 0 : i32
        %dma_wait3A_196 = arith.constant 0 : i32
        %dma_wait3A_197 = tpu.memref_slice %arg2[%dma_wait3A_195, %dma_wait3A_196] : memref<10000x128xf32, #tpu.memory_space<hbm>> -> memref<10000x128xf32, #tpu.memory_space<hbm>>
        tpu.wait_indirect_dma semaphore(%arg13 : memref<!tpu.dma_semaphore, #tpu.memory_space<semaphore_mem>>) src(%dma_wait3A_197 : memref<10000x128xf32, #tpu.memory_space<hbm>>) dst(%arg12 : memref<128x128xf32, #tpu.memory_space<vmem>>)
        %dma_start3A_198 = arith.constant 5 : i32
        %dma_start3A_199 = arith.constant 0 : i32
        %dma_start3A_200 = tpu.memref_slice %arg10[%dma_start3A_198, %dma_start3A_199] : memref<8x128xi32, #tpu.memory_space<vmem>> -> memref<1x128xi32, #tpu.memory_space<vmem>>
        %dma_start3A_201 = tpu.memref_squeeze %dma_start3A_200 : memref<1x128xi32, #tpu.memory_space<vmem>> -> memref<128xi32, #tpu.memory_space<vmem>>
        %dma_start3A_202 = arith.constant 0 : i32
        %dma_start3A_203 = arith.constant 0 : i32
        %dma_start3A_204 = tpu.memref_slice %arg8[%dma_start3A_202, %dma_start3A_203] : memref<10240x128xf32, #tpu.memory_space<vmem_shared>> -> memref<10240x128xf32, #tpu.memory_space<vmem_shared>>
        tpu.enqueue_indirect_dma source(%arg12 : memref<128x128xf32, #tpu.memory_space<vmem>>) target(%dma_start3A_204 : memref<10240x128xf32, #tpu.memory_space<vmem_shared>>) offsets(%dma_start3A_201 : memref<128xi32, #tpu.memory_space<vmem>>) semaphore(%arg14 : memref<!tpu.dma_semaphore, #tpu.memory_space<semaphore_mem>>) {add = true}
        %dma_wait3A_205 = arith.constant 5 : i32
        %dma_wait3A_206 = arith.constant 0 : i32
        %dma_wait3A_207 = tpu.memref_slice %arg10[%dma_wait3A_205, %dma_wait3A_206] : memref<8x128xi32, #tpu.memory_space<vmem>> -> memref<1x128xi32, #tpu.memory_space<vmem>>
        %dma_wait3A_208 = tpu.memref_squeeze %dma_wait3A_207 : memref<1x128xi32, #tpu.memory_space<vmem>> -> memref<128xi32, #tpu.memory_space<vmem>>
        %dma_wait3A_209 = arith.constant 0 : i32
        %dma_wait3A_210 = arith.constant 0 : i32
        %dma_wait3A_211 = tpu.memref_slice %arg8[%dma_wait3A_209, %dma_wait3A_210] : memref<10240x128xf32, #tpu.memory_space<vmem_shared>> -> memref<10240x128xf32, #tpu.memory_space<vmem_shared>>
        tpu.wait_indirect_dma semaphore(%arg14 : memref<!tpu.dma_semaphore, #tpu.memory_space<semaphore_mem>>) src(%arg12 : memref<128x128xf32, #tpu.memory_space<vmem>>) dst(%dma_wait3A_211 : memref<10240x128xf32, #tpu.memory_space<vmem_shared>>)
        %dma_start3A_212 = arith.constant 7 : i32
        %dma_start3A_213 = arith.constant 0 : i32
        %dma_start3A_214 = tpu.memref_slice %arg9[%dma_start3A_212, %dma_start3A_213] : memref<8x128xi32, #tpu.memory_space<vmem>> -> memref<1x128xi32, #tpu.memory_space<vmem>>
        %dma_start3A_215 = tpu.memref_squeeze %dma_start3A_214 : memref<1x128xi32, #tpu.memory_space<vmem>> -> memref<128xi32, #tpu.memory_space<vmem>>
        %dma_start3A_216 = arith.constant 0 : i32
        %dma_start3A_217 = arith.constant 0 : i32
        %dma_start3A_218 = tpu.memref_slice %arg2[%dma_start3A_216, %dma_start3A_217] : memref<10000x128xf32, #tpu.memory_space<hbm>> -> memref<10000x128xf32, #tpu.memory_space<hbm>>
        tpu.enqueue_indirect_dma source(%dma_start3A_218 : memref<10000x128xf32, #tpu.memory_space<hbm>>) target(%arg12 : memref<128x128xf32, #tpu.memory_space<vmem>>) offsets(%dma_start3A_215 : memref<128xi32, #tpu.memory_space<vmem>>) semaphore(%arg13 : memref<!tpu.dma_semaphore, #tpu.memory_space<semaphore_mem>>)
        %dma_wait3A_219 = arith.constant 6 : i32
        %dma_wait3A_220 = arith.constant 0 : i32
        %dma_wait3A_221 = tpu.memref_slice %arg9[%dma_wait3A_219, %dma_wait3A_220] : memref<8x128xi32, #tpu.memory_space<vmem>> -> memref<1x128xi32, #tpu.memory_space<vmem>>
        %dma_wait3A_222 = tpu.memref_squeeze %dma_wait3A_221 : memref<1x128xi32, #tpu.memory_space<vmem>> -> memref<128xi32, #tpu.memory_space<vmem>>
        %dma_wait3A_223 = arith.constant 0 : i32
        %dma_wait3A_224 = arith.constant 0 : i32
        %dma_wait3A_225 = tpu.memref_slice %arg2[%dma_wait3A_223, %dma_wait3A_224] : memref<10000x128xf32, #tpu.memory_space<hbm>> -> memref<10000x128xf32, #tpu.memory_space<hbm>>
        tpu.wait_indirect_dma semaphore(%arg13 : memref<!tpu.dma_semaphore, #tpu.memory_space<semaphore_mem>>) src(%dma_wait3A_225 : memref<10000x128xf32, #tpu.memory_space<hbm>>) dst(%arg11 : memref<128x128xf32, #tpu.memory_space<vmem>>)
        %dma_start3A_226 = arith.constant 6 : i32
        %dma_start3A_227 = arith.constant 0 : i32
        %dma_start3A_228 = tpu.memref_slice %arg10[%dma_start3A_226, %dma_start3A_227] : memref<8x128xi32, #tpu.memory_space<vmem>> -> memref<1x128xi32, #tpu.memory_space<vmem>>
        %dma_start3A_229 = tpu.memref_squeeze %dma_start3A_228 : memref<1x128xi32, #tpu.memory_space<vmem>> -> memref<128xi32, #tpu.memory_space<vmem>>
        %dma_start3A_230 = arith.constant 0 : i32
        %dma_start3A_231 = arith.constant 0 : i32
        %dma_start3A_232 = tpu.memref_slice %arg8[%dma_start3A_230, %dma_start3A_231] : memref<10240x128xf32, #tpu.memory_space<vmem_shared>> -> memref<10240x128xf32, #tpu.memory_space<vmem_shared>>
        tpu.enqueue_indirect_dma source(%arg11 : memref<128x128xf32, #tpu.memory_space<vmem>>) target(%dma_start3A_232 : memref<10240x128xf32, #tpu.memory_space<vmem_shared>>) offsets(%dma_start3A_229 : memref<128xi32, #tpu.memory_space<vmem>>) semaphore(%arg14 : memref<!tpu.dma_semaphore, #tpu.memory_space<semaphore_mem>>) {add = true}
        %dma_wait3A_233 = arith.constant 7 : i32
        %dma_wait3A_234 = arith.constant 0 : i32
        %dma_wait3A_235 = tpu.memref_slice %arg9[%dma_wait3A_233, %dma_wait3A_234] : memref<8x128xi32, #tpu.memory_space<vmem>> -> memref<1x128xi32, #tpu.memory_space<vmem>>
        %dma_wait3A_236 = tpu.memref_squeeze %dma_wait3A_235 : memref<1x128xi32, #tpu.memory_space<vmem>> -> memref<128xi32, #tpu.memory_space<vmem>>
        %dma_wait3A_237 = arith.constant 0 : i32
        %dma_wait3A_238 = arith.constant 0 : i32
        %dma_wait3A_239 = tpu.memref_slice %arg2[%dma_wait3A_237, %dma_wait3A_238] : memref<10000x128xf32, #tpu.memory_space<hbm>> -> memref<10000x128xf32, #tpu.memory_space<hbm>>
        tpu.wait_indirect_dma semaphore(%arg13 : memref<!tpu.dma_semaphore, #tpu.memory_space<semaphore_mem>>) src(%dma_wait3A_239 : memref<10000x128xf32, #tpu.memory_space<hbm>>) dst(%arg12 : memref<128x128xf32, #tpu.memory_space<vmem>>)
        %dma_start3A_240 = arith.constant 7 : i32
        %dma_start3A_241 = arith.constant 0 : i32
        %dma_start3A_242 = tpu.memref_slice %arg10[%dma_start3A_240, %dma_start3A_241] : memref<8x128xi32, #tpu.memory_space<vmem>> -> memref<1x128xi32, #tpu.memory_space<vmem>>
        %dma_start3A_243 = tpu.memref_squeeze %dma_start3A_242 : memref<1x128xi32, #tpu.memory_space<vmem>> -> memref<128xi32, #tpu.memory_space<vmem>>
        %dma_start3A_244 = arith.constant 0 : i32
        %dma_start3A_245 = arith.constant 0 : i32
        %dma_start3A_246 = tpu.memref_slice %arg8[%dma_start3A_244, %dma_start3A_245] : memref<10240x128xf32, #tpu.memory_space<vmem_shared>> -> memref<10240x128xf32, #tpu.memory_space<vmem_shared>>
        tpu.enqueue_indirect_dma source(%arg12 : memref<128x128xf32, #tpu.memory_space<vmem>>) target(%dma_start3A_246 : memref<10240x128xf32, #tpu.memory_space<vmem_shared>>) offsets(%dma_start3A_243 : memref<128xi32, #tpu.memory_space<vmem>>) semaphore(%arg14 : memref<!tpu.dma_semaphore, #tpu.memory_space<semaphore_mem>>) {add = true}
        %dma_wait3A_247 = arith.constant 6 : i32
        %dma_wait3A_248 = arith.constant 0 : i32
        %dma_wait3A_249 = tpu.memref_slice %arg10[%dma_wait3A_247, %dma_wait3A_248] : memref<8x128xi32, #tpu.memory_space<vmem>> -> memref<1x128xi32, #tpu.memory_space<vmem>>
        %dma_wait3A_250 = tpu.memref_squeeze %dma_wait3A_249 : memref<1x128xi32, #tpu.memory_space<vmem>> -> memref<128xi32, #tpu.memory_space<vmem>>
        %dma_wait3A_251 = arith.constant 0 : i32
        %dma_wait3A_252 = arith.constant 0 : i32
        %dma_wait3A_253 = tpu.memref_slice %arg8[%dma_wait3A_251, %dma_wait3A_252] : memref<10240x128xf32, #tpu.memory_space<vmem_shared>> -> memref<10240x128xf32, #tpu.memory_space<vmem_shared>>
        tpu.wait_indirect_dma semaphore(%arg14 : memref<!tpu.dma_semaphore, #tpu.memory_space<semaphore_mem>>) src(%arg11 : memref<128x128xf32, #tpu.memory_space<vmem>>) dst(%dma_wait3A_253 : memref<10240x128xf32, #tpu.memory_space<vmem_shared>>)
        %dma_wait3A_254 = arith.constant 7 : i32
        %dma_wait3A_255 = arith.constant 0 : i32
        %dma_wait3A_256 = tpu.memref_slice %arg10[%dma_wait3A_254, %dma_wait3A_255] : memref<8x128xi32, #tpu.memory_space<vmem>> -> memref<1x128xi32, #tpu.memory_space<vmem>>
        %dma_wait3A_257 = tpu.memref_squeeze %dma_wait3A_256 : memref<1x128xi32, #tpu.memory_space<vmem>> -> memref<128xi32, #tpu.memory_space<vmem>>
        %dma_wait3A_258 = arith.constant 0 : i32
        %dma_wait3A_259 = arith.constant 0 : i32
        %dma_wait3A_260 = tpu.memref_slice %arg8[%dma_wait3A_258, %dma_wait3A_259] : memref<10240x128xf32, #tpu.memory_space<vmem_shared>> -> memref<10240x128xf32, #tpu.memory_space<vmem_shared>>
        tpu.wait_indirect_dma semaphore(%arg14 : memref<!tpu.dma_semaphore, #tpu.memory_space<semaphore_mem>>) src(%arg12 : memref<128x128xf32, #tpu.memory_space<vmem>>) dst(%dma_wait3A_260 : memref<10240x128xf32, #tpu.memory_space<vmem_shared>>)
      }
      %eq3A_26 = arith.constant 15 : i32
      %eq3A_27 = arith.cmpi eq, %arg1, %eq3A_26 : i32
      %convert_element_type3A_28 = arith.extui %eq3A_27 : i1 to i32
      %cond3A_29 = arith.constant 0 : i32
      %cond3A_30 = arith.cmpi ne, %convert_element_type3A_28, %cond3A_29 : i32
      scf.if %cond3A_30 {
        "tpu.region"() ({
          %run_scoped3A = tpu.sem_alloc : memref<!tpu.dma_semaphore, #tpu.memory_space<semaphore_mem>>
          %dma_start3A_141 = arith.constant 0 : i32
          %dma_start3A_142 = arith.constant 0 : i32
          %dma_start3A_143 = tpu.memref_slice %arg9[%dma_start3A_141, %dma_start3A_142] : memref<8x128xi32, #tpu.memory_space<vmem>> -> memref<4x128xi32, #tpu.memory_space<vmem>>
          %dma_start3A_144 = arith.constant 2496 : i32
          %dma_start3A_145 = arith.constant 0 : i32
          %dma_start3A_146 = tpu.memref_slice %arg4[%dma_start3A_144, %dma_start3A_145] : memref<2500x128xi32, #tpu.memory_space<hbm>> -> memref<4x128xi32, #tpu.memory_space<hbm>>
          %dma_start3A_147 = arith.constant 0 : i32
          %dma_start3A_148 = arith.constant 0 : i32
          %dma_start3A_149 = tpu.memref_slice %arg9[%dma_start3A_147, %dma_start3A_148] : memref<8x128xi32, #tpu.memory_space<vmem>> -> memref<4x128xi32, #tpu.memory_space<vmem>>
          %dma_start3A_150 = arith.constant 2496 : i32
          %dma_start3A_151 = arith.constant 0 : i32
          %dma_start3A_152 = tpu.memref_slice %arg4[%dma_start3A_150, %dma_start3A_151] : memref<2500x128xi32, #tpu.memory_space<hbm>> -> memref<4x128xi32, #tpu.memory_space<hbm>>
          tpu.enqueue_dma source(%dma_start3A_152 : memref<4x128xi32, #tpu.memory_space<hbm>>) target(%dma_start3A_149 : memref<4x128xi32, #tpu.memory_space<vmem>>) target_semaphore(%run_scoped3A : memref<!tpu.dma_semaphore, #tpu.memory_space<semaphore_mem>>)
          %dma_wait3A_153 = arith.constant 0 : i32
          %dma_wait3A_154 = arith.constant 0 : i32
          %dma_wait3A_155 = tpu.memref_slice %arg9[%dma_wait3A_153, %dma_wait3A_154] : memref<8x128xi32, #tpu.memory_space<vmem>> -> memref<4x128xi32, #tpu.memory_space<vmem>>
          %dma_wait3A_156 = arith.constant 2496 : i32
          %dma_wait3A_157 = arith.constant 0 : i32
          %dma_wait3A_158 = tpu.memref_slice %arg4[%dma_wait3A_156, %dma_wait3A_157] : memref<2500x128xi32, #tpu.memory_space<hbm>> -> memref<4x128xi32, #tpu.memory_space<hbm>>
          %dma_wait3A_159 = arith.constant 0 : i32
          %dma_wait3A_160 = arith.constant 0 : i32
          %dma_wait3A_161 = tpu.memref_slice %arg9[%dma_wait3A_159, %dma_wait3A_160] : memref<8x128xi32, #tpu.memory_space<vmem>> -> memref<4x128xi32, #tpu.memory_space<vmem>>
          %dma_wait3A_162 = arith.constant 2496 : i32
          %dma_wait3A_163 = arith.constant 0 : i32
          %dma_wait3A_164 = tpu.memref_slice %arg4[%dma_wait3A_162, %dma_wait3A_163] : memref<2500x128xi32, #tpu.memory_space<hbm>> -> memref<4x128xi32, #tpu.memory_space<hbm>>
          tpu.wait_dma2 semaphore(%run_scoped3A : memref<!tpu.dma_semaphore, #tpu.memory_space<semaphore_mem>>) src(%dma_wait3A_164 : memref<4x128xi32, #tpu.memory_space<hbm>>) dst(%dma_wait3A_161 : memref<4x128xi32, #tpu.memory_space<vmem>>)
          tpu.yield
        }) : () -> ()
        "tpu.region"() ({
          %run_scoped3A = tpu.sem_alloc : memref<!tpu.dma_semaphore, #tpu.memory_space<semaphore_mem>>
          %dma_start3A_141 = arith.constant 0 : i32
          %dma_start3A_142 = arith.constant 0 : i32
          %dma_start3A_143 = tpu.memref_slice %arg10[%dma_start3A_141, %dma_start3A_142] : memref<8x128xi32, #tpu.memory_space<vmem>> -> memref<4x128xi32, #tpu.memory_space<vmem>>
          %dma_start3A_144 = arith.constant 2496 : i32
          %dma_start3A_145 = arith.constant 0 : i32
          %dma_start3A_146 = tpu.memref_slice %arg5[%dma_start3A_144, %dma_start3A_145] : memref<2500x128xi32, #tpu.memory_space<hbm>> -> memref<4x128xi32, #tpu.memory_space<hbm>>
          %dma_start3A_147 = arith.constant 0 : i32
          %dma_start3A_148 = arith.constant 0 : i32
          %dma_start3A_149 = tpu.memref_slice %arg10[%dma_start3A_147, %dma_start3A_148] : memref<8x128xi32, #tpu.memory_space<vmem>> -> memref<4x128xi32, #tpu.memory_space<vmem>>
          %dma_start3A_150 = arith.constant 2496 : i32
          %dma_start3A_151 = arith.constant 0 : i32
          %dma_start3A_152 = tpu.memref_slice %arg5[%dma_start3A_150, %dma_start3A_151] : memref<2500x128xi32, #tpu.memory_space<hbm>> -> memref<4x128xi32, #tpu.memory_space<hbm>>
          tpu.enqueue_dma source(%dma_start3A_152 : memref<4x128xi32, #tpu.memory_space<hbm>>) target(%dma_start3A_149 : memref<4x128xi32, #tpu.memory_space<vmem>>) target_semaphore(%run_scoped3A : memref<!tpu.dma_semaphore, #tpu.memory_space<semaphore_mem>>)
          %dma_wait3A_153 = arith.constant 0 : i32
          %dma_wait3A_154 = arith.constant 0 : i32
          %dma_wait3A_155 = tpu.memref_slice %arg10[%dma_wait3A_153, %dma_wait3A_154] : memref<8x128xi32, #tpu.memory_space<vmem>> -> memref<4x128xi32, #tpu.memory_space<vmem>>
          %dma_wait3A_156 = arith.constant 2496 : i32
          %dma_wait3A_157 = arith.constant 0 : i32
          %dma_wait3A_158 = tpu.memref_slice %arg5[%dma_wait3A_156, %dma_wait3A_157] : memref<2500x128xi32, #tpu.memory_space<hbm>> -> memref<4x128xi32, #tpu.memory_space<hbm>>
          %dma_wait3A_159 = arith.constant 0 : i32
          %dma_wait3A_160 = arith.constant 0 : i32
          %dma_wait3A_161 = tpu.memref_slice %arg10[%dma_wait3A_159, %dma_wait3A_160] : memref<8x128xi32, #tpu.memory_space<vmem>> -> memref<4x128xi32, #tpu.memory_space<vmem>>
          %dma_wait3A_162 = arith.constant 2496 : i32
          %dma_wait3A_163 = arith.constant 0 : i32
          %dma_wait3A_164 = tpu.memref_slice %arg5[%dma_wait3A_162, %dma_wait3A_163] : memref<2500x128xi32, #tpu.memory_space<hbm>> -> memref<4x128xi32, #tpu.memory_space<hbm>>
          tpu.wait_dma2 semaphore(%run_scoped3A : memref<!tpu.dma_semaphore, #tpu.memory_space<semaphore_mem>>) src(%dma_wait3A_164 : memref<4x128xi32, #tpu.memory_space<hbm>>) dst(%dma_wait3A_161 : memref<4x128xi32, #tpu.memory_space<vmem>>)
          tpu.yield
        }) : () -> ()
        %dma_start3A = arith.constant 0 : i32
        %dma_start3A_31 = arith.constant 0 : i32
        %dma_start3A_32 = tpu.memref_slice %arg9[%dma_start3A, %dma_start3A_31] : memref<8x128xi32, #tpu.memory_space<vmem>> -> memref<1x128xi32, #tpu.memory_space<vmem>>
        %dma_start3A_33 = tpu.memref_squeeze %dma_start3A_32 : memref<1x128xi32, #tpu.memory_space<vmem>> -> memref<128xi32, #tpu.memory_space<vmem>>
        %dma_start3A_34 = arith.constant 0 : i32
        %dma_start3A_35 = arith.constant 0 : i32
        %dma_start3A_36 = tpu.memref_slice %arg2[%dma_start3A_34, %dma_start3A_35] : memref<10000x128xf32, #tpu.memory_space<hbm>> -> memref<10000x128xf32, #tpu.memory_space<hbm>>
        tpu.enqueue_indirect_dma source(%dma_start3A_36 : memref<10000x128xf32, #tpu.memory_space<hbm>>) target(%arg11 : memref<128x128xf32, #tpu.memory_space<vmem>>) offsets(%dma_start3A_33 : memref<128xi32, #tpu.memory_space<vmem>>) semaphore(%arg13 : memref<!tpu.dma_semaphore, #tpu.memory_space<semaphore_mem>>)
        %dma_start3A_37 = arith.constant 1 : i32
        %dma_start3A_38 = arith.constant 0 : i32
        %dma_start3A_39 = tpu.memref_slice %arg9[%dma_start3A_37, %dma_start3A_38] : memref<8x128xi32, #tpu.memory_space<vmem>> -> memref<1x128xi32, #tpu.memory_space<vmem>>
        %dma_start3A_40 = tpu.memref_squeeze %dma_start3A_39 : memref<1x128xi32, #tpu.memory_space<vmem>> -> memref<128xi32, #tpu.memory_space<vmem>>
        %dma_start3A_41 = arith.constant 0 : i32
        %dma_start3A_42 = arith.constant 0 : i32
        %dma_start3A_43 = tpu.memref_slice %arg2[%dma_start3A_41, %dma_start3A_42] : memref<10000x128xf32, #tpu.memory_space<hbm>> -> memref<10000x128xf32, #tpu.memory_space<hbm>>
        tpu.enqueue_indirect_dma source(%dma_start3A_43 : memref<10000x128xf32, #tpu.memory_space<hbm>>) target(%arg12 : memref<128x128xf32, #tpu.memory_space<vmem>>) offsets(%dma_start3A_40 : memref<128xi32, #tpu.memory_space<vmem>>) semaphore(%arg13 : memref<!tpu.dma_semaphore, #tpu.memory_space<semaphore_mem>>)
        %dma_wait3A = arith.constant 0 : i32
        %dma_wait3A_44 = arith.constant 0 : i32
        %dma_wait3A_45 = tpu.memref_slice %arg9[%dma_wait3A, %dma_wait3A_44] : memref<8x128xi32, #tpu.memory_space<vmem>> -> memref<1x128xi32, #tpu.memory_space<vmem>>
        %dma_wait3A_46 = tpu.memref_squeeze %dma_wait3A_45 : memref<1x128xi32, #tpu.memory_space<vmem>> -> memref<128xi32, #tpu.memory_space<vmem>>
        %dma_wait3A_47 = arith.constant 0 : i32
        %dma_wait3A_48 = arith.constant 0 : i32
        %dma_wait3A_49 = tpu.memref_slice %arg2[%dma_wait3A_47, %dma_wait3A_48] : memref<10000x128xf32, #tpu.memory_space<hbm>> -> memref<10000x128xf32, #tpu.memory_space<hbm>>
        tpu.wait_indirect_dma semaphore(%arg13 : memref<!tpu.dma_semaphore, #tpu.memory_space<semaphore_mem>>) src(%dma_wait3A_49 : memref<10000x128xf32, #tpu.memory_space<hbm>>) dst(%arg11 : memref<128x128xf32, #tpu.memory_space<vmem>>)
        %dma_start3A_50 = arith.constant 0 : i32
        %dma_start3A_51 = arith.constant 0 : i32
        %dma_start3A_52 = tpu.memref_slice %arg10[%dma_start3A_50, %dma_start3A_51] : memref<8x128xi32, #tpu.memory_space<vmem>> -> memref<1x128xi32, #tpu.memory_space<vmem>>
        %dma_start3A_53 = tpu.memref_squeeze %dma_start3A_52 : memref<1x128xi32, #tpu.memory_space<vmem>> -> memref<128xi32, #tpu.memory_space<vmem>>
        %dma_start3A_54 = arith.constant 0 : i32
        %dma_start3A_55 = arith.constant 0 : i32
        %dma_start3A_56 = tpu.memref_slice %arg8[%dma_start3A_54, %dma_start3A_55] : memref<10240x128xf32, #tpu.memory_space<vmem_shared>> -> memref<10240x128xf32, #tpu.memory_space<vmem_shared>>
        tpu.enqueue_indirect_dma source(%arg11 : memref<128x128xf32, #tpu.memory_space<vmem>>) target(%dma_start3A_56 : memref<10240x128xf32, #tpu.memory_space<vmem_shared>>) offsets(%dma_start3A_53 : memref<128xi32, #tpu.memory_space<vmem>>) semaphore(%arg14 : memref<!tpu.dma_semaphore, #tpu.memory_space<semaphore_mem>>) {add = true}
        %dma_wait3A_57 = arith.constant 0 : i32
        %dma_wait3A_58 = arith.constant 0 : i32
        %dma_wait3A_59 = tpu.memref_slice %arg10[%dma_wait3A_57, %dma_wait3A_58] : memref<8x128xi32, #tpu.memory_space<vmem>> -> memref<1x128xi32, #tpu.memory_space<vmem>>
        %dma_wait3A_60 = tpu.memref_squeeze %dma_wait3A_59 : memref<1x128xi32, #tpu.memory_space<vmem>> -> memref<128xi32, #tpu.memory_space<vmem>>
        %dma_wait3A_61 = arith.constant 0 : i32
        %dma_wait3A_62 = arith.constant 0 : i32
        %dma_wait3A_63 = tpu.memref_slice %arg8[%dma_wait3A_61, %dma_wait3A_62] : memref<10240x128xf32, #tpu.memory_space<vmem_shared>> -> memref<10240x128xf32, #tpu.memory_space<vmem_shared>>
        tpu.wait_indirect_dma semaphore(%arg14 : memref<!tpu.dma_semaphore, #tpu.memory_space<semaphore_mem>>) src(%arg11 : memref<128x128xf32, #tpu.memory_space<vmem>>) dst(%dma_wait3A_63 : memref<10240x128xf32, #tpu.memory_space<vmem_shared>>)
        %dma_start3A_64 = arith.constant 2 : i32
        %dma_start3A_65 = arith.constant 0 : i32
        %dma_start3A_66 = tpu.memref_slice %arg9[%dma_start3A_64, %dma_start3A_65] : memref<8x128xi32, #tpu.memory_space<vmem>> -> memref<1x128xi32, #tpu.memory_space<vmem>>
        %dma_start3A_67 = tpu.memref_squeeze %dma_start3A_66 : memref<1x128xi32, #tpu.memory_space<vmem>> -> memref<128xi32, #tpu.memory_space<vmem>>
        %dma_start3A_68 = arith.constant 0 : i32
        %dma_start3A_69 = arith.constant 0 : i32
        %dma_start3A_70 = tpu.memref_slice %arg2[%dma_start3A_68, %dma_start3A_69] : memref<10000x128xf32, #tpu.memory_space<hbm>> -> memref<10000x128xf32, #tpu.memory_space<hbm>>
        tpu.enqueue_indirect_dma source(%dma_start3A_70 : memref<10000x128xf32, #tpu.memory_space<hbm>>) target(%arg11 : memref<128x128xf32, #tpu.memory_space<vmem>>) offsets(%dma_start3A_67 : memref<128xi32, #tpu.memory_space<vmem>>) semaphore(%arg13 : memref<!tpu.dma_semaphore, #tpu.memory_space<semaphore_mem>>)
        %dma_wait3A_71 = arith.constant 1 : i32
        %dma_wait3A_72 = arith.constant 0 : i32
        %dma_wait3A_73 = tpu.memref_slice %arg9[%dma_wait3A_71, %dma_wait3A_72] : memref<8x128xi32, #tpu.memory_space<vmem>> -> memref<1x128xi32, #tpu.memory_space<vmem>>
        %dma_wait3A_74 = tpu.memref_squeeze %dma_wait3A_73 : memref<1x128xi32, #tpu.memory_space<vmem>> -> memref<128xi32, #tpu.memory_space<vmem>>
        %dma_wait3A_75 = arith.constant 0 : i32
        %dma_wait3A_76 = arith.constant 0 : i32
        %dma_wait3A_77 = tpu.memref_slice %arg2[%dma_wait3A_75, %dma_wait3A_76] : memref<10000x128xf32, #tpu.memory_space<hbm>> -> memref<10000x128xf32, #tpu.memory_space<hbm>>
        tpu.wait_indirect_dma semaphore(%arg13 : memref<!tpu.dma_semaphore, #tpu.memory_space<semaphore_mem>>) src(%dma_wait3A_77 : memref<10000x128xf32, #tpu.memory_space<hbm>>) dst(%arg12 : memref<128x128xf32, #tpu.memory_space<vmem>>)
        %dma_start3A_78 = arith.constant 1 : i32
        %dma_start3A_79 = arith.constant 0 : i32
        %dma_start3A_80 = tpu.memref_slice %arg10[%dma_start3A_78, %dma_start3A_79] : memref<8x128xi32, #tpu.memory_space<vmem>> -> memref<1x128xi32, #tpu.memory_space<vmem>>
        %dma_start3A_81 = tpu.memref_squeeze %dma_start3A_80 : memref<1x128xi32, #tpu.memory_space<vmem>> -> memref<128xi32, #tpu.memory_space<vmem>>
        %dma_start3A_82 = arith.constant 0 : i32
        %dma_start3A_83 = arith.constant 0 : i32
        %dma_start3A_84 = tpu.memref_slice %arg8[%dma_start3A_82, %dma_start3A_83] : memref<10240x128xf32, #tpu.memory_space<vmem_shared>> -> memref<10240x128xf32, #tpu.memory_space<vmem_shared>>
        tpu.enqueue_indirect_dma source(%arg12 : memref<128x128xf32, #tpu.memory_space<vmem>>) target(%dma_start3A_84 : memref<10240x128xf32, #tpu.memory_space<vmem_shared>>) offsets(%dma_start3A_81 : memref<128xi32, #tpu.memory_space<vmem>>) semaphore(%arg14 : memref<!tpu.dma_semaphore, #tpu.memory_space<semaphore_mem>>) {add = true}
        %dma_wait3A_85 = arith.constant 1 : i32
        %dma_wait3A_86 = arith.constant 0 : i32
        %dma_wait3A_87 = tpu.memref_slice %arg10[%dma_wait3A_85, %dma_wait3A_86] : memref<8x128xi32, #tpu.memory_space<vmem>> -> memref<1x128xi32, #tpu.memory_space<vmem>>
        %dma_wait3A_88 = tpu.memref_squeeze %dma_wait3A_87 : memref<1x128xi32, #tpu.memory_space<vmem>> -> memref<128xi32, #tpu.memory_space<vmem>>
        %dma_wait3A_89 = arith.constant 0 : i32
        %dma_wait3A_90 = arith.constant 0 : i32
        %dma_wait3A_91 = tpu.memref_slice %arg8[%dma_wait3A_89, %dma_wait3A_90] : memref<10240x128xf32, #tpu.memory_space<vmem_shared>> -> memref<10240x128xf32, #tpu.memory_space<vmem_shared>>
        tpu.wait_indirect_dma semaphore(%arg14 : memref<!tpu.dma_semaphore, #tpu.memory_space<semaphore_mem>>) src(%arg12 : memref<128x128xf32, #tpu.memory_space<vmem>>) dst(%dma_wait3A_91 : memref<10240x128xf32, #tpu.memory_space<vmem_shared>>)
        %dma_start3A_92 = arith.constant 3 : i32
        %dma_start3A_93 = arith.constant 0 : i32
        %dma_start3A_94 = tpu.memref_slice %arg9[%dma_start3A_92, %dma_start3A_93] : memref<8x128xi32, #tpu.memory_space<vmem>> -> memref<1x128xi32, #tpu.memory_space<vmem>>
        %dma_start3A_95 = tpu.memref_squeeze %dma_start3A_94 : memref<1x128xi32, #tpu.memory_space<vmem>> -> memref<128xi32, #tpu.memory_space<vmem>>
        %dma_start3A_96 = arith.constant 0 : i32
        %dma_start3A_97 = arith.constant 0 : i32
        %dma_start3A_98 = tpu.memref_slice %arg2[%dma_start3A_96, %dma_start3A_97] : memref<10000x128xf32, #tpu.memory_space<hbm>> -> memref<10000x128xf32, #tpu.memory_space<hbm>>
        tpu.enqueue_indirect_dma source(%dma_start3A_98 : memref<10000x128xf32, #tpu.memory_space<hbm>>) target(%arg12 : memref<128x128xf32, #tpu.memory_space<vmem>>) offsets(%dma_start3A_95 : memref<128xi32, #tpu.memory_space<vmem>>) semaphore(%arg13 : memref<!tpu.dma_semaphore, #tpu.memory_space<semaphore_mem>>)
        %dma_wait3A_99 = arith.constant 2 : i32
        %dma_wait3A_100 = arith.constant 0 : i32
        %dma_wait3A_101 = tpu.memref_slice %arg9[%dma_wait3A_99, %dma_wait3A_100] : memref<8x128xi32, #tpu.memory_space<vmem>> -> memref<1x128xi32, #tpu.memory_space<vmem>>
        %dma_wait3A_102 = tpu.memref_squeeze %dma_wait3A_101 : memref<1x128xi32, #tpu.memory_space<vmem>> -> memref<128xi32, #tpu.memory_space<vmem>>
        %dma_wait3A_103 = arith.constant 0 : i32
        %dma_wait3A_104 = arith.constant 0 : i32
        %dma_wait3A_105 = tpu.memref_slice %arg2[%dma_wait3A_103, %dma_wait3A_104] : memref<10000x128xf32, #tpu.memory_space<hbm>> -> memref<10000x128xf32, #tpu.memory_space<hbm>>
        tpu.wait_indirect_dma semaphore(%arg13 : memref<!tpu.dma_semaphore, #tpu.memory_space<semaphore_mem>>) src(%dma_wait3A_105 : memref<10000x128xf32, #tpu.memory_space<hbm>>) dst(%arg11 : memref<128x128xf32, #tpu.memory_space<vmem>>)
        %dma_start3A_106 = arith.constant 2 : i32
        %dma_start3A_107 = arith.constant 0 : i32
        %dma_start3A_108 = tpu.memref_slice %arg10[%dma_start3A_106, %dma_start3A_107] : memref<8x128xi32, #tpu.memory_space<vmem>> -> memref<1x128xi32, #tpu.memory_space<vmem>>
        %dma_start3A_109 = tpu.memref_squeeze %dma_start3A_108 : memref<1x128xi32, #tpu.memory_space<vmem>> -> memref<128xi32, #tpu.memory_space<vmem>>
        %dma_start3A_110 = arith.constant 0 : i32
        %dma_start3A_111 = arith.constant 0 : i32
        %dma_start3A_112 = tpu.memref_slice %arg8[%dma_start3A_110, %dma_start3A_111] : memref<10240x128xf32, #tpu.memory_space<vmem_shared>> -> memref<10240x128xf32, #tpu.memory_space<vmem_shared>>
        tpu.enqueue_indirect_dma source(%arg11 : memref<128x128xf32, #tpu.memory_space<vmem>>) target(%dma_start3A_112 : memref<10240x128xf32, #tpu.memory_space<vmem_shared>>) offsets(%dma_start3A_109 : memref<128xi32, #tpu.memory_space<vmem>>) semaphore(%arg14 : memref<!tpu.dma_semaphore, #tpu.memory_space<semaphore_mem>>) {add = true}
        %dma_wait3A_113 = arith.constant 3 : i32
        %dma_wait3A_114 = arith.constant 0 : i32
        %dma_wait3A_115 = tpu.memref_slice %arg9[%dma_wait3A_113, %dma_wait3A_114] : memref<8x128xi32, #tpu.memory_space<vmem>> -> memref<1x128xi32, #tpu.memory_space<vmem>>
        %dma_wait3A_116 = tpu.memref_squeeze %dma_wait3A_115 : memref<1x128xi32, #tpu.memory_space<vmem>> -> memref<128xi32, #tpu.memory_space<vmem>>
        %dma_wait3A_117 = arith.constant 0 : i32
        %dma_wait3A_118 = arith.constant 0 : i32
        %dma_wait3A_119 = tpu.memref_slice %arg2[%dma_wait3A_117, %dma_wait3A_118] : memref<10000x128xf32, #tpu.memory_space<hbm>> -> memref<10000x128xf32, #tpu.memory_space<hbm>>
        tpu.wait_indirect_dma semaphore(%arg13 : memref<!tpu.dma_semaphore, #tpu.memory_space<semaphore_mem>>) src(%dma_wait3A_119 : memref<10000x128xf32, #tpu.memory_space<hbm>>) dst(%arg12 : memref<128x128xf32, #tpu.memory_space<vmem>>)
        %dma_start3A_120 = arith.constant 3 : i32
        %dma_start3A_121 = arith.constant 0 : i32
        %dma_start3A_122 = tpu.memref_slice %arg10[%dma_start3A_120, %dma_start3A_121] : memref<8x128xi32, #tpu.memory_space<vmem>> -> memref<1x128xi32, #tpu.memory_space<vmem>>
        %dma_start3A_123 = tpu.memref_squeeze %dma_start3A_122 : memref<1x128xi32, #tpu.memory_space<vmem>> -> memref<128xi32, #tpu.memory_space<vmem>>
        %dma_start3A_124 = arith.constant 0 : i32
        %dma_start3A_125 = arith.constant 0 : i32
        %dma_start3A_126 = tpu.memref_slice %arg8[%dma_start3A_124, %dma_start3A_125] : memref<10240x128xf32, #tpu.memory_space<vmem_shared>> -> memref<10240x128xf32, #tpu.memory_space<vmem_shared>>
        tpu.enqueue_indirect_dma source(%arg12 : memref<128x128xf32, #tpu.memory_space<vmem>>) target(%dma_start3A_126 : memref<10240x128xf32, #tpu.memory_space<vmem_shared>>) offsets(%dma_start3A_123 : memref<128xi32, #tpu.memory_space<vmem>>) semaphore(%arg14 : memref<!tpu.dma_semaphore, #tpu.memory_space<semaphore_mem>>) {add = true}
        %dma_wait3A_127 = arith.constant 2 : i32
        %dma_wait3A_128 = arith.constant 0 : i32
        %dma_wait3A_129 = tpu.memref_slice %arg10[%dma_wait3A_127, %dma_wait3A_128] : memref<8x128xi32, #tpu.memory_space<vmem>> -> memref<1x128xi32, #tpu.memory_space<vmem>>
        %dma_wait3A_130 = tpu.memref_squeeze %dma_wait3A_129 : memref<1x128xi32, #tpu.memory_space<vmem>> -> memref<128xi32, #tpu.memory_space<vmem>>
        %dma_wait3A_131 = arith.constant 0 : i32
        %dma_wait3A_132 = arith.constant 0 : i32
        %dma_wait3A_133 = tpu.memref_slice %arg8[%dma_wait3A_131, %dma_wait3A_132] : memref<10240x128xf32, #tpu.memory_space<vmem_shared>> -> memref<10240x128xf32, #tpu.memory_space<vmem_shared>>
        tpu.wait_indirect_dma semaphore(%arg14 : memref<!tpu.dma_semaphore, #tpu.memory_space<semaphore_mem>>) src(%arg11 : memref<128x128xf32, #tpu.memory_space<vmem>>) dst(%dma_wait3A_133 : memref<10240x128xf32, #tpu.memory_space<vmem_shared>>)
        %dma_wait3A_134 = arith.constant 3 : i32
        %dma_wait3A_135 = arith.constant 0 : i32
        %dma_wait3A_136 = tpu.memref_slice %arg10[%dma_wait3A_134, %dma_wait3A_135] : memref<8x128xi32, #tpu.memory_space<vmem>> -> memref<1x128xi32, #tpu.memory_space<vmem>>
        %dma_wait3A_137 = tpu.memref_squeeze %dma_wait3A_136 : memref<1x128xi32, #tpu.memory_space<vmem>> -> memref<128xi32, #tpu.memory_space<vmem>>
        %dma_wait3A_138 = arith.constant 0 : i32
        %dma_wait3A_139 = arith.constant 0 : i32
        %dma_wait3A_140 = tpu.memref_slice %arg8[%dma_wait3A_138, %dma_wait3A_139] : memref<10240x128xf32, #tpu.memory_space<vmem_shared>> -> memref<10240x128xf32, #tpu.memory_space<vmem_shared>>
        tpu.wait_indirect_dma semaphore(%arg14 : memref<!tpu.dma_semaphore, #tpu.memory_space<semaphore_mem>>) src(%arg12 : memref<128x128xf32, #tpu.memory_space<vmem>>) dst(%dma_wait3A_140 : memref<10240x128xf32, #tpu.memory_space<vmem_shared>>)
      } else {
      }
    } else {
    }
    %eq3A_3 = arith.constant 1 : i32
    %eq3A_4 = arith.cmpi eq, %arg0, %eq3A_3 : i32
    %convert_element_type3A_5 = arith.extui %eq3A_4 : i1 to i32
    %cond3A_6 = arith.constant 0 : i32
    %cond3A_7 = arith.cmpi ne, %convert_element_type3A_5, %cond3A_6 : i32
    scf.if %cond3A_7 {
      %lt3A = arith.constant 8 : i32
      %lt3A_9 = arith.cmpi slt, %arg1, %lt3A : i32
      %jit3A = arith.constant 20 : i32
      %jit3A_10 = arith.constant 19 : i32
      %select_n3A = arith.select %lt3A_9, %jit3A, %jit3A_10 : i32
      %sub3A = arith.constant 0 : i32
      %sub3A_11 = arith.subi %select_n3A, %sub3A : i32
      %sub3A_12 = arith.constant 1 : i32
      %sub3A_13 = arith.constant 1 : i32
      %sub3A_14 = arith.subi %sub3A_12, %sub3A_13 : i32
      %add3A = arith.addi %sub3A_11, %sub3A_14 : i32
      %div3A = arith.constant 1 : i32
      %div3A_15 = arith.divsi %add3A, %div3A : i32
      %while3A = arith.constant 1 : i32
      %while3A_16 = arith.constant 0 : i32
      %while3A_17 = arith.constant 0 : i32
      %while3A_18 = arith.subi %div3A_15, %while3A_17 : i32
      %while3A_19 = arith.addi %while3A_17, %while3A_18 : i32
      %while3A_20 = arith.constant 1 : i32
      %while3A_21 = arith.divsi %while3A_18, %while3A_20 : i32
      %while3A_22 = arith.muli %while3A_21, %while3A_20 : i32
      %while3A_23 = arith.addi %while3A_17, %while3A_22 : i32
      %while3A_24 = arith.constant 1 : i32
      scf.for %while3A_31 = %while3A_17 to %while3A_23 step %while3A_24  : i32 {
        %mul3A_32 = arith.muli %while3A_31, %while3A : i32
        %add3A_33 = arith.addi %while3A_16, %mul3A_32 : i32
        %mul3A_34 = arith.constant 16 : i32
        %mul3A_35 = arith.muli %add3A_33, %mul3A_34 : i32
        %add3A_36 = arith.addi %arg1, %mul3A_35 : i32
        %mul3A_37 = arith.constant 8 : i32
        %mul3A_38 = arith.muli %add3A_36, %mul3A_37 : i32
        "tpu.region"() ({
          %run_scoped3A = tpu.sem_alloc : memref<!tpu.dma_semaphore, #tpu.memory_space<semaphore_mem>>
          %dma_start3A_261 = arith.constant 0 : i32
          %dma_start3A_262 = arith.constant 0 : i32
          %dma_start3A_263 = tpu.memref_slice %arg9[%dma_start3A_261, %dma_start3A_262] : memref<8x128xi32, #tpu.memory_space<vmem>> -> memref<8x128xi32, #tpu.memory_space<vmem>>
          %dma_start3A_264 = arith.constant 0 : i32
          %dma_start3A_265 = tpu.memref_slice %arg4[%mul3A_38, %dma_start3A_264] : memref<2500x128xi32, #tpu.memory_space<hbm>> -> memref<8x128xi32, #tpu.memory_space<hbm>>
          %dma_start3A_266 = arith.constant 0 : i32
          %dma_start3A_267 = arith.constant 0 : i32
          %dma_start3A_268 = tpu.memref_slice %arg9[%dma_start3A_266, %dma_start3A_267] : memref<8x128xi32, #tpu.memory_space<vmem>> -> memref<8x128xi32, #tpu.memory_space<vmem>>
          %dma_start3A_269 = arith.constant 0 : i32
          %dma_start3A_270 = tpu.memref_slice %arg4[%mul3A_38, %dma_start3A_269] : memref<2500x128xi32, #tpu.memory_space<hbm>> -> memref<8x128xi32, #tpu.memory_space<hbm>>
          tpu.enqueue_dma source(%dma_start3A_270 : memref<8x128xi32, #tpu.memory_space<hbm>>) target(%dma_start3A_268 : memref<8x128xi32, #tpu.memory_space<vmem>>) target_semaphore(%run_scoped3A : memref<!tpu.dma_semaphore, #tpu.memory_space<semaphore_mem>>)
          %dma_wait3A_271 = arith.constant 0 : i32
          %dma_wait3A_272 = arith.constant 0 : i32
          %dma_wait3A_273 = tpu.memref_slice %arg9[%dma_wait3A_271, %dma_wait3A_272] : memref<8x128xi32, #tpu.memory_space<vmem>> -> memref<8x128xi32, #tpu.memory_space<vmem>>
          %dma_wait3A_274 = arith.constant 0 : i32
          %dma_wait3A_275 = tpu.memref_slice %arg4[%mul3A_38, %dma_wait3A_274] : memref<2500x128xi32, #tpu.memory_space<hbm>> -> memref<8x128xi32, #tpu.memory_space<hbm>>
          %dma_wait3A_276 = arith.constant 0 : i32
          %dma_wait3A_277 = arith.constant 0 : i32
          %dma_wait3A_278 = tpu.memref_slice %arg9[%dma_wait3A_276, %dma_wait3A_277] : memref<8x128xi32, #tpu.memory_space<vmem>> -> memref<8x128xi32, #tpu.memory_space<vmem>>
          %dma_wait3A_279 = arith.constant 0 : i32
          %dma_wait3A_280 = tpu.memref_slice %arg4[%mul3A_38, %dma_wait3A_279] : memref<2500x128xi32, #tpu.memory_space<hbm>> -> memref<8x128xi32, #tpu.memory_space<hbm>>
          tpu.wait_dma2 semaphore(%run_scoped3A : memref<!tpu.dma_semaphore, #tpu.memory_space<semaphore_mem>>) src(%dma_wait3A_280 : memref<8x128xi32, #tpu.memory_space<hbm>>) dst(%dma_wait3A_278 : memref<8x128xi32, #tpu.memory_space<vmem>>)
          tpu.yield
        }) : () -> ()
        "tpu.region"() ({
          %run_scoped3A = tpu.sem_alloc : memref<!tpu.dma_semaphore, #tpu.memory_space<semaphore_mem>>
          %dma_start3A_261 = arith.constant 0 : i32
          %dma_start3A_262 = arith.constant 0 : i32
          %dma_start3A_263 = tpu.memref_slice %arg10[%dma_start3A_261, %dma_start3A_262] : memref<8x128xi32, #tpu.memory_space<vmem>> -> memref<8x128xi32, #tpu.memory_space<vmem>>
          %dma_start3A_264 = arith.constant 0 : i32
          %dma_start3A_265 = tpu.memref_slice %arg5[%mul3A_38, %dma_start3A_264] : memref<2500x128xi32, #tpu.memory_space<hbm>> -> memref<8x128xi32, #tpu.memory_space<hbm>>
          %dma_start3A_266 = arith.constant 0 : i32
          %dma_start3A_267 = arith.constant 0 : i32
          %dma_start3A_268 = tpu.memref_slice %arg10[%dma_start3A_266, %dma_start3A_267] : memref<8x128xi32, #tpu.memory_space<vmem>> -> memref<8x128xi32, #tpu.memory_space<vmem>>
          %dma_start3A_269 = arith.constant 0 : i32
          %dma_start3A_270 = tpu.memref_slice %arg5[%mul3A_38, %dma_start3A_269] : memref<2500x128xi32, #tpu.memory_space<hbm>> -> memref<8x128xi32, #tpu.memory_space<hbm>>
          tpu.enqueue_dma source(%dma_start3A_270 : memref<8x128xi32, #tpu.memory_space<hbm>>) target(%dma_start3A_268 : memref<8x128xi32, #tpu.memory_space<vmem>>) target_semaphore(%run_scoped3A : memref<!tpu.dma_semaphore, #tpu.memory_space<semaphore_mem>>)
          %dma_wait3A_271 = arith.constant 0 : i32
          %dma_wait3A_272 = arith.constant 0 : i32
          %dma_wait3A_273 = tpu.memref_slice %arg10[%dma_wait3A_271, %dma_wait3A_272] : memref<8x128xi32, #tpu.memory_space<vmem>> -> memref<8x128xi32, #tpu.memory_space<vmem>>
          %dma_wait3A_274 = arith.constant 0 : i32
          %dma_wait3A_275 = tpu.memref_slice %arg5[%mul3A_38, %dma_wait3A_274] : memref<2500x128xi32, #tpu.memory_space<hbm>> -> memref<8x128xi32, #tpu.memory_space<hbm>>
          %dma_wait3A_276 = arith.constant 0 : i32
          %dma_wait3A_277 = arith.constant 0 : i32
          %dma_wait3A_278 = tpu.memref_slice %arg10[%dma_wait3A_276, %dma_wait3A_277] : memref<8x128xi32, #tpu.memory_space<vmem>> -> memref<8x128xi32, #tpu.memory_space<vmem>>
          %dma_wait3A_279 = arith.constant 0 : i32
          %dma_wait3A_280 = tpu.memref_slice %arg5[%mul3A_38, %dma_wait3A_279] : memref<2500x128xi32, #tpu.memory_space<hbm>> -> memref<8x128xi32, #tpu.memory_space<hbm>>
          tpu.wait_dma2 semaphore(%run_scoped3A : memref<!tpu.dma_semaphore, #tpu.memory_space<semaphore_mem>>) src(%dma_wait3A_280 : memref<8x128xi32, #tpu.memory_space<hbm>>) dst(%dma_wait3A_278 : memref<8x128xi32, #tpu.memory_space<vmem>>)
          tpu.yield
        }) : () -> ()
        %dma_start3A = arith.constant 0 : i32
        %dma_start3A_39 = arith.constant 0 : i32
        %dma_start3A_40 = tpu.memref_slice %arg9[%dma_start3A, %dma_start3A_39] : memref<8x128xi32, #tpu.memory_space<vmem>> -> memref<1x128xi32, #tpu.memory_space<vmem>>
        %dma_start3A_41 = tpu.memref_squeeze %dma_start3A_40 : memref<1x128xi32, #tpu.memory_space<vmem>> -> memref<128xi32, #tpu.memory_space<vmem>>
        %dma_start3A_42 = arith.constant 0 : i32
        %dma_start3A_43 = arith.constant 0 : i32
        %dma_start3A_44 = tpu.memref_slice %arg3[%dma_start3A_42, %dma_start3A_43] : memref<10000x128xf32, #tpu.memory_space<hbm>> -> memref<10000x128xf32, #tpu.memory_space<hbm>>
        tpu.enqueue_indirect_dma source(%dma_start3A_44 : memref<10000x128xf32, #tpu.memory_space<hbm>>) target(%arg11 : memref<128x128xf32, #tpu.memory_space<vmem>>) offsets(%dma_start3A_41 : memref<128xi32, #tpu.memory_space<vmem>>) semaphore(%arg13 : memref<!tpu.dma_semaphore, #tpu.memory_space<semaphore_mem>>)
        %dma_start3A_45 = arith.constant 1 : i32
        %dma_start3A_46 = arith.constant 0 : i32
        %dma_start3A_47 = tpu.memref_slice %arg9[%dma_start3A_45, %dma_start3A_46] : memref<8x128xi32, #tpu.memory_space<vmem>> -> memref<1x128xi32, #tpu.memory_space<vmem>>
        %dma_start3A_48 = tpu.memref_squeeze %dma_start3A_47 : memref<1x128xi32, #tpu.memory_space<vmem>> -> memref<128xi32, #tpu.memory_space<vmem>>
        %dma_start3A_49 = arith.constant 0 : i32
        %dma_start3A_50 = arith.constant 0 : i32
        %dma_start3A_51 = tpu.memref_slice %arg3[%dma_start3A_49, %dma_start3A_50] : memref<10000x128xf32, #tpu.memory_space<hbm>> -> memref<10000x128xf32, #tpu.memory_space<hbm>>
        tpu.enqueue_indirect_dma source(%dma_start3A_51 : memref<10000x128xf32, #tpu.memory_space<hbm>>) target(%arg12 : memref<128x128xf32, #tpu.memory_space<vmem>>) offsets(%dma_start3A_48 : memref<128xi32, #tpu.memory_space<vmem>>) semaphore(%arg13 : memref<!tpu.dma_semaphore, #tpu.memory_space<semaphore_mem>>)
        %dma_wait3A = arith.constant 0 : i32
        %dma_wait3A_52 = arith.constant 0 : i32
        %dma_wait3A_53 = tpu.memref_slice %arg9[%dma_wait3A, %dma_wait3A_52] : memref<8x128xi32, #tpu.memory_space<vmem>> -> memref<1x128xi32, #tpu.memory_space<vmem>>
        %dma_wait3A_54 = tpu.memref_squeeze %dma_wait3A_53 : memref<1x128xi32, #tpu.memory_space<vmem>> -> memref<128xi32, #tpu.memory_space<vmem>>
        %dma_wait3A_55 = arith.constant 0 : i32
        %dma_wait3A_56 = arith.constant 0 : i32
        %dma_wait3A_57 = tpu.memref_slice %arg3[%dma_wait3A_55, %dma_wait3A_56] : memref<10000x128xf32, #tpu.memory_space<hbm>> -> memref<10000x128xf32, #tpu.memory_space<hbm>>
        tpu.wait_indirect_dma semaphore(%arg13 : memref<!tpu.dma_semaphore, #tpu.memory_space<semaphore_mem>>) src(%dma_wait3A_57 : memref<10000x128xf32, #tpu.memory_space<hbm>>) dst(%arg11 : memref<128x128xf32, #tpu.memory_space<vmem>>)
        %dma_start3A_58 = arith.constant 0 : i32
        %dma_start3A_59 = arith.constant 0 : i32
        %dma_start3A_60 = tpu.memref_slice %arg10[%dma_start3A_58, %dma_start3A_59] : memref<8x128xi32, #tpu.memory_space<vmem>> -> memref<1x128xi32, #tpu.memory_space<vmem>>
        %dma_start3A_61 = tpu.memref_squeeze %dma_start3A_60 : memref<1x128xi32, #tpu.memory_space<vmem>> -> memref<128xi32, #tpu.memory_space<vmem>>
        %dma_start3A_62 = arith.constant 0 : i32
        %dma_start3A_63 = arith.constant 0 : i32
        %dma_start3A_64 = tpu.memref_slice %arg8[%dma_start3A_62, %dma_start3A_63] : memref<10240x128xf32, #tpu.memory_space<vmem_shared>> -> memref<10240x128xf32, #tpu.memory_space<vmem_shared>>
        tpu.enqueue_indirect_dma source(%arg11 : memref<128x128xf32, #tpu.memory_space<vmem>>) target(%dma_start3A_64 : memref<10240x128xf32, #tpu.memory_space<vmem_shared>>) offsets(%dma_start3A_61 : memref<128xi32, #tpu.memory_space<vmem>>) semaphore(%arg14 : memref<!tpu.dma_semaphore, #tpu.memory_space<semaphore_mem>>) {add = true}
        %dma_wait3A_65 = arith.constant 0 : i32
        %dma_wait3A_66 = arith.constant 0 : i32
        %dma_wait3A_67 = tpu.memref_slice %arg10[%dma_wait3A_65, %dma_wait3A_66] : memref<8x128xi32, #tpu.memory_space<vmem>> -> memref<1x128xi32, #tpu.memory_space<vmem>>
        %dma_wait3A_68 = tpu.memref_squeeze %dma_wait3A_67 : memref<1x128xi32, #tpu.memory_space<vmem>> -> memref<128xi32, #tpu.memory_space<vmem>>
        %dma_wait3A_69 = arith.constant 0 : i32
        %dma_wait3A_70 = arith.constant 0 : i32
        %dma_wait3A_71 = tpu.memref_slice %arg8[%dma_wait3A_69, %dma_wait3A_70] : memref<10240x128xf32, #tpu.memory_space<vmem_shared>> -> memref<10240x128xf32, #tpu.memory_space<vmem_shared>>
        tpu.wait_indirect_dma semaphore(%arg14 : memref<!tpu.dma_semaphore, #tpu.memory_space<semaphore_mem>>) src(%arg11 : memref<128x128xf32, #tpu.memory_space<vmem>>) dst(%dma_wait3A_71 : memref<10240x128xf32, #tpu.memory_space<vmem_shared>>)
        %dma_start3A_72 = arith.constant 2 : i32
        %dma_start3A_73 = arith.constant 0 : i32
        %dma_start3A_74 = tpu.memref_slice %arg9[%dma_start3A_72, %dma_start3A_73] : memref<8x128xi32, #tpu.memory_space<vmem>> -> memref<1x128xi32, #tpu.memory_space<vmem>>
        %dma_start3A_75 = tpu.memref_squeeze %dma_start3A_74 : memref<1x128xi32, #tpu.memory_space<vmem>> -> memref<128xi32, #tpu.memory_space<vmem>>
        %dma_start3A_76 = arith.constant 0 : i32
        %dma_start3A_77 = arith.constant 0 : i32
        %dma_start3A_78 = tpu.memref_slice %arg3[%dma_start3A_76, %dma_start3A_77] : memref<10000x128xf32, #tpu.memory_space<hbm>> -> memref<10000x128xf32, #tpu.memory_space<hbm>>
        tpu.enqueue_indirect_dma source(%dma_start3A_78 : memref<10000x128xf32, #tpu.memory_space<hbm>>) target(%arg11 : memref<128x128xf32, #tpu.memory_space<vmem>>) offsets(%dma_start3A_75 : memref<128xi32, #tpu.memory_space<vmem>>) semaphore(%arg13 : memref<!tpu.dma_semaphore, #tpu.memory_space<semaphore_mem>>)
        %dma_wait3A_79 = arith.constant 1 : i32
        %dma_wait3A_80 = arith.constant 0 : i32
        %dma_wait3A_81 = tpu.memref_slice %arg9[%dma_wait3A_79, %dma_wait3A_80] : memref<8x128xi32, #tpu.memory_space<vmem>> -> memref<1x128xi32, #tpu.memory_space<vmem>>
        %dma_wait3A_82 = tpu.memref_squeeze %dma_wait3A_81 : memref<1x128xi32, #tpu.memory_space<vmem>> -> memref<128xi32, #tpu.memory_space<vmem>>
        %dma_wait3A_83 = arith.constant 0 : i32
        %dma_wait3A_84 = arith.constant 0 : i32
        %dma_wait3A_85 = tpu.memref_slice %arg3[%dma_wait3A_83, %dma_wait3A_84] : memref<10000x128xf32, #tpu.memory_space<hbm>> -> memref<10000x128xf32, #tpu.memory_space<hbm>>
        tpu.wait_indirect_dma semaphore(%arg13 : memref<!tpu.dma_semaphore, #tpu.memory_space<semaphore_mem>>) src(%dma_wait3A_85 : memref<10000x128xf32, #tpu.memory_space<hbm>>) dst(%arg12 : memref<128x128xf32, #tpu.memory_space<vmem>>)
        %dma_start3A_86 = arith.constant 1 : i32
        %dma_start3A_87 = arith.constant 0 : i32
        %dma_start3A_88 = tpu.memref_slice %arg10[%dma_start3A_86, %dma_start3A_87] : memref<8x128xi32, #tpu.memory_space<vmem>> -> memref<1x128xi32, #tpu.memory_space<vmem>>
        %dma_start3A_89 = tpu.memref_squeeze %dma_start3A_88 : memref<1x128xi32, #tpu.memory_space<vmem>> -> memref<128xi32, #tpu.memory_space<vmem>>
        %dma_start3A_90 = arith.constant 0 : i32
        %dma_start3A_91 = arith.constant 0 : i32
        %dma_start3A_92 = tpu.memref_slice %arg8[%dma_start3A_90, %dma_start3A_91] : memref<10240x128xf32, #tpu.memory_space<vmem_shared>> -> memref<10240x128xf32, #tpu.memory_space<vmem_shared>>
        tpu.enqueue_indirect_dma source(%arg12 : memref<128x128xf32, #tpu.memory_space<vmem>>) target(%dma_start3A_92 : memref<10240x128xf32, #tpu.memory_space<vmem_shared>>) offsets(%dma_start3A_89 : memref<128xi32, #tpu.memory_space<vmem>>) semaphore(%arg14 : memref<!tpu.dma_semaphore, #tpu.memory_space<semaphore_mem>>) {add = true}
        %dma_wait3A_93 = arith.constant 1 : i32
        %dma_wait3A_94 = arith.constant 0 : i32
        %dma_wait3A_95 = tpu.memref_slice %arg10[%dma_wait3A_93, %dma_wait3A_94] : memref<8x128xi32, #tpu.memory_space<vmem>> -> memref<1x128xi32, #tpu.memory_space<vmem>>
        %dma_wait3A_96 = tpu.memref_squeeze %dma_wait3A_95 : memref<1x128xi32, #tpu.memory_space<vmem>> -> memref<128xi32, #tpu.memory_space<vmem>>
        %dma_wait3A_97 = arith.constant 0 : i32
        %dma_wait3A_98 = arith.constant 0 : i32
        %dma_wait3A_99 = tpu.memref_slice %arg8[%dma_wait3A_97, %dma_wait3A_98] : memref<10240x128xf32, #tpu.memory_space<vmem_shared>> -> memref<10240x128xf32, #tpu.memory_space<vmem_shared>>
        tpu.wait_indirect_dma semaphore(%arg14 : memref<!tpu.dma_semaphore, #tpu.memory_space<semaphore_mem>>) src(%arg12 : memref<128x128xf32, #tpu.memory_space<vmem>>) dst(%dma_wait3A_99 : memref<10240x128xf32, #tpu.memory_space<vmem_shared>>)
        %dma_start3A_100 = arith.constant 3 : i32
        %dma_start3A_101 = arith.constant 0 : i32
        %dma_start3A_102 = tpu.memref_slice %arg9[%dma_start3A_100, %dma_start3A_101] : memref<8x128xi32, #tpu.memory_space<vmem>> -> memref<1x128xi32, #tpu.memory_space<vmem>>
        %dma_start3A_103 = tpu.memref_squeeze %dma_start3A_102 : memref<1x128xi32, #tpu.memory_space<vmem>> -> memref<128xi32, #tpu.memory_space<vmem>>
        %dma_start3A_104 = arith.constant 0 : i32
        %dma_start3A_105 = arith.constant 0 : i32
        %dma_start3A_106 = tpu.memref_slice %arg3[%dma_start3A_104, %dma_start3A_105] : memref<10000x128xf32, #tpu.memory_space<hbm>> -> memref<10000x128xf32, #tpu.memory_space<hbm>>
        tpu.enqueue_indirect_dma source(%dma_start3A_106 : memref<10000x128xf32, #tpu.memory_space<hbm>>) target(%arg12 : memref<128x128xf32, #tpu.memory_space<vmem>>) offsets(%dma_start3A_103 : memref<128xi32, #tpu.memory_space<vmem>>) semaphore(%arg13 : memref<!tpu.dma_semaphore, #tpu.memory_space<semaphore_mem>>)
        %dma_wait3A_107 = arith.constant 2 : i32
        %dma_wait3A_108 = arith.constant 0 : i32
        %dma_wait3A_109 = tpu.memref_slice %arg9[%dma_wait3A_107, %dma_wait3A_108] : memref<8x128xi32, #tpu.memory_space<vmem>> -> memref<1x128xi32, #tpu.memory_space<vmem>>
        %dma_wait3A_110 = tpu.memref_squeeze %dma_wait3A_109 : memref<1x128xi32, #tpu.memory_space<vmem>> -> memref<128xi32, #tpu.memory_space<vmem>>
        %dma_wait3A_111 = arith.constant 0 : i32
        %dma_wait3A_112 = arith.constant 0 : i32
        %dma_wait3A_113 = tpu.memref_slice %arg3[%dma_wait3A_111, %dma_wait3A_112] : memref<10000x128xf32, #tpu.memory_space<hbm>> -> memref<10000x128xf32, #tpu.memory_space<hbm>>
        tpu.wait_indirect_dma semaphore(%arg13 : memref<!tpu.dma_semaphore, #tpu.memory_space<semaphore_mem>>) src(%dma_wait3A_113 : memref<10000x128xf32, #tpu.memory_space<hbm>>) dst(%arg11 : memref<128x128xf32, #tpu.memory_space<vmem>>)
        %dma_start3A_114 = arith.constant 2 : i32
        %dma_start3A_115 = arith.constant 0 : i32
        %dma_start3A_116 = tpu.memref_slice %arg10[%dma_start3A_114, %dma_start3A_115] : memref<8x128xi32, #tpu.memory_space<vmem>> -> memref<1x128xi32, #tpu.memory_space<vmem>>
        %dma_start3A_117 = tpu.memref_squeeze %dma_start3A_116 : memref<1x128xi32, #tpu.memory_space<vmem>> -> memref<128xi32, #tpu.memory_space<vmem>>
        %dma_start3A_118 = arith.constant 0 : i32
        %dma_start3A_119 = arith.constant 0 : i32
        %dma_start3A_120 = tpu.memref_slice %arg8[%dma_start3A_118, %dma_start3A_119] : memref<10240x128xf32, #tpu.memory_space<vmem_shared>> -> memref<10240x128xf32, #tpu.memory_space<vmem_shared>>
        tpu.enqueue_indirect_dma source(%arg11 : memref<128x128xf32, #tpu.memory_space<vmem>>) target(%dma_start3A_120 : memref<10240x128xf32, #tpu.memory_space<vmem_shared>>) offsets(%dma_start3A_117 : memref<128xi32, #tpu.memory_space<vmem>>) semaphore(%arg14 : memref<!tpu.dma_semaphore, #tpu.memory_space<semaphore_mem>>) {add = true}
        %dma_wait3A_121 = arith.constant 2 : i32
        %dma_wait3A_122 = arith.constant 0 : i32
        %dma_wait3A_123 = tpu.memref_slice %arg10[%dma_wait3A_121, %dma_wait3A_122] : memref<8x128xi32, #tpu.memory_space<vmem>> -> memref<1x128xi32, #tpu.memory_space<vmem>>
        %dma_wait3A_124 = tpu.memref_squeeze %dma_wait3A_123 : memref<1x128xi32, #tpu.memory_space<vmem>> -> memref<128xi32, #tpu.memory_space<vmem>>
        %dma_wait3A_125 = arith.constant 0 : i32
        %dma_wait3A_126 = arith.constant 0 : i32
        %dma_wait3A_127 = tpu.memref_slice %arg8[%dma_wait3A_125, %dma_wait3A_126] : memref<10240x128xf32, #tpu.memory_space<vmem_shared>> -> memref<10240x128xf32, #tpu.memory_space<vmem_shared>>
        tpu.wait_indirect_dma semaphore(%arg14 : memref<!tpu.dma_semaphore, #tpu.memory_space<semaphore_mem>>) src(%arg11 : memref<128x128xf32, #tpu.memory_space<vmem>>) dst(%dma_wait3A_127 : memref<10240x128xf32, #tpu.memory_space<vmem_shared>>)
        %dma_start3A_128 = arith.constant 4 : i32
        %dma_start3A_129 = arith.constant 0 : i32
        %dma_start3A_130 = tpu.memref_slice %arg9[%dma_start3A_128, %dma_start3A_129] : memref<8x128xi32, #tpu.memory_space<vmem>> -> memref<1x128xi32, #tpu.memory_space<vmem>>
        %dma_start3A_131 = tpu.memref_squeeze %dma_start3A_130 : memref<1x128xi32, #tpu.memory_space<vmem>> -> memref<128xi32, #tpu.memory_space<vmem>>
        %dma_start3A_132 = arith.constant 0 : i32
        %dma_start3A_133 = arith.constant 0 : i32
        %dma_start3A_134 = tpu.memref_slice %arg3[%dma_start3A_132, %dma_start3A_133] : memref<10000x128xf32, #tpu.memory_space<hbm>> -> memref<10000x128xf32, #tpu.memory_space<hbm>>
        tpu.enqueue_indirect_dma source(%dma_start3A_134 : memref<10000x128xf32, #tpu.memory_space<hbm>>) target(%arg11 : memref<128x128xf32, #tpu.memory_space<vmem>>) offsets(%dma_start3A_131 : memref<128xi32, #tpu.memory_space<vmem>>) semaphore(%arg13 : memref<!tpu.dma_semaphore, #tpu.memory_space<semaphore_mem>>)
        %dma_wait3A_135 = arith.constant 3 : i32
        %dma_wait3A_136 = arith.constant 0 : i32
        %dma_wait3A_137 = tpu.memref_slice %arg9[%dma_wait3A_135, %dma_wait3A_136] : memref<8x128xi32, #tpu.memory_space<vmem>> -> memref<1x128xi32, #tpu.memory_space<vmem>>
        %dma_wait3A_138 = tpu.memref_squeeze %dma_wait3A_137 : memref<1x128xi32, #tpu.memory_space<vmem>> -> memref<128xi32, #tpu.memory_space<vmem>>
        %dma_wait3A_139 = arith.constant 0 : i32
        %dma_wait3A_140 = arith.constant 0 : i32
        %dma_wait3A_141 = tpu.memref_slice %arg3[%dma_wait3A_139, %dma_wait3A_140] : memref<10000x128xf32, #tpu.memory_space<hbm>> -> memref<10000x128xf32, #tpu.memory_space<hbm>>
        tpu.wait_indirect_dma semaphore(%arg13 : memref<!tpu.dma_semaphore, #tpu.memory_space<semaphore_mem>>) src(%dma_wait3A_141 : memref<10000x128xf32, #tpu.memory_space<hbm>>) dst(%arg12 : memref<128x128xf32, #tpu.memory_space<vmem>>)
        %dma_start3A_142 = arith.constant 3 : i32
        %dma_start3A_143 = arith.constant 0 : i32
        %dma_start3A_144 = tpu.memref_slice %arg10[%dma_start3A_142, %dma_start3A_143] : memref<8x128xi32, #tpu.memory_space<vmem>> -> memref<1x128xi32, #tpu.memory_space<vmem>>
        %dma_start3A_145 = tpu.memref_squeeze %dma_start3A_144 : memref<1x128xi32, #tpu.memory_space<vmem>> -> memref<128xi32, #tpu.memory_space<vmem>>
        %dma_start3A_146 = arith.constant 0 : i32
        %dma_start3A_147 = arith.constant 0 : i32
        %dma_start3A_148 = tpu.memref_slice %arg8[%dma_start3A_146, %dma_start3A_147] : memref<10240x128xf32, #tpu.memory_space<vmem_shared>> -> memref<10240x128xf32, #tpu.memory_space<vmem_shared>>
        tpu.enqueue_indirect_dma source(%arg12 : memref<128x128xf32, #tpu.memory_space<vmem>>) target(%dma_start3A_148 : memref<10240x128xf32, #tpu.memory_space<vmem_shared>>) offsets(%dma_start3A_145 : memref<128xi32, #tpu.memory_space<vmem>>) semaphore(%arg14 : memref<!tpu.dma_semaphore, #tpu.memory_space<semaphore_mem>>) {add = true}
        %dma_wait3A_149 = arith.constant 3 : i32
        %dma_wait3A_150 = arith.constant 0 : i32
        %dma_wait3A_151 = tpu.memref_slice %arg10[%dma_wait3A_149, %dma_wait3A_150] : memref<8x128xi32, #tpu.memory_space<vmem>> -> memref<1x128xi32, #tpu.memory_space<vmem>>
        %dma_wait3A_152 = tpu.memref_squeeze %dma_wait3A_151 : memref<1x128xi32, #tpu.memory_space<vmem>> -> memref<128xi32, #tpu.memory_space<vmem>>
        %dma_wait3A_153 = arith.constant 0 : i32
        %dma_wait3A_154 = arith.constant 0 : i32
        %dma_wait3A_155 = tpu.memref_slice %arg8[%dma_wait3A_153, %dma_wait3A_154] : memref<10240x128xf32, #tpu.memory_space<vmem_shared>> -> memref<10240x128xf32, #tpu.memory_space<vmem_shared>>
        tpu.wait_indirect_dma semaphore(%arg14 : memref<!tpu.dma_semaphore, #tpu.memory_space<semaphore_mem>>) src(%arg12 : memref<128x128xf32, #tpu.memory_space<vmem>>) dst(%dma_wait3A_155 : memref<10240x128xf32, #tpu.memory_space<vmem_shared>>)
        %dma_start3A_156 = arith.constant 5 : i32
        %dma_start3A_157 = arith.constant 0 : i32
        %dma_start3A_158 = tpu.memref_slice %arg9[%dma_start3A_156, %dma_start3A_157] : memref<8x128xi32, #tpu.memory_space<vmem>> -> memref<1x128xi32, #tpu.memory_space<vmem>>
        %dma_start3A_159 = tpu.memref_squeeze %dma_start3A_158 : memref<1x128xi32, #tpu.memory_space<vmem>> -> memref<128xi32, #tpu.memory_space<vmem>>
        %dma_start3A_160 = arith.constant 0 : i32
        %dma_start3A_161 = arith.constant 0 : i32
        %dma_start3A_162 = tpu.memref_slice %arg3[%dma_start3A_160, %dma_start3A_161] : memref<10000x128xf32, #tpu.memory_space<hbm>> -> memref<10000x128xf32, #tpu.memory_space<hbm>>
        tpu.enqueue_indirect_dma source(%dma_start3A_162 : memref<10000x128xf32, #tpu.memory_space<hbm>>) target(%arg12 : memref<128x128xf32, #tpu.memory_space<vmem>>) offsets(%dma_start3A_159 : memref<128xi32, #tpu.memory_space<vmem>>) semaphore(%arg13 : memref<!tpu.dma_semaphore, #tpu.memory_space<semaphore_mem>>)
        %dma_wait3A_163 = arith.constant 4 : i32
        %dma_wait3A_164 = arith.constant 0 : i32
        %dma_wait3A_165 = tpu.memref_slice %arg9[%dma_wait3A_163, %dma_wait3A_164] : memref<8x128xi32, #tpu.memory_space<vmem>> -> memref<1x128xi32, #tpu.memory_space<vmem>>
        %dma_wait3A_166 = tpu.memref_squeeze %dma_wait3A_165 : memref<1x128xi32, #tpu.memory_space<vmem>> -> memref<128xi32, #tpu.memory_space<vmem>>
        %dma_wait3A_167 = arith.constant 0 : i32
        %dma_wait3A_168 = arith.constant 0 : i32
        %dma_wait3A_169 = tpu.memref_slice %arg3[%dma_wait3A_167, %dma_wait3A_168] : memref<10000x128xf32, #tpu.memory_space<hbm>> -> memref<10000x128xf32, #tpu.memory_space<hbm>>
        tpu.wait_indirect_dma semaphore(%arg13 : memref<!tpu.dma_semaphore, #tpu.memory_space<semaphore_mem>>) src(%dma_wait3A_169 : memref<10000x128xf32, #tpu.memory_space<hbm>>) dst(%arg11 : memref<128x128xf32, #tpu.memory_space<vmem>>)
        %dma_start3A_170 = arith.constant 4 : i32
        %dma_start3A_171 = arith.constant 0 : i32
        %dma_start3A_172 = tpu.memref_slice %arg10[%dma_start3A_170, %dma_start3A_171] : memref<8x128xi32, #tpu.memory_space<vmem>> -> memref<1x128xi32, #tpu.memory_space<vmem>>
        %dma_start3A_173 = tpu.memref_squeeze %dma_start3A_172 : memref<1x128xi32, #tpu.memory_space<vmem>> -> memref<128xi32, #tpu.memory_space<vmem>>
        %dma_start3A_174 = arith.constant 0 : i32
        %dma_start3A_175 = arith.constant 0 : i32
        %dma_start3A_176 = tpu.memref_slice %arg8[%dma_start3A_174, %dma_start3A_175] : memref<10240x128xf32, #tpu.memory_space<vmem_shared>> -> memref<10240x128xf32, #tpu.memory_space<vmem_shared>>
        tpu.enqueue_indirect_dma source(%arg11 : memref<128x128xf32, #tpu.memory_space<vmem>>) target(%dma_start3A_176 : memref<10240x128xf32, #tpu.memory_space<vmem_shared>>) offsets(%dma_start3A_173 : memref<128xi32, #tpu.memory_space<vmem>>) semaphore(%arg14 : memref<!tpu.dma_semaphore, #tpu.memory_space<semaphore_mem>>) {add = true}
        %dma_wait3A_177 = arith.constant 4 : i32
        %dma_wait3A_178 = arith.constant 0 : i32
        %dma_wait3A_179 = tpu.memref_slice %arg10[%dma_wait3A_177, %dma_wait3A_178] : memref<8x128xi32, #tpu.memory_space<vmem>> -> memref<1x128xi32, #tpu.memory_space<vmem>>
        %dma_wait3A_180 = tpu.memref_squeeze %dma_wait3A_179 : memref<1x128xi32, #tpu.memory_space<vmem>> -> memref<128xi32, #tpu.memory_space<vmem>>
        %dma_wait3A_181 = arith.constant 0 : i32
        %dma_wait3A_182 = arith.constant 0 : i32
        %dma_wait3A_183 = tpu.memref_slice %arg8[%dma_wait3A_181, %dma_wait3A_182] : memref<10240x128xf32, #tpu.memory_space<vmem_shared>> -> memref<10240x128xf32, #tpu.memory_space<vmem_shared>>
        tpu.wait_indirect_dma semaphore(%arg14 : memref<!tpu.dma_semaphore, #tpu.memory_space<semaphore_mem>>) src(%arg11 : memref<128x128xf32, #tpu.memory_space<vmem>>) dst(%dma_wait3A_183 : memref<10240x128xf32, #tpu.memory_space<vmem_shared>>)
        %dma_start3A_184 = arith.constant 6 : i32
        %dma_start3A_185 = arith.constant 0 : i32
        %dma_start3A_186 = tpu.memref_slice %arg9[%dma_start3A_184, %dma_start3A_185] : memref<8x128xi32, #tpu.memory_space<vmem>> -> memref<1x128xi32, #tpu.memory_space<vmem>>
        %dma_start3A_187 = tpu.memref_squeeze %dma_start3A_186 : memref<1x128xi32, #tpu.memory_space<vmem>> -> memref<128xi32, #tpu.memory_space<vmem>>
        %dma_start3A_188 = arith.constant 0 : i32
        %dma_start3A_189 = arith.constant 0 : i32
        %dma_start3A_190 = tpu.memref_slice %arg3[%dma_start3A_188, %dma_start3A_189] : memref<10000x128xf32, #tpu.memory_space<hbm>> -> memref<10000x128xf32, #tpu.memory_space<hbm>>
        tpu.enqueue_indirect_dma source(%dma_start3A_190 : memref<10000x128xf32, #tpu.memory_space<hbm>>) target(%arg11 : memref<128x128xf32, #tpu.memory_space<vmem>>) offsets(%dma_start3A_187 : memref<128xi32, #tpu.memory_space<vmem>>) semaphore(%arg13 : memref<!tpu.dma_semaphore, #tpu.memory_space<semaphore_mem>>)
        %dma_wait3A_191 = arith.constant 5 : i32
        %dma_wait3A_192 = arith.constant 0 : i32
        %dma_wait3A_193 = tpu.memref_slice %arg9[%dma_wait3A_191, %dma_wait3A_192] : memref<8x128xi32, #tpu.memory_space<vmem>> -> memref<1x128xi32, #tpu.memory_space<vmem>>
        %dma_wait3A_194 = tpu.memref_squeeze %dma_wait3A_193 : memref<1x128xi32, #tpu.memory_space<vmem>> -> memref<128xi32, #tpu.memory_space<vmem>>
        %dma_wait3A_195 = arith.constant 0 : i32
        %dma_wait3A_196 = arith.constant 0 : i32
        %dma_wait3A_197 = tpu.memref_slice %arg3[%dma_wait3A_195, %dma_wait3A_196] : memref<10000x128xf32, #tpu.memory_space<hbm>> -> memref<10000x128xf32, #tpu.memory_space<hbm>>
        tpu.wait_indirect_dma semaphore(%arg13 : memref<!tpu.dma_semaphore, #tpu.memory_space<semaphore_mem>>) src(%dma_wait3A_197 : memref<10000x128xf32, #tpu.memory_space<hbm>>) dst(%arg12 : memref<128x128xf32, #tpu.memory_space<vmem>>)
        %dma_start3A_198 = arith.constant 5 : i32
        %dma_start3A_199 = arith.constant 0 : i32
        %dma_start3A_200 = tpu.memref_slice %arg10[%dma_start3A_198, %dma_start3A_199] : memref<8x128xi32, #tpu.memory_space<vmem>> -> memref<1x128xi32, #tpu.memory_space<vmem>>
        %dma_start3A_201 = tpu.memref_squeeze %dma_start3A_200 : memref<1x128xi32, #tpu.memory_space<vmem>> -> memref<128xi32, #tpu.memory_space<vmem>>
        %dma_start3A_202 = arith.constant 0 : i32
        %dma_start3A_203 = arith.constant 0 : i32
        %dma_start3A_204 = tpu.memref_slice %arg8[%dma_start3A_202, %dma_start3A_203] : memref<10240x128xf32, #tpu.memory_space<vmem_shared>> -> memref<10240x128xf32, #tpu.memory_space<vmem_shared>>
        tpu.enqueue_indirect_dma source(%arg12 : memref<128x128xf32, #tpu.memory_space<vmem>>) target(%dma_start3A_204 : memref<10240x128xf32, #tpu.memory_space<vmem_shared>>) offsets(%dma_start3A_201 : memref<128xi32, #tpu.memory_space<vmem>>) semaphore(%arg14 : memref<!tpu.dma_semaphore, #tpu.memory_space<semaphore_mem>>) {add = true}
        %dma_wait3A_205 = arith.constant 5 : i32
        %dma_wait3A_206 = arith.constant 0 : i32
        %dma_wait3A_207 = tpu.memref_slice %arg10[%dma_wait3A_205, %dma_wait3A_206] : memref<8x128xi32, #tpu.memory_space<vmem>> -> memref<1x128xi32, #tpu.memory_space<vmem>>
        %dma_wait3A_208 = tpu.memref_squeeze %dma_wait3A_207 : memref<1x128xi32, #tpu.memory_space<vmem>> -> memref<128xi32, #tpu.memory_space<vmem>>
        %dma_wait3A_209 = arith.constant 0 : i32
        %dma_wait3A_210 = arith.constant 0 : i32
        %dma_wait3A_211 = tpu.memref_slice %arg8[%dma_wait3A_209, %dma_wait3A_210] : memref<10240x128xf32, #tpu.memory_space<vmem_shared>> -> memref<10240x128xf32, #tpu.memory_space<vmem_shared>>
        tpu.wait_indirect_dma semaphore(%arg14 : memref<!tpu.dma_semaphore, #tpu.memory_space<semaphore_mem>>) src(%arg12 : memref<128x128xf32, #tpu.memory_space<vmem>>) dst(%dma_wait3A_211 : memref<10240x128xf32, #tpu.memory_space<vmem_shared>>)
        %dma_start3A_212 = arith.constant 7 : i32
        %dma_start3A_213 = arith.constant 0 : i32
        %dma_start3A_214 = tpu.memref_slice %arg9[%dma_start3A_212, %dma_start3A_213] : memref<8x128xi32, #tpu.memory_space<vmem>> -> memref<1x128xi32, #tpu.memory_space<vmem>>
        %dma_start3A_215 = tpu.memref_squeeze %dma_start3A_214 : memref<1x128xi32, #tpu.memory_space<vmem>> -> memref<128xi32, #tpu.memory_space<vmem>>
        %dma_start3A_216 = arith.constant 0 : i32
        %dma_start3A_217 = arith.constant 0 : i32
        %dma_start3A_218 = tpu.memref_slice %arg3[%dma_start3A_216, %dma_start3A_217] : memref<10000x128xf32, #tpu.memory_space<hbm>> -> memref<10000x128xf32, #tpu.memory_space<hbm>>
        tpu.enqueue_indirect_dma source(%dma_start3A_218 : memref<10000x128xf32, #tpu.memory_space<hbm>>) target(%arg12 : memref<128x128xf32, #tpu.memory_space<vmem>>) offsets(%dma_start3A_215 : memref<128xi32, #tpu.memory_space<vmem>>) semaphore(%arg13 : memref<!tpu.dma_semaphore, #tpu.memory_space<semaphore_mem>>)
        %dma_wait3A_219 = arith.constant 6 : i32
        %dma_wait3A_220 = arith.constant 0 : i32
        %dma_wait3A_221 = tpu.memref_slice %arg9[%dma_wait3A_219, %dma_wait3A_220] : memref<8x128xi32, #tpu.memory_space<vmem>> -> memref<1x128xi32, #tpu.memory_space<vmem>>
        %dma_wait3A_222 = tpu.memref_squeeze %dma_wait3A_221 : memref<1x128xi32, #tpu.memory_space<vmem>> -> memref<128xi32, #tpu.memory_space<vmem>>
        %dma_wait3A_223 = arith.constant 0 : i32
        %dma_wait3A_224 = arith.constant 0 : i32
        %dma_wait3A_225 = tpu.memref_slice %arg3[%dma_wait3A_223, %dma_wait3A_224] : memref<10000x128xf32, #tpu.memory_space<hbm>> -> memref<10000x128xf32, #tpu.memory_space<hbm>>
        tpu.wait_indirect_dma semaphore(%arg13 : memref<!tpu.dma_semaphore, #tpu.memory_space<semaphore_mem>>) src(%dma_wait3A_225 : memref<10000x128xf32, #tpu.memory_space<hbm>>) dst(%arg11 : memref<128x128xf32, #tpu.memory_space<vmem>>)
        %dma_start3A_226 = arith.constant 6 : i32
        %dma_start3A_227 = arith.constant 0 : i32
        %dma_start3A_228 = tpu.memref_slice %arg10[%dma_start3A_226, %dma_start3A_227] : memref<8x128xi32, #tpu.memory_space<vmem>> -> memref<1x128xi32, #tpu.memory_space<vmem>>
        %dma_start3A_229 = tpu.memref_squeeze %dma_start3A_228 : memref<1x128xi32, #tpu.memory_space<vmem>> -> memref<128xi32, #tpu.memory_space<vmem>>
        %dma_start3A_230 = arith.constant 0 : i32
        %dma_start3A_231 = arith.constant 0 : i32
        %dma_start3A_232 = tpu.memref_slice %arg8[%dma_start3A_230, %dma_start3A_231] : memref<10240x128xf32, #tpu.memory_space<vmem_shared>> -> memref<10240x128xf32, #tpu.memory_space<vmem_shared>>
        tpu.enqueue_indirect_dma source(%arg11 : memref<128x128xf32, #tpu.memory_space<vmem>>) target(%dma_start3A_232 : memref<10240x128xf32, #tpu.memory_space<vmem_shared>>) offsets(%dma_start3A_229 : memref<128xi32, #tpu.memory_space<vmem>>) semaphore(%arg14 : memref<!tpu.dma_semaphore, #tpu.memory_space<semaphore_mem>>) {add = true}
        %dma_wait3A_233 = arith.constant 7 : i32
        %dma_wait3A_234 = arith.constant 0 : i32
        %dma_wait3A_235 = tpu.memref_slice %arg9[%dma_wait3A_233, %dma_wait3A_234] : memref<8x128xi32, #tpu.memory_space<vmem>> -> memref<1x128xi32, #tpu.memory_space<vmem>>
        %dma_wait3A_236 = tpu.memref_squeeze %dma_wait3A_235 : memref<1x128xi32, #tpu.memory_space<vmem>> -> memref<128xi32, #tpu.memory_space<vmem>>
        %dma_wait3A_237 = arith.constant 0 : i32
        %dma_wait3A_238 = arith.constant 0 : i32
        %dma_wait3A_239 = tpu.memref_slice %arg3[%dma_wait3A_237, %dma_wait3A_238] : memref<10000x128xf32, #tpu.memory_space<hbm>> -> memref<10000x128xf32, #tpu.memory_space<hbm>>
        tpu.wait_indirect_dma semaphore(%arg13 : memref<!tpu.dma_semaphore, #tpu.memory_space<semaphore_mem>>) src(%dma_wait3A_239 : memref<10000x128xf32, #tpu.memory_space<hbm>>) dst(%arg12 : memref<128x128xf32, #tpu.memory_space<vmem>>)
        %dma_start3A_240 = arith.constant 7 : i32
        %dma_start3A_241 = arith.constant 0 : i32
        %dma_start3A_242 = tpu.memref_slice %arg10[%dma_start3A_240, %dma_start3A_241] : memref<8x128xi32, #tpu.memory_space<vmem>> -> memref<1x128xi32, #tpu.memory_space<vmem>>
        %dma_start3A_243 = tpu.memref_squeeze %dma_start3A_242 : memref<1x128xi32, #tpu.memory_space<vmem>> -> memref<128xi32, #tpu.memory_space<vmem>>
        %dma_start3A_244 = arith.constant 0 : i32
        %dma_start3A_245 = arith.constant 0 : i32
        %dma_start3A_246 = tpu.memref_slice %arg8[%dma_start3A_244, %dma_start3A_245] : memref<10240x128xf32, #tpu.memory_space<vmem_shared>> -> memref<10240x128xf32, #tpu.memory_space<vmem_shared>>
        tpu.enqueue_indirect_dma source(%arg12 : memref<128x128xf32, #tpu.memory_space<vmem>>) target(%dma_start3A_246 : memref<10240x128xf32, #tpu.memory_space<vmem_shared>>) offsets(%dma_start3A_243 : memref<128xi32, #tpu.memory_space<vmem>>) semaphore(%arg14 : memref<!tpu.dma_semaphore, #tpu.memory_space<semaphore_mem>>) {add = true}
        %dma_wait3A_247 = arith.constant 6 : i32
        %dma_wait3A_248 = arith.constant 0 : i32
        %dma_wait3A_249 = tpu.memref_slice %arg10[%dma_wait3A_247, %dma_wait3A_248] : memref<8x128xi32, #tpu.memory_space<vmem>> -> memref<1x128xi32, #tpu.memory_space<vmem>>
        %dma_wait3A_250 = tpu.memref_squeeze %dma_wait3A_249 : memref<1x128xi32, #tpu.memory_space<vmem>> -> memref<128xi32, #tpu.memory_space<vmem>>
        %dma_wait3A_251 = arith.constant 0 : i32
        %dma_wait3A_252 = arith.constant 0 : i32
        %dma_wait3A_253 = tpu.memref_slice %arg8[%dma_wait3A_251, %dma_wait3A_252] : memref<10240x128xf32, #tpu.memory_space<vmem_shared>> -> memref<10240x128xf32, #tpu.memory_space<vmem_shared>>
        tpu.wait_indirect_dma semaphore(%arg14 : memref<!tpu.dma_semaphore, #tpu.memory_space<semaphore_mem>>) src(%arg11 : memref<128x128xf32, #tpu.memory_space<vmem>>) dst(%dma_wait3A_253 : memref<10240x128xf32, #tpu.memory_space<vmem_shared>>)
        %dma_wait3A_254 = arith.constant 7 : i32
        %dma_wait3A_255 = arith.constant 0 : i32
        %dma_wait3A_256 = tpu.memref_slice %arg10[%dma_wait3A_254, %dma_wait3A_255] : memref<8x128xi32, #tpu.memory_space<vmem>> -> memref<1x128xi32, #tpu.memory_space<vmem>>
        %dma_wait3A_257 = tpu.memref_squeeze %dma_wait3A_256 : memref<1x128xi32, #tpu.memory_space<vmem>> -> memref<128xi32, #tpu.memory_space<vmem>>
        %dma_wait3A_258 = arith.constant 0 : i32
        %dma_wait3A_259 = arith.constant 0 : i32
        %dma_wait3A_260 = tpu.memref_slice %arg8[%dma_wait3A_258, %dma_wait3A_259] : memref<10240x128xf32, #tpu.memory_space<vmem_shared>> -> memref<10240x128xf32, #tpu.memory_space<vmem_shared>>
        tpu.wait_indirect_dma semaphore(%arg14 : memref<!tpu.dma_semaphore, #tpu.memory_space<semaphore_mem>>) src(%arg12 : memref<128x128xf32, #tpu.memory_space<vmem>>) dst(%dma_wait3A_260 : memref<10240x128xf32, #tpu.memory_space<vmem_shared>>)
      }
      %while3A_25 = arith.constant 1 : i32
      scf.for %while3A_31 = %while3A_23 to %while3A_19 step %while3A_25  : i32 {
        %mul3A_32 = arith.muli %while3A_31, %while3A : i32
        %add3A_33 = arith.addi %while3A_16, %mul3A_32 : i32
        %mul3A_34 = arith.constant 16 : i32
        %mul3A_35 = arith.muli %add3A_33, %mul3A_34 : i32
        %add3A_36 = arith.addi %arg1, %mul3A_35 : i32
        %mul3A_37 = arith.constant 8 : i32
        %mul3A_38 = arith.muli %add3A_36, %mul3A_37 : i32
        "tpu.region"() ({
          %run_scoped3A = tpu.sem_alloc : memref<!tpu.dma_semaphore, #tpu.memory_space<semaphore_mem>>
          %dma_start3A_261 = arith.constant 0 : i32
          %dma_start3A_262 = arith.constant 0 : i32
          %dma_start3A_263 = tpu.memref_slice %arg9[%dma_start3A_261, %dma_start3A_262] : memref<8x128xi32, #tpu.memory_space<vmem>> -> memref<8x128xi32, #tpu.memory_space<vmem>>
          %dma_start3A_264 = arith.constant 0 : i32
          %dma_start3A_265 = tpu.memref_slice %arg4[%mul3A_38, %dma_start3A_264] : memref<2500x128xi32, #tpu.memory_space<hbm>> -> memref<8x128xi32, #tpu.memory_space<hbm>>
          %dma_start3A_266 = arith.constant 0 : i32
          %dma_start3A_267 = arith.constant 0 : i32
          %dma_start3A_268 = tpu.memref_slice %arg9[%dma_start3A_266, %dma_start3A_267] : memref<8x128xi32, #tpu.memory_space<vmem>> -> memref<8x128xi32, #tpu.memory_space<vmem>>
          %dma_start3A_269 = arith.constant 0 : i32
          %dma_start3A_270 = tpu.memref_slice %arg4[%mul3A_38, %dma_start3A_269] : memref<2500x128xi32, #tpu.memory_space<hbm>> -> memref<8x128xi32, #tpu.memory_space<hbm>>
          tpu.enqueue_dma source(%dma_start3A_270 : memref<8x128xi32, #tpu.memory_space<hbm>>) target(%dma_start3A_268 : memref<8x128xi32, #tpu.memory_space<vmem>>) target_semaphore(%run_scoped3A : memref<!tpu.dma_semaphore, #tpu.memory_space<semaphore_mem>>)
          %dma_wait3A_271 = arith.constant 0 : i32
          %dma_wait3A_272 = arith.constant 0 : i32
          %dma_wait3A_273 = tpu.memref_slice %arg9[%dma_wait3A_271, %dma_wait3A_272] : memref<8x128xi32, #tpu.memory_space<vmem>> -> memref<8x128xi32, #tpu.memory_space<vmem>>
          %dma_wait3A_274 = arith.constant 0 : i32
          %dma_wait3A_275 = tpu.memref_slice %arg4[%mul3A_38, %dma_wait3A_274] : memref<2500x128xi32, #tpu.memory_space<hbm>> -> memref<8x128xi32, #tpu.memory_space<hbm>>
          %dma_wait3A_276 = arith.constant 0 : i32
          %dma_wait3A_277 = arith.constant 0 : i32
          %dma_wait3A_278 = tpu.memref_slice %arg9[%dma_wait3A_276, %dma_wait3A_277] : memref<8x128xi32, #tpu.memory_space<vmem>> -> memref<8x128xi32, #tpu.memory_space<vmem>>
          %dma_wait3A_279 = arith.constant 0 : i32
          %dma_wait3A_280 = tpu.memref_slice %arg4[%mul3A_38, %dma_wait3A_279] : memref<2500x128xi32, #tpu.memory_space<hbm>> -> memref<8x128xi32, #tpu.memory_space<hbm>>
          tpu.wait_dma2 semaphore(%run_scoped3A : memref<!tpu.dma_semaphore, #tpu.memory_space<semaphore_mem>>) src(%dma_wait3A_280 : memref<8x128xi32, #tpu.memory_space<hbm>>) dst(%dma_wait3A_278 : memref<8x128xi32, #tpu.memory_space<vmem>>)
          tpu.yield
        }) : () -> ()
        "tpu.region"() ({
          %run_scoped3A = tpu.sem_alloc : memref<!tpu.dma_semaphore, #tpu.memory_space<semaphore_mem>>
          %dma_start3A_261 = arith.constant 0 : i32
          %dma_start3A_262 = arith.constant 0 : i32
          %dma_start3A_263 = tpu.memref_slice %arg10[%dma_start3A_261, %dma_start3A_262] : memref<8x128xi32, #tpu.memory_space<vmem>> -> memref<8x128xi32, #tpu.memory_space<vmem>>
          %dma_start3A_264 = arith.constant 0 : i32
          %dma_start3A_265 = tpu.memref_slice %arg5[%mul3A_38, %dma_start3A_264] : memref<2500x128xi32, #tpu.memory_space<hbm>> -> memref<8x128xi32, #tpu.memory_space<hbm>>
          %dma_start3A_266 = arith.constant 0 : i32
          %dma_start3A_267 = arith.constant 0 : i32
          %dma_start3A_268 = tpu.memref_slice %arg10[%dma_start3A_266, %dma_start3A_267] : memref<8x128xi32, #tpu.memory_space<vmem>> -> memref<8x128xi32, #tpu.memory_space<vmem>>
          %dma_start3A_269 = arith.constant 0 : i32
          %dma_start3A_270 = tpu.memref_slice %arg5[%mul3A_38, %dma_start3A_269] : memref<2500x128xi32, #tpu.memory_space<hbm>> -> memref<8x128xi32, #tpu.memory_space<hbm>>
          tpu.enqueue_dma source(%dma_start3A_270 : memref<8x128xi32, #tpu.memory_space<hbm>>) target(%dma_start3A_268 : memref<8x128xi32, #tpu.memory_space<vmem>>) target_semaphore(%run_scoped3A : memref<!tpu.dma_semaphore, #tpu.memory_space<semaphore_mem>>)
          %dma_wait3A_271 = arith.constant 0 : i32
          %dma_wait3A_272 = arith.constant 0 : i32
          %dma_wait3A_273 = tpu.memref_slice %arg10[%dma_wait3A_271, %dma_wait3A_272] : memref<8x128xi32, #tpu.memory_space<vmem>> -> memref<8x128xi32, #tpu.memory_space<vmem>>
          %dma_wait3A_274 = arith.constant 0 : i32
          %dma_wait3A_275 = tpu.memref_slice %arg5[%mul3A_38, %dma_wait3A_274] : memref<2500x128xi32, #tpu.memory_space<hbm>> -> memref<8x128xi32, #tpu.memory_space<hbm>>
          %dma_wait3A_276 = arith.constant 0 : i32
          %dma_wait3A_277 = arith.constant 0 : i32
          %dma_wait3A_278 = tpu.memref_slice %arg10[%dma_wait3A_276, %dma_wait3A_277] : memref<8x128xi32, #tpu.memory_space<vmem>> -> memref<8x128xi32, #tpu.memory_space<vmem>>
          %dma_wait3A_279 = arith.constant 0 : i32
          %dma_wait3A_280 = tpu.memref_slice %arg5[%mul3A_38, %dma_wait3A_279] : memref<2500x128xi32, #tpu.memory_space<hbm>> -> memref<8x128xi32, #tpu.memory_space<hbm>>
          tpu.wait_dma2 semaphore(%run_scoped3A : memref<!tpu.dma_semaphore, #tpu.memory_space<semaphore_mem>>) src(%dma_wait3A_280 : memref<8x128xi32, #tpu.memory_space<hbm>>) dst(%dma_wait3A_278 : memref<8x128xi32, #tpu.memory_space<vmem>>)
          tpu.yield
        }) : () -> ()
        %dma_start3A = arith.constant 0 : i32
        %dma_start3A_39 = arith.constant 0 : i32
        %dma_start3A_40 = tpu.memref_slice %arg9[%dma_start3A, %dma_start3A_39] : memref<8x128xi32, #tpu.memory_space<vmem>> -> memref<1x128xi32, #tpu.memory_space<vmem>>
        %dma_start3A_41 = tpu.memref_squeeze %dma_start3A_40 : memref<1x128xi32, #tpu.memory_space<vmem>> -> memref<128xi32, #tpu.memory_space<vmem>>
        %dma_start3A_42 = arith.constant 0 : i32
        %dma_start3A_43 = arith.constant 0 : i32
        %dma_start3A_44 = tpu.memref_slice %arg3[%dma_start3A_42, %dma_start3A_43] : memref<10000x128xf32, #tpu.memory_space<hbm>> -> memref<10000x128xf32, #tpu.memory_space<hbm>>
        tpu.enqueue_indirect_dma source(%dma_start3A_44 : memref<10000x128xf32, #tpu.memory_space<hbm>>) target(%arg11 : memref<128x128xf32, #tpu.memory_space<vmem>>) offsets(%dma_start3A_41 : memref<128xi32, #tpu.memory_space<vmem>>) semaphore(%arg13 : memref<!tpu.dma_semaphore, #tpu.memory_space<semaphore_mem>>)
        %dma_start3A_45 = arith.constant 1 : i32
        %dma_start3A_46 = arith.constant 0 : i32
        %dma_start3A_47 = tpu.memref_slice %arg9[%dma_start3A_45, %dma_start3A_46] : memref<8x128xi32, #tpu.memory_space<vmem>> -> memref<1x128xi32, #tpu.memory_space<vmem>>
        %dma_start3A_48 = tpu.memref_squeeze %dma_start3A_47 : memref<1x128xi32, #tpu.memory_space<vmem>> -> memref<128xi32, #tpu.memory_space<vmem>>
        %dma_start3A_49 = arith.constant 0 : i32
        %dma_start3A_50 = arith.constant 0 : i32
        %dma_start3A_51 = tpu.memref_slice %arg3[%dma_start3A_49, %dma_start3A_50] : memref<10000x128xf32, #tpu.memory_space<hbm>> -> memref<10000x128xf32, #tpu.memory_space<hbm>>
        tpu.enqueue_indirect_dma source(%dma_start3A_51 : memref<10000x128xf32, #tpu.memory_space<hbm>>) target(%arg12 : memref<128x128xf32, #tpu.memory_space<vmem>>) offsets(%dma_start3A_48 : memref<128xi32, #tpu.memory_space<vmem>>) semaphore(%arg13 : memref<!tpu.dma_semaphore, #tpu.memory_space<semaphore_mem>>)
        %dma_wait3A = arith.constant 0 : i32
        %dma_wait3A_52 = arith.constant 0 : i32
        %dma_wait3A_53 = tpu.memref_slice %arg9[%dma_wait3A, %dma_wait3A_52] : memref<8x128xi32, #tpu.memory_space<vmem>> -> memref<1x128xi32, #tpu.memory_space<vmem>>
        %dma_wait3A_54 = tpu.memref_squeeze %dma_wait3A_53 : memref<1x128xi32, #tpu.memory_space<vmem>> -> memref<128xi32, #tpu.memory_space<vmem>>
        %dma_wait3A_55 = arith.constant 0 : i32
        %dma_wait3A_56 = arith.constant 0 : i32
        %dma_wait3A_57 = tpu.memref_slice %arg3[%dma_wait3A_55, %dma_wait3A_56] : memref<10000x128xf32, #tpu.memory_space<hbm>> -> memref<10000x128xf32, #tpu.memory_space<hbm>>
        tpu.wait_indirect_dma semaphore(%arg13 : memref<!tpu.dma_semaphore, #tpu.memory_space<semaphore_mem>>) src(%dma_wait3A_57 : memref<10000x128xf32, #tpu.memory_space<hbm>>) dst(%arg11 : memref<128x128xf32, #tpu.memory_space<vmem>>)
        %dma_start3A_58 = arith.constant 0 : i32
        %dma_start3A_59 = arith.constant 0 : i32
        %dma_start3A_60 = tpu.memref_slice %arg10[%dma_start3A_58, %dma_start3A_59] : memref<8x128xi32, #tpu.memory_space<vmem>> -> memref<1x128xi32, #tpu.memory_space<vmem>>
        %dma_start3A_61 = tpu.memref_squeeze %dma_start3A_60 : memref<1x128xi32, #tpu.memory_space<vmem>> -> memref<128xi32, #tpu.memory_space<vmem>>
        %dma_start3A_62 = arith.constant 0 : i32
        %dma_start3A_63 = arith.constant 0 : i32
        %dma_start3A_64 = tpu.memref_slice %arg8[%dma_start3A_62, %dma_start3A_63] : memref<10240x128xf32, #tpu.memory_space<vmem_shared>> -> memref<10240x128xf32, #tpu.memory_space<vmem_shared>>
        tpu.enqueue_indirect_dma source(%arg11 : memref<128x128xf32, #tpu.memory_space<vmem>>) target(%dma_start3A_64 : memref<10240x128xf32, #tpu.memory_space<vmem_shared>>) offsets(%dma_start3A_61 : memref<128xi32, #tpu.memory_space<vmem>>) semaphore(%arg14 : memref<!tpu.dma_semaphore, #tpu.memory_space<semaphore_mem>>) {add = true}
        %dma_wait3A_65 = arith.constant 0 : i32
        %dma_wait3A_66 = arith.constant 0 : i32
        %dma_wait3A_67 = tpu.memref_slice %arg10[%dma_wait3A_65, %dma_wait3A_66] : memref<8x128xi32, #tpu.memory_space<vmem>> -> memref<1x128xi32, #tpu.memory_space<vmem>>
        %dma_wait3A_68 = tpu.memref_squeeze %dma_wait3A_67 : memref<1x128xi32, #tpu.memory_space<vmem>> -> memref<128xi32, #tpu.memory_space<vmem>>
        %dma_wait3A_69 = arith.constant 0 : i32
        %dma_wait3A_70 = arith.constant 0 : i32
        %dma_wait3A_71 = tpu.memref_slice %arg8[%dma_wait3A_69, %dma_wait3A_70] : memref<10240x128xf32, #tpu.memory_space<vmem_shared>> -> memref<10240x128xf32, #tpu.memory_space<vmem_shared>>
        tpu.wait_indirect_dma semaphore(%arg14 : memref<!tpu.dma_semaphore, #tpu.memory_space<semaphore_mem>>) src(%arg11 : memref<128x128xf32, #tpu.memory_space<vmem>>) dst(%dma_wait3A_71 : memref<10240x128xf32, #tpu.memory_space<vmem_shared>>)
        %dma_start3A_72 = arith.constant 2 : i32
        %dma_start3A_73 = arith.constant 0 : i32
        %dma_start3A_74 = tpu.memref_slice %arg9[%dma_start3A_72, %dma_start3A_73] : memref<8x128xi32, #tpu.memory_space<vmem>> -> memref<1x128xi32, #tpu.memory_space<vmem>>
        %dma_start3A_75 = tpu.memref_squeeze %dma_start3A_74 : memref<1x128xi32, #tpu.memory_space<vmem>> -> memref<128xi32, #tpu.memory_space<vmem>>
        %dma_start3A_76 = arith.constant 0 : i32
        %dma_start3A_77 = arith.constant 0 : i32
        %dma_start3A_78 = tpu.memref_slice %arg3[%dma_start3A_76, %dma_start3A_77] : memref<10000x128xf32, #tpu.memory_space<hbm>> -> memref<10000x128xf32, #tpu.memory_space<hbm>>
        tpu.enqueue_indirect_dma source(%dma_start3A_78 : memref<10000x128xf32, #tpu.memory_space<hbm>>) target(%arg11 : memref<128x128xf32, #tpu.memory_space<vmem>>) offsets(%dma_start3A_75 : memref<128xi32, #tpu.memory_space<vmem>>) semaphore(%arg13 : memref<!tpu.dma_semaphore, #tpu.memory_space<semaphore_mem>>)
        %dma_wait3A_79 = arith.constant 1 : i32
        %dma_wait3A_80 = arith.constant 0 : i32
        %dma_wait3A_81 = tpu.memref_slice %arg9[%dma_wait3A_79, %dma_wait3A_80] : memref<8x128xi32, #tpu.memory_space<vmem>> -> memref<1x128xi32, #tpu.memory_space<vmem>>
        %dma_wait3A_82 = tpu.memref_squeeze %dma_wait3A_81 : memref<1x128xi32, #tpu.memory_space<vmem>> -> memref<128xi32, #tpu.memory_space<vmem>>
        %dma_wait3A_83 = arith.constant 0 : i32
        %dma_wait3A_84 = arith.constant 0 : i32
        %dma_wait3A_85 = tpu.memref_slice %arg3[%dma_wait3A_83, %dma_wait3A_84] : memref<10000x128xf32, #tpu.memory_space<hbm>> -> memref<10000x128xf32, #tpu.memory_space<hbm>>
        tpu.wait_indirect_dma semaphore(%arg13 : memref<!tpu.dma_semaphore, #tpu.memory_space<semaphore_mem>>) src(%dma_wait3A_85 : memref<10000x128xf32, #tpu.memory_space<hbm>>) dst(%arg12 : memref<128x128xf32, #tpu.memory_space<vmem>>)
        %dma_start3A_86 = arith.constant 1 : i32
        %dma_start3A_87 = arith.constant 0 : i32
        %dma_start3A_88 = tpu.memref_slice %arg10[%dma_start3A_86, %dma_start3A_87] : memref<8x128xi32, #tpu.memory_space<vmem>> -> memref<1x128xi32, #tpu.memory_space<vmem>>
        %dma_start3A_89 = tpu.memref_squeeze %dma_start3A_88 : memref<1x128xi32, #tpu.memory_space<vmem>> -> memref<128xi32, #tpu.memory_space<vmem>>
        %dma_start3A_90 = arith.constant 0 : i32
        %dma_start3A_91 = arith.constant 0 : i32
        %dma_start3A_92 = tpu.memref_slice %arg8[%dma_start3A_90, %dma_start3A_91] : memref<10240x128xf32, #tpu.memory_space<vmem_shared>> -> memref<10240x128xf32, #tpu.memory_space<vmem_shared>>
        tpu.enqueue_indirect_dma source(%arg12 : memref<128x128xf32, #tpu.memory_space<vmem>>) target(%dma_start3A_92 : memref<10240x128xf32, #tpu.memory_space<vmem_shared>>) offsets(%dma_start3A_89 : memref<128xi32, #tpu.memory_space<vmem>>) semaphore(%arg14 : memref<!tpu.dma_semaphore, #tpu.memory_space<semaphore_mem>>) {add = true}
        %dma_wait3A_93 = arith.constant 1 : i32
        %dma_wait3A_94 = arith.constant 0 : i32
        %dma_wait3A_95 = tpu.memref_slice %arg10[%dma_wait3A_93, %dma_wait3A_94] : memref<8x128xi32, #tpu.memory_space<vmem>> -> memref<1x128xi32, #tpu.memory_space<vmem>>
        %dma_wait3A_96 = tpu.memref_squeeze %dma_wait3A_95 : memref<1x128xi32, #tpu.memory_space<vmem>> -> memref<128xi32, #tpu.memory_space<vmem>>
        %dma_wait3A_97 = arith.constant 0 : i32
        %dma_wait3A_98 = arith.constant 0 : i32
        %dma_wait3A_99 = tpu.memref_slice %arg8[%dma_wait3A_97, %dma_wait3A_98] : memref<10240x128xf32, #tpu.memory_space<vmem_shared>> -> memref<10240x128xf32, #tpu.memory_space<vmem_shared>>
        tpu.wait_indirect_dma semaphore(%arg14 : memref<!tpu.dma_semaphore, #tpu.memory_space<semaphore_mem>>) src(%arg12 : memref<128x128xf32, #tpu.memory_space<vmem>>) dst(%dma_wait3A_99 : memref<10240x128xf32, #tpu.memory_space<vmem_shared>>)
        %dma_start3A_100 = arith.constant 3 : i32
        %dma_start3A_101 = arith.constant 0 : i32
        %dma_start3A_102 = tpu.memref_slice %arg9[%dma_start3A_100, %dma_start3A_101] : memref<8x128xi32, #tpu.memory_space<vmem>> -> memref<1x128xi32, #tpu.memory_space<vmem>>
        %dma_start3A_103 = tpu.memref_squeeze %dma_start3A_102 : memref<1x128xi32, #tpu.memory_space<vmem>> -> memref<128xi32, #tpu.memory_space<vmem>>
        %dma_start3A_104 = arith.constant 0 : i32
        %dma_start3A_105 = arith.constant 0 : i32
        %dma_start3A_106 = tpu.memref_slice %arg3[%dma_start3A_104, %dma_start3A_105] : memref<10000x128xf32, #tpu.memory_space<hbm>> -> memref<10000x128xf32, #tpu.memory_space<hbm>>
        tpu.enqueue_indirect_dma source(%dma_start3A_106 : memref<10000x128xf32, #tpu.memory_space<hbm>>) target(%arg12 : memref<128x128xf32, #tpu.memory_space<vmem>>) offsets(%dma_start3A_103 : memref<128xi32, #tpu.memory_space<vmem>>) semaphore(%arg13 : memref<!tpu.dma_semaphore, #tpu.memory_space<semaphore_mem>>)
        %dma_wait3A_107 = arith.constant 2 : i32
        %dma_wait3A_108 = arith.constant 0 : i32
        %dma_wait3A_109 = tpu.memref_slice %arg9[%dma_wait3A_107, %dma_wait3A_108] : memref<8x128xi32, #tpu.memory_space<vmem>> -> memref<1x128xi32, #tpu.memory_space<vmem>>
        %dma_wait3A_110 = tpu.memref_squeeze %dma_wait3A_109 : memref<1x128xi32, #tpu.memory_space<vmem>> -> memref<128xi32, #tpu.memory_space<vmem>>
        %dma_wait3A_111 = arith.constant 0 : i32
        %dma_wait3A_112 = arith.constant 0 : i32
        %dma_wait3A_113 = tpu.memref_slice %arg3[%dma_wait3A_111, %dma_wait3A_112] : memref<10000x128xf32, #tpu.memory_space<hbm>> -> memref<10000x128xf32, #tpu.memory_space<hbm>>
        tpu.wait_indirect_dma semaphore(%arg13 : memref<!tpu.dma_semaphore, #tpu.memory_space<semaphore_mem>>) src(%dma_wait3A_113 : memref<10000x128xf32, #tpu.memory_space<hbm>>) dst(%arg11 : memref<128x128xf32, #tpu.memory_space<vmem>>)
        %dma_start3A_114 = arith.constant 2 : i32
        %dma_start3A_115 = arith.constant 0 : i32
        %dma_start3A_116 = tpu.memref_slice %arg10[%dma_start3A_114, %dma_start3A_115] : memref<8x128xi32, #tpu.memory_space<vmem>> -> memref<1x128xi32, #tpu.memory_space<vmem>>
        %dma_start3A_117 = tpu.memref_squeeze %dma_start3A_116 : memref<1x128xi32, #tpu.memory_space<vmem>> -> memref<128xi32, #tpu.memory_space<vmem>>
        %dma_start3A_118 = arith.constant 0 : i32
        %dma_start3A_119 = arith.constant 0 : i32
        %dma_start3A_120 = tpu.memref_slice %arg8[%dma_start3A_118, %dma_start3A_119] : memref<10240x128xf32, #tpu.memory_space<vmem_shared>> -> memref<10240x128xf32, #tpu.memory_space<vmem_shared>>
        tpu.enqueue_indirect_dma source(%arg11 : memref<128x128xf32, #tpu.memory_space<vmem>>) target(%dma_start3A_120 : memref<10240x128xf32, #tpu.memory_space<vmem_shared>>) offsets(%dma_start3A_117 : memref<128xi32, #tpu.memory_space<vmem>>) semaphore(%arg14 : memref<!tpu.dma_semaphore, #tpu.memory_space<semaphore_mem>>) {add = true}
        %dma_wait3A_121 = arith.constant 2 : i32
        %dma_wait3A_122 = arith.constant 0 : i32
        %dma_wait3A_123 = tpu.memref_slice %arg10[%dma_wait3A_121, %dma_wait3A_122] : memref<8x128xi32, #tpu.memory_space<vmem>> -> memref<1x128xi32, #tpu.memory_space<vmem>>
        %dma_wait3A_124 = tpu.memref_squeeze %dma_wait3A_123 : memref<1x128xi32, #tpu.memory_space<vmem>> -> memref<128xi32, #tpu.memory_space<vmem>>
        %dma_wait3A_125 = arith.constant 0 : i32
        %dma_wait3A_126 = arith.constant 0 : i32
        %dma_wait3A_127 = tpu.memref_slice %arg8[%dma_wait3A_125, %dma_wait3A_126] : memref<10240x128xf32, #tpu.memory_space<vmem_shared>> -> memref<10240x128xf32, #tpu.memory_space<vmem_shared>>
        tpu.wait_indirect_dma semaphore(%arg14 : memref<!tpu.dma_semaphore, #tpu.memory_space<semaphore_mem>>) src(%arg11 : memref<128x128xf32, #tpu.memory_space<vmem>>) dst(%dma_wait3A_127 : memref<10240x128xf32, #tpu.memory_space<vmem_shared>>)
        %dma_start3A_128 = arith.constant 4 : i32
        %dma_start3A_129 = arith.constant 0 : i32
        %dma_start3A_130 = tpu.memref_slice %arg9[%dma_start3A_128, %dma_start3A_129] : memref<8x128xi32, #tpu.memory_space<vmem>> -> memref<1x128xi32, #tpu.memory_space<vmem>>
        %dma_start3A_131 = tpu.memref_squeeze %dma_start3A_130 : memref<1x128xi32, #tpu.memory_space<vmem>> -> memref<128xi32, #tpu.memory_space<vmem>>
        %dma_start3A_132 = arith.constant 0 : i32
        %dma_start3A_133 = arith.constant 0 : i32
        %dma_start3A_134 = tpu.memref_slice %arg3[%dma_start3A_132, %dma_start3A_133] : memref<10000x128xf32, #tpu.memory_space<hbm>> -> memref<10000x128xf32, #tpu.memory_space<hbm>>
        tpu.enqueue_indirect_dma source(%dma_start3A_134 : memref<10000x128xf32, #tpu.memory_space<hbm>>) target(%arg11 : memref<128x128xf32, #tpu.memory_space<vmem>>) offsets(%dma_start3A_131 : memref<128xi32, #tpu.memory_space<vmem>>) semaphore(%arg13 : memref<!tpu.dma_semaphore, #tpu.memory_space<semaphore_mem>>)
        %dma_wait3A_135 = arith.constant 3 : i32
        %dma_wait3A_136 = arith.constant 0 : i32
        %dma_wait3A_137 = tpu.memref_slice %arg9[%dma_wait3A_135, %dma_wait3A_136] : memref<8x128xi32, #tpu.memory_space<vmem>> -> memref<1x128xi32, #tpu.memory_space<vmem>>
        %dma_wait3A_138 = tpu.memref_squeeze %dma_wait3A_137 : memref<1x128xi32, #tpu.memory_space<vmem>> -> memref<128xi32, #tpu.memory_space<vmem>>
        %dma_wait3A_139 = arith.constant 0 : i32
        %dma_wait3A_140 = arith.constant 0 : i32
        %dma_wait3A_141 = tpu.memref_slice %arg3[%dma_wait3A_139, %dma_wait3A_140] : memref<10000x128xf32, #tpu.memory_space<hbm>> -> memref<10000x128xf32, #tpu.memory_space<hbm>>
        tpu.wait_indirect_dma semaphore(%arg13 : memref<!tpu.dma_semaphore, #tpu.memory_space<semaphore_mem>>) src(%dma_wait3A_141 : memref<10000x128xf32, #tpu.memory_space<hbm>>) dst(%arg12 : memref<128x128xf32, #tpu.memory_space<vmem>>)
        %dma_start3A_142 = arith.constant 3 : i32
        %dma_start3A_143 = arith.constant 0 : i32
        %dma_start3A_144 = tpu.memref_slice %arg10[%dma_start3A_142, %dma_start3A_143] : memref<8x128xi32, #tpu.memory_space<vmem>> -> memref<1x128xi32, #tpu.memory_space<vmem>>
        %dma_start3A_145 = tpu.memref_squeeze %dma_start3A_144 : memref<1x128xi32, #tpu.memory_space<vmem>> -> memref<128xi32, #tpu.memory_space<vmem>>
        %dma_start3A_146 = arith.constant 0 : i32
        %dma_start3A_147 = arith.constant 0 : i32
        %dma_start3A_148 = tpu.memref_slice %arg8[%dma_start3A_146, %dma_start3A_147] : memref<10240x128xf32, #tpu.memory_space<vmem_shared>> -> memref<10240x128xf32, #tpu.memory_space<vmem_shared>>
        tpu.enqueue_indirect_dma source(%arg12 : memref<128x128xf32, #tpu.memory_space<vmem>>) target(%dma_start3A_148 : memref<10240x128xf32, #tpu.memory_space<vmem_shared>>) offsets(%dma_start3A_145 : memref<128xi32, #tpu.memory_space<vmem>>) semaphore(%arg14 : memref<!tpu.dma_semaphore, #tpu.memory_space<semaphore_mem>>) {add = true}
        %dma_wait3A_149 = arith.constant 3 : i32
        %dma_wait3A_150 = arith.constant 0 : i32
        %dma_wait3A_151 = tpu.memref_slice %arg10[%dma_wait3A_149, %dma_wait3A_150] : memref<8x128xi32, #tpu.memory_space<vmem>> -> memref<1x128xi32, #tpu.memory_space<vmem>>
        %dma_wait3A_152 = tpu.memref_squeeze %dma_wait3A_151 : memref<1x128xi32, #tpu.memory_space<vmem>> -> memref<128xi32, #tpu.memory_space<vmem>>
        %dma_wait3A_153 = arith.constant 0 : i32
        %dma_wait3A_154 = arith.constant 0 : i32
        %dma_wait3A_155 = tpu.memref_slice %arg8[%dma_wait3A_153, %dma_wait3A_154] : memref<10240x128xf32, #tpu.memory_space<vmem_shared>> -> memref<10240x128xf32, #tpu.memory_space<vmem_shared>>
        tpu.wait_indirect_dma semaphore(%arg14 : memref<!tpu.dma_semaphore, #tpu.memory_space<semaphore_mem>>) src(%arg12 : memref<128x128xf32, #tpu.memory_space<vmem>>) dst(%dma_wait3A_155 : memref<10240x128xf32, #tpu.memory_space<vmem_shared>>)
        %dma_start3A_156 = arith.constant 5 : i32
        %dma_start3A_157 = arith.constant 0 : i32
        %dma_start3A_158 = tpu.memref_slice %arg9[%dma_start3A_156, %dma_start3A_157] : memref<8x128xi32, #tpu.memory_space<vmem>> -> memref<1x128xi32, #tpu.memory_space<vmem>>
        %dma_start3A_159 = tpu.memref_squeeze %dma_start3A_158 : memref<1x128xi32, #tpu.memory_space<vmem>> -> memref<128xi32, #tpu.memory_space<vmem>>
        %dma_start3A_160 = arith.constant 0 : i32
        %dma_start3A_161 = arith.constant 0 : i32
        %dma_start3A_162 = tpu.memref_slice %arg3[%dma_start3A_160, %dma_start3A_161] : memref<10000x128xf32, #tpu.memory_space<hbm>> -> memref<10000x128xf32, #tpu.memory_space<hbm>>
        tpu.enqueue_indirect_dma source(%dma_start3A_162 : memref<10000x128xf32, #tpu.memory_space<hbm>>) target(%arg12 : memref<128x128xf32, #tpu.memory_space<vmem>>) offsets(%dma_start3A_159 : memref<128xi32, #tpu.memory_space<vmem>>) semaphore(%arg13 : memref<!tpu.dma_semaphore, #tpu.memory_space<semaphore_mem>>)
        %dma_wait3A_163 = arith.constant 4 : i32
        %dma_wait3A_164 = arith.constant 0 : i32
        %dma_wait3A_165 = tpu.memref_slice %arg9[%dma_wait3A_163, %dma_wait3A_164] : memref<8x128xi32, #tpu.memory_space<vmem>> -> memref<1x128xi32, #tpu.memory_space<vmem>>
        %dma_wait3A_166 = tpu.memref_squeeze %dma_wait3A_165 : memref<1x128xi32, #tpu.memory_space<vmem>> -> memref<128xi32, #tpu.memory_space<vmem>>
        %dma_wait3A_167 = arith.constant 0 : i32
        %dma_wait3A_168 = arith.constant 0 : i32
        %dma_wait3A_169 = tpu.memref_slice %arg3[%dma_wait3A_167, %dma_wait3A_168] : memref<10000x128xf32, #tpu.memory_space<hbm>> -> memref<10000x128xf32, #tpu.memory_space<hbm>>
        tpu.wait_indirect_dma semaphore(%arg13 : memref<!tpu.dma_semaphore, #tpu.memory_space<semaphore_mem>>) src(%dma_wait3A_169 : memref<10000x128xf32, #tpu.memory_space<hbm>>) dst(%arg11 : memref<128x128xf32, #tpu.memory_space<vmem>>)
        %dma_start3A_170 = arith.constant 4 : i32
        %dma_start3A_171 = arith.constant 0 : i32
        %dma_start3A_172 = tpu.memref_slice %arg10[%dma_start3A_170, %dma_start3A_171] : memref<8x128xi32, #tpu.memory_space<vmem>> -> memref<1x128xi32, #tpu.memory_space<vmem>>
        %dma_start3A_173 = tpu.memref_squeeze %dma_start3A_172 : memref<1x128xi32, #tpu.memory_space<vmem>> -> memref<128xi32, #tpu.memory_space<vmem>>
        %dma_start3A_174 = arith.constant 0 : i32
        %dma_start3A_175 = arith.constant 0 : i32
        %dma_start3A_176 = tpu.memref_slice %arg8[%dma_start3A_174, %dma_start3A_175] : memref<10240x128xf32, #tpu.memory_space<vmem_shared>> -> memref<10240x128xf32, #tpu.memory_space<vmem_shared>>
        tpu.enqueue_indirect_dma source(%arg11 : memref<128x128xf32, #tpu.memory_space<vmem>>) target(%dma_start3A_176 : memref<10240x128xf32, #tpu.memory_space<vmem_shared>>) offsets(%dma_start3A_173 : memref<128xi32, #tpu.memory_space<vmem>>) semaphore(%arg14 : memref<!tpu.dma_semaphore, #tpu.memory_space<semaphore_mem>>) {add = true}
        %dma_wait3A_177 = arith.constant 4 : i32
        %dma_wait3A_178 = arith.constant 0 : i32
        %dma_wait3A_179 = tpu.memref_slice %arg10[%dma_wait3A_177, %dma_wait3A_178] : memref<8x128xi32, #tpu.memory_space<vmem>> -> memref<1x128xi32, #tpu.memory_space<vmem>>
        %dma_wait3A_180 = tpu.memref_squeeze %dma_wait3A_179 : memref<1x128xi32, #tpu.memory_space<vmem>> -> memref<128xi32, #tpu.memory_space<vmem>>
        %dma_wait3A_181 = arith.constant 0 : i32
        %dma_wait3A_182 = arith.constant 0 : i32
        %dma_wait3A_183 = tpu.memref_slice %arg8[%dma_wait3A_181, %dma_wait3A_182] : memref<10240x128xf32, #tpu.memory_space<vmem_shared>> -> memref<10240x128xf32, #tpu.memory_space<vmem_shared>>
        tpu.wait_indirect_dma semaphore(%arg14 : memref<!tpu.dma_semaphore, #tpu.memory_space<semaphore_mem>>) src(%arg11 : memref<128x128xf32, #tpu.memory_space<vmem>>) dst(%dma_wait3A_183 : memref<10240x128xf32, #tpu.memory_space<vmem_shared>>)
        %dma_start3A_184 = arith.constant 6 : i32
        %dma_start3A_185 = arith.constant 0 : i32
        %dma_start3A_186 = tpu.memref_slice %arg9[%dma_start3A_184, %dma_start3A_185] : memref<8x128xi32, #tpu.memory_space<vmem>> -> memref<1x128xi32, #tpu.memory_space<vmem>>
        %dma_start3A_187 = tpu.memref_squeeze %dma_start3A_186 : memref<1x128xi32, #tpu.memory_space<vmem>> -> memref<128xi32, #tpu.memory_space<vmem>>
        %dma_start3A_188 = arith.constant 0 : i32
        %dma_start3A_189 = arith.constant 0 : i32
        %dma_start3A_190 = tpu.memref_slice %arg3[%dma_start3A_188, %dma_start3A_189] : memref<10000x128xf32, #tpu.memory_space<hbm>> -> memref<10000x128xf32, #tpu.memory_space<hbm>>
        tpu.enqueue_indirect_dma source(%dma_start3A_190 : memref<10000x128xf32, #tpu.memory_space<hbm>>) target(%arg11 : memref<128x128xf32, #tpu.memory_space<vmem>>) offsets(%dma_start3A_187 : memref<128xi32, #tpu.memory_space<vmem>>) semaphore(%arg13 : memref<!tpu.dma_semaphore, #tpu.memory_space<semaphore_mem>>)
        %dma_wait3A_191 = arith.constant 5 : i32
        %dma_wait3A_192 = arith.constant 0 : i32
        %dma_wait3A_193 = tpu.memref_slice %arg9[%dma_wait3A_191, %dma_wait3A_192] : memref<8x128xi32, #tpu.memory_space<vmem>> -> memref<1x128xi32, #tpu.memory_space<vmem>>
        %dma_wait3A_194 = tpu.memref_squeeze %dma_wait3A_193 : memref<1x128xi32, #tpu.memory_space<vmem>> -> memref<128xi32, #tpu.memory_space<vmem>>
        %dma_wait3A_195 = arith.constant 0 : i32
        %dma_wait3A_196 = arith.constant 0 : i32
        %dma_wait3A_197 = tpu.memref_slice %arg3[%dma_wait3A_195, %dma_wait3A_196] : memref<10000x128xf32, #tpu.memory_space<hbm>> -> memref<10000x128xf32, #tpu.memory_space<hbm>>
        tpu.wait_indirect_dma semaphore(%arg13 : memref<!tpu.dma_semaphore, #tpu.memory_space<semaphore_mem>>) src(%dma_wait3A_197 : memref<10000x128xf32, #tpu.memory_space<hbm>>) dst(%arg12 : memref<128x128xf32, #tpu.memory_space<vmem>>)
        %dma_start3A_198 = arith.constant 5 : i32
        %dma_start3A_199 = arith.constant 0 : i32
        %dma_start3A_200 = tpu.memref_slice %arg10[%dma_start3A_198, %dma_start3A_199] : memref<8x128xi32, #tpu.memory_space<vmem>> -> memref<1x128xi32, #tpu.memory_space<vmem>>
        %dma_start3A_201 = tpu.memref_squeeze %dma_start3A_200 : memref<1x128xi32, #tpu.memory_space<vmem>> -> memref<128xi32, #tpu.memory_space<vmem>>
        %dma_start3A_202 = arith.constant 0 : i32
        %dma_start3A_203 = arith.constant 0 : i32
        %dma_start3A_204 = tpu.memref_slice %arg8[%dma_start3A_202, %dma_start3A_203] : memref<10240x128xf32, #tpu.memory_space<vmem_shared>> -> memref<10240x128xf32, #tpu.memory_space<vmem_shared>>
        tpu.enqueue_indirect_dma source(%arg12 : memref<128x128xf32, #tpu.memory_space<vmem>>) target(%dma_start3A_204 : memref<10240x128xf32, #tpu.memory_space<vmem_shared>>) offsets(%dma_start3A_201 : memref<128xi32, #tpu.memory_space<vmem>>) semaphore(%arg14 : memref<!tpu.dma_semaphore, #tpu.memory_space<semaphore_mem>>) {add = true}
        %dma_wait3A_205 = arith.constant 5 : i32
        %dma_wait3A_206 = arith.constant 0 : i32
        %dma_wait3A_207 = tpu.memref_slice %arg10[%dma_wait3A_205, %dma_wait3A_206] : memref<8x128xi32, #tpu.memory_space<vmem>> -> memref<1x128xi32, #tpu.memory_space<vmem>>
        %dma_wait3A_208 = tpu.memref_squeeze %dma_wait3A_207 : memref<1x128xi32, #tpu.memory_space<vmem>> -> memref<128xi32, #tpu.memory_space<vmem>>
        %dma_wait3A_209 = arith.constant 0 : i32
        %dma_wait3A_210 = arith.constant 0 : i32
        %dma_wait3A_211 = tpu.memref_slice %arg8[%dma_wait3A_209, %dma_wait3A_210] : memref<10240x128xf32, #tpu.memory_space<vmem_shared>> -> memref<10240x128xf32, #tpu.memory_space<vmem_shared>>
        tpu.wait_indirect_dma semaphore(%arg14 : memref<!tpu.dma_semaphore, #tpu.memory_space<semaphore_mem>>) src(%arg12 : memref<128x128xf32, #tpu.memory_space<vmem>>) dst(%dma_wait3A_211 : memref<10240x128xf32, #tpu.memory_space<vmem_shared>>)
        %dma_start3A_212 = arith.constant 7 : i32
        %dma_start3A_213 = arith.constant 0 : i32
        %dma_start3A_214 = tpu.memref_slice %arg9[%dma_start3A_212, %dma_start3A_213] : memref<8x128xi32, #tpu.memory_space<vmem>> -> memref<1x128xi32, #tpu.memory_space<vmem>>
        %dma_start3A_215 = tpu.memref_squeeze %dma_start3A_214 : memref<1x128xi32, #tpu.memory_space<vmem>> -> memref<128xi32, #tpu.memory_space<vmem>>
        %dma_start3A_216 = arith.constant 0 : i32
        %dma_start3A_217 = arith.constant 0 : i32
        %dma_start3A_218 = tpu.memref_slice %arg3[%dma_start3A_216, %dma_start3A_217] : memref<10000x128xf32, #tpu.memory_space<hbm>> -> memref<10000x128xf32, #tpu.memory_space<hbm>>
        tpu.enqueue_indirect_dma source(%dma_start3A_218 : memref<10000x128xf32, #tpu.memory_space<hbm>>) target(%arg12 : memref<128x128xf32, #tpu.memory_space<vmem>>) offsets(%dma_start3A_215 : memref<128xi32, #tpu.memory_space<vmem>>) semaphore(%arg13 : memref<!tpu.dma_semaphore, #tpu.memory_space<semaphore_mem>>)
        %dma_wait3A_219 = arith.constant 6 : i32
        %dma_wait3A_220 = arith.constant 0 : i32
        %dma_wait3A_221 = tpu.memref_slice %arg9[%dma_wait3A_219, %dma_wait3A_220] : memref<8x128xi32, #tpu.memory_space<vmem>> -> memref<1x128xi32, #tpu.memory_space<vmem>>
        %dma_wait3A_222 = tpu.memref_squeeze %dma_wait3A_221 : memref<1x128xi32, #tpu.memory_space<vmem>> -> memref<128xi32, #tpu.memory_space<vmem>>
        %dma_wait3A_223 = arith.constant 0 : i32
        %dma_wait3A_224 = arith.constant 0 : i32
        %dma_wait3A_225 = tpu.memref_slice %arg3[%dma_wait3A_223, %dma_wait3A_224] : memref<10000x128xf32, #tpu.memory_space<hbm>> -> memref<10000x128xf32, #tpu.memory_space<hbm>>
        tpu.wait_indirect_dma semaphore(%arg13 : memref<!tpu.dma_semaphore, #tpu.memory_space<semaphore_mem>>) src(%dma_wait3A_225 : memref<10000x128xf32, #tpu.memory_space<hbm>>) dst(%arg11 : memref<128x128xf32, #tpu.memory_space<vmem>>)
        %dma_start3A_226 = arith.constant 6 : i32
        %dma_start3A_227 = arith.constant 0 : i32
        %dma_start3A_228 = tpu.memref_slice %arg10[%dma_start3A_226, %dma_start3A_227] : memref<8x128xi32, #tpu.memory_space<vmem>> -> memref<1x128xi32, #tpu.memory_space<vmem>>
        %dma_start3A_229 = tpu.memref_squeeze %dma_start3A_228 : memref<1x128xi32, #tpu.memory_space<vmem>> -> memref<128xi32, #tpu.memory_space<vmem>>
        %dma_start3A_230 = arith.constant 0 : i32
        %dma_start3A_231 = arith.constant 0 : i32
        %dma_start3A_232 = tpu.memref_slice %arg8[%dma_start3A_230, %dma_start3A_231] : memref<10240x128xf32, #tpu.memory_space<vmem_shared>> -> memref<10240x128xf32, #tpu.memory_space<vmem_shared>>
        tpu.enqueue_indirect_dma source(%arg11 : memref<128x128xf32, #tpu.memory_space<vmem>>) target(%dma_start3A_232 : memref<10240x128xf32, #tpu.memory_space<vmem_shared>>) offsets(%dma_start3A_229 : memref<128xi32, #tpu.memory_space<vmem>>) semaphore(%arg14 : memref<!tpu.dma_semaphore, #tpu.memory_space<semaphore_mem>>) {add = true}
        %dma_wait3A_233 = arith.constant 7 : i32
        %dma_wait3A_234 = arith.constant 0 : i32
        %dma_wait3A_235 = tpu.memref_slice %arg9[%dma_wait3A_233, %dma_wait3A_234] : memref<8x128xi32, #tpu.memory_space<vmem>> -> memref<1x128xi32, #tpu.memory_space<vmem>>
        %dma_wait3A_236 = tpu.memref_squeeze %dma_wait3A_235 : memref<1x128xi32, #tpu.memory_space<vmem>> -> memref<128xi32, #tpu.memory_space<vmem>>
        %dma_wait3A_237 = arith.constant 0 : i32
        %dma_wait3A_238 = arith.constant 0 : i32
        %dma_wait3A_239 = tpu.memref_slice %arg3[%dma_wait3A_237, %dma_wait3A_238] : memref<10000x128xf32, #tpu.memory_space<hbm>> -> memref<10000x128xf32, #tpu.memory_space<hbm>>
        tpu.wait_indirect_dma semaphore(%arg13 : memref<!tpu.dma_semaphore, #tpu.memory_space<semaphore_mem>>) src(%dma_wait3A_239 : memref<10000x128xf32, #tpu.memory_space<hbm>>) dst(%arg12 : memref<128x128xf32, #tpu.memory_space<vmem>>)
        %dma_start3A_240 = arith.constant 7 : i32
        %dma_start3A_241 = arith.constant 0 : i32
        %dma_start3A_242 = tpu.memref_slice %arg10[%dma_start3A_240, %dma_start3A_241] : memref<8x128xi32, #tpu.memory_space<vmem>> -> memref<1x128xi32, #tpu.memory_space<vmem>>
        %dma_start3A_243 = tpu.memref_squeeze %dma_start3A_242 : memref<1x128xi32, #tpu.memory_space<vmem>> -> memref<128xi32, #tpu.memory_space<vmem>>
        %dma_start3A_244 = arith.constant 0 : i32
        %dma_start3A_245 = arith.constant 0 : i32
        %dma_start3A_246 = tpu.memref_slice %arg8[%dma_start3A_244, %dma_start3A_245] : memref<10240x128xf32, #tpu.memory_space<vmem_shared>> -> memref<10240x128xf32, #tpu.memory_space<vmem_shared>>
        tpu.enqueue_indirect_dma source(%arg12 : memref<128x128xf32, #tpu.memory_space<vmem>>) target(%dma_start3A_246 : memref<10240x128xf32, #tpu.memory_space<vmem_shared>>) offsets(%dma_start3A_243 : memref<128xi32, #tpu.memory_space<vmem>>) semaphore(%arg14 : memref<!tpu.dma_semaphore, #tpu.memory_space<semaphore_mem>>) {add = true}
        %dma_wait3A_247 = arith.constant 6 : i32
        %dma_wait3A_248 = arith.constant 0 : i32
        %dma_wait3A_249 = tpu.memref_slice %arg10[%dma_wait3A_247, %dma_wait3A_248] : memref<8x128xi32, #tpu.memory_space<vmem>> -> memref<1x128xi32, #tpu.memory_space<vmem>>
        %dma_wait3A_250 = tpu.memref_squeeze %dma_wait3A_249 : memref<1x128xi32, #tpu.memory_space<vmem>> -> memref<128xi32, #tpu.memory_space<vmem>>
        %dma_wait3A_251 = arith.constant 0 : i32
        %dma_wait3A_252 = arith.constant 0 : i32
        %dma_wait3A_253 = tpu.memref_slice %arg8[%dma_wait3A_251, %dma_wait3A_252] : memref<10240x128xf32, #tpu.memory_space<vmem_shared>> -> memref<10240x128xf32, #tpu.memory_space<vmem_shared>>
        tpu.wait_indirect_dma semaphore(%arg14 : memref<!tpu.dma_semaphore, #tpu.memory_space<semaphore_mem>>) src(%arg11 : memref<128x128xf32, #tpu.memory_space<vmem>>) dst(%dma_wait3A_253 : memref<10240x128xf32, #tpu.memory_space<vmem_shared>>)
        %dma_wait3A_254 = arith.constant 7 : i32
        %dma_wait3A_255 = arith.constant 0 : i32
        %dma_wait3A_256 = tpu.memref_slice %arg10[%dma_wait3A_254, %dma_wait3A_255] : memref<8x128xi32, #tpu.memory_space<vmem>> -> memref<1x128xi32, #tpu.memory_space<vmem>>
        %dma_wait3A_257 = tpu.memref_squeeze %dma_wait3A_256 : memref<1x128xi32, #tpu.memory_space<vmem>> -> memref<128xi32, #tpu.memory_space<vmem>>
        %dma_wait3A_258 = arith.constant 0 : i32
        %dma_wait3A_259 = arith.constant 0 : i32
        %dma_wait3A_260 = tpu.memref_slice %arg8[%dma_wait3A_258, %dma_wait3A_259] : memref<10240x128xf32, #tpu.memory_space<vmem_shared>> -> memref<10240x128xf32, #tpu.memory_space<vmem_shared>>
        tpu.wait_indirect_dma semaphore(%arg14 : memref<!tpu.dma_semaphore, #tpu.memory_space<semaphore_mem>>) src(%arg12 : memref<128x128xf32, #tpu.memory_space<vmem>>) dst(%dma_wait3A_260 : memref<10240x128xf32, #tpu.memory_space<vmem_shared>>)
      }
      %eq3A_26 = arith.constant 15 : i32
      %eq3A_27 = arith.cmpi eq, %arg1, %eq3A_26 : i32
      %convert_element_type3A_28 = arith.extui %eq3A_27 : i1 to i32
      %cond3A_29 = arith.constant 0 : i32
      %cond3A_30 = arith.cmpi ne, %convert_element_type3A_28, %cond3A_29 : i32
      scf.if %cond3A_30 {
        "tpu.region"() ({
          %run_scoped3A = tpu.sem_alloc : memref<!tpu.dma_semaphore, #tpu.memory_space<semaphore_mem>>
          %dma_start3A_141 = arith.constant 0 : i32
          %dma_start3A_142 = arith.constant 0 : i32
          %dma_start3A_143 = tpu.memref_slice %arg9[%dma_start3A_141, %dma_start3A_142] : memref<8x128xi32, #tpu.memory_space<vmem>> -> memref<4x128xi32, #tpu.memory_space<vmem>>
          %dma_start3A_144 = arith.constant 2496 : i32
          %dma_start3A_145 = arith.constant 0 : i32
          %dma_start3A_146 = tpu.memref_slice %arg4[%dma_start3A_144, %dma_start3A_145] : memref<2500x128xi32, #tpu.memory_space<hbm>> -> memref<4x128xi32, #tpu.memory_space<hbm>>
          %dma_start3A_147 = arith.constant 0 : i32
          %dma_start3A_148 = arith.constant 0 : i32
          %dma_start3A_149 = tpu.memref_slice %arg9[%dma_start3A_147, %dma_start3A_148] : memref<8x128xi32, #tpu.memory_space<vmem>> -> memref<4x128xi32, #tpu.memory_space<vmem>>
          %dma_start3A_150 = arith.constant 2496 : i32
          %dma_start3A_151 = arith.constant 0 : i32
          %dma_start3A_152 = tpu.memref_slice %arg4[%dma_start3A_150, %dma_start3A_151] : memref<2500x128xi32, #tpu.memory_space<hbm>> -> memref<4x128xi32, #tpu.memory_space<hbm>>
          tpu.enqueue_dma source(%dma_start3A_152 : memref<4x128xi32, #tpu.memory_space<hbm>>) target(%dma_start3A_149 : memref<4x128xi32, #tpu.memory_space<vmem>>) target_semaphore(%run_scoped3A : memref<!tpu.dma_semaphore, #tpu.memory_space<semaphore_mem>>)
          %dma_wait3A_153 = arith.constant 0 : i32
          %dma_wait3A_154 = arith.constant 0 : i32
          %dma_wait3A_155 = tpu.memref_slice %arg9[%dma_wait3A_153, %dma_wait3A_154] : memref<8x128xi32, #tpu.memory_space<vmem>> -> memref<4x128xi32, #tpu.memory_space<vmem>>
          %dma_wait3A_156 = arith.constant 2496 : i32
          %dma_wait3A_157 = arith.constant 0 : i32
          %dma_wait3A_158 = tpu.memref_slice %arg4[%dma_wait3A_156, %dma_wait3A_157] : memref<2500x128xi32, #tpu.memory_space<hbm>> -> memref<4x128xi32, #tpu.memory_space<hbm>>
          %dma_wait3A_159 = arith.constant 0 : i32
          %dma_wait3A_160 = arith.constant 0 : i32
          %dma_wait3A_161 = tpu.memref_slice %arg9[%dma_wait3A_159, %dma_wait3A_160] : memref<8x128xi32, #tpu.memory_space<vmem>> -> memref<4x128xi32, #tpu.memory_space<vmem>>
          %dma_wait3A_162 = arith.constant 2496 : i32
          %dma_wait3A_163 = arith.constant 0 : i32
          %dma_wait3A_164 = tpu.memref_slice %arg4[%dma_wait3A_162, %dma_wait3A_163] : memref<2500x128xi32, #tpu.memory_space<hbm>> -> memref<4x128xi32, #tpu.memory_space<hbm>>
          tpu.wait_dma2 semaphore(%run_scoped3A : memref<!tpu.dma_semaphore, #tpu.memory_space<semaphore_mem>>) src(%dma_wait3A_164 : memref<4x128xi32, #tpu.memory_space<hbm>>) dst(%dma_wait3A_161 : memref<4x128xi32, #tpu.memory_space<vmem>>)
          tpu.yield
        }) : () -> ()
        "tpu.region"() ({
          %run_scoped3A = tpu.sem_alloc : memref<!tpu.dma_semaphore, #tpu.memory_space<semaphore_mem>>
          %dma_start3A_141 = arith.constant 0 : i32
          %dma_start3A_142 = arith.constant 0 : i32
          %dma_start3A_143 = tpu.memref_slice %arg10[%dma_start3A_141, %dma_start3A_142] : memref<8x128xi32, #tpu.memory_space<vmem>> -> memref<4x128xi32, #tpu.memory_space<vmem>>
          %dma_start3A_144 = arith.constant 2496 : i32
          %dma_start3A_145 = arith.constant 0 : i32
          %dma_start3A_146 = tpu.memref_slice %arg5[%dma_start3A_144, %dma_start3A_145] : memref<2500x128xi32, #tpu.memory_space<hbm>> -> memref<4x128xi32, #tpu.memory_space<hbm>>
          %dma_start3A_147 = arith.constant 0 : i32
          %dma_start3A_148 = arith.constant 0 : i32
          %dma_start3A_149 = tpu.memref_slice %arg10[%dma_start3A_147, %dma_start3A_148] : memref<8x128xi32, #tpu.memory_space<vmem>> -> memref<4x128xi32, #tpu.memory_space<vmem>>
          %dma_start3A_150 = arith.constant 2496 : i32
          %dma_start3A_151 = arith.constant 0 : i32
          %dma_start3A_152 = tpu.memref_slice %arg5[%dma_start3A_150, %dma_start3A_151] : memref<2500x128xi32, #tpu.memory_space<hbm>> -> memref<4x128xi32, #tpu.memory_space<hbm>>
          tpu.enqueue_dma source(%dma_start3A_152 : memref<4x128xi32, #tpu.memory_space<hbm>>) target(%dma_start3A_149 : memref<4x128xi32, #tpu.memory_space<vmem>>) target_semaphore(%run_scoped3A : memref<!tpu.dma_semaphore, #tpu.memory_space<semaphore_mem>>)
          %dma_wait3A_153 = arith.constant 0 : i32
          %dma_wait3A_154 = arith.constant 0 : i32
          %dma_wait3A_155 = tpu.memref_slice %arg10[%dma_wait3A_153, %dma_wait3A_154] : memref<8x128xi32, #tpu.memory_space<vmem>> -> memref<4x128xi32, #tpu.memory_space<vmem>>
          %dma_wait3A_156 = arith.constant 2496 : i32
          %dma_wait3A_157 = arith.constant 0 : i32
          %dma_wait3A_158 = tpu.memref_slice %arg5[%dma_wait3A_156, %dma_wait3A_157] : memref<2500x128xi32, #tpu.memory_space<hbm>> -> memref<4x128xi32, #tpu.memory_space<hbm>>
          %dma_wait3A_159 = arith.constant 0 : i32
          %dma_wait3A_160 = arith.constant 0 : i32
          %dma_wait3A_161 = tpu.memref_slice %arg10[%dma_wait3A_159, %dma_wait3A_160] : memref<8x128xi32, #tpu.memory_space<vmem>> -> memref<4x128xi32, #tpu.memory_space<vmem>>
          %dma_wait3A_162 = arith.constant 2496 : i32
          %dma_wait3A_163 = arith.constant 0 : i32
          %dma_wait3A_164 = tpu.memref_slice %arg5[%dma_wait3A_162, %dma_wait3A_163] : memref<2500x128xi32, #tpu.memory_space<hbm>> -> memref<4x128xi32, #tpu.memory_space<hbm>>
          tpu.wait_dma2 semaphore(%run_scoped3A : memref<!tpu.dma_semaphore, #tpu.memory_space<semaphore_mem>>) src(%dma_wait3A_164 : memref<4x128xi32, #tpu.memory_space<hbm>>) dst(%dma_wait3A_161 : memref<4x128xi32, #tpu.memory_space<vmem>>)
          tpu.yield
        }) : () -> ()
        %dma_start3A = arith.constant 0 : i32
        %dma_start3A_31 = arith.constant 0 : i32
        %dma_start3A_32 = tpu.memref_slice %arg9[%dma_start3A, %dma_start3A_31] : memref<8x128xi32, #tpu.memory_space<vmem>> -> memref<1x128xi32, #tpu.memory_space<vmem>>
        %dma_start3A_33 = tpu.memref_squeeze %dma_start3A_32 : memref<1x128xi32, #tpu.memory_space<vmem>> -> memref<128xi32, #tpu.memory_space<vmem>>
        %dma_start3A_34 = arith.constant 0 : i32
        %dma_start3A_35 = arith.constant 0 : i32
        %dma_start3A_36 = tpu.memref_slice %arg3[%dma_start3A_34, %dma_start3A_35] : memref<10000x128xf32, #tpu.memory_space<hbm>> -> memref<10000x128xf32, #tpu.memory_space<hbm>>
        tpu.enqueue_indirect_dma source(%dma_start3A_36 : memref<10000x128xf32, #tpu.memory_space<hbm>>) target(%arg11 : memref<128x128xf32, #tpu.memory_space<vmem>>) offsets(%dma_start3A_33 : memref<128xi32, #tpu.memory_space<vmem>>) semaphore(%arg13 : memref<!tpu.dma_semaphore, #tpu.memory_space<semaphore_mem>>)
        %dma_start3A_37 = arith.constant 1 : i32
        %dma_start3A_38 = arith.constant 0 : i32
        %dma_start3A_39 = tpu.memref_slice %arg9[%dma_start3A_37, %dma_start3A_38] : memref<8x128xi32, #tpu.memory_space<vmem>> -> memref<1x128xi32, #tpu.memory_space<vmem>>
        %dma_start3A_40 = tpu.memref_squeeze %dma_start3A_39 : memref<1x128xi32, #tpu.memory_space<vmem>> -> memref<128xi32, #tpu.memory_space<vmem>>
        %dma_start3A_41 = arith.constant 0 : i32
        %dma_start3A_42 = arith.constant 0 : i32
        %dma_start3A_43 = tpu.memref_slice %arg3[%dma_start3A_41, %dma_start3A_42] : memref<10000x128xf32, #tpu.memory_space<hbm>> -> memref<10000x128xf32, #tpu.memory_space<hbm>>
        tpu.enqueue_indirect_dma source(%dma_start3A_43 : memref<10000x128xf32, #tpu.memory_space<hbm>>) target(%arg12 : memref<128x128xf32, #tpu.memory_space<vmem>>) offsets(%dma_start3A_40 : memref<128xi32, #tpu.memory_space<vmem>>) semaphore(%arg13 : memref<!tpu.dma_semaphore, #tpu.memory_space<semaphore_mem>>)
        %dma_wait3A = arith.constant 0 : i32
        %dma_wait3A_44 = arith.constant 0 : i32
        %dma_wait3A_45 = tpu.memref_slice %arg9[%dma_wait3A, %dma_wait3A_44] : memref<8x128xi32, #tpu.memory_space<vmem>> -> memref<1x128xi32, #tpu.memory_space<vmem>>
        %dma_wait3A_46 = tpu.memref_squeeze %dma_wait3A_45 : memref<1x128xi32, #tpu.memory_space<vmem>> -> memref<128xi32, #tpu.memory_space<vmem>>
        %dma_wait3A_47 = arith.constant 0 : i32
        %dma_wait3A_48 = arith.constant 0 : i32
        %dma_wait3A_49 = tpu.memref_slice %arg3[%dma_wait3A_47, %dma_wait3A_48] : memref<10000x128xf32, #tpu.memory_space<hbm>> -> memref<10000x128xf32, #tpu.memory_space<hbm>>
        tpu.wait_indirect_dma semaphore(%arg13 : memref<!tpu.dma_semaphore, #tpu.memory_space<semaphore_mem>>) src(%dma_wait3A_49 : memref<10000x128xf32, #tpu.memory_space<hbm>>) dst(%arg11 : memref<128x128xf32, #tpu.memory_space<vmem>>)
        %dma_start3A_50 = arith.constant 0 : i32
        %dma_start3A_51 = arith.constant 0 : i32
        %dma_start3A_52 = tpu.memref_slice %arg10[%dma_start3A_50, %dma_start3A_51] : memref<8x128xi32, #tpu.memory_space<vmem>> -> memref<1x128xi32, #tpu.memory_space<vmem>>
        %dma_start3A_53 = tpu.memref_squeeze %dma_start3A_52 : memref<1x128xi32, #tpu.memory_space<vmem>> -> memref<128xi32, #tpu.memory_space<vmem>>
        %dma_start3A_54 = arith.constant 0 : i32
        %dma_start3A_55 = arith.constant 0 : i32
        %dma_start3A_56 = tpu.memref_slice %arg8[%dma_start3A_54, %dma_start3A_55] : memref<10240x128xf32, #tpu.memory_space<vmem_shared>> -> memref<10240x128xf32, #tpu.memory_space<vmem_shared>>
        tpu.enqueue_indirect_dma source(%arg11 : memref<128x128xf32, #tpu.memory_space<vmem>>) target(%dma_start3A_56 : memref<10240x128xf32, #tpu.memory_space<vmem_shared>>) offsets(%dma_start3A_53 : memref<128xi32, #tpu.memory_space<vmem>>) semaphore(%arg14 : memref<!tpu.dma_semaphore, #tpu.memory_space<semaphore_mem>>) {add = true}
        %dma_wait3A_57 = arith.constant 0 : i32
        %dma_wait3A_58 = arith.constant 0 : i32
        %dma_wait3A_59 = tpu.memref_slice %arg10[%dma_wait3A_57, %dma_wait3A_58] : memref<8x128xi32, #tpu.memory_space<vmem>> -> memref<1x128xi32, #tpu.memory_space<vmem>>
        %dma_wait3A_60 = tpu.memref_squeeze %dma_wait3A_59 : memref<1x128xi32, #tpu.memory_space<vmem>> -> memref<128xi32, #tpu.memory_space<vmem>>
        %dma_wait3A_61 = arith.constant 0 : i32
        %dma_wait3A_62 = arith.constant 0 : i32
        %dma_wait3A_63 = tpu.memref_slice %arg8[%dma_wait3A_61, %dma_wait3A_62] : memref<10240x128xf32, #tpu.memory_space<vmem_shared>> -> memref<10240x128xf32, #tpu.memory_space<vmem_shared>>
        tpu.wait_indirect_dma semaphore(%arg14 : memref<!tpu.dma_semaphore, #tpu.memory_space<semaphore_mem>>) src(%arg11 : memref<128x128xf32, #tpu.memory_space<vmem>>) dst(%dma_wait3A_63 : memref<10240x128xf32, #tpu.memory_space<vmem_shared>>)
        %dma_start3A_64 = arith.constant 2 : i32
        %dma_start3A_65 = arith.constant 0 : i32
        %dma_start3A_66 = tpu.memref_slice %arg9[%dma_start3A_64, %dma_start3A_65] : memref<8x128xi32, #tpu.memory_space<vmem>> -> memref<1x128xi32, #tpu.memory_space<vmem>>
        %dma_start3A_67 = tpu.memref_squeeze %dma_start3A_66 : memref<1x128xi32, #tpu.memory_space<vmem>> -> memref<128xi32, #tpu.memory_space<vmem>>
        %dma_start3A_68 = arith.constant 0 : i32
        %dma_start3A_69 = arith.constant 0 : i32
        %dma_start3A_70 = tpu.memref_slice %arg3[%dma_start3A_68, %dma_start3A_69] : memref<10000x128xf32, #tpu.memory_space<hbm>> -> memref<10000x128xf32, #tpu.memory_space<hbm>>
        tpu.enqueue_indirect_dma source(%dma_start3A_70 : memref<10000x128xf32, #tpu.memory_space<hbm>>) target(%arg11 : memref<128x128xf32, #tpu.memory_space<vmem>>) offsets(%dma_start3A_67 : memref<128xi32, #tpu.memory_space<vmem>>) semaphore(%arg13 : memref<!tpu.dma_semaphore, #tpu.memory_space<semaphore_mem>>)
        %dma_wait3A_71 = arith.constant 1 : i32
        %dma_wait3A_72 = arith.constant 0 : i32
        %dma_wait3A_73 = tpu.memref_slice %arg9[%dma_wait3A_71, %dma_wait3A_72] : memref<8x128xi32, #tpu.memory_space<vmem>> -> memref<1x128xi32, #tpu.memory_space<vmem>>
        %dma_wait3A_74 = tpu.memref_squeeze %dma_wait3A_73 : memref<1x128xi32, #tpu.memory_space<vmem>> -> memref<128xi32, #tpu.memory_space<vmem>>
        %dma_wait3A_75 = arith.constant 0 : i32
        %dma_wait3A_76 = arith.constant 0 : i32
        %dma_wait3A_77 = tpu.memref_slice %arg3[%dma_wait3A_75, %dma_wait3A_76] : memref<10000x128xf32, #tpu.memory_space<hbm>> -> memref<10000x128xf32, #tpu.memory_space<hbm>>
        tpu.wait_indirect_dma semaphore(%arg13 : memref<!tpu.dma_semaphore, #tpu.memory_space<semaphore_mem>>) src(%dma_wait3A_77 : memref<10000x128xf32, #tpu.memory_space<hbm>>) dst(%arg12 : memref<128x128xf32, #tpu.memory_space<vmem>>)
        %dma_start3A_78 = arith.constant 1 : i32
        %dma_start3A_79 = arith.constant 0 : i32
        %dma_start3A_80 = tpu.memref_slice %arg10[%dma_start3A_78, %dma_start3A_79] : memref<8x128xi32, #tpu.memory_space<vmem>> -> memref<1x128xi32, #tpu.memory_space<vmem>>
        %dma_start3A_81 = tpu.memref_squeeze %dma_start3A_80 : memref<1x128xi32, #tpu.memory_space<vmem>> -> memref<128xi32, #tpu.memory_space<vmem>>
        %dma_start3A_82 = arith.constant 0 : i32
        %dma_start3A_83 = arith.constant 0 : i32
        %dma_start3A_84 = tpu.memref_slice %arg8[%dma_start3A_82, %dma_start3A_83] : memref<10240x128xf32, #tpu.memory_space<vmem_shared>> -> memref<10240x128xf32, #tpu.memory_space<vmem_shared>>
        tpu.enqueue_indirect_dma source(%arg12 : memref<128x128xf32, #tpu.memory_space<vmem>>) target(%dma_start3A_84 : memref<10240x128xf32, #tpu.memory_space<vmem_shared>>) offsets(%dma_start3A_81 : memref<128xi32, #tpu.memory_space<vmem>>) semaphore(%arg14 : memref<!tpu.dma_semaphore, #tpu.memory_space<semaphore_mem>>) {add = true}
        %dma_wait3A_85 = arith.constant 1 : i32
        %dma_wait3A_86 = arith.constant 0 : i32
        %dma_wait3A_87 = tpu.memref_slice %arg10[%dma_wait3A_85, %dma_wait3A_86] : memref<8x128xi32, #tpu.memory_space<vmem>> -> memref<1x128xi32, #tpu.memory_space<vmem>>
        %dma_wait3A_88 = tpu.memref_squeeze %dma_wait3A_87 : memref<1x128xi32, #tpu.memory_space<vmem>> -> memref<128xi32, #tpu.memory_space<vmem>>
        %dma_wait3A_89 = arith.constant 0 : i32
        %dma_wait3A_90 = arith.constant 0 : i32
        %dma_wait3A_91 = tpu.memref_slice %arg8[%dma_wait3A_89, %dma_wait3A_90] : memref<10240x128xf32, #tpu.memory_space<vmem_shared>> -> memref<10240x128xf32, #tpu.memory_space<vmem_shared>>
        tpu.wait_indirect_dma semaphore(%arg14 : memref<!tpu.dma_semaphore, #tpu.memory_space<semaphore_mem>>) src(%arg12 : memref<128x128xf32, #tpu.memory_space<vmem>>) dst(%dma_wait3A_91 : memref<10240x128xf32, #tpu.memory_space<vmem_shared>>)
        %dma_start3A_92 = arith.constant 3 : i32
        %dma_start3A_93 = arith.constant 0 : i32
        %dma_start3A_94 = tpu.memref_slice %arg9[%dma_start3A_92, %dma_start3A_93] : memref<8x128xi32, #tpu.memory_space<vmem>> -> memref<1x128xi32, #tpu.memory_space<vmem>>
        %dma_start3A_95 = tpu.memref_squeeze %dma_start3A_94 : memref<1x128xi32, #tpu.memory_space<vmem>> -> memref<128xi32, #tpu.memory_space<vmem>>
        %dma_start3A_96 = arith.constant 0 : i32
        %dma_start3A_97 = arith.constant 0 : i32
        %dma_start3A_98 = tpu.memref_slice %arg3[%dma_start3A_96, %dma_start3A_97] : memref<10000x128xf32, #tpu.memory_space<hbm>> -> memref<10000x128xf32, #tpu.memory_space<hbm>>
        tpu.enqueue_indirect_dma source(%dma_start3A_98 : memref<10000x128xf32, #tpu.memory_space<hbm>>) target(%arg12 : memref<128x128xf32, #tpu.memory_space<vmem>>) offsets(%dma_start3A_95 : memref<128xi32, #tpu.memory_space<vmem>>) semaphore(%arg13 : memref<!tpu.dma_semaphore, #tpu.memory_space<semaphore_mem>>)
        %dma_wait3A_99 = arith.constant 2 : i32
        %dma_wait3A_100 = arith.constant 0 : i32
        %dma_wait3A_101 = tpu.memref_slice %arg9[%dma_wait3A_99, %dma_wait3A_100] : memref<8x128xi32, #tpu.memory_space<vmem>> -> memref<1x128xi32, #tpu.memory_space<vmem>>
        %dma_wait3A_102 = tpu.memref_squeeze %dma_wait3A_101 : memref<1x128xi32, #tpu.memory_space<vmem>> -> memref<128xi32, #tpu.memory_space<vmem>>
        %dma_wait3A_103 = arith.constant 0 : i32
        %dma_wait3A_104 = arith.constant 0 : i32
        %dma_wait3A_105 = tpu.memref_slice %arg3[%dma_wait3A_103, %dma_wait3A_104] : memref<10000x128xf32, #tpu.memory_space<hbm>> -> memref<10000x128xf32, #tpu.memory_space<hbm>>
        tpu.wait_indirect_dma semaphore(%arg13 : memref<!tpu.dma_semaphore, #tpu.memory_space<semaphore_mem>>) src(%dma_wait3A_105 : memref<10000x128xf32, #tpu.memory_space<hbm>>) dst(%arg11 : memref<128x128xf32, #tpu.memory_space<vmem>>)
        %dma_start3A_106 = arith.constant 2 : i32
        %dma_start3A_107 = arith.constant 0 : i32
        %dma_start3A_108 = tpu.memref_slice %arg10[%dma_start3A_106, %dma_start3A_107] : memref<8x128xi32, #tpu.memory_space<vmem>> -> memref<1x128xi32, #tpu.memory_space<vmem>>
        %dma_start3A_109 = tpu.memref_squeeze %dma_start3A_108 : memref<1x128xi32, #tpu.memory_space<vmem>> -> memref<128xi32, #tpu.memory_space<vmem>>
        %dma_start3A_110 = arith.constant 0 : i32
        %dma_start3A_111 = arith.constant 0 : i32
        %dma_start3A_112 = tpu.memref_slice %arg8[%dma_start3A_110, %dma_start3A_111] : memref<10240x128xf32, #tpu.memory_space<vmem_shared>> -> memref<10240x128xf32, #tpu.memory_space<vmem_shared>>
        tpu.enqueue_indirect_dma source(%arg11 : memref<128x128xf32, #tpu.memory_space<vmem>>) target(%dma_start3A_112 : memref<10240x128xf32, #tpu.memory_space<vmem_shared>>) offsets(%dma_start3A_109 : memref<128xi32, #tpu.memory_space<vmem>>) semaphore(%arg14 : memref<!tpu.dma_semaphore, #tpu.memory_space<semaphore_mem>>) {add = true}
        %dma_wait3A_113 = arith.constant 3 : i32
        %dma_wait3A_114 = arith.constant 0 : i32
        %dma_wait3A_115 = tpu.memref_slice %arg9[%dma_wait3A_113, %dma_wait3A_114] : memref<8x128xi32, #tpu.memory_space<vmem>> -> memref<1x128xi32, #tpu.memory_space<vmem>>
        %dma_wait3A_116 = tpu.memref_squeeze %dma_wait3A_115 : memref<1x128xi32, #tpu.memory_space<vmem>> -> memref<128xi32, #tpu.memory_space<vmem>>
        %dma_wait3A_117 = arith.constant 0 : i32
        %dma_wait3A_118 = arith.constant 0 : i32
        %dma_wait3A_119 = tpu.memref_slice %arg3[%dma_wait3A_117, %dma_wait3A_118] : memref<10000x128xf32, #tpu.memory_space<hbm>> -> memref<10000x128xf32, #tpu.memory_space<hbm>>
        tpu.wait_indirect_dma semaphore(%arg13 : memref<!tpu.dma_semaphore, #tpu.memory_space<semaphore_mem>>) src(%dma_wait3A_119 : memref<10000x128xf32, #tpu.memory_space<hbm>>) dst(%arg12 : memref<128x128xf32, #tpu.memory_space<vmem>>)
        %dma_start3A_120 = arith.constant 3 : i32
        %dma_start3A_121 = arith.constant 0 : i32
        %dma_start3A_122 = tpu.memref_slice %arg10[%dma_start3A_120, %dma_start3A_121] : memref<8x128xi32, #tpu.memory_space<vmem>> -> memref<1x128xi32, #tpu.memory_space<vmem>>
        %dma_start3A_123 = tpu.memref_squeeze %dma_start3A_122 : memref<1x128xi32, #tpu.memory_space<vmem>> -> memref<128xi32, #tpu.memory_space<vmem>>
        %dma_start3A_124 = arith.constant 0 : i32
        %dma_start3A_125 = arith.constant 0 : i32
        %dma_start3A_126 = tpu.memref_slice %arg8[%dma_start3A_124, %dma_start3A_125] : memref<10240x128xf32, #tpu.memory_space<vmem_shared>> -> memref<10240x128xf32, #tpu.memory_space<vmem_shared>>
        tpu.enqueue_indirect_dma source(%arg12 : memref<128x128xf32, #tpu.memory_space<vmem>>) target(%dma_start3A_126 : memref<10240x128xf32, #tpu.memory_space<vmem_shared>>) offsets(%dma_start3A_123 : memref<128xi32, #tpu.memory_space<vmem>>) semaphore(%arg14 : memref<!tpu.dma_semaphore, #tpu.memory_space<semaphore_mem>>) {add = true}
        %dma_wait3A_127 = arith.constant 2 : i32
        %dma_wait3A_128 = arith.constant 0 : i32
        %dma_wait3A_129 = tpu.memref_slice %arg10[%dma_wait3A_127, %dma_wait3A_128] : memref<8x128xi32, #tpu.memory_space<vmem>> -> memref<1x128xi32, #tpu.memory_space<vmem>>
        %dma_wait3A_130 = tpu.memref_squeeze %dma_wait3A_129 : memref<1x128xi32, #tpu.memory_space<vmem>> -> memref<128xi32, #tpu.memory_space<vmem>>
        %dma_wait3A_131 = arith.constant 0 : i32
        %dma_wait3A_132 = arith.constant 0 : i32
        %dma_wait3A_133 = tpu.memref_slice %arg8[%dma_wait3A_131, %dma_wait3A_132] : memref<10240x128xf32, #tpu.memory_space<vmem_shared>> -> memref<10240x128xf32, #tpu.memory_space<vmem_shared>>
        tpu.wait_indirect_dma semaphore(%arg14 : memref<!tpu.dma_semaphore, #tpu.memory_space<semaphore_mem>>) src(%arg11 : memref<128x128xf32, #tpu.memory_space<vmem>>) dst(%dma_wait3A_133 : memref<10240x128xf32, #tpu.memory_space<vmem_shared>>)
        %dma_wait3A_134 = arith.constant 3 : i32
        %dma_wait3A_135 = arith.constant 0 : i32
        %dma_wait3A_136 = tpu.memref_slice %arg10[%dma_wait3A_134, %dma_wait3A_135] : memref<8x128xi32, #tpu.memory_space<vmem>> -> memref<1x128xi32, #tpu.memory_space<vmem>>
        %dma_wait3A_137 = tpu.memref_squeeze %dma_wait3A_136 : memref<1x128xi32, #tpu.memory_space<vmem>> -> memref<128xi32, #tpu.memory_space<vmem>>
        %dma_wait3A_138 = arith.constant 0 : i32
        %dma_wait3A_139 = arith.constant 0 : i32
        %dma_wait3A_140 = tpu.memref_slice %arg8[%dma_wait3A_138, %dma_wait3A_139] : memref<10240x128xf32, #tpu.memory_space<vmem_shared>> -> memref<10240x128xf32, #tpu.memory_space<vmem_shared>>
        tpu.wait_indirect_dma semaphore(%arg14 : memref<!tpu.dma_semaphore, #tpu.memory_space<semaphore_mem>>) src(%arg12 : memref<128x128xf32, #tpu.memory_space<vmem>>) dst(%dma_wait3A_140 : memref<10240x128xf32, #tpu.memory_space<vmem_shared>>)
      } else {
      }
    } else {
    }
    %barrier3A_8 = arith.constant 0 : index
    tpu.barrier barrier_id(%barrier3A_8)
    "tpu.region"() ({
      %run_scoped3A = tpu.sem_alloc : memref<!tpu.dma_semaphore, #tpu.memory_space<semaphore_mem>>
      %dma_start3A = arith.constant 0 : i32
      %dma_start3A_9 = tpu.memref_slice %arg7[%arg0, %mul3A_0, %dma_start3A] : memref<2x10240x128xf32, #tpu.memory_space<hbm>> -> memref<1x640x128xf32, #tpu.memory_space<hbm>>
      %dma_start3A_10 = tpu.memref_squeeze %dma_start3A_9 : memref<1x640x128xf32, #tpu.memory_space<hbm>> -> memref<640x128xf32, #tpu.memory_space<hbm>>
      %dma_start3A_11 = arith.constant 0 : i32
      %dma_start3A_12 = tpu.memref_slice %arg8[%mul3A_0, %dma_start3A_11] : memref<10240x128xf32, #tpu.memory_space<vmem_shared>> -> memref<640x128xf32, #tpu.memory_space<vmem_shared>>
      tpu.enqueue_dma source(%dma_start3A_12 : memref<640x128xf32, #tpu.memory_space<vmem_shared>>) target(%dma_start3A_10 : memref<640x128xf32, #tpu.memory_space<hbm>>) target_semaphore(%run_scoped3A : memref<!tpu.dma_semaphore, #tpu.memory_space<semaphore_mem>>)
      %dma_wait3A = arith.constant 0 : i32
      %dma_wait3A_13 = tpu.memref_slice %arg7[%arg0, %mul3A_0, %dma_wait3A] : memref<2x10240x128xf32, #tpu.memory_space<hbm>> -> memref<1x640x128xf32, #tpu.memory_space<hbm>>
      %dma_wait3A_14 = tpu.memref_squeeze %dma_wait3A_13 : memref<1x640x128xf32, #tpu.memory_space<hbm>> -> memref<640x128xf32, #tpu.memory_space<hbm>>
      %dma_wait3A_15 = arith.constant 0 : i32
      %dma_wait3A_16 = tpu.memref_slice %arg8[%mul3A_0, %dma_wait3A_15] : memref<10240x128xf32, #tpu.memory_space<vmem_shared>> -> memref<640x128xf32, #tpu.memory_space<vmem_shared>>
      tpu.wait_dma2 semaphore(%run_scoped3A : memref<!tpu.dma_semaphore, #tpu.memory_space<semaphore_mem>>) src(%dma_wait3A_16 : memref<640x128xf32, #tpu.memory_space<vmem_shared>>) dst(%dma_wait3A_14 : memref<640x128xf32, #tpu.memory_space<hbm>>)
      tpu.yield
    }) : () -> ()
    return
  }
}

module attributes {stable_mosaic.version = 14 : i64} {
  func.func @body(%arg0: i32, %arg1: memref<2000x1xf32, #tpu.memory_space<vmem>>, %arg2: memref<2000x1xf32, #tpu.memory_space<vmem>>, %arg3: memref<2000x128xf32, #tpu.memory_space<vmem>>, %arg4: memref<2000x128xf32, #tpu.memory_space<vmem>>, %arg5: memref<2000x1xf32, #tpu.memory_space<vmem>>) attributes {dimension_semantics = [#tpu.dimension_semantics<arbitrary>], iteration_bounds = array<i64: 5>, scalar_prefetch = 0 : i64, scratch_operands = 0 : i64, tpu.core_type = #tpu.core_type<tc>, window_params = [{transform_indices = @transform_0, window_bounds = array<i64: 2000, 1>}, {transform_indices = @transform_1, window_bounds = array<i64: 2000, 1>}, {transform_indices = @transform_2, window_bounds = array<i64: 2000, 128>}, {transform_indices = @transform_3, window_bounds = array<i64: 2000, 128>}, {transform_indices = @transform_4, window_bounds = array<i64: 2000, 1>}]} {
    %get3A = arith.constant 0 : index
    %get3A_0 = arith.constant 0 : index
    %get3A_1 = vector.load %arg1[%get3A, %get3A_0] : memref<2000x1xf32, #tpu.memory_space<vmem>>, vector<2000x1xf32>
    %get3A_2 = arith.constant 0 : index
    %get3A_3 = arith.constant 0 : index
    %get3A_4 = vector.load %arg2[%get3A_2, %get3A_3] : memref<2000x1xf32, #tpu.memory_space<vmem>>, vector<2000x1xf32>
    %add3A = arith.addf %get3A_1, %get3A_4 : vector<2000x1xf32>
    %add3A_5 = arith.constant 1.000000e+00 : f32
    %add3A_6 = vector.broadcast %add3A_5 : f32 to vector<2000x1xf32>
    %add3A_7 = arith.addf %add3A, %add3A_6 : vector<2000x1xf32>
    %rsqrt3A = math.rsqrt %add3A_7 : vector<2000x1xf32>
    %swap3A = arith.constant 0 : index
    %swap3A_8 = arith.constant 0 : index
    %swap3A_9 = vector.load %arg5[%swap3A, %swap3A_8] : memref<2000x1xf32, #tpu.memory_space<vmem>>, vector<2000x1xf32>
    tpu.vector_store %arg5[%swap3A, %swap3A_8], %rsqrt3A {strides = array<i32>} : memref<2000x1xf32, #tpu.memory_space<vmem>>, vector<2000x1xf32>,
    %get3A_10 = arith.constant 0 : index
    %get3A_11 = arith.constant 0 : index
    %get3A_12 = vector.load %arg3[%get3A_10, %get3A_11] : memref<2000x128xf32, #tpu.memory_space<vmem>>, vector<2000x128xf32>
    %mul3A = vector.broadcast %rsqrt3A : vector<2000x1xf32> to vector<2000x128xf32>
    %mul3A_13 = arith.mulf %get3A_12, %mul3A : vector<2000x128xf32>
    %swap3A_14 = arith.constant 0 : index
    %swap3A_15 = arith.constant 0 : index
    %swap3A_16 = vector.load %arg4[%swap3A_14, %swap3A_15] : memref<2000x128xf32, #tpu.memory_space<vmem>>, vector<2000x128xf32>
    tpu.vector_store %arg4[%swap3A_14, %swap3A_15], %mul3A_13 {strides = array<i32>} : memref<2000x128xf32, #tpu.memory_space<vmem>>, vector<2000x128xf32>,
    return
  }
  func.func @transform_0(%arg0: i32) -> (i32, i32) {
    %c0_i32 = arith.constant 0 : i32
    %c0_i32_0 = arith.constant 0 : i32
    return %arg0, %c0_i32 : i32, i32
  }
  func.func @transform_1(%arg0: i32) -> (i32, i32) {
    %c0_i32 = arith.constant 0 : i32
    %c0_i32_0 = arith.constant 0 : i32
    return %arg0, %c0_i32 : i32, i32
  }
  func.func @transform_2(%arg0: i32) -> (i32, i32) {
    %c0_i32 = arith.constant 0 : i32
    %c0_i32_0 = arith.constant 0 : i32
    return %arg0, %c0_i32 : i32, i32
  }
  func.func @transform_3(%arg0: i32) -> (i32, i32) {
    %c0_i32 = arith.constant 0 : i32
    %c0_i32_0 = arith.constant 0 : i32
    return %arg0, %c0_i32 : i32, i32
  }
  func.func @transform_4(%arg0: i32) -> (i32, i32) {
    %c0_i32 = arith.constant 0 : i32
    %c0_i32_0 = arith.constant 0 : i32
    return %arg0, %c0_i32 : i32, i32
  }
}

module attributes {stable_mosaic.version = 14 : i64} {
  func.func @body(%arg0: i32, %arg1: memref<2000x128xf32, #tpu.memory_space<vmem>>, %arg2: memref<2000x128xf32, #tpu.memory_space<vmem>>, %arg3: memref<2000x128xf32, #tpu.memory_space<vmem>>, %arg4: memref<2000x1xf32, #tpu.memory_space<vmem>>, %arg5: memref<128x128xf32, #tpu.memory_space<vmem>>, %arg6: memref<1x128xf32, #tpu.memory_space<vmem>>, %arg7: memref<128x128xf32, #tpu.memory_space<vmem>>, %arg8: memref<1x128xf32, #tpu.memory_space<vmem>>, %arg9: memref<2000x128xf32, #tpu.memory_space<vmem>>, %arg10: memref<2000x128xf32, #tpu.memory_space<vmem>>) attributes {dimension_semantics = [#tpu.dimension_semantics<arbitrary>], iteration_bounds = array<i64: 5>, scalar_prefetch = 0 : i64, scratch_operands = 0 : i64, tpu.core_type = #tpu.core_type<tc>, window_params = [{transform_indices = @transform_0, window_bounds = array<i64: 2000, 128>}, {transform_indices = @transform_1, window_bounds = array<i64: 2000, 128>}, {transform_indices = @transform_2, window_bounds = array<i64: 2000, 128>}, {transform_indices = @transform_3, window_bounds = array<i64: 2000, 1>}, {pipeline_mode = #tpu.pipeline_mode<synchronous>, transform_indices = @transform_4, window_bounds = array<i64: 128, 128>}, {pipeline_mode = #tpu.pipeline_mode<synchronous>, transform_indices = @transform_5, window_bounds = array<i64: 1, 128>}, {pipeline_mode = #tpu.pipeline_mode<synchronous>, transform_indices = @transform_6, window_bounds = array<i64: 128, 128>}, {pipeline_mode = #tpu.pipeline_mode<synchronous>, transform_indices = @transform_7, window_bounds = array<i64: 1, 128>}, {transform_indices = @transform_8, window_bounds = array<i64: 2000, 128>}, {transform_indices = @transform_9, window_bounds = array<i64: 2000, 128>}]} {
    %get3A = arith.constant 0 : index
    %get3A_0 = arith.constant 0 : index
    %get3A_1 = vector.load %arg4[%get3A, %get3A_0] : memref<2000x1xf32, #tpu.memory_space<vmem>>, vector<2000x1xf32>
    %get3A_2 = arith.constant 0 : index
    %get3A_3 = arith.constant 0 : index
    %get3A_4 = vector.load %arg1[%get3A_2, %get3A_3] : memref<2000x128xf32, #tpu.memory_space<vmem>>, vector<2000x128xf32>
    %get3A_5 = arith.constant 0 : index
    %get3A_6 = arith.constant 0 : index
    %get3A_7 = vector.load %arg2[%get3A_5, %get3A_6] : memref<2000x128xf32, #tpu.memory_space<vmem>>, vector<2000x128xf32>
    %add3A = arith.addf %get3A_4, %get3A_7 : vector<2000x128xf32>
    %get3A_8 = arith.constant 0 : index
    %get3A_9 = arith.constant 0 : index
    %get3A_10 = vector.load %arg3[%get3A_8, %get3A_9] : memref<2000x128xf32, #tpu.memory_space<vmem>>, vector<2000x128xf32>
    %add3A_11 = arith.addf %add3A, %get3A_10 : vector<2000x128xf32>
    %mul3A = vector.broadcast %get3A_1 : vector<2000x1xf32> to vector<2000x128xf32>
    %mul3A_12 = arith.mulf %add3A_11, %mul3A : vector<2000x128xf32>
    %get3A_13 = arith.constant 0 : index
    %get3A_14 = arith.constant 0 : index
    %get3A_15 = vector.load %arg5[%get3A_13, %get3A_14] : memref<128x128xf32, #tpu.memory_space<vmem>>, vector<128x128xf32>
    %dot_general3A = arith.constant dense<0.000000e+00> : vector<2000x128xf32>
    %dot_general3A_16 = tpu.matmul %mul3A_12, %get3A_15, %dot_general3A {dimension_numbers = #tpu.dot_dimension_numbers<[1], [0], [0], [1], [0, 0, 1, 1], [], []>, transpose_lhs_hint = false} : vector<2000x128xf32>, vector<128x128xf32>, vector<2000x128xf32> -> vector<2000x128xf32>
    %get3A_17 = arith.constant 0 : index
    %get3A_18 = arith.constant 0 : index
    %get3A_19 = vector.load %arg6[%get3A_17, %get3A_18] : memref<1x128xf32, #tpu.memory_space<vmem>>, vector<1x128xf32>
    %add3A_20 = vector.broadcast %get3A_19 : vector<1x128xf32> to vector<2000x128xf32>
    %add3A_21 = arith.addf %dot_general3A_16, %add3A_20 : vector<2000x128xf32>
    %max3A = arith.constant 0.000000e+00 : f32
    %max3A_22 = vector.broadcast %max3A : f32 to vector<2000x128xf32>
    %max3A_23 = arith.maximumf %add3A_21, %max3A_22 : vector<2000x128xf32>
    %get3A_24 = arith.constant 0 : index
    %get3A_25 = arith.constant 0 : index
    %get3A_26 = vector.load %arg7[%get3A_24, %get3A_25] : memref<128x128xf32, #tpu.memory_space<vmem>>, vector<128x128xf32>
    %dot_general3A_27 = arith.constant dense<0.000000e+00> : vector<2000x128xf32>
    %dot_general3A_28 = tpu.matmul %mul3A_12, %get3A_26, %dot_general3A_27 {dimension_numbers = #tpu.dot_dimension_numbers<[1], [0], [0], [1], [0, 0, 1, 1], [], []>, transpose_lhs_hint = false} : vector<2000x128xf32>, vector<128x128xf32>, vector<2000x128xf32> -> vector<2000x128xf32>
    %get3A_29 = arith.constant 0 : index
    %get3A_30 = arith.constant 0 : index
    %get3A_31 = vector.load %arg8[%get3A_29, %get3A_30] : memref<1x128xf32, #tpu.memory_space<vmem>>, vector<1x128xf32>
    %add3A_32 = vector.broadcast %get3A_31 : vector<1x128xf32> to vector<2000x128xf32>
    %add3A_33 = arith.addf %dot_general3A_28, %add3A_32 : vector<2000x128xf32>
    %max3A_34 = arith.constant 0.000000e+00 : f32
    %max3A_35 = vector.broadcast %max3A_34 : f32 to vector<2000x128xf32>
    %max3A_36 = arith.maximumf %add3A_33, %max3A_35 : vector<2000x128xf32>
    %mul3A_37 = vector.broadcast %get3A_1 : vector<2000x1xf32> to vector<2000x128xf32>
    %mul3A_38 = arith.mulf %max3A_23, %mul3A_37 : vector<2000x128xf32>
    %swap3A = arith.constant 0 : index
    %swap3A_39 = arith.constant 0 : index
    %swap3A_40 = vector.load %arg9[%swap3A, %swap3A_39] : memref<2000x128xf32, #tpu.memory_space<vmem>>, vector<2000x128xf32>
    tpu.vector_store %arg9[%swap3A, %swap3A_39], %mul3A_38 {strides = array<i32>} : memref<2000x128xf32, #tpu.memory_space<vmem>>, vector<2000x128xf32>,
    %mul3A_41 = vector.broadcast %get3A_1 : vector<2000x1xf32> to vector<2000x128xf32>
    %mul3A_42 = arith.mulf %max3A_36, %mul3A_41 : vector<2000x128xf32>
    %swap3A_43 = arith.constant 0 : index
    %swap3A_44 = arith.constant 0 : index
    %swap3A_45 = vector.load %arg10[%swap3A_43, %swap3A_44] : memref<2000x128xf32, #tpu.memory_space<vmem>>, vector<2000x128xf32>
    tpu.vector_store %arg10[%swap3A_43, %swap3A_44], %mul3A_42 {strides = array<i32>} : memref<2000x128xf32, #tpu.memory_space<vmem>>, vector<2000x128xf32>,
    return
  }
  func.func @transform_0(%arg0: i32) -> (i32, i32) {
    %c0_i32 = arith.constant 0 : i32
    %c0_i32_0 = arith.constant 0 : i32
    return %arg0, %c0_i32 : i32, i32
  }
  func.func @transform_1(%arg0: i32) -> (i32, i32) {
    %c0_i32 = arith.constant 0 : i32
    %c0_i32_0 = arith.constant 0 : i32
    return %arg0, %c0_i32 : i32, i32
  }
  func.func @transform_2(%arg0: i32) -> (i32, i32) {
    %c0_i32 = arith.constant 0 : i32
    %c0_i32_0 = arith.constant 0 : i32
    return %arg0, %c0_i32 : i32, i32
  }
  func.func @transform_3(%arg0: i32) -> (i32, i32) {
    %c0_i32 = arith.constant 0 : i32
    %c0_i32_0 = arith.constant 0 : i32
    return %arg0, %c0_i32 : i32, i32
  }
  func.func @transform_4(%arg0: i32) -> (i32, i32) {
    %c0_i32 = arith.constant 0 : i32
    %c0_i32_0 = arith.constant 0 : i32
    %c0_i32_1 = arith.constant 0 : i32
    return %c0_i32, %c0_i32_0 : i32, i32
  }
  func.func @transform_5(%arg0: i32) -> (i32, i32) {
    %c0_i32 = arith.constant 0 : i32
    %c0_i32_0 = arith.constant 0 : i32
    %c0_i32_1 = arith.constant 0 : i32
    return %c0_i32, %c0_i32_0 : i32, i32
  }
  func.func @transform_6(%arg0: i32) -> (i32, i32) {
    %c0_i32 = arith.constant 0 : i32
    %c0_i32_0 = arith.constant 0 : i32
    %c0_i32_1 = arith.constant 0 : i32
    return %c0_i32, %c0_i32_0 : i32, i32
  }
  func.func @transform_7(%arg0: i32) -> (i32, i32) {
    %c0_i32 = arith.constant 0 : i32
    %c0_i32_0 = arith.constant 0 : i32
    %c0_i32_1 = arith.constant 0 : i32
    return %c0_i32, %c0_i32_0 : i32, i32
  }
  func.func @transform_8(%arg0: i32) -> (i32, i32) {
    %c0_i32 = arith.constant 0 : i32
    %c0_i32_0 = arith.constant 0 : i32
    return %arg0, %c0_i32 : i32, i32
  }
  func.func @transform_9(%arg0: i32) -> (i32, i32) {
    %c0_i32 = arith.constant 0 : i32
    %c0_i32_0 = arith.constant 0 : i32
    return %arg0, %c0_i32 : i32, i32
  }
}

module attributes {stable_mosaic.version = 14 : i64} {
  func.func @body(%arg0: i32, %arg1: memref<2000x128xf32, #tpu.memory_space<vmem>>, %arg2: memref<2000x128xf32, #tpu.memory_space<vmem>>, %arg3: memref<2000x128xf32, #tpu.memory_space<vmem>>, %arg4: memref<2000x128xf32, #tpu.memory_space<vmem>>, %arg5: memref<2000x1xf32, #tpu.memory_space<vmem>>, %arg6: memref<3x128x32xf32, #tpu.memory_space<vmem>>, %arg7: memref<3x128x32xf32, #tpu.memory_space<vmem>>, %arg8: memref<3x1x32xf32, #tpu.memory_space<vmem>>, %arg9: memref<3x128x32xf32, #tpu.memory_space<vmem>>, %arg10: memref<3x128x32xf32, #tpu.memory_space<vmem>>, %arg11: memref<3x1x32xf32, #tpu.memory_space<vmem>>, %arg12: memref<2000x32xf32, #tpu.memory_space<vmem>>, %arg13: memref<2000x32xf32, #tpu.memory_space<vmem>>) attributes {dimension_semantics = [#tpu.dimension_semantics<arbitrary>], iteration_bounds = array<i64: 5>, scalar_prefetch = 0 : i64, scratch_operands = 0 : i64, tpu.core_type = #tpu.core_type<tc>, window_params = [{transform_indices = @transform_0, window_bounds = array<i64: 2000, 128>}, {transform_indices = @transform_1, window_bounds = array<i64: 2000, 128>}, {transform_indices = @transform_2, window_bounds = array<i64: 2000, 128>}, {transform_indices = @transform_3, window_bounds = array<i64: 2000, 128>}, {transform_indices = @transform_4, window_bounds = array<i64: 2000, 1>}, {pipeline_mode = #tpu.pipeline_mode<synchronous>, transform_indices = @transform_5, window_bounds = array<i64: 3, 128, 32>}, {pipeline_mode = #tpu.pipeline_mode<synchronous>, transform_indices = @transform_6, window_bounds = array<i64: 3, 128, 32>}, {pipeline_mode = #tpu.pipeline_mode<synchronous>, transform_indices = @transform_7, window_bounds = array<i64: 3, 1, 32>}, {pipeline_mode = #tpu.pipeline_mode<synchronous>, transform_indices = @transform_8, window_bounds = array<i64: 3, 128, 32>}, {pipeline_mode = #tpu.pipeline_mode<synchronous>, transform_indices = @transform_9, window_bounds = array<i64: 3, 128, 32>}, {pipeline_mode = #tpu.pipeline_mode<synchronous>, transform_indices = @transform_10, window_bounds = array<i64: 3, 1, 32>}, {transform_indices = @transform_11, window_bounds = array<i64: 2000, 32>}, {transform_indices = @transform_12, window_bounds = array<i64: 2000, 32>}]} {
    %get3A = arith.constant 0 : index
    %get3A_0 = arith.constant 0 : index
    %get3A_1 = vector.load %arg5[%get3A, %get3A_0] : memref<2000x1xf32, #tpu.memory_space<vmem>>, vector<2000x1xf32>
    %get3A_2 = arith.constant 0 : index
    %get3A_3 = arith.constant 0 : index
    %get3A_4 = vector.load %arg1[%get3A_2, %get3A_3] : memref<2000x128xf32, #tpu.memory_space<vmem>>, vector<2000x128xf32>
    %get3A_5 = arith.constant 0 : index
    %get3A_6 = arith.constant 0 : index
    %get3A_7 = vector.load %arg2[%get3A_5, %get3A_6] : memref<2000x128xf32, #tpu.memory_space<vmem>>, vector<2000x128xf32>
    %add3A = arith.addf %get3A_4, %get3A_7 : vector<2000x128xf32>
    %mul3A = vector.broadcast %get3A_1 : vector<2000x1xf32> to vector<2000x128xf32>
    %mul3A_8 = arith.mulf %add3A, %mul3A : vector<2000x128xf32>
    %get3A_9 = arith.constant 0 : index
    %get3A_10 = arith.constant 0 : index
    %get3A_11 = vector.load %arg3[%get3A_9, %get3A_10] : memref<2000x128xf32, #tpu.memory_space<vmem>>, vector<2000x128xf32>
    %get3A_12 = arith.constant 0 : index
    %get3A_13 = arith.constant 0 : index
    %get3A_14 = vector.load %arg4[%get3A_12, %get3A_13] : memref<2000x128xf32, #tpu.memory_space<vmem>>, vector<2000x128xf32>
    %add3A_15 = arith.addf %get3A_11, %get3A_14 : vector<2000x128xf32>
    %mul3A_16 = vector.broadcast %get3A_1 : vector<2000x1xf32> to vector<2000x128xf32>
    %mul3A_17 = arith.mulf %add3A_15, %mul3A_16 : vector<2000x128xf32>
    %get3A_18 = arith.constant 0 : index
    %get3A_19 = arith.constant 0 : index
    %get3A_20 = arith.constant 0 : index
    %get3A_21 = vector.load %arg6[%get3A_18, %get3A_19, %get3A_20] : memref<3x128x32xf32, #tpu.memory_space<vmem>>, vector<1x128x32xf32>
    %get3A_22 = vector.shape_cast %get3A_21 : vector<1x128x32xf32> to vector<128x32xf32>
    %dot_general3A = arith.constant dense<0.000000e+00> : vector<2000x32xf32>
    %dot_general3A_23 = tpu.matmul %mul3A_8, %get3A_22, %dot_general3A {dimension_numbers = #tpu.dot_dimension_numbers<[1], [0], [0], [1], [0, 0, 1, 1], [], []>, transpose_lhs_hint = false} : vector<2000x128xf32>, vector<128x32xf32>, vector<2000x32xf32> -> vector<2000x32xf32>
    %get3A_24 = arith.constant 0 : index
    %get3A_25 = arith.constant 0 : index
    %get3A_26 = arith.constant 0 : index
    %get3A_27 = vector.load %arg7[%get3A_24, %get3A_25, %get3A_26] : memref<3x128x32xf32, #tpu.memory_space<vmem>>, vector<1x128x32xf32>
    %get3A_28 = vector.shape_cast %get3A_27 : vector<1x128x32xf32> to vector<128x32xf32>
    %dot_general3A_29 = arith.constant dense<0.000000e+00> : vector<2000x32xf32>
    %dot_general3A_30 = tpu.matmul %mul3A_17, %get3A_28, %dot_general3A_29 {dimension_numbers = #tpu.dot_dimension_numbers<[1], [0], [0], [1], [0, 0, 1, 1], [], []>, transpose_lhs_hint = false} : vector<2000x128xf32>, vector<128x32xf32>, vector<2000x32xf32> -> vector<2000x32xf32>
    %add3A_31 = arith.addf %dot_general3A_23, %dot_general3A_30 : vector<2000x32xf32>
    %get3A_32 = arith.constant 0 : index
    %get3A_33 = arith.constant 0 : index
    %get3A_34 = arith.constant 0 : index
    %get3A_35 = vector.load %arg8[%get3A_32, %get3A_33, %get3A_34] : memref<3x1x32xf32, #tpu.memory_space<vmem>>, vector<1x1x32xf32>
    %get3A_36 = vector.shape_cast %get3A_35 : vector<1x1x32xf32> to vector<1x32xf32>
    %add3A_37 = vector.broadcast %get3A_36 : vector<1x32xf32> to vector<2000x32xf32>
    %add3A_38 = arith.addf %add3A_31, %add3A_37 : vector<2000x32xf32>
    %get3A_39 = arith.constant 0 : index
    %get3A_40 = arith.constant 0 : index
    %get3A_41 = arith.constant 0 : index
    %get3A_42 = vector.load %arg9[%get3A_39, %get3A_40, %get3A_41] : memref<3x128x32xf32, #tpu.memory_space<vmem>>, vector<1x128x32xf32>
    %get3A_43 = vector.shape_cast %get3A_42 : vector<1x128x32xf32> to vector<128x32xf32>
    %dot_general3A_44 = arith.constant dense<0.000000e+00> : vector<2000x32xf32>
    %dot_general3A_45 = tpu.matmul %mul3A_8, %get3A_43, %dot_general3A_44 {dimension_numbers = #tpu.dot_dimension_numbers<[1], [0], [0], [1], [0, 0, 1, 1], [], []>, transpose_lhs_hint = false} : vector<2000x128xf32>, vector<128x32xf32>, vector<2000x32xf32> -> vector<2000x32xf32>
    %get3A_46 = arith.constant 0 : index
    %get3A_47 = arith.constant 0 : index
    %get3A_48 = arith.constant 0 : index
    %get3A_49 = vector.load %arg10[%get3A_46, %get3A_47, %get3A_48] : memref<3x128x32xf32, #tpu.memory_space<vmem>>, vector<1x128x32xf32>
    %get3A_50 = vector.shape_cast %get3A_49 : vector<1x128x32xf32> to vector<128x32xf32>
    %dot_general3A_51 = arith.constant dense<0.000000e+00> : vector<2000x32xf32>
    %dot_general3A_52 = tpu.matmul %mul3A_17, %get3A_50, %dot_general3A_51 {dimension_numbers = #tpu.dot_dimension_numbers<[1], [0], [0], [1], [0, 0, 1, 1], [], []>, transpose_lhs_hint = false} : vector<2000x128xf32>, vector<128x32xf32>, vector<2000x32xf32> -> vector<2000x32xf32>
    %add3A_53 = arith.addf %dot_general3A_45, %dot_general3A_52 : vector<2000x32xf32>
    %get3A_54 = arith.constant 0 : index
    %get3A_55 = arith.constant 0 : index
    %get3A_56 = arith.constant 0 : index
    %get3A_57 = vector.load %arg11[%get3A_54, %get3A_55, %get3A_56] : memref<3x1x32xf32, #tpu.memory_space<vmem>>, vector<1x1x32xf32>
    %get3A_58 = vector.shape_cast %get3A_57 : vector<1x1x32xf32> to vector<1x32xf32>
    %add3A_59 = vector.broadcast %get3A_58 : vector<1x32xf32> to vector<2000x32xf32>
    %add3A_60 = arith.addf %add3A_53, %add3A_59 : vector<2000x32xf32>
    %get3A_61 = arith.constant 1 : index
    %get3A_62 = arith.constant 0 : index
    %get3A_63 = arith.constant 0 : index
    %get3A_64 = vector.load %arg6[%get3A_61, %get3A_62, %get3A_63] : memref<3x128x32xf32, #tpu.memory_space<vmem>>, vector<1x128x32xf32>
    %get3A_65 = vector.shape_cast %get3A_64 : vector<1x128x32xf32> to vector<128x32xf32>
    %dot_general3A_66 = arith.constant dense<0.000000e+00> : vector<2000x32xf32>
    %dot_general3A_67 = tpu.matmul %mul3A_8, %get3A_65, %dot_general3A_66 {dimension_numbers = #tpu.dot_dimension_numbers<[1], [0], [0], [1], [0, 0, 1, 1], [], []>, transpose_lhs_hint = false} : vector<2000x128xf32>, vector<128x32xf32>, vector<2000x32xf32> -> vector<2000x32xf32>
    %get3A_68 = arith.constant 1 : index
    %get3A_69 = arith.constant 0 : index
    %get3A_70 = arith.constant 0 : index
    %get3A_71 = vector.load %arg7[%get3A_68, %get3A_69, %get3A_70] : memref<3x128x32xf32, #tpu.memory_space<vmem>>, vector<1x128x32xf32>
    %get3A_72 = vector.shape_cast %get3A_71 : vector<1x128x32xf32> to vector<128x32xf32>
    %dot_general3A_73 = arith.constant dense<0.000000e+00> : vector<2000x32xf32>
    %dot_general3A_74 = tpu.matmul %mul3A_17, %get3A_72, %dot_general3A_73 {dimension_numbers = #tpu.dot_dimension_numbers<[1], [0], [0], [1], [0, 0, 1, 1], [], []>, transpose_lhs_hint = false} : vector<2000x128xf32>, vector<128x32xf32>, vector<2000x32xf32> -> vector<2000x32xf32>
    %add3A_75 = arith.addf %dot_general3A_67, %dot_general3A_74 : vector<2000x32xf32>
    %get3A_76 = arith.constant 1 : index
    %get3A_77 = arith.constant 0 : index
    %get3A_78 = arith.constant 0 : index
    %get3A_79 = vector.load %arg8[%get3A_76, %get3A_77, %get3A_78] : memref<3x1x32xf32, #tpu.memory_space<vmem>>, vector<1x1x32xf32>
    %get3A_80 = vector.shape_cast %get3A_79 : vector<1x1x32xf32> to vector<1x32xf32>
    %add3A_81 = vector.broadcast %get3A_80 : vector<1x32xf32> to vector<2000x32xf32>
    %add3A_82 = arith.addf %add3A_75, %add3A_81 : vector<2000x32xf32>
    %get3A_83 = arith.constant 1 : index
    %get3A_84 = arith.constant 0 : index
    %get3A_85 = arith.constant 0 : index
    %get3A_86 = vector.load %arg9[%get3A_83, %get3A_84, %get3A_85] : memref<3x128x32xf32, #tpu.memory_space<vmem>>, vector<1x128x32xf32>
    %get3A_87 = vector.shape_cast %get3A_86 : vector<1x128x32xf32> to vector<128x32xf32>
    %dot_general3A_88 = arith.constant dense<0.000000e+00> : vector<2000x32xf32>
    %dot_general3A_89 = tpu.matmul %mul3A_8, %get3A_87, %dot_general3A_88 {dimension_numbers = #tpu.dot_dimension_numbers<[1], [0], [0], [1], [0, 0, 1, 1], [], []>, transpose_lhs_hint = false} : vector<2000x128xf32>, vector<128x32xf32>, vector<2000x32xf32> -> vector<2000x32xf32>
    %get3A_90 = arith.constant 1 : index
    %get3A_91 = arith.constant 0 : index
    %get3A_92 = arith.constant 0 : index
    %get3A_93 = vector.load %arg10[%get3A_90, %get3A_91, %get3A_92] : memref<3x128x32xf32, #tpu.memory_space<vmem>>, vector<1x128x32xf32>
    %get3A_94 = vector.shape_cast %get3A_93 : vector<1x128x32xf32> to vector<128x32xf32>
    %dot_general3A_95 = arith.constant dense<0.000000e+00> : vector<2000x32xf32>
    %dot_general3A_96 = tpu.matmul %mul3A_17, %get3A_94, %dot_general3A_95 {dimension_numbers = #tpu.dot_dimension_numbers<[1], [0], [0], [1], [0, 0, 1, 1], [], []>, transpose_lhs_hint = false} : vector<2000x128xf32>, vector<128x32xf32>, vector<2000x32xf32> -> vector<2000x32xf32>
    %add3A_97 = arith.addf %dot_general3A_89, %dot_general3A_96 : vector<2000x32xf32>
    %get3A_98 = arith.constant 1 : index
    %get3A_99 = arith.constant 0 : index
    %get3A_100 = arith.constant 0 : index
    %get3A_101 = vector.load %arg11[%get3A_98, %get3A_99, %get3A_100] : memref<3x1x32xf32, #tpu.memory_space<vmem>>, vector<1x1x32xf32>
    %get3A_102 = vector.shape_cast %get3A_101 : vector<1x1x32xf32> to vector<1x32xf32>
    %add3A_103 = vector.broadcast %get3A_102 : vector<1x32xf32> to vector<2000x32xf32>
    %add3A_104 = arith.addf %add3A_97, %add3A_103 : vector<2000x32xf32>
    %max3A = arith.maximumf %add3A_38, %add3A_82 : vector<2000x32xf32>
    %max3A_105 = arith.maximumf %add3A_60, %add3A_104 : vector<2000x32xf32>
    %get3A_106 = arith.constant 2 : index
    %get3A_107 = arith.constant 0 : index
    %get3A_108 = arith.constant 0 : index
    %get3A_109 = vector.load %arg6[%get3A_106, %get3A_107, %get3A_108] : memref<3x128x32xf32, #tpu.memory_space<vmem>>, vector<1x128x32xf32>
    %get3A_110 = vector.shape_cast %get3A_109 : vector<1x128x32xf32> to vector<128x32xf32>
    %dot_general3A_111 = arith.constant dense<0.000000e+00> : vector<2000x32xf32>
    %dot_general3A_112 = tpu.matmul %mul3A_8, %get3A_110, %dot_general3A_111 {dimension_numbers = #tpu.dot_dimension_numbers<[1], [0], [0], [1], [0, 0, 1, 1], [], []>, transpose_lhs_hint = false} : vector<2000x128xf32>, vector<128x32xf32>, vector<2000x32xf32> -> vector<2000x32xf32>
    %get3A_113 = arith.constant 2 : index
    %get3A_114 = arith.constant 0 : index
    %get3A_115 = arith.constant 0 : index
    %get3A_116 = vector.load %arg7[%get3A_113, %get3A_114, %get3A_115] : memref<3x128x32xf32, #tpu.memory_space<vmem>>, vector<1x128x32xf32>
    %get3A_117 = vector.shape_cast %get3A_116 : vector<1x128x32xf32> to vector<128x32xf32>
    %dot_general3A_118 = arith.constant dense<0.000000e+00> : vector<2000x32xf32>
    %dot_general3A_119 = tpu.matmul %mul3A_17, %get3A_117, %dot_general3A_118 {dimension_numbers = #tpu.dot_dimension_numbers<[1], [0], [0], [1], [0, 0, 1, 1], [], []>, transpose_lhs_hint = false} : vector<2000x128xf32>, vector<128x32xf32>, vector<2000x32xf32> -> vector<2000x32xf32>
    %add3A_120 = arith.addf %dot_general3A_112, %dot_general3A_119 : vector<2000x32xf32>
    %get3A_121 = arith.constant 2 : index
    %get3A_122 = arith.constant 0 : index
    %get3A_123 = arith.constant 0 : index
    %get3A_124 = vector.load %arg8[%get3A_121, %get3A_122, %get3A_123] : memref<3x1x32xf32, #tpu.memory_space<vmem>>, vector<1x1x32xf32>
    %get3A_125 = vector.shape_cast %get3A_124 : vector<1x1x32xf32> to vector<1x32xf32>
    %add3A_126 = vector.broadcast %get3A_125 : vector<1x32xf32> to vector<2000x32xf32>
    %add3A_127 = arith.addf %add3A_120, %add3A_126 : vector<2000x32xf32>
    %get3A_128 = arith.constant 2 : index
    %get3A_129 = arith.constant 0 : index
    %get3A_130 = arith.constant 0 : index
    %get3A_131 = vector.load %arg9[%get3A_128, %get3A_129, %get3A_130] : memref<3x128x32xf32, #tpu.memory_space<vmem>>, vector<1x128x32xf32>
    %get3A_132 = vector.shape_cast %get3A_131 : vector<1x128x32xf32> to vector<128x32xf32>
    %dot_general3A_133 = arith.constant dense<0.000000e+00> : vector<2000x32xf32>
    %dot_general3A_134 = tpu.matmul %mul3A_8, %get3A_132, %dot_general3A_133 {dimension_numbers = #tpu.dot_dimension_numbers<[1], [0], [0], [1], [0, 0, 1, 1], [], []>, transpose_lhs_hint = false} : vector<2000x128xf32>, vector<128x32xf32>, vector<2000x32xf32> -> vector<2000x32xf32>
    %get3A_135 = arith.constant 2 : index
    %get3A_136 = arith.constant 0 : index
    %get3A_137 = arith.constant 0 : index
    %get3A_138 = vector.load %arg10[%get3A_135, %get3A_136, %get3A_137] : memref<3x128x32xf32, #tpu.memory_space<vmem>>, vector<1x128x32xf32>
    %get3A_139 = vector.shape_cast %get3A_138 : vector<1x128x32xf32> to vector<128x32xf32>
    %dot_general3A_140 = arith.constant dense<0.000000e+00> : vector<2000x32xf32>
    %dot_general3A_141 = tpu.matmul %mul3A_17, %get3A_139, %dot_general3A_140 {dimension_numbers = #tpu.dot_dimension_numbers<[1], [0], [0], [1], [0, 0, 1, 1], [], []>, transpose_lhs_hint = false} : vector<2000x128xf32>, vector<128x32xf32>, vector<2000x32xf32> -> vector<2000x32xf32>
    %add3A_142 = arith.addf %dot_general3A_134, %dot_general3A_141 : vector<2000x32xf32>
    %get3A_143 = arith.constant 2 : index
    %get3A_144 = arith.constant 0 : index
    %get3A_145 = arith.constant 0 : index
    %get3A_146 = vector.load %arg11[%get3A_143, %get3A_144, %get3A_145] : memref<3x1x32xf32, #tpu.memory_space<vmem>>, vector<1x1x32xf32>
    %get3A_147 = vector.shape_cast %get3A_146 : vector<1x1x32xf32> to vector<1x32xf32>
    %add3A_148 = vector.broadcast %get3A_147 : vector<1x32xf32> to vector<2000x32xf32>
    %add3A_149 = arith.addf %add3A_142, %add3A_148 : vector<2000x32xf32>
    %max3A_150 = arith.maximumf %max3A, %add3A_127 : vector<2000x32xf32>
    %max3A_151 = arith.maximumf %max3A_105, %add3A_149 : vector<2000x32xf32>
    %swap3A = arith.constant 0 : index
    %swap3A_152 = arith.constant 0 : index
    %swap3A_153 = vector.load %arg12[%swap3A, %swap3A_152] : memref<2000x32xf32, #tpu.memory_space<vmem>>, vector<2000x32xf32>
    tpu.vector_store %arg12[%swap3A, %swap3A_152], %max3A_150 {strides = array<i32>} : memref<2000x32xf32, #tpu.memory_space<vmem>>, vector<2000x32xf32>,
    %swap3A_154 = arith.constant 0 : index
    %swap3A_155 = arith.constant 0 : index
    %swap3A_156 = vector.load %arg13[%swap3A_154, %swap3A_155] : memref<2000x32xf32, #tpu.memory_space<vmem>>, vector<2000x32xf32>
    tpu.vector_store %arg13[%swap3A_154, %swap3A_155], %max3A_151 {strides = array<i32>} : memref<2000x32xf32, #tpu.memory_space<vmem>>, vector<2000x32xf32>,
    return
  }
  func.func @transform_0(%arg0: i32) -> (i32, i32) {
    %c0_i32 = arith.constant 0 : i32
    %c0_i32_0 = arith.constant 0 : i32
    return %arg0, %c0_i32 : i32, i32
  }
  func.func @transform_1(%arg0: i32) -> (i32, i32) {
    %c0_i32 = arith.constant 0 : i32
    %c0_i32_0 = arith.constant 0 : i32
    return %arg0, %c0_i32 : i32, i32
  }
  func.func @transform_2(%arg0: i32) -> (i32, i32) {
    %c0_i32 = arith.constant 0 : i32
    %c0_i32_0 = arith.constant 0 : i32
    return %arg0, %c0_i32 : i32, i32
  }
  func.func @transform_3(%arg0: i32) -> (i32, i32) {
    %c0_i32 = arith.constant 0 : i32
    %c0_i32_0 = arith.constant 0 : i32
    return %arg0, %c0_i32 : i32, i32
  }
  func.func @transform_4(%arg0: i32) -> (i32, i32) {
    %c0_i32 = arith.constant 0 : i32
    %c0_i32_0 = arith.constant 0 : i32
    return %arg0, %c0_i32 : i32, i32
  }
  func.func @transform_5(%arg0: i32) -> (i32, i32, i32) {
    %c0_i32 = arith.constant 0 : i32
    %c0_i32_0 = arith.constant 0 : i32
    %c0_i32_1 = arith.constant 0 : i32
    %c0_i32_2 = arith.constant 0 : i32
    return %c0_i32, %c0_i32_0, %c0_i32_1 : i32, i32, i32
  }
  func.func @transform_6(%arg0: i32) -> (i32, i32, i32) {
    %c0_i32 = arith.constant 0 : i32
    %c0_i32_0 = arith.constant 0 : i32
    %c0_i32_1 = arith.constant 0 : i32
    %c0_i32_2 = arith.constant 0 : i32
    return %c0_i32, %c0_i32_0, %c0_i32_1 : i32, i32, i32
  }
  func.func @transform_7(%arg0: i32) -> (i32, i32, i32) {
    %c0_i32 = arith.constant 0 : i32
    %c0_i32_0 = arith.constant 0 : i32
    %c0_i32_1 = arith.constant 0 : i32
    %c0_i32_2 = arith.constant 0 : i32
    return %c0_i32, %c0_i32_0, %c0_i32_1 : i32, i32, i32
  }
  func.func @transform_8(%arg0: i32) -> (i32, i32, i32) {
    %c0_i32 = arith.constant 0 : i32
    %c0_i32_0 = arith.constant 0 : i32
    %c0_i32_1 = arith.constant 0 : i32
    %c0_i32_2 = arith.constant 0 : i32
    return %c0_i32, %c0_i32_0, %c0_i32_1 : i32, i32, i32
  }
  func.func @transform_9(%arg0: i32) -> (i32, i32, i32) {
    %c0_i32 = arith.constant 0 : i32
    %c0_i32_0 = arith.constant 0 : i32
    %c0_i32_1 = arith.constant 0 : i32
    %c0_i32_2 = arith.constant 0 : i32
    return %c0_i32, %c0_i32_0, %c0_i32_1 : i32, i32, i32
  }
  func.func @transform_10(%arg0: i32) -> (i32, i32, i32) {
    %c0_i32 = arith.constant 0 : i32
    %c0_i32_0 = arith.constant 0 : i32
    %c0_i32_1 = arith.constant 0 : i32
    %c0_i32_2 = arith.constant 0 : i32
    return %c0_i32, %c0_i32_0, %c0_i32_1 : i32, i32, i32
  }
  func.func @transform_11(%arg0: i32) -> (i32, i32) {
    %c0_i32 = arith.constant 0 : i32
    %c0_i32_0 = arith.constant 0 : i32
    return %arg0, %c0_i32 : i32, i32
  }
  func.func @transform_12(%arg0: i32) -> (i32, i32) {
    %c0_i32 = arith.constant 0 : i32
    %c0_i32_0 = arith.constant 0 : i32
    return %arg0, %c0_i32 : i32, i32
  }
}

module attributes {stable_mosaic.version = 14 : i64} {
  func.func @body(%arg0: i32, %arg1: memref<400x32xf32, #tpu.memory_space<vmem>>, %arg2: memref<10000x32xf32, #tpu.memory_space<vmem>>, %arg3: memref<400x10000xf32, #tpu.memory_space<vmem>>) attributes {dimension_semantics = [#tpu.dimension_semantics<arbitrary>], iteration_bounds = array<i64: 25>, scalar_prefetch = 0 : i64, scratch_operands = 0 : i64, tpu.core_type = #tpu.core_type<tc>, window_params = [{transform_indices = @transform_0, window_bounds = array<i64: 400, 32>}, {pipeline_mode = #tpu.pipeline_mode<synchronous>, transform_indices = @transform_1, window_bounds = array<i64: 10000, 32>}, {transform_indices = @transform_2, window_bounds = array<i64: 400, 10000>}]} {
    %get3A = arith.constant 0 : index
    %get3A_0 = arith.constant 0 : index
    %get3A_1 = vector.load %arg1[%get3A, %get3A_0] : memref<400x32xf32, #tpu.memory_space<vmem>>, vector<400x32xf32>
    %convert_element_type3A = arith.truncf %get3A_1 : vector<400x32xf32> to vector<400x32xbf16>
    %get3A_2 = arith.constant 0 : index
    %get3A_3 = arith.constant 0 : index
    %get3A_4 = vector.load %arg2[%get3A_2, %get3A_3] : memref<10000x32xf32, #tpu.memory_space<vmem>>, vector<10000x32xf32>
    %convert_element_type3A_5 = arith.truncf %get3A_4 : vector<10000x32xf32> to vector<10000x32xbf16>
    %dot_general3A = arith.constant dense<0.000000e+00> : vector<400x10000xf32>
    %dot_general3A_6 = tpu.matmul %convert_element_type3A, %convert_element_type3A_5, %dot_general3A {dimension_numbers = #tpu.dot_dimension_numbers<[1], [1], [0], [0], [0, 0, 1, 0], [], []>, transpose_lhs_hint = false} : vector<400x32xbf16>, vector<10000x32xbf16>, vector<400x10000xf32> -> vector<400x10000xf32>
    %logistic3A = arith.negf %dot_general3A_6 : vector<400x10000xf32>
    %logistic3A_7 = math.exp %logistic3A : vector<400x10000xf32>
    %logistic3A_8 = arith.constant 1.000000e+00 : f32
    %logistic3A_9 = vector.broadcast %logistic3A_8 : f32 to vector<400x10000xf32>
    %logistic3A_10 = arith.addf %logistic3A_9, %logistic3A_7 : vector<400x10000xf32>
    %logistic3A_11 = arith.divf %logistic3A_9, %logistic3A_10 : vector<400x10000xf32>
    %swap3A = arith.constant 0 : index
    %swap3A_12 = arith.constant 0 : index
    %swap3A_13 = vector.load %arg3[%swap3A, %swap3A_12] : memref<400x10000xf32, #tpu.memory_space<vmem>>, vector<400x10000xf32>
    tpu.vector_store %arg3[%swap3A, %swap3A_12], %logistic3A_11 {strides = array<i32>} : memref<400x10000xf32, #tpu.memory_space<vmem>>, vector<400x10000xf32>,
    return
  }
  func.func @transform_0(%arg0: i32) -> (i32, i32) {
    %c0_i32 = arith.constant 0 : i32
    %c0_i32_0 = arith.constant 0 : i32
    return %arg0, %c0_i32 : i32, i32
  }
  func.func @transform_1(%arg0: i32) -> (i32, i32) {
    %c0_i32 = arith.constant 0 : i32
    %c0_i32_0 = arith.constant 0 : i32
    %c0_i32_1 = arith.constant 0 : i32
    return %c0_i32, %c0_i32_0 : i32, i32
  }
  func.func @transform_2(%arg0: i32) -> (i32, i32) {
    %c0_i32 = arith.constant 0 : i32
    %c0_i32_0 = arith.constant 0 : i32
    return %arg0, %c0_i32 : i32, i32
  }
}

</mosaic_0001>

<sc_bundles>
// kernel: kernel.12.cloned.1.call-start
scs
__scs_entry_jumppad:
0x0: {  	(pc) =	sbr.rel $0x88, $3  }
0x1: {  	(tag) =	ssettag $0x0;
	lr =	simm.s32 $0x1  }
0x2: {  	[smem:$0x3F99] =	sst lr;
	_ =	strace $0xD0000000  }
0x3: {  	_ = 	snop  }
0x4: {  	_ = 	snop  }
0x5: {  	_ = 	snop  }
0x6: {  	_ = 	snop  }
0x7: {  	_ = 	snop  }
__scs_overlays_trampoline_lowered:
0x8: {  	[smem:$0x3FA8] =	sst s0  }
0x9: {  	[smem:$0x3FA9] =	sst s1  }
0xa: {  	[smem:$0x3FAA] =	sst s2  }
0xb: {  	[smem:$0x3FAB] =	sst s3  }
0xc: {  	[smem:$0x3FAC] =	sst s4  }
0xd: {  	[smem:$0x3FAD] =	sst s5  }
0xe: {  	[smem:$0x3FAE] =	sst s6  }
0xf: {  	[smem:$0x3FAF] =	sst s7  }
0x10: {  	[smem:$0x3FB0] =	sst s8  }
0x11: {  	[smem:$0x3FB1] =	sst s9;
	s0 =	simm.s32 @!p0 $0x0  }
0x12: {  	s1 =	sld [smem:$0x3F97];
	s0 =	simm.s32 @p0 $0x1  }
0x13: {  	[smem:$0x3FB2] =	sst s0;
	s0 =	simm.s32 @!p1 $0x0  }
0x14: {  	s2 =	sld [smem:$0x3F96];
	s0 =	simm.s32 @p1 $0x1  }
0x15: {  	[smem:$0x3FB3] =	sst s0;
	s0 =	simm.s32 @!p2 $0x0  }
0x16: {  	s3 =	sld [smem:$0x3FDB];
	s0 =	simm.s32 @p2 $0x1  }
0x17: {  	s4 =	simm.s32 $0x1BF5;
	[smem:$0x3FB5] =	sst s0  }
0x18: {  	s0 =	sld [smem:$0x3F98];
	_ =	swait.ge [sflag:s4], $0x0  }
0x19: {  	s7 =	sld [smem:$0x3F99]  }
0x1a: {  	s8 =	sadd.s32 $0xFFFFE003, lr  }
0x1b: {  	s9 =	sadd.s32 $0xFFFFFEF7, lr;
	s5 =	simm.s32 $0xFFFFFFFF;
	p2 =	slt.u32 s8, $0xFFFFF086  }
0x1c: {  	p1 =	slt.u32 s9, $0xF7A;
	s5 =	simm.s32 @!p2 $0x0  }
0x1d: {  	s5 =	simm.s32 @p1 $0x1;
	p0 =	seq.s32 s7, s2  }
0x1e: {  	s7 =	smul.u32 @!p0 $0xF7A, s2;
	p2 =	seq.s32 @!p0 s5, $0x0  }
0x1f: {  	s9 =	smul.u32 $0xF7A, s1;
	s8 =	simm.s32 @!p0 $0x1BF5;
	p2 =	por !p2, p0  }
0x20: {  	[sflag:s8] =	ssyncset.s32 @!p0 $0xFFFFF086;
	s6 =	sadd.s32 @!p0 s3, s7;
	s7 =	simm.s32 @!p0 $0x108  }
0x21: {  	s3 =	sadd.s32 s3, s9;
	s6 =	sadd.s32 @!p0 $0x88, s6;
	s7 =	simm.s32 @p2 $0x1082  }
0x22: {  	[simem:s7], [sflag:s8] =	dma.local @!p0 [hbm:s6], $0xF7A  }
0x23: {  	s9 =	sor.u32 $0xD0000000, s2;
	s6 =	simm.s32 $0x108;
	_ =	swait.ge @!p0 [sflag:s8], $0x0  }
0x24: {  	s3 =	sadd.s32 $0x88, s3;
	s6 =	simm.s32 @!p1 $0x1082;
	[sflag:s4] =	ssyncset.s32 $0xFFFFF086  }
0x25: {  	[simem:s6], [sflag:s4] =	dma.local [hbm:s3], $0xF7A  }
0x26: {  	[smem:$0x3F99] =	sst s1;
	(tag) =	ssettag s2;
	_ =	strace s9  }
0x27: {  	s1 =	sld [smem:$0x3FA9]  }
0x28: {  	s2 =	sld [smem:$0x3FAA]  }
0x29: {  	s4 =	sld [smem:$0x3FAC]  }
0x2a: {  	p0 =	seq.s32 s5, $0x0;
	s5 =	sld [smem:$0x3FAD]  }
0x2b: {  	s6 =	sld [smem:$0x3FAE]  }
0x2c: {  	s7 =	sld [smem:$0x3FAF]  }
0x2d: {  	s3 =	simm.s32 $0x108;
	s8 =	sld [smem:$0x3FB0]  }
0x2e: {  	s3 =	simm.s32 @!p0 $0x1082;
	s9 =	sld [smem:$0x3FB1]  }
0x2f: {  	lr =	sadd.s32 s0, s3;
	s0 =	sld [smem:$0x3FA8]  }
0x30: {  	s3 =	sld [smem:$0x3FAB]  }
0x31: {  	[smem:$0x3FB4] =	sst s10  }
0x32: {  	s10 =	sld [smem:$0x3FB2];
	_ =	sdelay $0x3  }
0x33: {  	p0 =	seq.s32 s10, $0x1;
	s10 =	sld [smem:$0x3FB4];
	_ =	sdelay $0x3  }
0x34: {  	[smem:$0x3FB4] =	sst s10  }
0x35: {  	s10 =	sld [smem:$0x3FB3];
	_ =	sdelay $0x3  }
0x36: {  	p1 =	seq.s32 s10, $0x1;
	s10 =	sld [smem:$0x3FB4];
	_ =	sdelay $0x3  }
0x37: {  	[smem:$0x3FB4] =	sst s10  }
0x38: {  	s10 =	sld [smem:$0x3FB5]  }
0x39: {  	_ = 	snop;
	(pc) =	sbr.ind lr, $3  }
0x3a: {  	_ = 	snop  }
0x3b: {  	_ = 	snop  }
0x3c: {  	p2 =	seq.s32 s10, $0x1;
	s10 =	sld [smem:$0x3FB4]  }
0x3d: {  	_ =	shalt  }
0x3e: {  	_ =	shalt  }
0x3f: {  	_ =	shalt  }
0x40: {  	_ =	shalt  }
0x41: {  	_ =	shalt  }
0x42: {  	_ =	shalt  }
0x43: {  	_ =	shalt  }
0x44: {  	_ =	shalt  }
0x45: {  	_ =	shalt  }
0x46: {  	_ =	shalt  }
0x47: {  	_ =	shalt  }
0x48: {  	_ =	shalt  }
0x49: {  	_ =	shalt  }
0x4a: {  	_ =	shalt  }
0x4b: {  	_ =	shalt  }
0x4c: {  	_ =	shalt  }
0x4d: {  	_ =	shalt  }
0x4e: {  	_ =	shalt  }
0x4f: {  	_ =	shalt  }
0x50: {  	_ =	shalt  }
0x51: {  	_ =	shalt  }
0x52: {  	_ =	shalt  }
0x53: {  	_ =	shalt  }
0x54: {  	_ =	shalt  }
0x55: {  	_ =	shalt  }
0x56: {  	_ =	shalt  }
0x57: {  	_ =	shalt  }
0x58: {  	_ =	shalt  }
0x59: {  	_ =	shalt  }
0x5a: {  	_ =	shalt  }
0x5b: {  	_ =	shalt  }
0x5c: {  	_ =	shalt  }
0x5d: {  	_ =	shalt  }
0x5e: {  	_ =	shalt  }
0x5f: {  	_ =	shalt  }
0x60: {  	_ =	shalt  }
0x61: {  	_ =	shalt  }
0x62: {  	_ =	shalt  }
0x63: {  	_ =	shalt  }
0x64: {  	_ =	shalt  }
0x65: {  	_ =	shalt  }
0x66: {  	_ =	shalt  }
0x67: {  	_ =	shalt  }
0x68: {  	_ =	shalt  }
0x69: {  	_ =	shalt  }
0x6a: {  	_ =	shalt  }
0x6b: {  	_ =	shalt  }
0x6c: {  	_ =	shalt  }
0x6d: {  	_ =	shalt  }
0x6e: {  	_ =	shalt  }
0x6f: {  	_ =	shalt  }
0x70: {  	_ =	shalt  }
0x71: {  	_ =	shalt  }
0x72: {  	_ =	shalt  }
0x73: {  	_ =	shalt  }
0x74: {  	_ =	shalt  }
0x75: {  	_ =	shalt  }
0x76: {  	_ =	shalt  }
0x77: {  	_ =	shalt  }
0x78: {  	_ =	shalt  }
0x79: {  	_ =	shalt  }
0x7a: {  	_ =	shalt  }
0x7b: {  	_ =	shalt  }
0x7c: {  	_ =	shalt  }
0x7d: {  	_ =	shalt  }
0x7e: {  	_ =	shalt  }
0x7f: {  	_ =	shalt  }
0x80: {  	_ =	shalt  }
0x81: {  	_ =	shalt  }
0x82: {  	_ =	shalt  }
0x83: {  	_ =	shalt  }
0x84: {  	_ =	shalt  }
0x85: {  	_ =	shalt  }
0x86: {  	_ =	shalt  }
0x87: {  	_ =	shalt  }
.Lfunc_end0:
.L_simem_size_0:
called_computation.1_lowered:
.L_overlay_start_0:
0x88: {  	s2 =	sld [smem:$0x3FD9]  }
0x89: {  	s3 =	sld [smem:$0x3FFE];
	_ =	sdelay $0x1  }
0x8a: {  	s1 =	srdreg.scid  }
0x8b: {  	s0 =	sand.u32 $0x1, s1  }
0x8c: {  	s14 =	sshll.u32 s0, $0xA;
	s2 =	sadd.s32 s3, s2  }
0x8d: {  	s2 =	sadd.s32 s2, s14  }
0x8e: {  	[smem:$0x3FC0] =	sst s2  }
0x8f: {  	_ = 	snop  }
0x90: {  	s2 =	sld [smem:$0x3FD0];
	_ =	sdelay $0x2  }
0x91: {  	s15 =	simm.s32 $0xA;
	s4 =	simm.s32 $0x10  }
0x92: {  	[smem:s4], [sflag:s15] =	dma.local [hbm:s2], $0x1  }
0x93: {  	_ =	swait.eq [sflag:s15], $0x1  }
0x94: {  	s16 =	sld [smem:$0x10];
	[sflag:s15] =	ssyncset.done $0x0  }
0x95: {  	s17 =	sld [smem:$0x11];
	[sflag:s15] =	ssyncadd.s32 $0xFFFFFFFF  }
0x96: {  	s18 =	sld [smem:$0x12];
	(tm) =	ssettm $0x1  }
0x97: {  	s5 =	sld [smem:$0x3FFB];
	_ =	sdelay $0x3  }
0x98: {  	_ =	strace s5  }
0x99: {  	s5 =	sld [smem:$0x3FFC];
	_ =	sdelay $0x3  }
0x9a: {  	_ =	strace s5  }
0x9b: {  	s5 =	sld [smem:$0x3FFD];
	_ =	sdelay $0x3  }
0x9c: {  	_ =	strace s5  }
0x9d: {  	_ =	strace $0x8FFFFFFF  }
0x9e: {  	s19 =	sld [smem:$0x3FDB];
	_ =	sdelay $0x1  }
0x9f: {  	s6 =	simm.s32 $_scs_section_size  }
0xa0: {  	s7 =	simm.s32 $_size__tile_overlayer_lowered;
	s8 =	simm.s32 $_tile_overlayer_lowered  }
0xa1: {  	s22 =	simm.s32 $0x1BFF;
	s21 =	sshll.u32 s8, $0x1;
	s5 =	sadd.s32 s6, s19  }
0xa2: {  	s9 =	simm.s32 $0x0;
	s20 =	sshll.u32 s7, $0x1;
	s7 =	sadd.s32 s21, s5  }
0xa3: {  	[timem:s9], [sflag:s22] =	dma.local [hbm:s7], s20  }
0xa4: {  	_ =	swait.ge [sflag:s22], s20  }
0xa5: {  	s6 =	ssub.s32 $0x0, s20;
	[sflag:s22] =	ssyncset.done $0x0  }
0xa6: {  	[sflag:s22] =	ssyncadd.s32 s6;
	_ =	sdelay $0x1  }
0xa7: {  	s23 =	simm.s32 $0x1B8B  }
0xa8: {  	_ =	swait.ge [sflag:s23], $0x1  }
0xa9: {  	[sflag:s23] =	ssyncset.done $0x0  }
0xaa: {  	s25 =	simm.s32 $0x1B8E;
	s24 =	sld [smem:$0x3FFE];
	[sflag:s23] =	ssyncadd.s32 $0xFFFFFFFF  }
0xab: {  	s26 =	simm.s32 $execute0_lowered;
	[smem:$0x3FD2] =	sst s25  }
0xac: {  	s7 =	sshll.u32 s26, $0x1;
	_ =	strace $0x80000049;
	[dreg:$0x1] =	wrdreg $0xFFFFFFFF  }
0xad: {  	s28 =	simm.s32 $_size_execute0_lowered;
	s5 =	sadd.s32 s5, s7;
	[dreg:$0x0] =	wrdreg $0x0  }
0xae: {  	s7 =	sshll.u32 s28, $0x1;
	[dreg:$0x2] =	wrdreg s5  }
0xaf: {  	[dreg:$0x3] =	wrdreg s7  }
0xb0: {  	[dreg:$0x4] =	wrdreg $0xC0  }
0xb1: {  	_ =	task [dreg:s9], $0x5FFFF  }
0xb2: {  	[dreg:$0x1] =	wrdreg $0xFFFFFFFF  }
0xb3: {  	[dreg:$0x0] =	wrdreg $0x60  }
0xb4: {  	[dreg:$0x2] =	wrdreg s24  }
0xb5: {  	[dreg:$0x3] =	wrdreg s18  }
0xb6: {  	[dreg:$0x4] =	wrdreg s17  }
0xb7: {  	[dreg:$0x5] =	wrdreg s16  }
0xb8: {  	[dreg:$0x6] =	wrdreg $0x0  }
0xb9: {  	[dreg:$0x7] =	wrdreg $0x9  }
0xba: {  	_ =	task.clear_ibuf [dreg:s9], $0x8FFFF;
	_ =	strace $0x90000049  }
0xbb: {  	s29 =	simm.s32 $0x9;
	_ =	strace $0x8000004B  }
0xbc: {  	_ =	swait.ge [sflag:s29], $0x1  }
0xbd: {  	[sflag:s29] =	ssyncadd.s32 $0xFFFFFFFF  }
0xbe: {  	_ =	strace $0x9000004B  }
0xbf: {  	_ =	sfence  }
0xc0: {  	s30 =	sld [smem:$0x0];
	_ =	sdelay $0x2  }
0xc1: {  	s31 =	sshll.u32 s1, $0xD;
	s1 =	sshrl.u32 s1, $0x2  }
0xc2: {  	s3 =	sand.u32 $0x4000, s31;
	s1 =	sadd.s32 s1, s30  }
0xc3: {  	s0 =	sor.u32 s3, s0;
	s1 =	sshll.u32 s1, $0x11  }
0xc4: {  	s0 =	sor.u32 s1, s0  }
0xc5: {  	s0 =	sadd.s32 $0x8F2B, s0  }
0xc6: {  	[sflag:s0] =	ssyncadd.remote.s32 $0x1  }
0xc7: {  	_ =	sfence.sel $0xFFFF  }
0xc8: {  	[dreg:$0x0] =	wrdreg $0xFFFFFFFF;
	(pc) =	sbr.abs _section_cstart, $3  }
0xc9: {  	[dreg:$0x1] =	wrdreg $0xFFFFFFFF  }
0xca: {  	_ =	task.clear_ibuf [dreg:s9], $0x2FFFF;
	_ =	strace $0x9FFFFFFF  }
0xcb: {  	(tm) =	ssettm $0x7FFFFFFF  }
tec
execute0_lowered:
.L_overlay_start_1:
0x0: {  	(tag) =	ssettag $0x1  }
0x1: {  	s0 =	rddreg [dreg:$0x0]  }
0x2: {  	s1 =	rddreg [dreg:$0x1]  }
0x3: {  	s5 =	rddreg [dreg:$0x2]  }
0x4: {  	s6 =	rddreg [dreg:$0x3]  }
0x5: {  	s2 =	rddreg [dreg:$0x4];
	s3 =	simm.s32 $0x0  }
0x6: {  	s13 =	stileid.u32;
	s4 =	srdreg.scid;
	s26 =	simm.s32 $0x14080  }
0x7: {  	s28 =	simm.s32 $0x14200;
	s29 =	simm.s32 $0x14580;
	s30 =	simm.s32 $0x14280  }
0x8: {  	s31 =	simm.s32 $0x14600;
	[smem:$0x7FF] =	sst s3;
	s7 =	smul.u32 $0x14000, s13  }
0x9: {  	s8 =	sand.u32 $0x1, s4;
	s4 =	sadd.s32 $0x3C00, s0;
	s12 =	smul.u32 $0x50000, s13  }
0xa: {  	s17 =	sshll.u32 s13, $0x6;
	s19 =	sshll.u32 s13, $0xA;
	s20 =	sadd.s32 $0x9C00, s1  }
0xb: {  	s22 =	sadd.s32 $0x9C00, s5;
	_ =	strace $0x8000004A;
	s9 =	ssub.s32 $0x2, s8  }
0xc: {  	s15 =	sshll.u32 s8, $0x4;
	s14 =	sor.u32 $0x1C03, s17;
	[dreg:$0xa] =	wrdreg s20  }
0xd: {  	s18 =	smul.u32 $0x140000, s8;
	s8 =	sshll.u32 s8, $0xE;
	[dreg:$0xb] =	wrdreg s22  }
0xe: {  	s17 =	simm.s32 $0x14400;
	[dreg:$0x6] =	wrdreg s26;
	s20 =	simm.s32 $0x18800  }
0xf: {  	s22 =	simm.s32 $0x2;
	s26 =	simm.s32 $0x14500;
	s10 =	sshrl.u32 s7, $0x3  }
0x10: {  	s11 =	sshrl.u32 s9, $0x1;
	s16 =	sshrl.u32 s12, $0x2;
	s12 =	simm.s32 $0xA  }
0x11: {  	s21 =	sor.u32 s19, s8;
	s19 =	simm.s32 $0x14800;
	s8 =	simm.s32 $0x14700  }
0x12: {  	[dreg:$0x8] =	wrdreg s14;
	s0 =	sadd.s32 s10, s0;
	s9 =	ssub.s32 s9, s11  }
0x13: {  	s10 =	sor.u32 s13, s15;
	s11 =	sadd.s32 s16, s2;
	s15 =	simm.s32 $0x3  }
0x14: {  	s16 =	simm.s32 $0x14000;
	s0 =	sadd.s32 $0x52000, s0;
	p0 =	slt.u32 s10, $0x18  }
0x15: {  	s23 =	smax.u32 s9, $0x1;
	s9 =	simm.s32 $0x14780;
	[dreg:$0x7] =	wrdreg s0  }
0x16: {  	s12 =	simm.s32 @!p0 $0x9;
	s0 =	sadd.s32 s7, s18;
	s7 =	sshrl.u32 s21, $0x3  }
0x17: {  	[dreg:$0xd] =	wrdreg s23;
	s18 =	simm.s32 $0x80;
	s21 =	simm.s32 $0x1  }
0x18: {  	s23 =	simm.s32 $0x14100;
	p0 =	sne.s32 s10, $0x1F;
	s10 =	simm.s32 $0x0  }
0x19: {  	[dreg:$0x9] =	wrdreg s12;
	s0 =	sshrl.u32 s0, $0x3;
	s24 =	sadd.s32 s7, s5  }
0x1a: {  	s25 =	sadd.s32 s7, s1;
	s7 =	sshrl.u32 s11, $0x3;
	[dreg:$0xe] =	wrdreg s24  }
0x1b: {  	s1 =	simm.s32 $0x14680;
	s5 =	simm.s32 $0x14380;
	[dreg:$0xf] =	wrdreg s25  }
0x1c: {  	s0 =	sadd.s32 s6, s0;
	s24 =	simm.s32 $0x14480;
	[dreg:$0x10] =	wrdreg s7  }
0x1d: {  	s25 =	simm.s32 $0x14180;
	[dreg:$0xc] =	wrdreg s0;
	s0 =	simm.s32 $0x14300  }
.LBB2_1:
0x1e: {  	s6 =	rddreg [dreg:$0x7]  }
0x1f: {  	[spmem:s7], [sflag:s14] =	dma.local [hbm:s6], $0x2800  }
0x20: {  	_ =	swait.ge [sflag:s15], $0x2800  }
0x21: {  	[sflag:s15] =	ssyncset.done $0x0  }
0x22: {  	[sflag:s15] =	ssyncadd.s32 $0xFFFFD800  }
0x23: {  	[bflag:$0x0] =	sbarrier.arrive $0xFFFF  }
0x24: {  	s13 =	rddreg [dreg:$0xf]  }
0x25: {  	[tilespmem:s16], [sflag:$0x3] =	stream.linear.gather [hbm4b:s13+s3], $0x400, $0x38;
	[tilespmem:$0x1C800] =	vst v63  }
0x26: {  	_ =	swait.ge [sflag:s15], $0x400  }
0x27: {  	[sflag:s15] =	ssyncset.done $0x0  }
0x28: {  	s12 =	rddreg [dreg:$0xe];
	[sflag:s15] =	ssyncadd.s32 $0xFFFFFC00  }
0x29: {  	[tilespmem:s17], [sflag:$0x3] =	stream.linear.gather [hbm4b:s12+s3], $0x400, $0x38;
	[tilespmem:$0x1C800] =	vst v63  }
0x2a: {  	_ =	swait.ge [sflag:s15], $0x400  }
0x2b: {  	[sflag:s15] =	ssyncset.done $0x0  }
0x2c: {  	[sflag:s15] =	ssyncadd.s32 $0xFFFFFC00  }
0x2d: {  	[tilespmem:s19], [sflag:$0x1] =	stream.indirect.gather [hbm4b:s4+s18], $0x80, s16, s18, $0xb8;
	[tilespmem:$0x1C800] =	vst v63  }
0x2e: {  	s11 =	rddreg [dreg:$0x6]  }
0x2f: {  	[tilespmem:s20], [sflag:$0x1] =	stream.indirect.gather [hbm4b:s4+s18], $0x80, s11, s18, $0xb8;
	[tilespmem:$0x1C800] =	vst v63  }
0x30: {  	_ =	swait.ge [sflag:s21], $0x4000  }
0x31: {  	[sflag:s21] =	ssyncset.done $0x0  }
0x32: {  	[sflag:s21] =	ssyncadd.s32 $0xFFFFC000  }
0x33: {  	[spmem:s2] =	stream.indirect.scatter.add.f32 [tilespmem:s19], [sflag:$0x2], $0x80, s17, s18, $0xb8;
	[tilespmem:$0x1C800] =	vst v63  }
0x34: {  	_ =	swait.ge [sflag:s22], $0x4000  }
0x35: {  	[sflag:s22] =	ssyncset.done $0x0  }
0x36: {  	[sflag:s22] =	ssyncadd.s32 $0xFFFFC000  }
0x37: {  	[tilespmem:s19], [sflag:$0x1] =	stream.indirect.gather [hbm4b:s4+s18], $0x80, s23, s18, $0xb8;
	[tilespmem:$0x1C800] =	vst v63  }
0x38: {  	_ =	swait.ge [sflag:s21], $0x4000  }
0x39: {  	[sflag:s21] =	ssyncset.done $0x0  }
0x3a: {  	[sflag:s21] =	ssyncadd.s32 $0xFFFFC000  }
0x3b: {  	[spmem:s2] =	stream.indirect.scatter.add.f32 [tilespmem:s20], [sflag:$0x2], $0x80, s24, s18, $0xb8;
	[tilespmem:$0x1C800] =	vst v63  }
0x3c: {  	_ =	swait.ge [sflag:s22], $0x4000  }
0x3d: {  	[sflag:s22] =	ssyncset.done $0x0  }
0x3e: {  	[sflag:s22] =	ssyncadd.s32 $0xFFFFC000  }
0x3f: {  	[tilespmem:s20], [sflag:$0x1] =	stream.indirect.gather [hbm4b:s4+s18], $0x80, s25, s18, $0xb8;
	[tilespmem:$0x1C800] =	vst v63  }
0x40: {  	_ =	swait.ge [sflag:s21], $0x4000  }
0x41: {  	[sflag:s21] =	ssyncset.done $0x0  }
0x42: {  	[sflag:s21] =	ssyncadd.s32 $0xFFFFC000  }
0x43: {  	[spmem:s2] =	stream.indirect.scatter.add.f32 [tilespmem:s19], [sflag:$0x2], $0x80, s26, s18, $0xb8;
	[tilespmem:$0x1C800] =	vst v63  }
0x44: {  	_ =	swait.ge [sflag:s22], $0x4000  }
0x45: {  	[sflag:s22] =	ssyncset.done $0x0  }
0x46: {  	[sflag:s22] =	ssyncadd.s32 $0xFFFFC000  }
0x47: {  	[tilespmem:s19], [sflag:$0x1] =	stream.indirect.gather [hbm4b:s4+s18], $0x80, s28, s18, $0xb8;
	[tilespmem:$0x1C800] =	vst v63  }
0x48: {  	_ =	swait.ge [sflag:s21], $0x4000  }
0x49: {  	[sflag:s21] =	ssyncset.done $0x0  }
0x4a: {  	[sflag:s21] =	ssyncadd.s32 $0xFFFFC000  }
0x4b: {  	[spmem:s2] =	stream.indirect.scatter.add.f32 [tilespmem:s20], [sflag:$0x2], $0x80, s29, s18, $0xb8;
	[tilespmem:$0x1C800] =	vst v63  }
0x4c: {  	_ =	swait.ge [sflag:s22], $0x4000  }
0x4d: {  	[sflag:s22] =	ssyncset.done $0x0  }
0x4e: {  	[sflag:s22] =	ssyncadd.s32 $0xFFFFC000  }
0x4f: {  	[tilespmem:s20], [sflag:$0x1] =	stream.indirect.gather [hbm4b:s4+s18], $0x80, s30, s18, $0xb8;
	[tilespmem:$0x1C800] =	vst v63  }
0x50: {  	_ =	swait.ge [sflag:s21], $0x4000  }
0x51: {  	[sflag:s21] =	ssyncset.done $0x0  }
0x52: {  	[sflag:s21] =	ssyncadd.s32 $0xFFFFC000  }
0x53: {  	[spmem:s2] =	stream.indirect.scatter.add.f32 [tilespmem:s19], [sflag:$0x2], $0x80, s31, s18, $0xb8;
	[tilespmem:$0x1C800] =	vst v63  }
0x54: {  	_ =	swait.ge [sflag:s22], $0x4000  }
0x55: {  	[sflag:s22] =	ssyncset.done $0x0  }
0x56: {  	[sflag:s22] =	ssyncadd.s32 $0xFFFFC000  }
0x57: {  	[tilespmem:s19], [sflag:$0x1] =	stream.indirect.gather [hbm4b:s4+s18], $0x80, s0, s18, $0xb8;
	[tilespmem:$0x1C800] =	vst v63  }
0x58: {  	_ =	swait.ge [sflag:s21], $0x4000  }
0x59: {  	[sflag:s21] =	ssyncset.done $0x0  }
0x5a: {  	[sflag:s21] =	ssyncadd.s32 $0xFFFFC000  }
0x5b: {  	[spmem:s2] =	stream.indirect.scatter.add.f32 [tilespmem:s20], [sflag:$0x2], $0x80, s1, s18, $0xb8;
	[tilespmem:$0x1C800] =	vst v63  }
0x5c: {  	_ =	swait.ge [sflag:s22], $0x4000  }
0x5d: {  	[sflag:s22] =	ssyncset.done $0x0  }
0x5e: {  	[sflag:s22] =	ssyncadd.s32 $0xFFFFC000  }
0x5f: {  	[tilespmem:s20], [sflag:$0x1] =	stream.indirect.gather [hbm4b:s4+s18], $0x80, s5, s18, $0xb8;
	[tilespmem:$0x1C800] =	vst v63  }
0x60: {  	_ =	swait.ge [sflag:s21], $0x4000  }
0x61: {  	[sflag:s21] =	ssyncset.done $0x0  }
0x62: {  	[sflag:s21] =	ssyncadd.s32 $0xFFFFC000  }
0x63: {  	[spmem:s2] =	stream.indirect.scatter.add.f32 [tilespmem:s19], [sflag:$0x2], $0x80, s8, s18, $0xb8;
	[tilespmem:$0x1C800] =	vst v63  }
0x64: {  	_ =	swait.ge [sflag:s21], $0x4000  }
0x65: {  	[sflag:s21] =	ssyncset.done $0x0  }
0x66: {  	[sflag:s21] =	ssyncadd.s32 $0xFFFFC000  }
0x67: {  	[spmem:s2] =	stream.indirect.scatter.add.f32 [tilespmem:s20], [sflag:$0x2], $0x80, s9, s18, $0xb8;
	[tilespmem:$0x1C800] =	vst v63  }
0x68: {  	_ =	swait.ge [sflag:s22], $0x4000  }
0x69: {  	s14 =	rddreg [dreg:$0x9]  }
0x6a: {  	p1 =	sne.s32 s14, $0x1  }
.Ltmp0:
0x6b: {  	_ = 	snop;
	(pc) =	sbr.rel @!p1 .LBB2_3-.Ltmp0, $4  }
0x6c: {  	[sflag:s22] =	ssyncset.done $0x0  }
0x6d: {  	[sflag:s22] =	ssyncadd.s32 $0xFFFFC000  }
0x6e: {  	_ =	swait.ge [sflag:s22], $0x4000  }
0x6f: {  	s11 =	sadd.s32 $0xFFFFFFFF, s14;
	[sflag:s22] =	ssyncset.done $0x0  }
.LBB2_2:
0x70: {  	[sflag:s22] =	ssyncadd.s32 $0xFFFFC000;
	s13 =	sadd.s32 $0x1000, s13  }
0x71: {  	[tilespmem:s16], [sflag:$0x3] =	stream.linear.gather [hbm4b:s13+s3], $0x400, $0x38;
	[tilespmem:$0x1C800] =	vst v63  }
0x72: {  	_ =	swait.ge [sflag:s15], $0x400  }
0x73: {  	[sflag:s15] =	ssyncset.done $0x0  }
0x74: {  	s12 =	sadd.s32 $0x1000, s12;
	[sflag:s15] =	ssyncadd.s32 $0xFFFFFC00  }
0x75: {  	[tilespmem:s17], [sflag:$0x3] =	stream.linear.gather [hbm4b:s12+s3], $0x400, $0x38;
	[tilespmem:$0x1C800] =	vst v63  }
0x76: {  	_ =	swait.ge [sflag:s15], $0x400  }
0x77: {  	[sflag:s15] =	ssyncset.done $0x0  }
0x78: {  	[sflag:s15] =	ssyncadd.s32 $0xFFFFFC00  }
0x79: {  	[tilespmem:s19], [sflag:$0x1] =	stream.indirect.gather [hbm4b:s4+s18], $0x80, s16, s18, $0xb8;
	[tilespmem:$0x1C800] =	vst v63  }
0x7a: {  	s14 =	rddreg [dreg:$0x6]  }
0x7b: {  	[tilespmem:s20], [sflag:$0x1] =	stream.indirect.gather [hbm4b:s4+s18], $0x80, s14, s18, $0xb8;
	[tilespmem:$0x1C800] =	vst v63  }
0x7c: {  	_ =	swait.ge [sflag:s21], $0x4000  }
0x7d: {  	[sflag:s21] =	ssyncset.done $0x0  }
0x7e: {  	[sflag:s21] =	ssyncadd.s32 $0xFFFFC000  }
0x7f: {  	[spmem:s2] =	stream.indirect.scatter.add.f32 [tilespmem:s19], [sflag:$0x2], $0x80, s17, s18, $0xb8;
	[tilespmem:$0x1C800] =	vst v63  }
0x80: {  	_ =	swait.ge [sflag:s22], $0x4000  }
0x81: {  	[sflag:s22] =	ssyncset.done $0x0  }
0x82: {  	[sflag:s22] =	ssyncadd.s32 $0xFFFFC000  }
0x83: {  	[tilespmem:s19], [sflag:$0x1] =	stream.indirect.gather [hbm4b:s4+s18], $0x80, s23, s18, $0xb8;
	[tilespmem:$0x1C800] =	vst v63  }
0x84: {  	_ =	swait.ge [sflag:s21], $0x4000  }
0x85: {  	[sflag:s21] =	ssyncset.done $0x0  }
0x86: {  	[sflag:s21] =	ssyncadd.s32 $0xFFFFC000  }
0x87: {  	[spmem:s2] =	stream.indirect.scatter.add.f32 [tilespmem:s20], [sflag:$0x2], $0x80, s24, s18, $0xb8;
	[tilespmem:$0x1C800] =	vst v63  }
0x88: {  	_ =	swait.ge [sflag:s22], $0x4000  }
0x89: {  	[sflag:s22] =	ssyncset.done $0x0  }
0x8a: {  	[sflag:s22] =	ssyncadd.s32 $0xFFFFC000  }
0x8b: {  	[tilespmem:s20], [sflag:$0x1] =	stream.indirect.gather [hbm4b:s4+s18], $0x80, s25, s18, $0xb8;
	[tilespmem:$0x1C800] =	vst v63  }
0x8c: {  	_ =	swait.ge [sflag:s21], $0x4000  }
0x8d: {  	[sflag:s21] =	ssyncset.done $0x0  }
0x8e: {  	[sflag:s21] =	ssyncadd.s32 $0xFFFFC000  }
0x8f: {  	[spmem:s2] =	stream.indirect.scatter.add.f32 [tilespmem:s19], [sflag:$0x2], $0x80, s26, s18, $0xb8;
	[tilespmem:$0x1C800] =	vst v63  }
0x90: {  	_ =	swait.ge [sflag:s22], $0x4000  }
0x91: {  	[sflag:s22] =	ssyncset.done $0x0  }
0x92: {  	[sflag:s22] =	ssyncadd.s32 $0xFFFFC000  }
0x93: {  	[tilespmem:s19], [sflag:$0x1] =	stream.indirect.gather [hbm4b:s4+s18], $0x80, s28, s18, $0xb8;
	[tilespmem:$0x1C800] =	vst v63  }
0x94: {  	_ =	swait.ge [sflag:s21], $0x4000  }
0x95: {  	[sflag:s21] =	ssyncset.done $0x0  }
0x96: {  	[sflag:s21] =	ssyncadd.s32 $0xFFFFC000  }
0x97: {  	[spmem:s2] =	stream.indirect.scatter.add.f32 [tilespmem:s20], [sflag:$0x2], $0x80, s29, s18, $0xb8;
	[tilespmem:$0x1C800] =	vst v63  }
0x98: {  	_ =	swait.ge [sflag:s22], $0x4000  }
0x99: {  	[sflag:s22] =	ssyncset.done $0x0  }
0x9a: {  	[sflag:s22] =	ssyncadd.s32 $0xFFFFC000  }
0x9b: {  	[tilespmem:s20], [sflag:$0x1] =	stream.indirect.gather [hbm4b:s4+s18], $0x80, s30, s18, $0xb8;
	[tilespmem:$0x1C800] =	vst v63  }
0x9c: {  	_ =	swait.ge [sflag:s21], $0x4000  }
0x9d: {  	[sflag:s21] =	ssyncset.done $0x0  }
0x9e: {  	[sflag:s21] =	ssyncadd.s32 $0xFFFFC000  }
0x9f: {  	[spmem:s2] =	stream.indirect.scatter.add.f32 [tilespmem:s19], [sflag:$0x2], $0x80, s31, s18, $0xb8;
	[tilespmem:$0x1C800] =	vst v63  }
0xa0: {  	_ =	swait.ge [sflag:s22], $0x4000  }
0xa1: {  	[sflag:s22] =	ssyncset.done $0x0  }
0xa2: {  	[sflag:s22] =	ssyncadd.s32 $0xFFFFC000  }
0xa3: {  	[tilespmem:s19], [sflag:$0x1] =	stream.indirect.gather [hbm4b:s4+s18], $0x80, s0, s18, $0xb8;
	[tilespmem:$0x1C800] =	vst v63  }
0xa4: {  	_ =	swait.ge [sflag:s21], $0x4000  }
0xa5: {  	[sflag:s21] =	ssyncset.done $0x0  }
0xa6: {  	[sflag:s21] =	ssyncadd.s32 $0xFFFFC000  }
0xa7: {  	[spmem:s2] =	stream.indirect.scatter.add.f32 [tilespmem:s20], [sflag:$0x2], $0x80, s1, s18, $0xb8;
	[tilespmem:$0x1C800] =	vst v63  }
0xa8: {  	_ =	swait.ge [sflag:s22], $0x4000  }
0xa9: {  	[sflag:s22] =	ssyncset.done $0x0  }
0xaa: {  	[sflag:s22] =	ssyncadd.s32 $0xFFFFC000  }
0xab: {  	[tilespmem:s20], [sflag:$0x1] =	stream.indirect.gather [hbm4b:s4+s18], $0x80, s5, s18, $0xb8;
	[tilespmem:$0x1C800] =	vst v63  }
0xac: {  	_ =	swait.ge [sflag:s21], $0x4000  }
0xad: {  	[sflag:s21] =	ssyncset.done $0x0  }
0xae: {  	[sflag:s21] =	ssyncadd.s32 $0xFFFFC000  }
0xaf: {  	[spmem:s2] =	stream.indirect.scatter.add.f32 [tilespmem:s19], [sflag:$0x2], $0x80, s8, s18, $0xb8;
	[tilespmem:$0x1C800] =	vst v63  }
0xb0: {  	_ =	swait.ge [sflag:s21], $0x4000  }
0xb1: {  	[sflag:s21] =	ssyncset.done $0x0  }
0xb2: {  	p1 =	sne.s32 s11, $0x1;
	[sflag:s21] =	ssyncadd.s32 $0xFFFFC000  }
0xb3: {  	[spmem:s2] =	stream.indirect.scatter.add.f32 [tilespmem:s20], [sflag:$0x2], $0x80, s9, s18, $0xb8;
	[tilespmem:$0x1C800] =	vst v63  }
.Ltmp1:
0xb4: {  	_ =	swait.ge [sflag:s22], $0x4000;
	(pc) =	sbr.rel @p1 .LBB2_2-.Ltmp1, $4  }
0xb5: {  	[sflag:s22] =	ssyncset.done $0x0  }
0xb6: {  	[sflag:s22] =	ssyncadd.s32 $0xFFFFC000  }
0xb7: {  	_ =	swait.ge [sflag:s22], $0x4000  }
0xb8: {  	s11 =	sadd.s32 $0xFFFFFFFF, s11;
	[sflag:s22] =	ssyncset.done $0x0  }
.LBB2_3:
0xb9: {  	[sflag:s22] =	ssyncadd.s32 $0xFFFFC000;
	s11 =	simm.s32 @!p0 $0x0  }
0xba: {  	s12 =	simm.s32 @!p0 $0x14000;
	s6 =	rddreg [dreg:$0xa];
	s13 =	simm.s32 @!p0 $0x3  }
0xbb: {  	[tilespmem:s12], [sflag:$0x3] =	stream.linear.gather @!p0 [hbm4b:s6+s11], $0x200, $0x38;
	[tilespmem:$0x1C800] =	vst v63  }
0xbc: {  	_ =	swait.ge @!p0 [sflag:s13], $0x200  }
0xbd: {  	[sflag:s13] =	ssyncset.done @!p0 $0x0  }
0xbe: {  	s14 =	simm.s32 @!p0 $0x14400;
	s6 =	rddreg [dreg:$0xb];
	[sflag:s13] =	ssyncadd.s32 @!p0 $0xFFFFFE00  }
0xbf: {  	[tilespmem:s14], [sflag:$0x3] =	stream.linear.gather @!p0 [hbm4b:s6+s11], $0x200, $0x38;
	[tilespmem:$0x1C800] =	vst v63  }
0xc0: {  	_ =	swait.ge @!p0 [sflag:s13], $0x200  }
0xc1: {  	[sflag:s13] =	ssyncset.done @!p0 $0x0  }
0xc2: {  	s11 =	simm.s32 @!p0 $0x80;
	[sflag:s13] =	ssyncadd.s32 @!p0 $0xFFFFFE00;
	s13 =	simm.s32 @!p0 $0x14800  }
0xc3: {  	[tilespmem:s13], [sflag:$0x1] =	stream.indirect.gather @!p0 [hbm4b:s4+s11], $0x80, s12, s11, $0xb8;
	[tilespmem:$0x1C800] =	vst v63  }
0xc4: {  	s6 =	simm.s32 @!p0 $0x18800;
	s12 =	simm.s32 @!p0 $0x14080  }
0xc5: {  	[tilespmem:s6], [sflag:$0x1] =	stream.indirect.gather @!p0 [hbm4b:s4+s11], $0x80, s12, s11, $0xb8;
	[tilespmem:$0x1C800] =	vst v63  }
0xc6: {  	s12 =	simm.s32 @!p0 $0x1  }
0xc7: {  	_ =	swait.ge @!p0 [sflag:s12], $0x4000  }
0xc8: {  	[sflag:s12] =	ssyncset.done @!p0 $0x0  }
0xc9: {  	[sflag:s12] =	ssyncadd.s32 @!p0 $0xFFFFC000  }
0xca: {  	[spmem:s2] =	stream.indirect.scatter.add.f32 @!p0 [tilespmem:s13], [sflag:$0x2], $0x80, s14, s11, $0xb8;
	[tilespmem:$0x1C800] =	vst v63  }
0xcb: {  	s14 =	simm.s32 @!p0 $0x2  }
0xcc: {  	_ =	swait.ge @!p0 [sflag:s14], $0x4000  }
0xcd: {  	[sflag:s14] =	ssyncset.done @!p0 $0x0  }
0xce: {  	s7 =	simm.s32 @!p0 $0x14100;
	[sflag:s14] =	ssyncadd.s32 @!p0 $0xFFFFC000  }
0xcf: {  	[tilespmem:s13], [sflag:$0x1] =	stream.indirect.gather @!p0 [hbm4b:s4+s11], $0x80, s7, s11, $0xb8;
	[tilespmem:$0x1C800] =	vst v63  }
0xd0: {  	_ =	swait.ge @!p0 [sflag:s12], $0x4000  }
0xd1: {  	[sflag:s12] =	ssyncset.done @!p0 $0x0  }
0xd2: {  	s7 =	simm.s32 @!p0 $0x14480;
	[sflag:s12] =	ssyncadd.s32 @!p0 $0xFFFFC000  }
0xd3: {  	[spmem:s2] =	stream.indirect.scatter.add.f32 @!p0 [tilespmem:s6], [sflag:$0x2], $0x80, s7, s11, $0xb8;
	[tilespmem:$0x1C800] =	vst v63  }
0xd4: {  	_ =	swait.ge @!p0 [sflag:s14], $0x4000  }
0xd5: {  	[sflag:s14] =	ssyncset.done @!p0 $0x0  }
0xd6: {  	s7 =	simm.s32 @!p0 $0x14180;
	[sflag:s14] =	ssyncadd.s32 @!p0 $0xFFFFC000  }
0xd7: {  	[tilespmem:s6], [sflag:$0x1] =	stream.indirect.gather @!p0 [hbm4b:s4+s11], $0x80, s7, s11, $0xb8;
	[tilespmem:$0x1C800] =	vst v63  }
0xd8: {  	_ =	swait.ge @!p0 [sflag:s12], $0x4000  }
0xd9: {  	[sflag:s12] =	ssyncset.done @!p0 $0x0  }
0xda: {  	s7 =	simm.s32 @!p0 $0x14500;
	[sflag:s12] =	ssyncadd.s32 @!p0 $0xFFFFC000  }
0xdb: {  	[spmem:s2] =	stream.indirect.scatter.add.f32 @!p0 [tilespmem:s13], [sflag:$0x2], $0x80, s7, s11, $0xb8;
	[tilespmem:$0x1C800] =	vst v63  }
0xdc: {  	_ =	swait.ge @!p0 [sflag:s12], $0x4000  }
0xdd: {  	[sflag:s12] =	ssyncset.done @!p0 $0x0  }
0xde: {  	s7 =	simm.s32 @!p0 $0x14580;
	[sflag:s12] =	ssyncadd.s32 @!p0 $0xFFFFC000  }
0xdf: {  	[spmem:s2] =	stream.indirect.scatter.add.f32 @!p0 [tilespmem:s6], [sflag:$0x2], $0x80, s7, s11, $0xb8;
	[tilespmem:$0x1C800] =	vst v63  }
0xe0: {  	_ =	swait.ge @!p0 [sflag:s14], $0x4000  }
0xe1: {  	[sflag:s14] =	ssyncset.done @!p0 $0x0  }
0xe2: {  	[sflag:s14] =	ssyncadd.s32 @!p0 $0xFFFFC000  }
0xe3: {  	_ =	swait.ge @!p0 [sflag:s14], $0x4000  }
0xe4: {  	[sflag:s14] =	ssyncset.done @!p0 $0x0  }
0xe5: {  	[sflag:s14] =	ssyncadd.s32 @!p0 $0xFFFFC000  }
0xe6: {  	[bflag:$0x0] =	sbarrier.arrive $0xFFFF  }
0xe7: {  	s14 =	rddreg [dreg:$0x8]  }
0xe8: {  	s12 =	rddreg [dreg:$0xc]  }
0xe9: {  	s7 =	rddreg [dreg:$0x10]  }
0xea: {  	[hbm:s12], [sflag:s14] =	dma.local [spmem:s7], $0x2800  }
0xeb: {  	_ =	swait.ge [sflag:s15], $0x2800  }
0xec: {  	s10 =	sadd.s32 $0x1, s10;
	s13 =	rddreg [dreg:$0xd]  }
0xed: {  	p1 =	sne.s32 s10, s13  }
.Ltmp2:
0xee: {  	_ = 	snop;
	(pc) =	sbr.rel @p1 .LBB2_1-.Ltmp2, $3  }
0xef: {  	_ =	sdelay $0x1  }
0xf0: {  	[sflag:s15] =	ssyncset.done $0x0  }
0xf1: {  	[sflag:s15] =	ssyncadd.s32 $0xFFFFD800  }
0xf2: {  	_ =	sfence.sel $0x180000  }
0xf3: {  	[bflag:$0x0] =	sbarrier.arrive $0xFFFF  }
0xf4: {  	_ =	strace $0x9000004A  }
0xf5: {  	s0 =	stileid.u32;
	[bflag:$0x2] =	sbarrier.arrive $0xFFFF  }
0xf6: {  	p0 =	sne.s32 s0, $0x0;
	s0 =	rddreg [dreg:$0x5]  }
0xf7: {  	s0 =	sadd.s32 @!p0 $0x100000, s0  }
0xf8: {  	[sflag:s0] =	ssyncadd.tile.s32 @!p0 $0x1;
	_ =	shalt  }
.Lfunc_end2:
_tile_overlayer_lowered:
.L_overlay_start_2:
0xf9: {  	(tag) =	ssettag $0x2  }
0xfa: {  	s0 =	rddreg [dreg:$0x0];
	s2 =	stileid.u32  }
0xfb: {  	s1 =	rddreg [dreg:$0x1];
	p0 =	sne.s32 s2, $0x0  }
0xfc: {  	s3 =	rddreg [dreg:$0x2];
	[bflag:$0x3] =	sbarrier.arrive $0xFFFF;
	s2 =	simm.s32 @!p0 $0x1C03  }
0xfd: {  	[timem:s3], [sflag:s2] =	dma.local @!p0 [hbm:s0], s1  }
0xfe: {  	s0 =	simm.s32 @!p0 $0x3  }
0xff: {  	_ =	swait.ge @!p0 [sflag:s0], s1  }
0x100: {  	s1 =	ssub.s32 @!p0 $0x0, s1;
	[sflag:s0] =	ssyncset.done @!p0 $0x0  }
0x101: {  	[sflag:s0] =	ssyncadd.s32 @!p0 s1  }
0x102: {  	[bflag:$0x3] =	sbarrier.arrive $0xFFFF  }
0x103: {  	_ =	shalt  }

// kernel: kernel.15.cloned.1.call-start
scs
__scs_entry_jumppad:
0x0: {  	(pc) =	sbr.rel $0x88, $3  }
0x1: {  	(tag) =	ssettag $0x0;
	lr =	simm.s32 $0x1  }
0x2: {  	[smem:$0x3F99] =	sst lr;
	_ =	strace $0xD0000000  }
0x3: {  	_ = 	snop  }
0x4: {  	_ = 	snop  }
0x5: {  	_ = 	snop  }
0x6: {  	_ = 	snop  }
0x7: {  	_ = 	snop  }
__scs_overlays_trampoline_lowered:
0x8: {  	[smem:$0x3FA8] =	sst s0  }
0x9: {  	[smem:$0x3FA9] =	sst s1  }
0xa: {  	[smem:$0x3FAA] =	sst s2  }
0xb: {  	[smem:$0x3FAB] =	sst s3  }
0xc: {  	[smem:$0x3FAC] =	sst s4  }
0xd: {  	[smem:$0x3FAD] =	sst s5  }
0xe: {  	[smem:$0x3FAE] =	sst s6  }
0xf: {  	[smem:$0x3FAF] =	sst s7  }
0x10: {  	[smem:$0x3FB0] =	sst s8  }
0x11: {  	[smem:$0x3FB1] =	sst s9;
	s0 =	simm.s32 @!p0 $0x0  }
0x12: {  	s1 =	sld [smem:$0x3F97];
	s0 =	simm.s32 @p0 $0x1  }
0x13: {  	[smem:$0x3FB2] =	sst s0;
	s0 =	simm.s32 @!p1 $0x0  }
0x14: {  	s2 =	sld [smem:$0x3F96];
	s0 =	simm.s32 @p1 $0x1  }
0x15: {  	[smem:$0x3FB3] =	sst s0;
	s0 =	simm.s32 @!p2 $0x0  }
0x16: {  	s3 =	sld [smem:$0x3FDB];
	s0 =	simm.s32 @p2 $0x1  }
0x17: {  	s4 =	simm.s32 $0x1BF5;
	[smem:$0x3FB5] =	sst s0  }
0x18: {  	s0 =	sld [smem:$0x3F98];
	_ =	swait.ge [sflag:s4], $0x0  }
0x19: {  	s7 =	sld [smem:$0x3F99]  }
0x1a: {  	s8 =	sadd.s32 $0xFFFFE003, lr  }
0x1b: {  	s9 =	sadd.s32 $0xFFFFFEF7, lr;
	s5 =	simm.s32 $0xFFFFFFFF;
	p2 =	slt.u32 s8, $0xFFFFF086  }
0x1c: {  	p1 =	slt.u32 s9, $0xF7A;
	s5 =	simm.s32 @!p2 $0x0  }
0x1d: {  	s5 =	simm.s32 @p1 $0x1;
	p0 =	seq.s32 s7, s2  }
0x1e: {  	s7 =	smul.u32 @!p0 $0xF7A, s2;
	p2 =	seq.s32 @!p0 s5, $0x0  }
0x1f: {  	s9 =	smul.u32 $0xF7A, s1;
	s8 =	simm.s32 @!p0 $0x1BF5;
	p2 =	por !p2, p0  }
0x20: {  	[sflag:s8] =	ssyncset.s32 @!p0 $0xFFFFF086;
	s6 =	sadd.s32 @!p0 s3, s7;
	s7 =	simm.s32 @!p0 $0x108  }
0x21: {  	s3 =	sadd.s32 s3, s9;
	s6 =	sadd.s32 @!p0 $0x88, s6;
	s7 =	simm.s32 @p2 $0x1082  }
0x22: {  	[simem:s7], [sflag:s8] =	dma.local @!p0 [hbm:s6], $0xF7A  }
0x23: {  	s9 =	sor.u32 $0xD0000000, s2;
	s6 =	simm.s32 $0x108;
	_ =	swait.ge @!p0 [sflag:s8], $0x0  }
0x24: {  	s3 =	sadd.s32 $0x88, s3;
	s6 =	simm.s32 @!p1 $0x1082;
	[sflag:s4] =	ssyncset.s32 $0xFFFFF086  }
0x25: {  	[simem:s6], [sflag:s4] =	dma.local [hbm:s3], $0xF7A  }
0x26: {  	[smem:$0x3F99] =	sst s1;
	(tag) =	ssettag s2;
	_ =	strace s9  }
0x27: {  	s1 =	sld [smem:$0x3FA9]  }
0x28: {  	s2 =	sld [smem:$0x3FAA]  }
0x29: {  	s4 =	sld [smem:$0x3FAC]  }
0x2a: {  	p0 =	seq.s32 s5, $0x0;
	s5 =	sld [smem:$0x3FAD]  }
0x2b: {  	s6 =	sld [smem:$0x3FAE]  }
0x2c: {  	s7 =	sld [smem:$0x3FAF]  }
0x2d: {  	s3 =	simm.s32 $0x108;
	s8 =	sld [smem:$0x3FB0]  }
0x2e: {  	s3 =	simm.s32 @!p0 $0x1082;
	s9 =	sld [smem:$0x3FB1]  }
0x2f: {  	lr =	sadd.s32 s0, s3;
	s0 =	sld [smem:$0x3FA8]  }
0x30: {  	s3 =	sld [smem:$0x3FAB]  }
0x31: {  	[smem:$0x3FB4] =	sst s10  }
0x32: {  	s10 =	sld [smem:$0x3FB2];
	_ =	sdelay $0x3  }
0x33: {  	p0 =	seq.s32 s10, $0x1;
	s10 =	sld [smem:$0x3FB4];
	_ =	sdelay $0x3  }
0x34: {  	[smem:$0x3FB4] =	sst s10  }
0x35: {  	s10 =	sld [smem:$0x3FB3];
	_ =	sdelay $0x3  }
0x36: {  	p1 =	seq.s32 s10, $0x1;
	s10 =	sld [smem:$0x3FB4];
	_ =	sdelay $0x3  }
0x37: {  	[smem:$0x3FB4] =	sst s10  }
0x38: {  	s10 =	sld [smem:$0x3FB5]  }
0x39: {  	_ = 	snop;
	(pc) =	sbr.ind lr, $3  }
0x3a: {  	_ = 	snop  }
0x3b: {  	_ = 	snop  }
0x3c: {  	p2 =	seq.s32 s10, $0x1;
	s10 =	sld [smem:$0x3FB4]  }
0x3d: {  	_ =	shalt  }
0x3e: {  	_ =	shalt  }
0x3f: {  	_ =	shalt  }
0x40: {  	_ =	shalt  }
0x41: {  	_ =	shalt  }
0x42: {  	_ =	shalt  }
0x43: {  	_ =	shalt  }
0x44: {  	_ =	shalt  }
0x45: {  	_ =	shalt  }
0x46: {  	_ =	shalt  }
0x47: {  	_ =	shalt  }
0x48: {  	_ =	shalt  }
0x49: {  	_ =	shalt  }
0x4a: {  	_ =	shalt  }
0x4b: {  	_ =	shalt  }
0x4c: {  	_ =	shalt  }
0x4d: {  	_ =	shalt  }
0x4e: {  	_ =	shalt  }
0x4f: {  	_ =	shalt  }
0x50: {  	_ =	shalt  }
0x51: {  	_ =	shalt  }
0x52: {  	_ =	shalt  }
0x53: {  	_ =	shalt  }
0x54: {  	_ =	shalt  }
0x55: {  	_ =	shalt  }
0x56: {  	_ =	shalt  }
0x57: {  	_ =	shalt  }
0x58: {  	_ =	shalt  }
0x59: {  	_ =	shalt  }
0x5a: {  	_ =	shalt  }
0x5b: {  	_ =	shalt  }
0x5c: {  	_ =	shalt  }
0x5d: {  	_ =	shalt  }
0x5e: {  	_ =	shalt  }
0x5f: {  	_ =	shalt  }
0x60: {  	_ =	shalt  }
0x61: {  	_ =	shalt  }
0x62: {  	_ =	shalt  }
0x63: {  	_ =	shalt  }
0x64: {  	_ =	shalt  }
0x65: {  	_ =	shalt  }
0x66: {  	_ =	shalt  }
0x67: {  	_ =	shalt  }
0x68: {  	_ =	shalt  }
0x69: {  	_ =	shalt  }
0x6a: {  	_ =	shalt  }
0x6b: {  	_ =	shalt  }
0x6c: {  	_ =	shalt  }
0x6d: {  	_ =	shalt  }
0x6e: {  	_ =	shalt  }
0x6f: {  	_ =	shalt  }
0x70: {  	_ =	shalt  }
0x71: {  	_ =	shalt  }
0x72: {  	_ =	shalt  }
0x73: {  	_ =	shalt  }
0x74: {  	_ =	shalt  }
0x75: {  	_ =	shalt  }
0x76: {  	_ =	shalt  }
0x77: {  	_ =	shalt  }
0x78: {  	_ =	shalt  }
0x79: {  	_ =	shalt  }
0x7a: {  	_ =	shalt  }
0x7b: {  	_ =	shalt  }
0x7c: {  	_ =	shalt  }
0x7d: {  	_ =	shalt  }
0x7e: {  	_ =	shalt  }
0x7f: {  	_ =	shalt  }
0x80: {  	_ =	shalt  }
0x81: {  	_ =	shalt  }
0x82: {  	_ =	shalt  }
0x83: {  	_ =	shalt  }
0x84: {  	_ =	shalt  }
0x85: {  	_ =	shalt  }
0x86: {  	_ =	shalt  }
0x87: {  	_ =	shalt  }
.Lfunc_end0:
.L_simem_size_0:
called_computation.2_lowered:
.L_overlay_start_0:
0x88: {  	s2 =	sld [smem:$0x3FD9]  }
0x89: {  	s3 =	sld [smem:$0x3FFE];
	_ =	sdelay $0x1  }
0x8a: {  	s1 =	srdreg.scid  }
0x8b: {  	s0 =	sand.u32 $0x1, s1  }
0x8c: {  	s14 =	sshll.u32 s0, $0xA;
	s2 =	sadd.s32 s3, s2  }
0x8d: {  	s2 =	sadd.s32 s2, s14  }
0x8e: {  	[smem:$0x3FC0] =	sst s2  }
0x8f: {  	_ = 	snop  }
0x90: {  	s2 =	sld [smem:$0x3FD0];
	_ =	sdelay $0x2  }
0x91: {  	s15 =	simm.s32 $0xA;
	s4 =	simm.s32 $0x10  }
0x92: {  	[smem:s4], [sflag:s15] =	dma.local [hbm:s2], $0x1  }
0x93: {  	_ =	swait.eq [sflag:s15], $0x1  }
0x94: {  	s16 =	sld [smem:$0x10];
	[sflag:s15] =	ssyncset.done $0x0  }
0x95: {  	s17 =	sld [smem:$0x11];
	[sflag:s15] =	ssyncadd.s32 $0xFFFFFFFF  }
0x96: {  	s18 =	sld [smem:$0x12];
	(tm) =	ssettm $0x1  }
0x97: {  	s5 =	sld [smem:$0x3FFB];
	_ =	sdelay $0x3  }
0x98: {  	_ =	strace s5  }
0x99: {  	s5 =	sld [smem:$0x3FFC];
	_ =	sdelay $0x3  }
0x9a: {  	_ =	strace s5  }
0x9b: {  	s5 =	sld [smem:$0x3FFD];
	_ =	sdelay $0x3  }
0x9c: {  	_ =	strace s5  }
0x9d: {  	_ =	strace $0x8FFFFFFF  }
0x9e: {  	s19 =	sld [smem:$0x3FDB];
	_ =	sdelay $0x1  }
0x9f: {  	s6 =	simm.s32 $_scs_section_size  }
0xa0: {  	s7 =	simm.s32 $_size__tile_overlayer_lowered;
	s8 =	simm.s32 $_tile_overlayer_lowered  }
0xa1: {  	s22 =	simm.s32 $0x1BFF;
	s21 =	sshll.u32 s8, $0x1;
	s5 =	sadd.s32 s6, s19  }
0xa2: {  	s9 =	simm.s32 $0x0;
	s20 =	sshll.u32 s7, $0x1;
	s7 =	sadd.s32 s21, s5  }
0xa3: {  	[timem:s9], [sflag:s22] =	dma.local [hbm:s7], s20  }
0xa4: {  	_ =	swait.ge [sflag:s22], s20  }
0xa5: {  	s6 =	ssub.s32 $0x0, s20;
	[sflag:s22] =	ssyncset.done $0x0  }
0xa6: {  	[sflag:s22] =	ssyncadd.s32 s6;
	_ =	sdelay $0x1  }
0xa7: {  	s23 =	simm.s32 $0x1B8B  }
0xa8: {  	_ =	swait.ge [sflag:s23], $0x1  }
0xa9: {  	[sflag:s23] =	ssyncset.done $0x0  }
0xaa: {  	s25 =	simm.s32 $0x1B8E;
	s24 =	sld [smem:$0x3FFE];
	[sflag:s23] =	ssyncadd.s32 $0xFFFFFFFF  }
0xab: {  	s26 =	simm.s32 $execute0_lowered;
	[smem:$0x3FD2] =	sst s25  }
0xac: {  	s7 =	sshll.u32 s26, $0x1;
	_ =	strace $0x8000004C;
	[dreg:$0x1] =	wrdreg $0xFFFFFFFF  }
0xad: {  	s28 =	simm.s32 $_size_execute0_lowered;
	s5 =	sadd.s32 s5, s7;
	[dreg:$0x0] =	wrdreg $0x0  }
0xae: {  	s7 =	sshll.u32 s28, $0x1;
	[dreg:$0x2] =	wrdreg s5  }
0xaf: {  	[dreg:$0x3] =	wrdreg s7  }
0xb0: {  	[dreg:$0x4] =	wrdreg $0xC0  }
0xb1: {  	_ =	task [dreg:s9], $0x5FFFF  }
0xb2: {  	[dreg:$0x1] =	wrdreg $0xFFFFFFFF  }
0xb3: {  	[dreg:$0x0] =	wrdreg $0x60  }
0xb4: {  	[dreg:$0x2] =	wrdreg s24  }
0xb5: {  	[dreg:$0x3] =	wrdreg s18  }
0xb6: {  	[dreg:$0x4] =	wrdreg s17  }
0xb7: {  	[dreg:$0x5] =	wrdreg s16  }
0xb8: {  	[dreg:$0x6] =	wrdreg $0x0  }
0xb9: {  	[dreg:$0x7] =	wrdreg $0x9  }
0xba: {  	_ =	task.clear_ibuf [dreg:s9], $0x8FFFF;
	_ =	strace $0x9000004C  }
0xbb: {  	s29 =	simm.s32 $0x9;
	_ =	strace $0x8000004E  }
0xbc: {  	_ =	swait.ge [sflag:s29], $0x1  }
0xbd: {  	[sflag:s29] =	ssyncadd.s32 $0xFFFFFFFF  }
0xbe: {  	_ =	strace $0x9000004E  }
0xbf: {  	_ =	sfence  }
0xc0: {  	s30 =	sld [smem:$0x0];
	_ =	sdelay $0x2  }
0xc1: {  	s31 =	sshll.u32 s1, $0xD;
	s1 =	sshrl.u32 s1, $0x2  }
0xc2: {  	s3 =	sand.u32 $0x4000, s31;
	s1 =	sadd.s32 s1, s30  }
0xc3: {  	s0 =	sor.u32 s3, s0;
	s1 =	sshll.u32 s1, $0x11  }
0xc4: {  	s0 =	sor.u32 s1, s0  }
0xc5: {  	s0 =	sadd.s32 $0x8F2B, s0  }
0xc6: {  	[sflag:s0] =	ssyncadd.remote.s32 $0x1  }
0xc7: {  	_ =	sfence.sel $0xFFFF  }
0xc8: {  	[dreg:$0x0] =	wrdreg $0xFFFFFFFF;
	(pc) =	sbr.abs _section_cstart, $3  }
0xc9: {  	[dreg:$0x1] =	wrdreg $0xFFFFFFFF  }
0xca: {  	_ =	task.clear_ibuf [dreg:s9], $0x2FFFF;
	_ =	strace $0x9FFFFFFF  }
0xcb: {  	(tm) =	ssettm $0x7FFFFFFF  }
tec
execute0_lowered:
.L_overlay_start_1:
0x0: {  	(tag) =	ssettag $0x1  }
0x1: {  	s0 =	rddreg [dreg:$0x0]  }
0x2: {  	s1 =	rddreg [dreg:$0x1]  }
0x3: {  	s6 =	rddreg [dreg:$0x2]  }
0x4: {  	s7 =	rddreg [dreg:$0x3]  }
0x5: {  	s2 =	rddreg [dreg:$0x4];
	s3 =	simm.s32 $0x0;
	s13 =	stileid.u32  }
0x6: {  	s5 =	srdreg.scid;
	s16 =	simm.s32 $0x3;
	s17 =	simm.s32 $0x14000  }
0x7: {  	s28 =	simm.s32 $0x14180;
	s29 =	simm.s32 $0x14500;
	s30 =	simm.s32 $0x14200  }
0x8: {  	s31 =	simm.s32 $0x14580;
	[smem:$0x7FF] =	sst s3;
	s9 =	smul.u32 $0x14000, s13  }
0x9: {  	s4 =	sadd.s32 $0x3C00, s0;
	s8 =	sand.u32 $0x1, s5;
	s10 =	smul.u32 $0x50000, s13  }
0xa: {  	s5 =	sadd.s32 $0x7A000, s0;
	s19 =	sshll.u32 s13, $0x6;
	p1 =	slt.u32 s13, $0x8  }
0xb: {  	s21 =	sadd.s32 $0x9C00, s1;
	s22 =	sadd.s32 $0x9C00, s6;
	s23 =	sshll.u32 s13, $0x7  }
0xc: {  	p2 =	seq.s32 s13, $0xF;
	_ =	strace $0x8000004D;
	s12 =	ssub.s32 $0x2, s8  }
0xd: {  	s14 =	sor.u32 $0x1C03, s19;
	s20 =	smul.u32 $0x140000, s8;
	[dreg:$0x8] =	wrdreg s21  }
0xe: {  	p0 =	seq.s32 s8, $0x1;
	s8 =	simm.s32 $0x14;
	[dreg:$0x9] =	wrdreg s22  }
0xf: {  	s25 =	sadd.s32 s23, s6;
	s26 =	sadd.s32 s23, s1;
	s19 =	simm.s32 $0x80  }
0x10: {  	s21 =	simm.s32 $0x14080;
	s22 =	simm.s32 $0x18800;
	s23 =	simm.s32 $0x1  }
0x11: {  	s1 =	simm.s32 $0x14600;
	s6 =	simm.s32 $0x14380;
	s11 =	sshrl.u32 s9, $0x3  }
0x12: {  	s18 =	sshrl.u32 s12, $0x1;
	s10 =	sshrl.u32 s10, $0x2;
	[dreg:$0xc] =	wrdreg s25  }
0x13: {  	s8 =	simm.s32 @!p1 $0x13;
	[dreg:$0xe] =	wrdreg s26;
	s25 =	simm.s32 $0x14100  }
0x14: {  	p1 =	sne.s32 s13, $0xF;
	s26 =	simm.s32 $0x14480;
	[dreg:$0xd] =	wrdreg s14  }
0x15: {  	s0 =	sadd.s32 s11, s0;
	s11 =	ssub.s32 s12, s18;
	s10 =	sadd.s32 s10, s2  }
0x16: {  	[dreg:$0x7] =	wrdreg s8;
	s18 =	simm.s32 $0x14400;
	s12 =	simm.s32 $0x14780  }
0x17: {  	s0 =	sadd.s32 $0x52000, s0;
	s24 =	smax.u32 s11, $0x1;
	s15 =	sshrl.u32 s10, $0x3  }
.Ltmp0:
0x18: {  	s10 =	simm.s32 $0x14680;
	[dreg:$0x6] =	wrdreg s0;
	(pc) =	sbr.rel .LBB2_1-.Ltmp0, $4  }
0x19: {  	s11 =	simm.s32 $0x14700;
	s0 =	sadd.s32 s9, s20;
	[dreg:$0xb] =	wrdreg s24  }
0x1a: {  	s20 =	simm.s32 $0x14800;
	s24 =	simm.s32 $0x2;
	s0 =	sshrl.u32 s0, $0x3  }
0x1b: {  	s9 =	simm.s32 $0x14300;
	[dreg:$0xf] =	wrdreg s15;
	s0 =	sadd.s32 s7, s0  }
0x1c: {  	s7 =	simm.s32 $0x0;
	[dreg:$0xa] =	wrdreg s0;
	s0 =	simm.s32 $0x14280  }
.LBB2_8:
0x1d: {  	s14 =	rddreg [dreg:$0x8]  }
0x1e: {  	[tilespmem:s17], [sflag:$0x3] =	stream.linear.gather [hbm4b:s14+s3], $0x200, $0x38;
	[tilespmem:$0x1C800] =	vst v63  }
0x1f: {  	_ =	swait.ge [sflag:s16], $0x200  }
0x20: {  	[sflag:s16] =	ssyncset.done $0x0  }
0x21: {  	s15 =	rddreg [dreg:$0x9];
	[sflag:s16] =	ssyncadd.s32 $0xFFFFFE00  }
0x22: {  	[tilespmem:s18], [sflag:$0x3] =	stream.linear.gather [hbm4b:s15+s3], $0x200, $0x38;
	[tilespmem:$0x1C800] =	vst v63  }
0x23: {  	_ =	swait.ge [sflag:s16], $0x200  }
0x24: {  	[sflag:s16] =	ssyncset.done $0x0  }
0x25: {  	[sflag:s16] =	ssyncadd.s32 $0xFFFFFE00  }
0x26: {  	[tilespmem:s20], [sflag:$0x1] =	stream.indirect.gather [hbm4b:s13+s19], $0x80, s17, s19, $0xb8;
	[tilespmem:$0x1C800] =	vst v63  }
0x27: {  	_ = 	snop  }
0x28: {  	[tilespmem:s22], [sflag:$0x1] =	stream.indirect.gather [hbm4b:s13+s19], $0x80, s21, s19, $0xb8;
	[tilespmem:$0x1C800] =	vst v63  }
0x29: {  	_ =	swait.ge [sflag:s23], $0x4000  }
0x2a: {  	[sflag:s23] =	ssyncset.done $0x0  }
0x2b: {  	[sflag:s23] =	ssyncadd.s32 $0xFFFFC000  }
0x2c: {  	[spmem:s2] =	stream.indirect.scatter.add.f32 [tilespmem:s20], [sflag:$0x2], $0x80, s18, s19, $0xb8;
	[tilespmem:$0x1C800] =	vst v63  }
0x2d: {  	_ =	swait.ge [sflag:s24], $0x4000  }
0x2e: {  	[sflag:s24] =	ssyncset.done $0x0  }
0x2f: {  	[sflag:s24] =	ssyncadd.s32 $0xFFFFC000  }
0x30: {  	[tilespmem:s20], [sflag:$0x1] =	stream.indirect.gather [hbm4b:s13+s19], $0x80, s25, s19, $0xb8;
	[tilespmem:$0x1C800] =	vst v63  }
0x31: {  	_ =	swait.ge [sflag:s23], $0x4000  }
0x32: {  	[sflag:s23] =	ssyncset.done $0x0  }
0x33: {  	[sflag:s23] =	ssyncadd.s32 $0xFFFFC000  }
0x34: {  	[spmem:s2] =	stream.indirect.scatter.add.f32 [tilespmem:s22], [sflag:$0x2], $0x80, s26, s19, $0xb8;
	[tilespmem:$0x1C800] =	vst v63  }
0x35: {  	_ =	swait.ge [sflag:s24], $0x4000  }
0x36: {  	[sflag:s24] =	ssyncset.done $0x0  }
0x37: {  	[sflag:s24] =	ssyncadd.s32 $0xFFFFC000  }
0x38: {  	[tilespmem:s22], [sflag:$0x1] =	stream.indirect.gather [hbm4b:s13+s19], $0x80, s28, s19, $0xb8;
	[tilespmem:$0x1C800] =	vst v63  }
0x39: {  	_ =	swait.ge [sflag:s23], $0x4000  }
0x3a: {  	[sflag:s23] =	ssyncset.done $0x0  }
0x3b: {  	[sflag:s23] =	ssyncadd.s32 $0xFFFFC000  }
0x3c: {  	[spmem:s2] =	stream.indirect.scatter.add.f32 [tilespmem:s20], [sflag:$0x2], $0x80, s29, s19, $0xb8;
	[tilespmem:$0x1C800] =	vst v63  }
0x3d: {  	_ =	swait.ge [sflag:s23], $0x4000  }
0x3e: {  	[sflag:s23] =	ssyncset.done $0x0  }
0x3f: {  	[sflag:s23] =	ssyncadd.s32 $0xFFFFC000  }
0x40: {  	[spmem:s2] =	stream.indirect.scatter.add.f32 [tilespmem:s22], [sflag:$0x2], $0x80, s31, s19, $0xb8;
	[tilespmem:$0x1C800] =	vst v63  }
0x41: {  	_ =	swait.ge [sflag:s24], $0x4000  }
0x42: {  	[sflag:s24] =	ssyncset.done $0x0  }
0x43: {  	[sflag:s24] =	ssyncadd.s32 $0xFFFFC000  }
0x44: {  	_ =	swait.ge [sflag:s24], $0x4000  }
0x45: {  	[sflag:s24] =	ssyncset.done $0x0  }
0x46: {  	[sflag:s24] =	ssyncadd.s32 $0xFFFFC000  }
.LBB2_9:
0x47: {  	[bflag:$0x0] =	sbarrier.arrive $0xFFFF  }
0x48: {  	s14 =	rddreg [dreg:$0xd]  }
0x49: {  	s8 =	rddreg [dreg:$0xa]  }
0x4a: {  	s15 =	rddreg [dreg:$0xf]  }
0x4b: {  	[hbm:s8], [sflag:s14] =	dma.local [spmem:s15], $0x2800  }
0x4c: {  	_ =	swait.ge [sflag:s16], $0x2800  }
0x4d: {  	s7 =	sadd.s32 $0x1, s7;
	s13 =	rddreg [dreg:$0xb]  }
0x4e: {  	p3 =	sne.s32 s7, s13  }
.Ltmp1:
0x4f: {  	_ = 	snop;
	(pc) =	sbr.rel @!p3 .LBB2_10-.Ltmp1, $3  }
0x50: {  	_ =	sdelay $0x1  }
0x51: {  	[sflag:s16] =	ssyncset.done $0x0  }
0x52: {  	[sflag:s16] =	ssyncadd.s32 $0xFFFFD800  }
.LBB2_1:
0x53: {  	s13 =	rddreg [dreg:$0x6]  }
0x54: {  	[spmem:s15], [sflag:s14] =	dma.local [hbm:s13], $0x2800  }
.Ltmp2:
0x55: {  	_ =	swait.ge [sflag:s16], $0x2800;
	(pc) =	sbr.rel @!p0 .LBB2_2-.Ltmp2, $3  }
0x56: {  	[sflag:s16] =	ssyncset.done $0x0  }
0x57: {  	[sflag:s16] =	ssyncadd.s32 $0xFFFFD800  }
0x58: {  	[bflag:$0x0] =	sbarrier.arrive $0xFFFF;
	_ =	sdelay $0x1  }
0x59: {  	s8 =	rddreg [dreg:$0xe]  }
0x5a: {  	[tilespmem:s17], [sflag:$0x3] =	stream.linear.gather [hbm4b:s8+s3], $0x400, $0x38;
	[tilespmem:$0x1C800] =	vst v63  }
0x5b: {  	_ =	swait.ge [sflag:s16], $0x400  }
0x5c: {  	[sflag:s16] =	ssyncset.done $0x0  }
0x5d: {  	s14 =	rddreg [dreg:$0xc];
	[sflag:s16] =	ssyncadd.s32 $0xFFFFFC00  }
0x5e: {  	[tilespmem:s18], [sflag:$0x3] =	stream.linear.gather [hbm4b:s14+s3], $0x400, $0x38;
	[tilespmem:$0x1C800] =	vst v63  }
0x5f: {  	_ =	swait.ge [sflag:s16], $0x400  }
0x60: {  	[sflag:s16] =	ssyncset.done $0x0  }
0x61: {  	[sflag:s16] =	ssyncadd.s32 $0xFFFFFC00  }
0x62: {  	[tilespmem:s20], [sflag:$0x1] =	stream.indirect.gather [hbm4b:s5+s19], $0x80, s17, s19, $0xb8;
	[tilespmem:$0x1C800] =	vst v63  }
0x63: {  	_ = 	snop  }
0x64: {  	[tilespmem:s22], [sflag:$0x1] =	stream.indirect.gather [hbm4b:s5+s19], $0x80, s21, s19, $0xb8;
	[tilespmem:$0x1C800] =	vst v63  }
0x65: {  	_ =	swait.ge [sflag:s23], $0x4000  }
0x66: {  	[sflag:s23] =	ssyncset.done $0x0  }
0x67: {  	[sflag:s23] =	ssyncadd.s32 $0xFFFFC000  }
0x68: {  	[spmem:s2] =	stream.indirect.scatter.add.f32 [tilespmem:s20], [sflag:$0x2], $0x80, s18, s19, $0xb8;
	[tilespmem:$0x1C800] =	vst v63  }
0x69: {  	_ =	swait.ge [sflag:s24], $0x4000  }
0x6a: {  	[sflag:s24] =	ssyncset.done $0x0  }
0x6b: {  	[sflag:s24] =	ssyncadd.s32 $0xFFFFC000  }
0x6c: {  	[tilespmem:s20], [sflag:$0x1] =	stream.indirect.gather [hbm4b:s5+s19], $0x80, s25, s19, $0xb8;
	[tilespmem:$0x1C800] =	vst v63  }
0x6d: {  	_ =	swait.ge [sflag:s23], $0x4000  }
0x6e: {  	[sflag:s23] =	ssyncset.done $0x0  }
0x6f: {  	[sflag:s23] =	ssyncadd.s32 $0xFFFFC000  }
0x70: {  	[spmem:s2] =	stream.indirect.scatter.add.f32 [tilespmem:s22], [sflag:$0x2], $0x80, s26, s19, $0xb8;
	[tilespmem:$0x1C800] =	vst v63  }
0x71: {  	_ =	swait.ge [sflag:s24], $0x4000  }
0x72: {  	[sflag:s24] =	ssyncset.done $0x0  }
0x73: {  	[sflag:s24] =	ssyncadd.s32 $0xFFFFC000  }
0x74: {  	[tilespmem:s22], [sflag:$0x1] =	stream.indirect.gather [hbm4b:s5+s19], $0x80, s28, s19, $0xb8;
	[tilespmem:$0x1C800] =	vst v63  }
0x75: {  	_ =	swait.ge [sflag:s23], $0x4000  }
0x76: {  	[sflag:s23] =	ssyncset.done $0x0  }
0x77: {  	[sflag:s23] =	ssyncadd.s32 $0xFFFFC000  }
0x78: {  	[spmem:s2] =	stream.indirect.scatter.add.f32 [tilespmem:s20], [sflag:$0x2], $0x80, s29, s19, $0xb8;
	[tilespmem:$0x1C800] =	vst v63  }
0x79: {  	_ =	swait.ge [sflag:s24], $0x4000  }
0x7a: {  	[sflag:s24] =	ssyncset.done $0x0  }
0x7b: {  	[sflag:s24] =	ssyncadd.s32 $0xFFFFC000  }
0x7c: {  	[tilespmem:s20], [sflag:$0x1] =	stream.indirect.gather [hbm4b:s5+s19], $0x80, s30, s19, $0xb8;
	[tilespmem:$0x1C800] =	vst v63  }
0x7d: {  	_ =	swait.ge [sflag:s23], $0x4000  }
0x7e: {  	[sflag:s23] =	ssyncset.done $0x0  }
0x7f: {  	[sflag:s23] =	ssyncadd.s32 $0xFFFFC000  }
0x80: {  	[spmem:s2] =	stream.indirect.scatter.add.f32 [tilespmem:s22], [sflag:$0x2], $0x80, s31, s19, $0xb8;
	[tilespmem:$0x1C800] =	vst v63  }
0x81: {  	_ =	swait.ge [sflag:s24], $0x4000  }
0x82: {  	[sflag:s24] =	ssyncset.done $0x0  }
0x83: {  	[sflag:s24] =	ssyncadd.s32 $0xFFFFC000  }
0x84: {  	[tilespmem:s22], [sflag:$0x1] =	stream.indirect.gather [hbm4b:s5+s19], $0x80, s0, s19, $0xb8;
	[tilespmem:$0x1C800] =	vst v63  }
0x85: {  	_ =	swait.ge [sflag:s23], $0x4000  }
0x86: {  	[sflag:s23] =	ssyncset.done $0x0  }
0x87: {  	[sflag:s23] =	ssyncadd.s32 $0xFFFFC000  }
0x88: {  	[spmem:s2] =	stream.indirect.scatter.add.f32 [tilespmem:s20], [sflag:$0x2], $0x80, s1, s19, $0xb8;
	[tilespmem:$0x1C800] =	vst v63  }
0x89: {  	_ =	swait.ge [sflag:s24], $0x4000  }
0x8a: {  	[sflag:s24] =	ssyncset.done $0x0  }
0x8b: {  	[sflag:s24] =	ssyncadd.s32 $0xFFFFC000  }
0x8c: {  	[tilespmem:s20], [sflag:$0x1] =	stream.indirect.gather [hbm4b:s5+s19], $0x80, s9, s19, $0xb8;
	[tilespmem:$0x1C800] =	vst v63  }
0x8d: {  	_ =	swait.ge [sflag:s23], $0x4000  }
0x8e: {  	[sflag:s23] =	ssyncset.done $0x0  }
0x8f: {  	[sflag:s23] =	ssyncadd.s32 $0xFFFFC000  }
0x90: {  	[spmem:s2] =	stream.indirect.scatter.add.f32 [tilespmem:s22], [sflag:$0x2], $0x80, s10, s19, $0xb8;
	[tilespmem:$0x1C800] =	vst v63  }
0x91: {  	_ =	swait.ge [sflag:s24], $0x4000  }
0x92: {  	[sflag:s24] =	ssyncset.done $0x0  }
0x93: {  	[sflag:s24] =	ssyncadd.s32 $0xFFFFC000  }
0x94: {  	[tilespmem:s22], [sflag:$0x1] =	stream.indirect.gather [hbm4b:s5+s19], $0x80, s6, s19, $0xb8;
	[tilespmem:$0x1C800] =	vst v63  }
0x95: {  	_ =	swait.ge [sflag:s23], $0x4000  }
0x96: {  	[sflag:s23] =	ssyncset.done $0x0  }
0x97: {  	[sflag:s23] =	ssyncadd.s32 $0xFFFFC000  }
0x98: {  	[spmem:s2] =	stream.indirect.scatter.add.f32 [tilespmem:s20], [sflag:$0x2], $0x80, s11, s19, $0xb8;
	[tilespmem:$0x1C800] =	vst v63  }
0x99: {  	_ =	swait.ge [sflag:s23], $0x4000  }
0x9a: {  	[sflag:s23] =	ssyncset.done $0x0  }
0x9b: {  	[sflag:s23] =	ssyncadd.s32 $0xFFFFC000  }
0x9c: {  	[spmem:s2] =	stream.indirect.scatter.add.f32 [tilespmem:s22], [sflag:$0x2], $0x80, s12, s19, $0xb8;
	[tilespmem:$0x1C800] =	vst v63  }
0x9d: {  	_ =	swait.ge [sflag:s24], $0x4000  }
0x9e: {  	s13 =	rddreg [dreg:$0x7]  }
0x9f: {  	p3 =	sne.s32 s13, $0x1  }
.Ltmp3:
0xa0: {  	_ = 	snop;
	(pc) =	sbr.rel @!p3 .LBB2_7-.Ltmp3, $4  }
0xa1: {  	[sflag:s24] =	ssyncset.done $0x0  }
0xa2: {  	[sflag:s24] =	ssyncadd.s32 $0xFFFFC000  }
0xa3: {  	s15 =	sadd.s32 $0xFFFFFFFF, s13;
	_ =	swait.ge [sflag:s24], $0x4000  }
0xa4: {  	s13 =	smov.u32 s14;
	s14 =	smov.u32 s8;
	[sflag:s24] =	ssyncset.done $0x0  }
.LBB2_6:
0xa5: {  	[sflag:s24] =	ssyncadd.s32 $0xFFFFC000;
	s13 =	sadd.s32 $0x800, s13;
	s14 =	sadd.s32 $0x800, s14  }
0xa6: {  	[tilespmem:s17], [sflag:$0x3] =	stream.linear.gather [hbm4b:s14+s3], $0x400, $0x38;
	[tilespmem:$0x1C800] =	vst v63  }
0xa7: {  	p3 =	sne.s32 s15, $0x1;
	s15 =	sadd.s32 $0xFFFFFFFF, s15;
	_ =	swait.ge [sflag:s16], $0x400  }
0xa8: {  	[sflag:s16] =	ssyncset.done $0x0  }
0xa9: {  	[sflag:s16] =	ssyncadd.s32 $0xFFFFFC00  }
0xaa: {  	[tilespmem:s18], [sflag:$0x3] =	stream.linear.gather [hbm4b:s13+s3], $0x400, $0x38;
	[tilespmem:$0x1C800] =	vst v63  }
0xab: {  	_ =	swait.ge [sflag:s16], $0x400  }
0xac: {  	[sflag:s16] =	ssyncset.done $0x0  }
0xad: {  	[sflag:s16] =	ssyncadd.s32 $0xFFFFFC00  }
0xae: {  	[tilespmem:s20], [sflag:$0x1] =	stream.indirect.gather [hbm4b:s5+s19], $0x80, s17, s19, $0xb8;
	[tilespmem:$0x1C800] =	vst v63  }
0xaf: {  	_ = 	snop  }
0xb0: {  	[tilespmem:s22], [sflag:$0x1] =	stream.indirect.gather [hbm4b:s5+s19], $0x80, s21, s19, $0xb8;
	[tilespmem:$0x1C800] =	vst v63  }
0xb1: {  	_ =	swait.ge [sflag:s23], $0x4000  }
0xb2: {  	[sflag:s23] =	ssyncset.done $0x0  }
0xb3: {  	[sflag:s23] =	ssyncadd.s32 $0xFFFFC000  }
0xb4: {  	[spmem:s2] =	stream.indirect.scatter.add.f32 [tilespmem:s20], [sflag:$0x2], $0x80, s18, s19, $0xb8;
	[tilespmem:$0x1C800] =	vst v63  }
0xb5: {  	_ =	swait.ge [sflag:s24], $0x4000  }
0xb6: {  	[sflag:s24] =	ssyncset.done $0x0  }
0xb7: {  	[sflag:s24] =	ssyncadd.s32 $0xFFFFC000  }
0xb8: {  	[tilespmem:s20], [sflag:$0x1] =	stream.indirect.gather [hbm4b:s5+s19], $0x80, s25, s19, $0xb8;
	[tilespmem:$0x1C800] =	vst v63  }
0xb9: {  	_ =	swait.ge [sflag:s23], $0x4000  }
0xba: {  	[sflag:s23] =	ssyncset.done $0x0  }
0xbb: {  	[sflag:s23] =	ssyncadd.s32 $0xFFFFC000  }
0xbc: {  	[spmem:s2] =	stream.indirect.scatter.add.f32 [tilespmem:s22], [sflag:$0x2], $0x80, s26, s19, $0xb8;
	[tilespmem:$0x1C800] =	vst v63  }
0xbd: {  	_ =	swait.ge [sflag:s24], $0x4000  }
0xbe: {  	[sflag:s24] =	ssyncset.done $0x0  }
0xbf: {  	[sflag:s24] =	ssyncadd.s32 $0xFFFFC000  }
0xc0: {  	[tilespmem:s22], [sflag:$0x1] =	stream.indirect.gather [hbm4b:s5+s19], $0x80, s28, s19, $0xb8;
	[tilespmem:$0x1C800] =	vst v63  }
0xc1: {  	_ =	swait.ge [sflag:s23], $0x4000  }
0xc2: {  	[sflag:s23] =	ssyncset.done $0x0  }
0xc3: {  	[sflag:s23] =	ssyncadd.s32 $0xFFFFC000  }
0xc4: {  	[spmem:s2] =	stream.indirect.scatter.add.f32 [tilespmem:s20], [sflag:$0x2], $0x80, s29, s19, $0xb8;
	[tilespmem:$0x1C800] =	vst v63  }
0xc5: {  	_ =	swait.ge [sflag:s24], $0x4000  }
0xc6: {  	[sflag:s24] =	ssyncset.done $0x0  }
0xc7: {  	[sflag:s24] =	ssyncadd.s32 $0xFFFFC000  }
0xc8: {  	[tilespmem:s20], [sflag:$0x1] =	stream.indirect.gather [hbm4b:s5+s19], $0x80, s30, s19, $0xb8;
	[tilespmem:$0x1C800] =	vst v63  }
0xc9: {  	_ =	swait.ge [sflag:s23], $0x4000  }
0xca: {  	[sflag:s23] =	ssyncset.done $0x0  }
0xcb: {  	[sflag:s23] =	ssyncadd.s32 $0xFFFFC000  }
0xcc: {  	[spmem:s2] =	stream.indirect.scatter.add.f32 [tilespmem:s22], [sflag:$0x2], $0x80, s31, s19, $0xb8;
	[tilespmem:$0x1C800] =	vst v63  }
0xcd: {  	_ =	swait.ge [sflag:s24], $0x4000  }
0xce: {  	[sflag:s24] =	ssyncset.done $0x0  }
0xcf: {  	[sflag:s24] =	ssyncadd.s32 $0xFFFFC000  }
0xd0: {  	[tilespmem:s22], [sflag:$0x1] =	stream.indirect.gather [hbm4b:s5+s19], $0x80, s0, s19, $0xb8;
	[tilespmem:$0x1C800] =	vst v63  }
0xd1: {  	_ =	swait.ge [sflag:s23], $0x4000  }
0xd2: {  	[sflag:s23] =	ssyncset.done $0x0  }
0xd3: {  	[sflag:s23] =	ssyncadd.s32 $0xFFFFC000  }
0xd4: {  	[spmem:s2] =	stream.indirect.scatter.add.f32 [tilespmem:s20], [sflag:$0x2], $0x80, s1, s19, $0xb8;
	[tilespmem:$0x1C800] =	vst v63  }
0xd5: {  	_ =	swait.ge [sflag:s24], $0x4000  }
0xd6: {  	[sflag:s24] =	ssyncset.done $0x0  }
0xd7: {  	[sflag:s24] =	ssyncadd.s32 $0xFFFFC000  }
0xd8: {  	[tilespmem:s20], [sflag:$0x1] =	stream.indirect.gather [hbm4b:s5+s19], $0x80, s9, s19, $0xb8;
	[tilespmem:$0x1C800] =	vst v63  }
0xd9: {  	_ =	swait.ge [sflag:s23], $0x4000  }
0xda: {  	[sflag:s23] =	ssyncset.done $0x0  }
0xdb: {  	[sflag:s23] =	ssyncadd.s32 $0xFFFFC000  }
0xdc: {  	[spmem:s2] =	stream.indirect.scatter.add.f32 [tilespmem:s22], [sflag:$0x2], $0x80, s10, s19, $0xb8;
	[tilespmem:$0x1C800] =	vst v63  }
0xdd: {  	_ =	swait.ge [sflag:s24], $0x4000  }
0xde: {  	[sflag:s24] =	ssyncset.done $0x0  }
0xdf: {  	[sflag:s24] =	ssyncadd.s32 $0xFFFFC000  }
0xe0: {  	[tilespmem:s22], [sflag:$0x1] =	stream.indirect.gather [hbm4b:s5+s19], $0x80, s6, s19, $0xb8;
	[tilespmem:$0x1C800] =	vst v63  }
0xe1: {  	_ =	swait.ge [sflag:s23], $0x4000  }
0xe2: {  	[sflag:s23] =	ssyncset.done $0x0  }
0xe3: {  	[sflag:s23] =	ssyncadd.s32 $0xFFFFC000  }
0xe4: {  	[spmem:s2] =	stream.indirect.scatter.add.f32 [tilespmem:s20], [sflag:$0x2], $0x80, s11, s19, $0xb8;
	[tilespmem:$0x1C800] =	vst v63  }
0xe5: {  	_ =	swait.ge [sflag:s23], $0x4000  }
0xe6: {  	[sflag:s23] =	ssyncset.done $0x0  }
0xe7: {  	[sflag:s23] =	ssyncadd.s32 $0xFFFFC000  }
0xe8: {  	[spmem:s2] =	stream.indirect.scatter.add.f32 [tilespmem:s22], [sflag:$0x2], $0x80, s12, s19, $0xb8;
	[tilespmem:$0x1C800] =	vst v63  }
.Ltmp4:
0xe9: {  	_ =	swait.ge [sflag:s24], $0x4000;
	(pc) =	sbr.rel @p3 .LBB2_6-.Ltmp4, $4  }
0xea: {  	[sflag:s24] =	ssyncset.done $0x0  }
0xeb: {  	[sflag:s24] =	ssyncadd.s32 $0xFFFFC000  }
0xec: {  	_ =	swait.ge [sflag:s24], $0x4000  }
0xed: {  	[sflag:s24] =	ssyncset.done $0x0  }
.LBB2_7:
.Ltmp5:
0xee: {  	(pc) =	sbr.rel @p1 .LBB2_9-.Ltmp5, $4  }
.Ltmp6:
0xef: {  	(pc) =	sbr.rel @!p1 .LBB2_8-.Ltmp6, $4  }
0xf0: {  	_ = 	snop  }
0xf1: {  	_ = 	snop  }
0xf2: {  	[sflag:s24] =	ssyncadd.s32 $0xFFFFC000;
	s13 =	smov.u32 s5  }
0xf3: {  	_ = 	snop  }
.LBB2_2:
0xf4: {  	s8 =	rddreg [dreg:$0xe]  }
0xf5: {  	[tilespmem:s17], [sflag:$0x3] =	stream.linear.gather [hbm4b:s8+s3], $0x400, $0x38;
	[tilespmem:$0x1C800] =	vst v63  }
0xf6: {  	_ =	swait.ge [sflag:s16], $0x400  }
0xf7: {  	[sflag:s16] =	ssyncset.done $0x0  }
0xf8: {  	s14 =	rddreg [dreg:$0xc];
	[sflag:s16] =	ssyncadd.s32 $0xFFFFFC00  }
0xf9: {  	[tilespmem:s18], [sflag:$0x3] =	stream.linear.gather [hbm4b:s14+s3], $0x400, $0x38;
	[tilespmem:$0x1C800] =	vst v63  }
0xfa: {  	_ =	swait.ge [sflag:s16], $0x400  }
0xfb: {  	[sflag:s16] =	ssyncset.done $0x0  }
0xfc: {  	[sflag:s16] =	ssyncadd.s32 $0xFFFFFC00  }
0xfd: {  	[tilespmem:s20], [sflag:$0x1] =	stream.indirect.gather [hbm4b:s4+s19], $0x80, s17, s19, $0xb8;
	[tilespmem:$0x1C800] =	vst v63  }
0xfe: {  	_ = 	snop  }
0xff: {  	[tilespmem:s22], [sflag:$0x1] =	stream.indirect.gather [hbm4b:s4+s19], $0x80, s21, s19, $0xb8;
	[tilespmem:$0x1C800] =	vst v63  }
0x100: {  	_ =	swait.ge [sflag:s23], $0x4000  }
0x101: {  	[sflag:s23] =	ssyncset.done $0x0  }
0x102: {  	[sflag:s23] =	ssyncadd.s32 $0xFFFFC000  }
0x103: {  	[spmem:s2] =	stream.indirect.scatter.add.f32 [tilespmem:s20], [sflag:$0x2], $0x80, s18, s19, $0xb8;
	[tilespmem:$0x1C800] =	vst v63  }
0x104: {  	_ =	swait.ge [sflag:s24], $0x4000  }
0x105: {  	[sflag:s24] =	ssyncset.done $0x0  }
0x106: {  	[sflag:s24] =	ssyncadd.s32 $0xFFFFC000  }
0x107: {  	[tilespmem:s20], [sflag:$0x1] =	stream.indirect.gather [hbm4b:s4+s19], $0x80, s25, s19, $0xb8;
	[tilespmem:$0x1C800] =	vst v63  }
0x108: {  	_ =	swait.ge [sflag:s23], $0x4000  }
0x109: {  	[sflag:s23] =	ssyncset.done $0x0  }
0x10a: {  	[sflag:s23] =	ssyncadd.s32 $0xFFFFC000  }
0x10b: {  	[spmem:s2] =	stream.indirect.scatter.add.f32 [tilespmem:s22], [sflag:$0x2], $0x80, s26, s19, $0xb8;
	[tilespmem:$0x1C800] =	vst v63  }
0x10c: {  	_ =	swait.ge [sflag:s24], $0x4000  }
0x10d: {  	[sflag:s24] =	ssyncset.done $0x0  }
0x10e: {  	[sflag:s24] =	ssyncadd.s32 $0xFFFFC000  }
0x10f: {  	[tilespmem:s22], [sflag:$0x1] =	stream.indirect.gather [hbm4b:s4+s19], $0x80, s28, s19, $0xb8;
	[tilespmem:$0x1C800] =	vst v63  }
0x110: {  	_ =	swait.ge [sflag:s23], $0x4000  }
0x111: {  	[sflag:s23] =	ssyncset.done $0x0  }
0x112: {  	[sflag:s23] =	ssyncadd.s32 $0xFFFFC000  }
0x113: {  	[spmem:s2] =	stream.indirect.scatter.add.f32 [tilespmem:s20], [sflag:$0x2], $0x80, s29, s19, $0xb8;
	[tilespmem:$0x1C800] =	vst v63  }
0x114: {  	_ =	swait.ge [sflag:s24], $0x4000  }
0x115: {  	[sflag:s24] =	ssyncset.done $0x0  }
0x116: {  	[sflag:s24] =	ssyncadd.s32 $0xFFFFC000  }
0x117: {  	[tilespmem:s20], [sflag:$0x1] =	stream.indirect.gather [hbm4b:s4+s19], $0x80, s30, s19, $0xb8;
	[tilespmem:$0x1C800] =	vst v63  }
0x118: {  	_ =	swait.ge [sflag:s23], $0x4000  }
0x119: {  	[sflag:s23] =	ssyncset.done $0x0  }
0x11a: {  	[sflag:s23] =	ssyncadd.s32 $0xFFFFC000  }
0x11b: {  	[spmem:s2] =	stream.indirect.scatter.add.f32 [tilespmem:s22], [sflag:$0x2], $0x80, s31, s19, $0xb8;
	[tilespmem:$0x1C800] =	vst v63  }
0x11c: {  	_ =	swait.ge [sflag:s24], $0x4000  }
0x11d: {  	[sflag:s24] =	ssyncset.done $0x0  }
0x11e: {  	[sflag:s24] =	ssyncadd.s32 $0xFFFFC000  }
0x11f: {  	[tilespmem:s22], [sflag:$0x1] =	stream.indirect.gather [hbm4b:s4+s19], $0x80, s0, s19, $0xb8;
	[tilespmem:$0x1C800] =	vst v63  }
0x120: {  	_ =	swait.ge [sflag:s23], $0x4000  }
0x121: {  	[sflag:s23] =	ssyncset.done $0x0  }
0x122: {  	[sflag:s23] =	ssyncadd.s32 $0xFFFFC000  }
0x123: {  	[spmem:s2] =	stream.indirect.scatter.add.f32 [tilespmem:s20], [sflag:$0x2], $0x80, s1, s19, $0xb8;
	[tilespmem:$0x1C800] =	vst v63  }
0x124: {  	_ =	swait.ge [sflag:s24], $0x4000  }
0x125: {  	[sflag:s24] =	ssyncset.done $0x0  }
0x126: {  	[sflag:s24] =	ssyncadd.s32 $0xFFFFC000  }
0x127: {  	[tilespmem:s20], [sflag:$0x1] =	stream.indirect.gather [hbm4b:s4+s19], $0x80, s9, s19, $0xb8;
	[tilespmem:$0x1C800] =	vst v63  }
0x128: {  	_ =	swait.ge [sflag:s23], $0x4000  }
0x129: {  	[sflag:s23] =	ssyncset.done $0x0  }
0x12a: {  	[sflag:s23] =	ssyncadd.s32 $0xFFFFC000  }
0x12b: {  	[spmem:s2] =	stream.indirect.scatter.add.f32 [tilespmem:s22], [sflag:$0x2], $0x80, s10, s19, $0xb8;
	[tilespmem:$0x1C800] =	vst v63  }
0x12c: {  	_ =	swait.ge [sflag:s24], $0x4000  }
0x12d: {  	[sflag:s24] =	ssyncset.done $0x0  }
0x12e: {  	[sflag:s24] =	ssyncadd.s32 $0xFFFFC000  }
0x12f: {  	[tilespmem:s22], [sflag:$0x1] =	stream.indirect.gather [hbm4b:s4+s19], $0x80, s6, s19, $0xb8;
	[tilespmem:$0x1C800] =	vst v63  }
0x130: {  	_ =	swait.ge [sflag:s23], $0x4000  }
0x131: {  	[sflag:s23] =	ssyncset.done $0x0  }
0x132: {  	[sflag:s23] =	ssyncadd.s32 $0xFFFFC000  }
0x133: {  	[spmem:s2] =	stream.indirect.scatter.add.f32 [tilespmem:s20], [sflag:$0x2], $0x80, s11, s19, $0xb8;
	[tilespmem:$0x1C800] =	vst v63  }
0x134: {  	_ =	swait.ge [sflag:s23], $0x4000  }
0x135: {  	[sflag:s23] =	ssyncset.done $0x0  }
0x136: {  	[sflag:s23] =	ssyncadd.s32 $0xFFFFC000  }
0x137: {  	[spmem:s2] =	stream.indirect.scatter.add.f32 [tilespmem:s22], [sflag:$0x2], $0x80, s12, s19, $0xb8;
	[tilespmem:$0x1C800] =	vst v63  }
0x138: {  	_ =	swait.ge [sflag:s24], $0x4000  }
0x139: {  	s13 =	rddreg [dreg:$0x7]  }
0x13a: {  	p3 =	sne.s32 s13, $0x1  }
.Ltmp7:
0x13b: {  	_ = 	snop;
	(pc) =	sbr.rel @!p3 .LBB2_4-.Ltmp7, $4  }
0x13c: {  	[sflag:s24] =	ssyncset.done $0x0  }
0x13d: {  	[sflag:s24] =	ssyncadd.s32 $0xFFFFC000  }
0x13e: {  	_ =	swait.ge [sflag:s24], $0x4000  }
0x13f: {  	s15 =	sadd.s32 $0xFFFFFFFF, s13;
	s13 =	smov.u32 s14;
	[sflag:s24] =	ssyncset.done $0x0  }
.LBB2_3:
0x140: {  	[sflag:s24] =	ssyncadd.s32 $0xFFFFC000;
	s13 =	sadd.s32 $0x800, s13;
	s8 =	sadd.s32 $0x800, s8  }
0x141: {  	[tilespmem:s17], [sflag:$0x3] =	stream.linear.gather [hbm4b:s8+s3], $0x400, $0x38;
	[tilespmem:$0x1C800] =	vst v63  }
0x142: {  	p3 =	sne.s32 s15, $0x1;
	s15 =	sadd.s32 $0xFFFFFFFF, s15;
	_ =	swait.ge [sflag:s16], $0x400  }
0x143: {  	[sflag:s16] =	ssyncset.done $0x0  }
0x144: {  	[sflag:s16] =	ssyncadd.s32 $0xFFFFFC00  }
0x145: {  	[tilespmem:s18], [sflag:$0x3] =	stream.linear.gather [hbm4b:s13+s3], $0x400, $0x38;
	[tilespmem:$0x1C800] =	vst v63  }
0x146: {  	_ =	swait.ge [sflag:s16], $0x400  }
0x147: {  	[sflag:s16] =	ssyncset.done $0x0  }
0x148: {  	[sflag:s16] =	ssyncadd.s32 $0xFFFFFC00  }
0x149: {  	[tilespmem:s20], [sflag:$0x1] =	stream.indirect.gather [hbm4b:s4+s19], $0x80, s17, s19, $0xb8;
	[tilespmem:$0x1C800] =	vst v63  }
0x14a: {  	_ = 	snop  }
0x14b: {  	[tilespmem:s22], [sflag:$0x1] =	stream.indirect.gather [hbm4b:s4+s19], $0x80, s21, s19, $0xb8;
	[tilespmem:$0x1C800] =	vst v63  }
0x14c: {  	_ =	swait.ge [sflag:s23], $0x4000  }
0x14d: {  	[sflag:s23] =	ssyncset.done $0x0  }
0x14e: {  	[sflag:s23] =	ssyncadd.s32 $0xFFFFC000  }
0x14f: {  	[spmem:s2] =	stream.indirect.scatter.add.f32 [tilespmem:s20], [sflag:$0x2], $0x80, s18, s19, $0xb8;
	[tilespmem:$0x1C800] =	vst v63  }
0x150: {  	_ =	swait.ge [sflag:s24], $0x4000  }
0x151: {  	[sflag:s24] =	ssyncset.done $0x0  }
0x152: {  	[sflag:s24] =	ssyncadd.s32 $0xFFFFC000  }
0x153: {  	[tilespmem:s20], [sflag:$0x1] =	stream.indirect.gather [hbm4b:s4+s19], $0x80, s25, s19, $0xb8;
	[tilespmem:$0x1C800] =	vst v63  }
0x154: {  	_ =	swait.ge [sflag:s23], $0x4000  }
0x155: {  	[sflag:s23] =	ssyncset.done $0x0  }
0x156: {  	[sflag:s23] =	ssyncadd.s32 $0xFFFFC000  }
0x157: {  	[spmem:s2] =	stream.indirect.scatter.add.f32 [tilespmem:s22], [sflag:$0x2], $0x80, s26, s19, $0xb8;
	[tilespmem:$0x1C800] =	vst v63  }
0x158: {  	_ =	swait.ge [sflag:s24], $0x4000  }
0x159: {  	[sflag:s24] =	ssyncset.done $0x0  }
0x15a: {  	[sflag:s24] =	ssyncadd.s32 $0xFFFFC000  }
0x15b: {  	[tilespmem:s22], [sflag:$0x1] =	stream.indirect.gather [hbm4b:s4+s19], $0x80, s28, s19, $0xb8;
	[tilespmem:$0x1C800] =	vst v63  }
0x15c: {  	_ =	swait.ge [sflag:s23], $0x4000  }
0x15d: {  	[sflag:s23] =	ssyncset.done $0x0  }
0x15e: {  	[sflag:s23] =	ssyncadd.s32 $0xFFFFC000  }
0x15f: {  	[spmem:s2] =	stream.indirect.scatter.add.f32 [tilespmem:s20], [sflag:$0x2], $0x80, s29, s19, $0xb8;
	[tilespmem:$0x1C800] =	vst v63  }
0x160: {  	_ =	swait.ge [sflag:s24], $0x4000  }
0x161: {  	[sflag:s24] =	ssyncset.done $0x0  }
0x162: {  	[sflag:s24] =	ssyncadd.s32 $0xFFFFC000  }
0x163: {  	[tilespmem:s20], [sflag:$0x1] =	stream.indirect.gather [hbm4b:s4+s19], $0x80, s30, s19, $0xb8;
	[tilespmem:$0x1C800] =	vst v63  }
0x164: {  	_ =	swait.ge [sflag:s23], $0x4000  }
0x165: {  	[sflag:s23] =	ssyncset.done $0x0  }
0x166: {  	[sflag:s23] =	ssyncadd.s32 $0xFFFFC000  }
0x167: {  	[spmem:s2] =	stream.indirect.scatter.add.f32 [tilespmem:s22], [sflag:$0x2], $0x80, s31, s19, $0xb8;
	[tilespmem:$0x1C800] =	vst v63  }
0x168: {  	_ =	swait.ge [sflag:s24], $0x4000  }
0x169: {  	[sflag:s24] =	ssyncset.done $0x0  }
0x16a: {  	[sflag:s24] =	ssyncadd.s32 $0xFFFFC000  }
0x16b: {  	[tilespmem:s22], [sflag:$0x1] =	stream.indirect.gather [hbm4b:s4+s19], $0x80, s0, s19, $0xb8;
	[tilespmem:$0x1C800] =	vst v63  }
0x16c: {  	_ =	swait.ge [sflag:s23], $0x4000  }
0x16d: {  	[sflag:s23] =	ssyncset.done $0x0  }
0x16e: {  	[sflag:s23] =	ssyncadd.s32 $0xFFFFC000  }
0x16f: {  	[spmem:s2] =	stream.indirect.scatter.add.f32 [tilespmem:s20], [sflag:$0x2], $0x80, s1, s19, $0xb8;
	[tilespmem:$0x1C800] =	vst v63  }
0x170: {  	_ =	swait.ge [sflag:s24], $0x4000  }
0x171: {  	[sflag:s24] =	ssyncset.done $0x0  }
0x172: {  	[sflag:s24] =	ssyncadd.s32 $0xFFFFC000  }
0x173: {  	[tilespmem:s20], [sflag:$0x1] =	stream.indirect.gather [hbm4b:s4+s19], $0x80, s9, s19, $0xb8;
	[tilespmem:$0x1C800] =	vst v63  }
0x174: {  	_ =	swait.ge [sflag:s23], $0x4000  }
0x175: {  	[sflag:s23] =	ssyncset.done $0x0  }
0x176: {  	[sflag:s23] =	ssyncadd.s32 $0xFFFFC000  }
0x177: {  	[spmem:s2] =	stream.indirect.scatter.add.f32 [tilespmem:s22], [sflag:$0x2], $0x80, s10, s19, $0xb8;
	[tilespmem:$0x1C800] =	vst v63  }
0x178: {  	_ =	swait.ge [sflag:s24], $0x4000  }
0x179: {  	[sflag:s24] =	ssyncset.done $0x0  }
0x17a: {  	[sflag:s24] =	ssyncadd.s32 $0xFFFFC000  }
0x17b: {  	[tilespmem:s22], [sflag:$0x1] =	stream.indirect.gather [hbm4b:s4+s19], $0x80, s6, s19, $0xb8;
	[tilespmem:$0x1C800] =	vst v63  }
0x17c: {  	_ =	swait.ge [sflag:s23], $0x4000  }
0x17d: {  	[sflag:s23] =	ssyncset.done $0x0  }
0x17e: {  	[sflag:s23] =	ssyncadd.s32 $0xFFFFC000  }
0x17f: {  	[spmem:s2] =	stream.indirect.scatter.add.f32 [tilespmem:s20], [sflag:$0x2], $0x80, s11, s19, $0xb8;
	[tilespmem:$0x1C800] =	vst v63  }
0x180: {  	_ =	swait.ge [sflag:s23], $0x4000  }
0x181: {  	[sflag:s23] =	ssyncset.done $0x0  }
0x182: {  	[sflag:s23] =	ssyncadd.s32 $0xFFFFC000  }
0x183: {  	[spmem:s2] =	stream.indirect.scatter.add.f32 [tilespmem:s22], [sflag:$0x2], $0x80, s12, s19, $0xb8;
	[tilespmem:$0x1C800] =	vst v63  }
.Ltmp8:
0x184: {  	_ =	swait.ge [sflag:s24], $0x4000;
	(pc) =	sbr.rel @p3 .LBB2_3-.Ltmp8, $4  }
0x185: {  	[sflag:s24] =	ssyncset.done $0x0  }
0x186: {  	[sflag:s24] =	ssyncadd.s32 $0xFFFFC000  }
0x187: {  	_ =	swait.ge [sflag:s24], $0x4000  }
0x188: {  	[sflag:s24] =	ssyncset.done $0x0  }
.LBB2_4:
.Ltmp9:
0x189: {  	(pc) =	sbr.rel @p2 .LBB2_8-.Ltmp9, $4  }
.Ltmp10:
0x18a: {  	(pc) =	sbr.rel @!p2 .LBB2_9-.Ltmp10, $4  }
0x18b: {  	_ = 	snop  }
0x18c: {  	_ = 	snop  }
0x18d: {  	[sflag:s24] =	ssyncadd.s32 $0xFFFFC000;
	s13 =	smov.u32 s4  }
0x18e: {  	_ = 	snop  }
.LBB2_10:
0x18f: {  	_ =	sfence.sel $0x180000  }
0x190: {  	[bflag:$0x0] =	sbarrier.arrive $0xFFFF  }
0x191: {  	_ =	strace $0x9000004D  }
0x192: {  	s0 =	stileid.u32;
	[bflag:$0x2] =	sbarrier.arrive $0xFFFF  }
0x193: {  	p0 =	sne.s32 s0, $0x0;
	s0 =	rddreg [dreg:$0x5]  }
0x194: {  	s0 =	sadd.s32 @!p0 $0x100000, s0  }
0x195: {  	[sflag:s0] =	ssyncadd.tile.s32 @!p0 $0x1;
	_ =	shalt  }
.Lfunc_end2:
_tile_overlayer_lowered:
.L_overlay_start_2:
0x196: {  	(tag) =	ssettag $0x2  }
0x197: {  	s0 =	rddreg [dreg:$0x0];
	s2 =	stileid.u32  }
0x198: {  	s1 =	rddreg [dreg:$0x1];
	p0 =	sne.s32 s2, $0x0  }
0x199: {  	s3 =	rddreg [dreg:$0x2];
	[bflag:$0x3] =	sbarrier.arrive $0xFFFF;
	s2 =	simm.s32 @!p0 $0x1C03  }
0x19a: {  	[timem:s3], [sflag:s2] =	dma.local @!p0 [hbm:s0], s1  }
0x19b: {  	s0 =	simm.s32 @!p0 $0x3  }
0x19c: {  	_ =	swait.ge @!p0 [sflag:s0], s1  }
0x19d: {  	s1 =	ssub.s32 @!p0 $0x0, s1;
	[sflag:s0] =	ssyncset.done @!p0 $0x0  }
0x19e: {  	[sflag:s0] =	ssyncadd.s32 @!p0 s1  }
0x19f: {  	[bflag:$0x3] =	sbarrier.arrive $0xFFFF  }
0x1a0: {  	_ =	shalt  }

// kernel: kernel.9.cloned.1.call-start
scs
__scs_entry_jumppad:
0x0: {  	(pc) =	sbr.rel $0x88, $3  }
0x1: {  	(tag) =	ssettag $0x0;
	lr =	simm.s32 $0x1  }
0x2: {  	[smem:$0x3F99] =	sst lr;
	_ =	strace $0xD0000000  }
0x3: {  	_ = 	snop  }
0x4: {  	_ = 	snop  }
0x5: {  	_ = 	snop  }
0x6: {  	_ = 	snop  }
0x7: {  	_ = 	snop  }
__scs_overlays_trampoline_lowered:
0x8: {  	[smem:$0x3FA8] =	sst s0  }
0x9: {  	[smem:$0x3FA9] =	sst s1  }
0xa: {  	[smem:$0x3FAA] =	sst s2  }
0xb: {  	[smem:$0x3FAB] =	sst s3  }
0xc: {  	[smem:$0x3FAC] =	sst s4  }
0xd: {  	[smem:$0x3FAD] =	sst s5  }
0xe: {  	[smem:$0x3FAE] =	sst s6  }
0xf: {  	[smem:$0x3FAF] =	sst s7  }
0x10: {  	[smem:$0x3FB0] =	sst s8  }
0x11: {  	[smem:$0x3FB1] =	sst s9;
	s0 =	simm.s32 @!p0 $0x0  }
0x12: {  	s1 =	sld [smem:$0x3F97];
	s0 =	simm.s32 @p0 $0x1  }
0x13: {  	[smem:$0x3FB2] =	sst s0;
	s0 =	simm.s32 @!p1 $0x0  }
0x14: {  	s2 =	sld [smem:$0x3F96];
	s0 =	simm.s32 @p1 $0x1  }
0x15: {  	[smem:$0x3FB3] =	sst s0;
	s0 =	simm.s32 @!p2 $0x0  }
0x16: {  	s3 =	sld [smem:$0x3FDB];
	s0 =	simm.s32 @p2 $0x1  }
0x17: {  	s4 =	simm.s32 $0x1BF5;
	[smem:$0x3FB5] =	sst s0  }
0x18: {  	s0 =	sld [smem:$0x3F98];
	_ =	swait.ge [sflag:s4], $0x0  }
0x19: {  	s7 =	sld [smem:$0x3F99]  }
0x1a: {  	s8 =	sadd.s32 $0xFFFFE003, lr  }
0x1b: {  	s9 =	sadd.s32 $0xFFFFFEF7, lr;
	s5 =	simm.s32 $0xFFFFFFFF;
	p2 =	slt.u32 s8, $0xFFFFF086  }
0x1c: {  	p1 =	slt.u32 s9, $0xF7A;
	s5 =	simm.s32 @!p2 $0x0  }
0x1d: {  	s5 =	simm.s32 @p1 $0x1;
	p0 =	seq.s32 s7, s2  }
0x1e: {  	s7 =	smul.u32 @!p0 $0xF7A, s2;
	p2 =	seq.s32 @!p0 s5, $0x0  }
0x1f: {  	s9 =	smul.u32 $0xF7A, s1;
	s8 =	simm.s32 @!p0 $0x1BF5;
	p2 =	por !p2, p0  }
0x20: {  	[sflag:s8] =	ssyncset.s32 @!p0 $0xFFFFF086;
	s6 =	sadd.s32 @!p0 s3, s7;
	s7 =	simm.s32 @!p0 $0x108  }
0x21: {  	s3 =	sadd.s32 s3, s9;
	s6 =	sadd.s32 @!p0 $0x88, s6;
	s7 =	simm.s32 @p2 $0x1082  }
0x22: {  	[simem:s7], [sflag:s8] =	dma.local @!p0 [hbm:s6], $0xF7A  }
0x23: {  	s9 =	sor.u32 $0xD0000000, s2;
	s6 =	simm.s32 $0x108;
	_ =	swait.ge @!p0 [sflag:s8], $0x0  }
0x24: {  	s3 =	sadd.s32 $0x88, s3;
	s6 =	simm.s32 @!p1 $0x1082;
	[sflag:s4] =	ssyncset.s32 $0xFFFFF086  }
0x25: {  	[simem:s6], [sflag:s4] =	dma.local [hbm:s3], $0xF7A  }
0x26: {  	[smem:$0x3F99] =	sst s1;
	(tag) =	ssettag s2;
	_ =	strace s9  }
0x27: {  	s1 =	sld [smem:$0x3FA9]  }
0x28: {  	s2 =	sld [smem:$0x3FAA]  }
0x29: {  	s4 =	sld [smem:$0x3FAC]  }
0x2a: {  	p0 =	seq.s32 s5, $0x0;
	s5 =	sld [smem:$0x3FAD]  }
0x2b: {  	s6 =	sld [smem:$0x3FAE]  }
0x2c: {  	s7 =	sld [smem:$0x3FAF]  }
0x2d: {  	s3 =	simm.s32 $0x108;
	s8 =	sld [smem:$0x3FB0]  }
0x2e: {  	s3 =	simm.s32 @!p0 $0x1082;
	s9 =	sld [smem:$0x3FB1]  }
0x2f: {  	lr =	sadd.s32 s0, s3;
	s0 =	sld [smem:$0x3FA8]  }
0x30: {  	s3 =	sld [smem:$0x3FAB]  }
0x31: {  	[smem:$0x3FB4] =	sst s10  }
0x32: {  	s10 =	sld [smem:$0x3FB2];
	_ =	sdelay $0x3  }
0x33: {  	p0 =	seq.s32 s10, $0x1;
	s10 =	sld [smem:$0x3FB4];
	_ =	sdelay $0x3  }
0x34: {  	[smem:$0x3FB4] =	sst s10  }
0x35: {  	s10 =	sld [smem:$0x3FB3];
	_ =	sdelay $0x3  }
0x36: {  	p1 =	seq.s32 s10, $0x1;
	s10 =	sld [smem:$0x3FB4];
	_ =	sdelay $0x3  }
0x37: {  	[smem:$0x3FB4] =	sst s10  }
0x38: {  	s10 =	sld [smem:$0x3FB5]  }
0x39: {  	_ = 	snop;
	(pc) =	sbr.ind lr, $3  }
0x3a: {  	_ = 	snop  }
0x3b: {  	_ = 	snop  }
0x3c: {  	p2 =	seq.s32 s10, $0x1;
	s10 =	sld [smem:$0x3FB4]  }
0x3d: {  	_ =	shalt  }
0x3e: {  	_ =	shalt  }
0x3f: {  	_ =	shalt  }
0x40: {  	_ =	shalt  }
0x41: {  	_ =	shalt  }
0x42: {  	_ =	shalt  }
0x43: {  	_ =	shalt  }
0x44: {  	_ =	shalt  }
0x45: {  	_ =	shalt  }
0x46: {  	_ =	shalt  }
0x47: {  	_ =	shalt  }
0x48: {  	_ =	shalt  }
0x49: {  	_ =	shalt  }
0x4a: {  	_ =	shalt  }
0x4b: {  	_ =	shalt  }
0x4c: {  	_ =	shalt  }
0x4d: {  	_ =	shalt  }
0x4e: {  	_ =	shalt  }
0x4f: {  	_ =	shalt  }
0x50: {  	_ =	shalt  }
0x51: {  	_ =	shalt  }
0x52: {  	_ =	shalt  }
0x53: {  	_ =	shalt  }
0x54: {  	_ =	shalt  }
0x55: {  	_ =	shalt  }
0x56: {  	_ =	shalt  }
0x57: {  	_ =	shalt  }
0x58: {  	_ =	shalt  }
0x59: {  	_ =	shalt  }
0x5a: {  	_ =	shalt  }
0x5b: {  	_ =	shalt  }
0x5c: {  	_ =	shalt  }
0x5d: {  	_ =	shalt  }
0x5e: {  	_ =	shalt  }
0x5f: {  	_ =	shalt  }
0x60: {  	_ =	shalt  }
0x61: {  	_ =	shalt  }
0x62: {  	_ =	shalt  }
0x63: {  	_ =	shalt  }
0x64: {  	_ =	shalt  }
0x65: {  	_ =	shalt  }
0x66: {  	_ =	shalt  }
0x67: {  	_ =	shalt  }
0x68: {  	_ =	shalt  }
0x69: {  	_ =	shalt  }
0x6a: {  	_ =	shalt  }
0x6b: {  	_ =	shalt  }
0x6c: {  	_ =	shalt  }
0x6d: {  	_ =	shalt  }
0x6e: {  	_ =	shalt  }
0x6f: {  	_ =	shalt  }
0x70: {  	_ =	shalt  }
0x71: {  	_ =	shalt  }
0x72: {  	_ =	shalt  }
0x73: {  	_ =	shalt  }
0x74: {  	_ =	shalt  }
0x75: {  	_ =	shalt  }
0x76: {  	_ =	shalt  }
0x77: {  	_ =	shalt  }
0x78: {  	_ =	shalt  }
0x79: {  	_ =	shalt  }
0x7a: {  	_ =	shalt  }
0x7b: {  	_ =	shalt  }
0x7c: {  	_ =	shalt  }
0x7d: {  	_ =	shalt  }
0x7e: {  	_ =	shalt  }
0x7f: {  	_ =	shalt  }
0x80: {  	_ =	shalt  }
0x81: {  	_ =	shalt  }
0x82: {  	_ =	shalt  }
0x83: {  	_ =	shalt  }
0x84: {  	_ =	shalt  }
0x85: {  	_ =	shalt  }
0x86: {  	_ =	shalt  }
0x87: {  	_ =	shalt  }
.Lfunc_end0:
.L_simem_size_0:
called_computation_lowered:
.L_overlay_start_0:
0x88: {  	s2 =	sld [smem:$0x3FD9]  }
0x89: {  	s3 =	sld [smem:$0x3FFE];
	_ =	sdelay $0x1  }
0x8a: {  	s1 =	srdreg.scid  }
0x8b: {  	s0 =	sand.u32 $0x1, s1  }
0x8c: {  	s14 =	sshll.u32 s0, $0xA;
	s2 =	sadd.s32 s3, s2  }
0x8d: {  	s2 =	sadd.s32 s2, s14  }
0x8e: {  	[smem:$0x3FC0] =	sst s2  }
0x8f: {  	_ = 	snop  }
0x90: {  	s2 =	sld [smem:$0x3FD0];
	_ =	sdelay $0x2  }
0x91: {  	s15 =	simm.s32 $0xA;
	s4 =	simm.s32 $0x10  }
0x92: {  	[smem:s4], [sflag:s15] =	dma.local [hbm:s2], $0x1  }
0x93: {  	_ =	swait.eq [sflag:s15], $0x1  }
0x94: {  	[sflag:s15] =	ssyncset.done $0x0  }
0x95: {  	s16 =	sld [smem:$0x10];
	[sflag:s15] =	ssyncadd.s32 $0xFFFFFFFF  }
0x96: {  	s17 =	sld [smem:$0x11];
	(tm) =	ssettm $0x1  }
0x97: {  	s18 =	sld [smem:$0x3FFB];
	_ =	sdelay $0x3  }
0x98: {  	_ =	strace s18  }
0x99: {  	s4 =	sld [smem:$0x3FFC];
	_ =	sdelay $0x3  }
0x9a: {  	_ =	strace s4  }
0x9b: {  	s4 =	sld [smem:$0x3FFD];
	_ =	sdelay $0x3  }
0x9c: {  	_ =	strace s4  }
0x9d: {  	_ =	strace $0x8FFFFFFF  }
0x9e: {  	s19 =	sld [smem:$0x3FDB];
	_ =	sdelay $0x1  }
0x9f: {  	s5 =	simm.s32 $_scs_section_size  }
0xa0: {  	s6 =	simm.s32 $_size__tile_overlayer_lowered;
	s7 =	simm.s32 $_tile_overlayer_lowered  }
0xa1: {  	s22 =	simm.s32 $0x1BFF;
	s21 =	sshll.u32 s7, $0x1;
	s4 =	sadd.s32 s5, s19  }
0xa2: {  	s8 =	simm.s32 $0x0;
	s20 =	sshll.u32 s6, $0x1;
	s6 =	sadd.s32 s21, s4  }
0xa3: {  	[timem:s8], [sflag:s22] =	dma.local [hbm:s6], s20  }
0xa4: {  	_ =	swait.ge [sflag:s22], s20  }
0xa5: {  	s5 =	ssub.s32 $0x0, s20;
	[sflag:s22] =	ssyncset.done $0x0  }
0xa6: {  	[sflag:s22] =	ssyncadd.s32 s5;
	_ =	sdelay $0x1  }
0xa7: {  	s23 =	simm.s32 $0x1B8B  }
0xa8: {  	_ =	swait.ge [sflag:s23], $0x1  }
0xa9: {  	[sflag:s23] =	ssyncset.done $0x0  }
0xaa: {  	s25 =	simm.s32 $0x1B8E;
	s24 =	sld [smem:$0x3FFE];
	[sflag:s23] =	ssyncadd.s32 $0xFFFFFFFF  }
0xab: {  	s26 =	simm.s32 $execute0_lowered;
	[smem:$0x3FD2] =	sst s25  }
0xac: {  	s6 =	sshll.u32 s26, $0x1;
	_ =	strace $0x80000046;
	[dreg:$0x1] =	wrdreg $0xFFFFFFFF  }
0xad: {  	s28 =	simm.s32 $_size_execute0_lowered;
	s4 =	sadd.s32 s4, s6;
	[dreg:$0x0] =	wrdreg $0x0  }
0xae: {  	s6 =	sshll.u32 s28, $0x1;
	[dreg:$0x2] =	wrdreg s4  }
0xaf: {  	[dreg:$0x3] =	wrdreg s6  }
0xb0: {  	[dreg:$0x4] =	wrdreg $0xC0  }
0xb1: {  	_ =	task [dreg:s8], $0x5FFFF  }
0xb2: {  	[dreg:$0x1] =	wrdreg $0xFFFFFFFF  }
0xb3: {  	[dreg:$0x0] =	wrdreg $0x60  }
0xb4: {  	[dreg:$0x2] =	wrdreg s17  }
0xb5: {  	[dreg:$0x3] =	wrdreg s24  }
0xb6: {  	[dreg:$0x4] =	wrdreg s16  }
0xb7: {  	[dreg:$0x5] =	wrdreg $0x0  }
0xb8: {  	[dreg:$0x6] =	wrdreg $0x9  }
0xb9: {  	_ =	task.clear_ibuf [dreg:s8], $0x7FFFF;
	_ =	strace $0x90000046  }
0xba: {  	s29 =	simm.s32 $0x9;
	_ =	strace $0x80000048  }
0xbb: {  	_ =	swait.ge [sflag:s29], $0x1  }
0xbc: {  	[sflag:s29] =	ssyncadd.s32 $0xFFFFFFFF  }
0xbd: {  	_ =	strace $0x90000048  }
0xbe: {  	_ =	sfence  }
0xbf: {  	s30 =	sld [smem:$0x0];
	_ =	sdelay $0x2  }
0xc0: {  	s31 =	sshll.u32 s1, $0xD;
	s1 =	sshrl.u32 s1, $0x2  }
0xc1: {  	s3 =	sand.u32 $0x4000, s31;
	s1 =	sadd.s32 s1, s30  }
0xc2: {  	s0 =	sor.u32 s3, s0;
	s1 =	sshll.u32 s1, $0x11  }
0xc3: {  	s0 =	sor.u32 s1, s0  }
0xc4: {  	s0 =	sadd.s32 $0x8F2B, s0  }
0xc5: {  	[sflag:s0] =	ssyncadd.remote.s32 $0x1  }
0xc6: {  	_ =	sfence.sel $0xFFFF  }
0xc7: {  	[dreg:$0x0] =	wrdreg $0xFFFFFFFF;
	(pc) =	sbr.abs _section_cstart, $3  }
0xc8: {  	[dreg:$0x1] =	wrdreg $0xFFFFFFFF  }
0xc9: {  	_ =	task.clear_ibuf [dreg:s8], $0x2FFFF;
	_ =	strace $0x9FFFFFFF  }
0xca: {  	(tm) =	ssettm $0x7FFFFFFF  }
0xcb: {  	_ =	shalt  }
tec
execute0_lowered:
.L_overlay_start_1:
0x0: {  	(tag) =	ssettag $0x1  }
0x1: {  	s10 =	rddreg [dreg:$0x0]  }
0x2: {  	s4 =	rddreg [dreg:$0x1]  }
0x3: {  	s8 =	rddreg [dreg:$0x2]  }
0x4: {  	s2 =	rddreg [dreg:$0x3]  }
0x5: {  	s0 =	rddreg [dreg:$0x4];
	s3 =	simm.s32 $0x0;
	s1 =	stileid.u32  }
0x6: {  	s5 =	srdreg.scid;
	s15 =	simm.s32 $0x680;
	s16 =	simm.s32 $0x300  }
0x7: {  	s17 =	simm.s32 $0x380;
	s18 =	simm.s32 $0x400;
	s19 =	simm.s32 $0x480  }
0x8: {  	s20 =	simm.s32 $0x500;
	s21 =	simm.s32 $0x580;
	s22 =	simm.s32 $0x600  }
0x9: {  	s23 =	simm.s32 $0x1;
	[smem:$0x7FF] =	sst s3;
	s6 =	smul.u32 $0x280, s1  }
0xa: {  	s7 =	sand.u32 $0x1, s5;
	s28 =	sshll.u32 s1, $0x6;
	s29 =	smul.u32 $0x500, s1  }
0xb: {  	s14 =	sshll.u32 s1, $0xA;
	_ =	strace $0x80000047;
	s5 =	ssub.s32 $0x2, s7  }
0xc: {  	s12 =	sshll.u32 s7, $0x4;
	s13 =	sshll.u32 s7, $0x7;
	s30 =	sshll.u32 s7, $0xE  }
0xd: {  	s7 =	sadd.s32 $0x9C00, s10;
	s9 =	sshrl.u32 s6, $0x3;
	s11 =	sshrl.u32 s5, $0x1  }
0xe: {  	s24 =	sor.u32 s1, s12;
	s26 =	sadd.s32 s6, s2;
	s6 =	sor.u32 $0x1C02, s28  }
0xf: {  	s12 =	sor.u32 s13, s29;
	s13 =	sor.u32 s14, s30;
	s14 =	simm.s32 $0x80  }
0x10: {  	s4 =	sadd.s32 s9, s4;
	s25 =	ssub.s32 s5, s11;
	p0 =	slt.u32 s24, $0x18  }
0x11: {  	s5 =	simm.s32 $0xA;
	s12 =	sshrl.u32 s12, $0x3;
	s31 =	sshrl.u32 s13, $0x3  }
0x12: {  	s11 =	sshrl.u32 s26, $0x3;
	s13 =	simm.s32 $0x280;
	s26 =	simm.s32 $0x0  }
0x13: {  	s4 =	sadd.s32 $0x3C00, s4;
	s5 =	simm.s32 @!p0 $0x9;
	s8 =	sadd.s32 s8, s12  }
0x14: {  	s9 =	smax.u32 s25, $0x1;
	s10 =	sadd.s32 s31, s10;
	s12 =	simm.s32 $0x2  }
0x15: {  	v0 =	vimm.f32 $1.000000000e+00;
	p0 =	sne.s32 s24, $0x1F;
	s24 =	simm.s32 $0x20;
	s25 =	simm.s32 $0x10  }
.LBB2_1:
0x16: {  	[tilespmem:$0x680] =	vst v0  }
0x17: {  	[tilespmem:$0x690] =	vst v0  }
0x18: {  	[tilespmem:$0x6A0] =	vst v0  }
0x19: {  	[tilespmem:$0x6B0] =	vst v0  }
0x1a: {  	[tilespmem:$0x6C0] =	vst v0  }
0x1b: {  	[tilespmem:$0x6D0] =	vst v0  }
0x1c: {  	[tilespmem:$0x6E0] =	vst v0  }
0x1d: {  	[tilespmem:$0x6F0] =	vst v0  }
0x1e: {  	[spmem:s11], [sflag:s6] =	dma.local [hbm:s4], $0x50  }
0x1f: {  	_ =	swait.ge [sflag:s12], $0x50  }
0x20: {  	[sflag:s12] =	ssyncset.done $0x0  }
0x21: {  	[sflag:s12] =	ssyncadd.s32 $0xFFFFFFB0  }
0x22: {  	[bflag:$0x0] =	sbarrier.arrive $0xFFFF  }
0x23: {  	[tilespmem:s13], [sflag:$0x2] =	stream.linear.gather [hbm4b:s10+s3], $0x400, $0x38;
	[tilespmem:$0x700] =	vst v63  }
0x24: {  	_ =	swait.ge [sflag:s12], $0x400  }
0x25: {  	[sflag:s12] =	ssyncset.done $0x0  }
0x26: {  	[sflag:s12] =	ssyncadd.s32 $0xFFFFFC00  }
0x27: {  	[spmem:s2] =	stream.indirect.scatter.add.f32 [tilespmem:s15], [sflag:$0x1], $0x1, s13, s14, $0xb8;
	[tilespmem:$0x700] =	vst v63  }
0x28: {  	_ = 	snop  }
0x29: {  	[spmem:s2] =	stream.indirect.scatter.add.f32 [tilespmem:s15], [sflag:$0x1], $0x1, s16, s14, $0xb8;
	[tilespmem:$0x700] =	vst v63  }
0x2a: {  	_ = 	snop  }
0x2b: {  	[spmem:s2] =	stream.indirect.scatter.add.f32 [tilespmem:s15], [sflag:$0x1], $0x1, s17, s14, $0xb8;
	[tilespmem:$0x700] =	vst v63  }
0x2c: {  	_ = 	snop  }
0x2d: {  	[spmem:s2] =	stream.indirect.scatter.add.f32 [tilespmem:s15], [sflag:$0x1], $0x1, s18, s14, $0xb8;
	[tilespmem:$0x700] =	vst v63  }
0x2e: {  	_ = 	snop  }
0x2f: {  	[spmem:s2] =	stream.indirect.scatter.add.f32 [tilespmem:s15], [sflag:$0x1], $0x1, s19, s14, $0xb8;
	[tilespmem:$0x700] =	vst v63  }
0x30: {  	_ = 	snop  }
0x31: {  	[spmem:s2] =	stream.indirect.scatter.add.f32 [tilespmem:s15], [sflag:$0x1], $0x1, s20, s14, $0xb8;
	[tilespmem:$0x700] =	vst v63  }
0x32: {  	_ = 	snop  }
0x33: {  	[spmem:s2] =	stream.indirect.scatter.add.f32 [tilespmem:s15], [sflag:$0x1], $0x1, s21, s14, $0xb8;
	[tilespmem:$0x700] =	vst v63  }
0x34: {  	_ = 	snop  }
0x35: {  	[spmem:s2] =	stream.indirect.scatter.add.f32 [tilespmem:s15], [sflag:$0x1], $0x1, s22, s14, $0xb8;
	[tilespmem:$0x700] =	vst v63  }
0x36: {  	_ =	swait.ge [sflag:s23], $0x80  }
0x37: {  	[sflag:s23] =	ssyncset.done $0x0  }
0x38: {  	[sflag:s23] =	ssyncadd.s32 $0xFFFFFF80  }
0x39: {  	_ =	swait.ge [sflag:s23], $0x80  }
0x3a: {  	[sflag:s23] =	ssyncset.done $0x0  }
0x3b: {  	[sflag:s23] =	ssyncadd.s32 $0xFFFFFF80  }
0x3c: {  	_ =	swait.ge [sflag:s23], $0x80  }
0x3d: {  	[sflag:s23] =	ssyncset.done $0x0  }
0x3e: {  	[sflag:s23] =	ssyncadd.s32 $0xFFFFFF80  }
0x3f: {  	_ =	swait.ge [sflag:s23], $0x80  }
0x40: {  	[sflag:s23] =	ssyncset.done $0x0  }
0x41: {  	[sflag:s23] =	ssyncadd.s32 $0xFFFFFF80  }
0x42: {  	_ =	swait.ge [sflag:s23], $0x80  }
0x43: {  	[sflag:s23] =	ssyncset.done $0x0  }
0x44: {  	[sflag:s23] =	ssyncadd.s32 $0xFFFFFF80  }
0x45: {  	_ =	swait.ge [sflag:s23], $0x80  }
0x46: {  	[sflag:s23] =	ssyncset.done $0x0  }
0x47: {  	p1 =	sne.s32 s5, $0x1;
	[sflag:s23] =	ssyncadd.s32 $0xFFFFFF80  }
.Ltmp0:
0x48: {  	_ =	swait.ge [sflag:s23], $0x80;
	(pc) =	sbr.rel @!p1 .LBB2_3-.Ltmp0, $4  }
0x49: {  	[sflag:s23] =	ssyncset.done $0x0  }
0x4a: {  	[sflag:s23] =	ssyncadd.s32 $0xFFFFFF80  }
0x4b: {  	_ =	swait.ge [sflag:s23], $0x80  }
0x4c: {  	s28 =	sadd.s32 $0xFFFFFFFF, s5;
	s29 =	smov.u32 s10;
	[sflag:s23] =	ssyncset.done $0x0  }
.LBB2_2:
0x4d: {  	p1 =	sne.s32 s28, $0x1;
	[sflag:s23] =	ssyncadd.s32 $0xFFFFFF80;
	s29 =	sadd.s32 $0x1000, s29  }
0x4e: {  	[tilespmem:s13], [sflag:$0x2] =	stream.linear.gather [hbm4b:s29+s3], $0x400, $0x38;
	[tilespmem:$0x700] =	vst v63  }
0x4f: {  	s28 =	sadd.s32 $0xFFFFFFFF, s28;
	_ =	swait.ge [sflag:s12], $0x400  }
0x50: {  	[sflag:s12] =	ssyncset.done $0x0  }
0x51: {  	[sflag:s12] =	ssyncadd.s32 $0xFFFFFC00  }
0x52: {  	[spmem:s2] =	stream.indirect.scatter.add.f32 [tilespmem:s15], [sflag:$0x1], $0x1, s13, s14, $0xb8;
	[tilespmem:$0x700] =	vst v63  }
0x53: {  	_ = 	snop  }
0x54: {  	[spmem:s2] =	stream.indirect.scatter.add.f32 [tilespmem:s15], [sflag:$0x1], $0x1, s16, s14, $0xb8;
	[tilespmem:$0x700] =	vst v63  }
0x55: {  	_ = 	snop  }
0x56: {  	[spmem:s2] =	stream.indirect.scatter.add.f32 [tilespmem:s15], [sflag:$0x1], $0x1, s17, s14, $0xb8;
	[tilespmem:$0x700] =	vst v63  }
0x57: {  	_ = 	snop  }
0x58: {  	[spmem:s2] =	stream.indirect.scatter.add.f32 [tilespmem:s15], [sflag:$0x1], $0x1, s18, s14, $0xb8;
	[tilespmem:$0x700] =	vst v63  }
0x59: {  	_ = 	snop  }
0x5a: {  	[spmem:s2] =	stream.indirect.scatter.add.f32 [tilespmem:s15], [sflag:$0x1], $0x1, s19, s14, $0xb8;
	[tilespmem:$0x700] =	vst v63  }
0x5b: {  	_ = 	snop  }
0x5c: {  	[spmem:s2] =	stream.indirect.scatter.add.f32 [tilespmem:s15], [sflag:$0x1], $0x1, s20, s14, $0xb8;
	[tilespmem:$0x700] =	vst v63  }
0x5d: {  	_ = 	snop  }
0x5e: {  	[spmem:s2] =	stream.indirect.scatter.add.f32 [tilespmem:s15], [sflag:$0x1], $0x1, s21, s14, $0xb8;
	[tilespmem:$0x700] =	vst v63  }
0x5f: {  	_ = 	snop  }
0x60: {  	[spmem:s2] =	stream.indirect.scatter.add.f32 [tilespmem:s15], [sflag:$0x1], $0x1, s22, s14, $0xb8;
	[tilespmem:$0x700] =	vst v63  }
0x61: {  	_ =	swait.ge [sflag:s23], $0x80  }
0x62: {  	[sflag:s23] =	ssyncset.done $0x0  }
0x63: {  	[sflag:s23] =	ssyncadd.s32 $0xFFFFFF80  }
0x64: {  	_ =	swait.ge [sflag:s23], $0x80  }
0x65: {  	[sflag:s23] =	ssyncset.done $0x0  }
0x66: {  	[sflag:s23] =	ssyncadd.s32 $0xFFFFFF80  }
0x67: {  	_ =	swait.ge [sflag:s23], $0x80  }
0x68: {  	[sflag:s23] =	ssyncset.done $0x0  }
0x69: {  	[sflag:s23] =	ssyncadd.s32 $0xFFFFFF80  }
0x6a: {  	_ =	swait.ge [sflag:s23], $0x80  }
0x6b: {  	[sflag:s23] =	ssyncset.done $0x0  }
0x6c: {  	[sflag:s23] =	ssyncadd.s32 $0xFFFFFF80  }
0x6d: {  	_ =	swait.ge [sflag:s23], $0x80  }
0x6e: {  	[sflag:s23] =	ssyncset.done $0x0  }
0x6f: {  	[sflag:s23] =	ssyncadd.s32 $0xFFFFFF80  }
0x70: {  	_ =	swait.ge [sflag:s23], $0x80  }
0x71: {  	[sflag:s23] =	ssyncset.done $0x0  }
0x72: {  	[sflag:s23] =	ssyncadd.s32 $0xFFFFFF80  }
.Ltmp1:
0x73: {  	_ =	swait.ge [sflag:s23], $0x80;
	(pc) =	sbr.rel @p1 .LBB2_2-.Ltmp1, $4  }
0x74: {  	[sflag:s23] =	ssyncset.done $0x0  }
0x75: {  	[sflag:s23] =	ssyncadd.s32 $0xFFFFFF80  }
0x76: {  	_ =	swait.ge [sflag:s23], $0x80  }
0x77: {  	[sflag:s23] =	ssyncset.done $0x0  }
.LBB2_3:
0x78: {  	[sflag:s23] =	ssyncadd.s32 $0xFFFFFF80;
	s28 =	simm.s32 @!p0 $0x0;
	s29 =	simm.s32 @!p0 $0x280  }
0x79: {  	[tilespmem:s29], [sflag:$0x2] =	stream.linear.gather @!p0 [hbm4b:s7+s28], $0x200, $0x38;
	[tilespmem:$0x700] =	vst v63  }
0x7a: {  	s28 =	simm.s32 @!p0 $0x2  }
0x7b: {  	_ =	swait.ge @!p0 [sflag:s28], $0x200  }
0x7c: {  	[sflag:s28] =	ssyncset.done @!p0 $0x0  }
0x7d: {  	s30 =	simm.s32 @!p0 $0x680;
	[sflag:s28] =	ssyncadd.s32 @!p0 $0xFFFFFE00;
	s28 =	simm.s32 @!p0 $0x80  }
0x7e: {  	[spmem:s2] =	stream.indirect.scatter.add.f32 @!p0 [tilespmem:s30], [sflag:$0x1], $0x1, s29, s28, $0xb8;
	[tilespmem:$0x700] =	vst v63  }
0x7f: {  	s29 =	simm.s32 @!p0 $0x300  }
0x80: {  	[spmem:s2] =	stream.indirect.scatter.add.f32 @!p0 [tilespmem:s30], [sflag:$0x1], $0x1, s29, s28, $0xb8;
	[tilespmem:$0x700] =	vst v63  }
0x81: {  	s29 =	simm.s32 @!p0 $0x380  }
0x82: {  	[spmem:s2] =	stream.indirect.scatter.add.f32 @!p0 [tilespmem:s30], [sflag:$0x1], $0x1, s29, s28, $0xb8;
	[tilespmem:$0x700] =	vst v63  }
0x83: {  	s29 =	simm.s32 @!p0 $0x400  }
0x84: {  	[spmem:s2] =	stream.indirect.scatter.add.f32 @!p0 [tilespmem:s30], [sflag:$0x1], $0x1, s29, s28, $0xb8;
	[tilespmem:$0x700] =	vst v63  }
0x85: {  	s28 =	simm.s32 @!p0 $0x1  }
0x86: {  	_ =	swait.ge @!p0 [sflag:s28], $0x80  }
0x87: {  	[sflag:s28] =	ssyncset.done @!p0 $0x0  }
0x88: {  	[sflag:s28] =	ssyncadd.s32 @!p0 $0xFFFFFF80  }
0x89: {  	_ =	swait.ge @!p0 [sflag:s28], $0x80  }
0x8a: {  	[sflag:s28] =	ssyncset.done @!p0 $0x0  }
0x8b: {  	[sflag:s28] =	ssyncadd.s32 @!p0 $0xFFFFFF80  }
0x8c: {  	_ =	swait.ge @!p0 [sflag:s28], $0x80  }
0x8d: {  	[sflag:s28] =	ssyncset.done @!p0 $0x0  }
0x8e: {  	[sflag:s28] =	ssyncadd.s32 @!p0 $0xFFFFFF80  }
0x8f: {  	_ =	swait.ge @!p0 [sflag:s28], $0x80  }
0x90: {  	s26 =	sadd.s32 $0x1, s26;
	[sflag:s28] =	ssyncset.done @!p0 $0x0  }
0x91: {  	p1 =	sne.s32 s26, s9;
	[sflag:s28] =	ssyncadd.s32 @!p0 $0xFFFFFF80  }
.Ltmp2:
0x92: {  	[bflag:$0x0] =	sbarrier.arrive $0xFFFF;
	(pc) =	sbr.rel @p1 .LBB2_1-.Ltmp2, $4  }
0x93: {  	[hbm:s8@s24], [sflag:s6] =	dma.strided [spmem:s11@s25], $0x50, s23, $0x10   }
0x94: {  	_ =	swait.ge [sflag:s12], $0x50  }
0x95: {  	[sflag:s12] =	ssyncset.done $0x0  }
0x96: {  	[sflag:s12] =	ssyncadd.s32 $0xFFFFFFB0  }
0x97: {  	_ =	sfence.sel $0x180000  }
0x98: {  	[bflag:$0x0] =	sbarrier.arrive $0xFFFF  }
0x99: {  	p0 =	sne.s32 s1, $0x0;
	_ =	strace $0x90000047  }
0x9a: {  	s0 =	sadd.s32 @!p0 $0x100000, s0;
	[bflag:$0x2] =	sbarrier.arrive $0xFFFF  }
0x9b: {  	[sflag:s0] =	ssyncadd.tile.s32 @!p0 $0x1;
	_ =	shalt  }
.Lfunc_end2:
_tile_overlayer_lowered:
.L_overlay_start_2:
0x9c: {  	(tag) =	ssettag $0x2  }
0x9d: {  	s0 =	rddreg [dreg:$0x0];
	s2 =	stileid.u32  }
0x9e: {  	s1 =	rddreg [dreg:$0x1];
	p0 =	sne.s32 s2, $0x0  }
0x9f: {  	s3 =	rddreg [dreg:$0x2];
	[bflag:$0x3] =	sbarrier.arrive $0xFFFF;
	s2 =	simm.s32 @!p0 $0x1C02  }
0xa0: {  	[timem:s3], [sflag:s2] =	dma.local @!p0 [hbm:s0], s1  }
0xa1: {  	s0 =	simm.s32 @!p0 $0x2  }
0xa2: {  	_ =	swait.ge @!p0 [sflag:s0], s1  }
0xa3: {  	s1 =	ssub.s32 @!p0 $0x0, s1;
	[sflag:s0] =	ssyncset.done @!p0 $0x0  }
0xa4: {  	[sflag:s0] =	ssyncadd.s32 @!p0 s1  }
0xa5: {  	[bflag:$0x3] =	sbarrier.arrive $0xFFFF  }
0xa6: {  	_ =	shalt  }

</sc_bundles>
